<compile_context>
chip_gen: v7x
topology: tpu7x:2x2x1
jax: 0.10.2.dev20260603
libtpu: 0.0.44.dev20260713+nightly
codegen_flags: <defaults>
</compile_context>

<pallas_src>
import functools

import jax
import jax.numpy as jnp
from jax import lax
from jax.experimental import pallas as pl
from jax.experimental.pallas import tpu as pltpu
from jax.experimental.pallas import tpu_sc as plsc

N = 10000
E = 320000
D = 128
G = 16

NC = 2
NS = 16
NW = NC * NS
EPT = E // NW
C = 40
NCHUNK = EPT // C
RZ = 40
NRC = N // RZ
KMAX = (NRC + NS - 1) // NS
NB = 5
R = N // NB



def _mm_bias_body(x_ref, w_ref, b_ref, o_ref):
    o_ref[...] = lax.dot_general(
        x_ref[...], w_ref[...], (((1,), (1,)), ((), ())),
        preferred_element_type=jnp.float32) + b_ref[...]


def _node_mm(node_h, W1, b1):
    return pl.pallas_call(
        _mm_bias_body,
        out_shape=jax.ShapeDtypeStruct((N, D), jnp.float32),
    )(node_h, W1, b1.reshape(1, D))


def _edge_mm(edge_attr, Wl, bl):
    BE = 4000
    return pl.pallas_call(
        _mm_bias_body,
        grid=(E // BE,),
        in_specs=[
            pl.BlockSpec((BE, D), lambda i: (i, 0)),
            pl.BlockSpec((D, D), lambda i: (0, 0)),
            pl.BlockSpec((1, D), lambda i: (0, 0)),
        ],
        out_specs=pl.BlockSpec((BE, D), lambda i: (i, 0)),
        out_shape=jax.ShapeDtypeStruct((E, D), jnp.float32),
    )(edge_attr, Wl, bl.reshape(1, D))



def _sc_agg_body(h_hbm, e_hbm, src_hbm, dst_hbm, out_hbm,
                 src0, src1, dst0, dst1, dc0, dc1, dc2, dc3,
                 e0, e1, e2, e3, g0, g1, g2, g3, agg_sh,
                 is0, is1, id0, id1,
                 ee0, ee1, ee2, ee3, ge0, ge1, ge2, ge3,
                 se0, se1, se2, se3):
    srcv = (src0, src1)
    dstv = (dst0, dst1)
    dscat = (dc0, dc1, dc2, dc3)
    ev = (e0, e1, e2, e3)
    gv = (g0, g1, g2, g3)
    isem = (is0, is1)
    idsem = (id0, id1)
    eesem = (ee0, ee1, ee2, ee3)
    gesem = (ge0, ge1, ge2, ge3)
    sesem = (se0, se1, se2, se3)

    cid = lax.axis_index("c")
    sid = lax.axis_index("s")
    wid = cid * NS + sid
    ebase = wid * EPT

    def _zrow(r, carry):
        for t in range(D // 16):
            g0[r, pl.ds(16 * t, 16)] = jnp.zeros((16,), jnp.float32)
        return carry
    lax.fori_loop(0, C, _zrow, 0)
    for k in range(KMAX):
        rc = sid + k * NS

        @pl.when(rc < NRC)
        def _():
            pltpu.async_copy(g0, agg_sh.at[pl.ds(rc * RZ, RZ), :], is0)
    for k in range(KMAX):
        rc = sid + k * NS

        @pl.when(rc < NRC)
        def _():
            pltpu.make_async_copy(g0, agg_sh.at[pl.ds(0, RZ), :], is0).wait()
    plsc.subcore_barrier()

    def issue_idx(j, s):
        off = ebase + j * C
        pltpu.async_copy(src_hbm.at[pl.ds(off, C)], srcv[s], isem[s])
        pltpu.async_copy(dst_hbm.at[pl.ds(off, C)], dstv[s], idsem[s])

    def wait_idx(s):
        pltpu.make_async_copy(src_hbm.at[pl.ds(0, C)], srcv[s], isem[s]).wait()
        pltpu.make_async_copy(dst_hbm.at[pl.ds(0, C)], dstv[s], idsem[s]).wait()

    def issue_e(j, u):
        off = ebase + j * C
        pltpu.async_copy(e_hbm.at[pl.ds(off, C), :], ev[u], eesem[u])

    def wait_e(u):
        pltpu.make_async_copy(e_hbm.at[pl.ds(0, C), :], ev[u], eesem[u]).wait()

    def issue_gather(u, s):
        pltpu.async_copy(h_hbm.at[srcv[s]], gv[u], gesem[u])

    def wait_gather(u, s):
        pltpu.make_async_copy(h_hbm.at[srcv[s]], gv[u], gesem[u]).wait()

    def issue_scatter(u):
        pltpu.async_copy(gv[u], agg_sh.at[dscat[u]], sesem[u], add=True)

    def wait_scatter(u):
        pltpu.make_async_copy(gv[u], agg_sh.at[dscat[u]], sesem[u]).wait()

    def compute(u):
        def _row(r, c2):
            for t in range(D // 16):
                sl = pl.ds(16 * t, 16)
                x = gv[u][r, sl] + ev[u][r, sl]
                gv[u][r, sl] = x / (1.0 + jnp.exp(-x))
            return c2
        lax.fori_loop(0, C, _row, 0)

    issue_idx(0, 0)
    issue_idx(1, 1)
    wait_idx(0)
    issue_gather(0, 0)
    issue_e(0, 0)

    _offs = list(range(0, C - 15, 16)) + ([C - 16] if C % 16 else [])

    def _stage_dst(u, s):
        for o in _offs:
            sl = pl.ds(o, 16)
            dscat[u][sl] = dstv[s][sl]

    def _quad(it, carry):
        for u in range(4):
            j = it * 4 + u
            q = (u + 1) % 4
            wait_gather(u, u % 2)
            wait_e(u)
            _stage_dst(u, u % 2)
            issue_idx(j + 2, u % 2)
            wait_idx((u + 1) % 2)
            issue_e(j + 1, q)

            @pl.when(j >= 3)
            def _():
                wait_scatter(q)

            issue_gather(q, (u + 1) % 2)
            compute(u)
            issue_scatter(u)
        return carry
    lax.fori_loop(0, (NCHUNK - 2) // 4, _quad, 0)

    wait_gather(0, 0)
    wait_e(0)
    _stage_dst(0, 0)
    wait_idx(1)
    issue_e(NCHUNK - 1, 1)
    wait_scatter(1)
    issue_gather(1, 1)
    compute(0)
    issue_scatter(0)
    wait_gather(1, 1)
    wait_e(1)
    _stage_dst(1, 1)
    compute(1)
    issue_scatter(1)
    for u in (2, 3, 0, 1):
        wait_scatter(u)

    plsc.subcore_barrier()
    for k in range(KMAX):
        rc = sid + k * NS
        p = k % 2
        if k >= 2:
            rc2 = sid + (k - 2) * NS

            @pl.when(rc2 < NRC)
            def _():
                pltpu.make_async_copy(
                    gv[p], out_hbm.at[cid, pl.ds(0, RZ), :], idsem[p]).wait()

        @pl.when(rc < NRC)
        def _():
            pltpu.async_copy(agg_sh.at[pl.ds(rc * RZ, RZ), :], gv[p], isem[p])
        if k >= 1:
            rc1 = sid + (k - 1) * NS
            q = (k - 1) % 2

            @pl.when(rc1 < NRC)
            def _():
                pltpu.make_async_copy(
                    agg_sh.at[pl.ds(0, RZ), :], gv[q], isem[q]).wait()
                pltpu.async_copy(
                    gv[q], out_hbm.at[cid, pl.ds(rc1 * RZ, RZ), :], idsem[q])
    rcl = sid + (KMAX - 1) * NS
    ql = (KMAX - 1) % 2

    @pl.when(rcl < NRC)
    def _():
        pltpu.make_async_copy(agg_sh.at[pl.ds(0, RZ), :], gv[ql], isem[ql]).wait()
        pltpu.async_copy(
            gv[ql], out_hbm.at[cid, pl.ds(rcl * RZ, RZ), :], idsem[ql])
    for kk in (KMAX - 2, KMAX - 1):
        rck = sid + kk * NS
        pq = kk % 2

        @pl.when(rck < NRC)
        def _():
            pltpu.make_async_copy(
                gv[pq], out_hbm.at[cid, pl.ds(0, RZ), :], idsem[pq]).wait()


_sc_agg = functools.partial(
    pl.kernel,
    out_type=jax.ShapeDtypeStruct((NC, N, D), jnp.float32),
    mesh=plsc.VectorSubcoreMesh(core_axis_name="c", subcore_axis_name="s"),
    scratch_types=(
        [pltpu.VMEM((C,), jnp.int32)] * 8
        + [pltpu.VMEM((C, D), jnp.float32)] * 8
        + [pltpu.VMEM_SHARED((N, D), jnp.float32)]
        + [pltpu.SemaphoreType.DMA] * 16
    ),
)(_sc_agg_body)



def _c1_body(p_ref, h_ref, h0_ref, b_ref, eps_ref,
             y_ref, s1_ref, sq_ref, cnt_ref):
    i = pl.program_id(0)
    agg = p_ref[0] + p_ref[1]
    x = agg + (1.0 + eps_ref[0, 0]) * h_ref[...]
    x = x * (1.0 / (1.0 + jnp.exp(-x)))
    y = x + h0_ref[...]
    y_ref[...] = y
    b = b_ref[0, 0, :]
    onehot = (b[:, None] == lax.broadcasted_iota(jnp.int32, (1, G), 1)
              ).astype(jnp.float32)
    s1 = lax.dot_general(onehot, y, (((0,), (0,)), ((), ())),
                         preferred_element_type=jnp.float32)
    sq = lax.dot_general(onehot, y * y, (((0,), (0,)), ((), ())),
                         preferred_element_type=jnp.float32)
    cnt = lax.dot_general(onehot, jnp.ones((R, D), jnp.float32),
                          (((0,), (0,)), ((), ())),
                          preferred_element_type=jnp.float32)

    @pl.when(i == 0)
    def _():
        s1_ref[...] = jnp.zeros_like(s1_ref)
        sq_ref[...] = jnp.zeros_like(sq_ref)
        cnt_ref[...] = jnp.zeros_like(cnt_ref)

    s1_ref[...] += s1
    sq_ref[...] += sq
    cnt_ref[...] += cnt


def _c2_body(y_ref, b_ref, s1_ref, sq_ref, cnt_ref, sc_ref, w_ref, bias_ref,
             o_ref):
    n = jnp.maximum(cnt_ref[...], 1.0)
    mean = s1_ref[...] / n
    ms = mean * sc_ref[...]
    var = sq_ref[...] / n - 2.0 * ms * mean + ms * ms
    winv = w_ref[...] * lax.rsqrt(var + 1e-5)
    b = b_ref[0, 0, :]
    onehot = (b[:, None] == lax.broadcasted_iota(jnp.int32, (1, G), 1)
              ).astype(jnp.float32)
    ms_r = lax.dot_general(onehot, ms, (((1,), (0,)), ((), ())),
                           preferred_element_type=jnp.float32)
    winv_r = lax.dot_general(onehot, winv, (((1,), (0,)), ((), ())),
                             preferred_element_type=jnp.float32)
    o_ref[...] = (y_ref[...] - ms_r) * winv_r + bias_ref[...]


def _node_phase(parts, h, node_h, batch, eps_gine,
                gn_weight, gn_bias, gn_mean_scale):
    batch3 = batch.reshape(NB, 1, R)
    eps2 = eps_gine.reshape(1, 1)
    y, s1, sq, cnt = pl.pallas_call(
        _c1_body,
        grid=(NB,),
        in_specs=[
            pl.BlockSpec((NC, R, D), lambda i: (0, i, 0)),
            pl.BlockSpec((R, D), lambda i: (i, 0)),
            pl.BlockSpec((R, D), lambda i: (i, 0)),
            pl.BlockSpec((1, 1, R), lambda i: (i, 0, 0)),
            pl.BlockSpec((1, 1), lambda i: (0, 0)),
        ],
        out_specs=[
            pl.BlockSpec((R, D), lambda i: (i, 0)),
            pl.BlockSpec((G, D), lambda i: (0, 0)),
            pl.BlockSpec((G, D), lambda i: (0, 0)),
            pl.BlockSpec((G, D), lambda i: (0, 0)),
        ],
        out_shape=[
            jax.ShapeDtypeStruct((N, D), jnp.float32),
            jax.ShapeDtypeStruct((G, D), jnp.float32),
            jax.ShapeDtypeStruct((G, D), jnp.float32),
            jax.ShapeDtypeStruct((G, D), jnp.float32),
        ],
    )(parts, h, node_h, batch3, eps2)

    return pl.pallas_call(
        _c2_body,
        grid=(NB,),
        in_specs=[
            pl.BlockSpec((R, D), lambda i: (i, 0)),
            pl.BlockSpec((1, 1, R), lambda i: (i, 0, 0)),
            pl.BlockSpec((G, D), lambda i: (0, 0)),
            pl.BlockSpec((G, D), lambda i: (0, 0)),
            pl.BlockSpec((G, D), lambda i: (0, 0)),
            pl.BlockSpec((1, D), lambda i: (0, 0)),
            pl.BlockSpec((1, D), lambda i: (0, 0)),
            pl.BlockSpec((1, D), lambda i: (0, 0)),
        ],
        out_specs=pl.BlockSpec((R, D), lambda i: (i, 0)),
        out_shape=jax.ShapeDtypeStruct((N, D), jnp.float32),
    )(y, batch3, s1, sq, cnt, gn_mean_scale.reshape(1, D),
      gn_weight.reshape(1, D), gn_bias.reshape(1, D))


def kernel(node_h, edge_attr, batch, edge_index, W1, b1, Wl, bl, eps_gine,
           gn_weight, gn_bias, gn_mean_scale):
    h = _node_mm(node_h, W1, b1)
    e = _edge_mm(edge_attr, Wl, bl)
    parts = _sc_agg(h, e, edge_index[0], edge_index[1])
    return _node_phase(parts, h, node_h, batch, eps_gine,
                       gn_weight, gn_bias, gn_mean_scale)

# --- scband reference (transcript-rebuilt; emitter-appended) ---
"""Pipeline reference for scband-ginelayer-30150670418203 (READ-ONLY COPY).

The authoritative reference and input builder live on the scoring server;
editing this copy changes nothing except your own understanding.
"""

import jax, jax.numpy as jnp
import numpy as np

N = 10000
E = 320000
D = 128
G = 16


def setup_inputs(seed: int = 0) -> dict:
    key = jax.random.key(seed)
    ks = jax.random.split(key, 8)
    node_h = jax.random.normal(ks[0], (N, D), dtype=jnp.float32)
    edge_attr = jax.random.normal(ks[1], (E, D), dtype=jnp.float32)
    batch = jnp.sort(jax.random.randint(ks[2], (N,), 0, G, dtype=jnp.int32))
    edge_index = jax.random.randint(ks[3], (2, E), 0, N, dtype=jnp.int32)
    W1 = jax.random.normal(ks[4], (D, D), dtype=jnp.float32) / np.sqrt(D)
    b1 = jnp.zeros((D,), dtype=jnp.float32)
    Wl = jax.random.normal(ks[5], (D, D), dtype=jnp.float32) / np.sqrt(D)
    bl = jnp.zeros((D,), dtype=jnp.float32)
    eps_gine = jnp.zeros((), dtype=jnp.float32)
    gn_weight = jnp.ones((D,), dtype=jnp.float32)
    gn_bias = jnp.zeros((D,), dtype=jnp.float32)
    gn_mean_scale = jnp.ones((D,), dtype=jnp.float32)
    return {"node_h": node_h, "edge_attr": edge_attr, "batch": batch, "edge_index": edge_index, "W1": W1, "b1": b1, "Wl": Wl, "bl": bl, "eps_gine": eps_gine, "gn_weight": gn_weight, "gn_bias": gn_bias, "gn_mean_scale": gn_mean_scale}


def reference(node_h, edge_attr, batch, edge_index, W1, b1, Wl, bl, eps_gine, gn_weight, gn_bias, gn_mean_scale):
    # lin1 (hidden_dim -> hidden_dim//bottleneck, bottleneck=1)
    h0 = node_h
    h = node_h @ W1.T + b1
    # GINEConvMod: message = SiLU(x_j + lin(edge_attr)); aggregate sum at dst
    e = edge_attr @ Wl.T + bl
    src = edge_index[0]
    dst = edge_index[1]
    msg = jax.nn.silu(h[src] + e)
    agg = jax.ops.segment_sum(msg, dst, num_segments=N)
    # nn = Identity, train_eps (init 0)
    h = agg + (1.0 + eps_gine) * h
    # dropout p=0 -> identity; lin2 = Identity (bottleneck=1); act = SiLU
    h = jax.nn.silu(h)
    # GraphNorm(h + residual, batch)
    y = h + h0
    counts = jax.ops.segment_sum(jnp.ones((N,), dtype=jnp.float32), batch, num_segments=G)
    counts = jnp.maximum(counts, 1.0)
    mean = jax.ops.segment_sum(y, batch, num_segments=G) / counts[:, None]
    out = y - mean[batch] * gn_mean_scale
    var = jax.ops.segment_sum(out * out, batch, num_segments=G) / counts[:, None]
    std = jnp.sqrt(var + 1e-5)
    return gn_weight * out / std[batch] + gn_bias

if __name__ == "__main__":
    import jax
    _d = setup_inputs()
    print(jax.jit(kernel)(*tuple(_d.values())))

</pallas_src>

<mosaic_0001>
#map = affine_map<(d0, d1) -> (0, 0)>
#map1 = affine_map<(d0, d1) -> (0)>
#map2 = affine_map<(d0, d1) -> (0, 0, 0)>
module attributes {stable_mosaic.version = 14 : i64} {
  func.func @_sc_agg_body(%arg0: i32, %arg1: i32, %arg2: memref<10000x128xf32, #tpu.memory_space<hbm>>, %arg3: memref<320000x128xf32, #tpu.memory_space<hbm>>, %arg4: memref<320000xi32, #tpu.memory_space<hbm>>, %arg5: memref<320000xi32, #tpu.memory_space<hbm>>, %arg6: memref<2x10000x128xf32, #tpu.memory_space<hbm>>, %arg7: memref<40xi32, #tpu.memory_space<vmem>>, %arg8: memref<40xi32, #tpu.memory_space<vmem>>, %arg9: memref<40xi32, #tpu.memory_space<vmem>>, %arg10: memref<40xi32, #tpu.memory_space<vmem>>, %arg11: memref<40xi32, #tpu.memory_space<vmem>>, %arg12: memref<40xi32, #tpu.memory_space<vmem>>, %arg13: memref<40xi32, #tpu.memory_space<vmem>>, %arg14: memref<40xi32, #tpu.memory_space<vmem>>, %arg15: memref<40x128xf32, #tpu.memory_space<vmem>>, %arg16: memref<40x128xf32, #tpu.memory_space<vmem>>, %arg17: memref<40x128xf32, #tpu.memory_space<vmem>>, %arg18: memref<40x128xf32, #tpu.memory_space<vmem>>, %arg19: memref<40x128xf32, #tpu.memory_space<vmem>>, %arg20: memref<40x128xf32, #tpu.memory_space<vmem>>, %arg21: memref<40x128xf32, #tpu.memory_space<vmem>>, %arg22: memref<40x128xf32, #tpu.memory_space<vmem>>, %arg23: memref<10000x128xf32, #tpu.memory_space<vmem_shared>>, %arg24: memref<!tpu.dma_semaphore, #tpu.memory_space<semaphore_mem>>, %arg25: memref<!tpu.dma_semaphore, #tpu.memory_space<semaphore_mem>>, %arg26: memref<!tpu.dma_semaphore, #tpu.memory_space<semaphore_mem>>, %arg27: memref<!tpu.dma_semaphore, #tpu.memory_space<semaphore_mem>>, %arg28: memref<!tpu.dma_semaphore, #tpu.memory_space<semaphore_mem>>, %arg29: memref<!tpu.dma_semaphore, #tpu.memory_space<semaphore_mem>>, %arg30: memref<!tpu.dma_semaphore, #tpu.memory_space<semaphore_mem>>, %arg31: memref<!tpu.dma_semaphore, #tpu.memory_space<semaphore_mem>>, %arg32: memref<!tpu.dma_semaphore, #tpu.memory_space<semaphore_mem>>, %arg33: memref<!tpu.dma_semaphore, #tpu.memory_space<semaphore_mem>>, %arg34: memref<!tpu.dma_semaphore, #tpu.memory_space<semaphore_mem>>, %arg35: memref<!tpu.dma_semaphore, #tpu.memory_space<semaphore_mem>>, %arg36: memref<!tpu.dma_semaphore, #tpu.memory_space<semaphore_mem>>, %arg37: memref<!tpu.dma_semaphore, #tpu.memory_space<semaphore_mem>>, %arg38: memref<!tpu.dma_semaphore, #tpu.memory_space<semaphore_mem>>, %arg39: memref<!tpu.dma_semaphore, #tpu.memory_space<semaphore_mem>>) attributes {dimension_semantics = [#tpu.dimension_semantics<core_parallel>, #tpu.dimension_semantics<subcore_parallel>], iteration_bounds = array<i64: 2, 16>, scalar_prefetch = 0 : i64, scratch_operands = 33 : i64, tpu.core_type = #tpu.core_type<sc_vector_subcore>, window_params = [{transform_indices = #map}, {transform_indices = #map}, {transform_indices = #map1}, {transform_indices = #map1}, {transform_indices = #map2}]} {
    %mul3A = arith.constant 16 : i32
    %mul3A_0 = arith.muli %arg0, %mul3A : i32
    %add3A = arith.addi %mul3A_0, %arg1 : i32
    %mul3A_1 = arith.constant 10000 : i32
    %mul3A_2 = arith.muli %add3A, %mul3A_1 : i32
    %scan3A = arith.constant 0 : i32
    %scan3A_3 = arith.constant 0 : i32
    %scan3A_4 = arith.constant 40 : i32
    %scan3A_5 = arith.addi %scan3A_3, %scan3A_4 : i32
    %scan3A_6 = arith.constant 1 : i32
    scf.for %scan3A_707 = %scan3A_3 to %scan3A_5 step %scan3A_6  : i32 {
      %broadcast_in_dim3A = arith.constant 0.000000e+00 : f32
      %broadcast_in_dim3A_708 = vector.broadcast %broadcast_in_dim3A : f32 to vector<16xf32>
      %swap3A_709 = arith.index_cast %scan3A_707 : i32 to index
      %swap3A_710 = arith.constant 0 : index
      %swap3A_711 = tpu.vector_load %arg19[%swap3A_709, %swap3A_710] {strides = array<i32>} : memref<40x128xf32, #tpu.memory_space<vmem>>, vector<1x16xf32>,
      %swap3A_712 = vector.shape_cast %swap3A_711 : vector<1x16xf32> to vector<16xf32>
      %swap3A_713 = vector.shape_cast %broadcast_in_dim3A_708 : vector<16xf32> to vector<1x16xf32>
      tpu.vector_store %arg19[%swap3A_709, %swap3A_710], %swap3A_713 {strides = array<i32>} : memref<40x128xf32, #tpu.memory_space<vmem>>, vector<1x16xf32>,
      %broadcast_in_dim3A_714 = arith.constant 0.000000e+00 : f32
      %broadcast_in_dim3A_715 = vector.broadcast %broadcast_in_dim3A_714 : f32 to vector<16xf32>
      %swap3A_716 = arith.index_cast %scan3A_707 : i32 to index
      %swap3A_717 = arith.constant 16 : index
      %swap3A_718 = tpu.vector_load %arg19[%swap3A_716, %swap3A_717] {strides = array<i32>} : memref<40x128xf32, #tpu.memory_space<vmem>>, vector<1x16xf32>,
      %swap3A_719 = vector.shape_cast %swap3A_718 : vector<1x16xf32> to vector<16xf32>
      %swap3A_720 = vector.shape_cast %broadcast_in_dim3A_715 : vector<16xf32> to vector<1x16xf32>
      tpu.vector_store %arg19[%swap3A_716, %swap3A_717], %swap3A_720 {strides = array<i32>} : memref<40x128xf32, #tpu.memory_space<vmem>>, vector<1x16xf32>,
      %broadcast_in_dim3A_721 = arith.constant 0.000000e+00 : f32
      %broadcast_in_dim3A_722 = vector.broadcast %broadcast_in_dim3A_721 : f32 to vector<16xf32>
      %swap3A_723 = arith.index_cast %scan3A_707 : i32 to index
      %swap3A_724 = arith.constant 32 : index
      %swap3A_725 = tpu.vector_load %arg19[%swap3A_723, %swap3A_724] {strides = array<i32>} : memref<40x128xf32, #tpu.memory_space<vmem>>, vector<1x16xf32>,
      %swap3A_726 = vector.shape_cast %swap3A_725 : vector<1x16xf32> to vector<16xf32>
      %swap3A_727 = vector.shape_cast %broadcast_in_dim3A_722 : vector<16xf32> to vector<1x16xf32>
      tpu.vector_store %arg19[%swap3A_723, %swap3A_724], %swap3A_727 {strides = array<i32>} : memref<40x128xf32, #tpu.memory_space<vmem>>, vector<1x16xf32>,
      %broadcast_in_dim3A_728 = arith.constant 0.000000e+00 : f32
      %broadcast_in_dim3A_729 = vector.broadcast %broadcast_in_dim3A_728 : f32 to vector<16xf32>
      %swap3A_730 = arith.index_cast %scan3A_707 : i32 to index
      %swap3A_731 = arith.constant 48 : index
      %swap3A_732 = tpu.vector_load %arg19[%swap3A_730, %swap3A_731] {strides = array<i32>} : memref<40x128xf32, #tpu.memory_space<vmem>>, vector<1x16xf32>,
      %swap3A_733 = vector.shape_cast %swap3A_732 : vector<1x16xf32> to vector<16xf32>
      %swap3A_734 = vector.shape_cast %broadcast_in_dim3A_729 : vector<16xf32> to vector<1x16xf32>
      tpu.vector_store %arg19[%swap3A_730, %swap3A_731], %swap3A_734 {strides = array<i32>} : memref<40x128xf32, #tpu.memory_space<vmem>>, vector<1x16xf32>,
      %broadcast_in_dim3A_735 = arith.constant 0.000000e+00 : f32
      %broadcast_in_dim3A_736 = vector.broadcast %broadcast_in_dim3A_735 : f32 to vector<16xf32>
      %swap3A_737 = arith.index_cast %scan3A_707 : i32 to index
      %swap3A_738 = arith.constant 64 : index
      %swap3A_739 = tpu.vector_load %arg19[%swap3A_737, %swap3A_738] {strides = array<i32>} : memref<40x128xf32, #tpu.memory_space<vmem>>, vector<1x16xf32>,
      %swap3A_740 = vector.shape_cast %swap3A_739 : vector<1x16xf32> to vector<16xf32>
      %swap3A_741 = vector.shape_cast %broadcast_in_dim3A_736 : vector<16xf32> to vector<1x16xf32>
      tpu.vector_store %arg19[%swap3A_737, %swap3A_738], %swap3A_741 {strides = array<i32>} : memref<40x128xf32, #tpu.memory_space<vmem>>, vector<1x16xf32>,
      %broadcast_in_dim3A_742 = arith.constant 0.000000e+00 : f32
      %broadcast_in_dim3A_743 = vector.broadcast %broadcast_in_dim3A_742 : f32 to vector<16xf32>
      %swap3A_744 = arith.index_cast %scan3A_707 : i32 to index
      %swap3A_745 = arith.constant 80 : index
      %swap3A_746 = tpu.vector_load %arg19[%swap3A_744, %swap3A_745] {strides = array<i32>} : memref<40x128xf32, #tpu.memory_space<vmem>>, vector<1x16xf32>,
      %swap3A_747 = vector.shape_cast %swap3A_746 : vector<1x16xf32> to vector<16xf32>
      %swap3A_748 = vector.shape_cast %broadcast_in_dim3A_743 : vector<16xf32> to vector<1x16xf32>
      tpu.vector_store %arg19[%swap3A_744, %swap3A_745], %swap3A_748 {strides = array<i32>} : memref<40x128xf32, #tpu.memory_space<vmem>>, vector<1x16xf32>,
      %broadcast_in_dim3A_749 = arith.constant 0.000000e+00 : f32
      %broadcast_in_dim3A_750 = vector.broadcast %broadcast_in_dim3A_749 : f32 to vector<16xf32>
      %swap3A_751 = arith.index_cast %scan3A_707 : i32 to index
      %swap3A_752 = arith.constant 96 : index
      %swap3A_753 = tpu.vector_load %arg19[%swap3A_751, %swap3A_752] {strides = array<i32>} : memref<40x128xf32, #tpu.memory_space<vmem>>, vector<1x16xf32>,
      %swap3A_754 = vector.shape_cast %swap3A_753 : vector<1x16xf32> to vector<16xf32>
      %swap3A_755 = vector.shape_cast %broadcast_in_dim3A_750 : vector<16xf32> to vector<1x16xf32>
      tpu.vector_store %arg19[%swap3A_751, %swap3A_752], %swap3A_755 {strides = array<i32>} : memref<40x128xf32, #tpu.memory_space<vmem>>, vector<1x16xf32>,
      %broadcast_in_dim3A_756 = arith.constant 0.000000e+00 : f32
      %broadcast_in_dim3A_757 = vector.broadcast %broadcast_in_dim3A_756 : f32 to vector<16xf32>
      %swap3A_758 = arith.index_cast %scan3A_707 : i32 to index
      %swap3A_759 = arith.constant 112 : index
      %swap3A_760 = tpu.vector_load %arg19[%swap3A_758, %swap3A_759] {strides = array<i32>} : memref<40x128xf32, #tpu.memory_space<vmem>>, vector<1x16xf32>,
      %swap3A_761 = vector.shape_cast %swap3A_760 : vector<1x16xf32> to vector<16xf32>
      %swap3A_762 = vector.shape_cast %broadcast_in_dim3A_757 : vector<16xf32> to vector<1x16xf32>
      tpu.vector_store %arg19[%swap3A_758, %swap3A_759], %swap3A_762 {strides = array<i32>} : memref<40x128xf32, #tpu.memory_space<vmem>>, vector<1x16xf32>,
    }
    %scan3A_7 = arith.constant 40 : i32
    %add3A_8 = arith.constant 0 : i32
    %add3A_9 = arith.addi %arg1, %add3A_8 : i32
    %lt3A = arith.constant 250 : i32
    %lt3A_10 = arith.cmpi slt, %add3A_9, %lt3A : i32
    %convert_element_type3A = arith.extui %lt3A_10 : i1 to i32
    %cond3A = arith.constant 0 : i32
    %cond3A_11 = arith.cmpi ne, %convert_element_type3A, %cond3A : i32
    scf.if %cond3A_11 {
      %mul3A_707 = arith.constant 40 : i32
      %mul3A_708 = arith.muli %add3A_9, %mul3A_707 : i32
      %dma_start3A_709 = arith.constant 0 : i32
      %dma_start3A_710 = tpu.memref_slice %arg23[%mul3A_708, %dma_start3A_709] : memref<10000x128xf32, #tpu.memory_space<vmem_shared>> -> memref<40x128xf32, #tpu.memory_space<vmem_shared>>
      %dma_start3A_711 = arith.constant 0 : i32
      %dma_start3A_712 = tpu.memref_slice %arg23[%mul3A_708, %dma_start3A_711] : memref<10000x128xf32, #tpu.memory_space<vmem_shared>> -> memref<40x128xf32, #tpu.memory_space<vmem_shared>>
      tpu.enqueue_dma source(%arg19 : memref<40x128xf32, #tpu.memory_space<vmem>>) target(%dma_start3A_712 : memref<40x128xf32, #tpu.memory_space<vmem_shared>>) target_semaphore(%arg24 : memref<!tpu.dma_semaphore, #tpu.memory_space<semaphore_mem>>)
    } else {
    }
    %add3A_12 = arith.constant 16 : i32
    %add3A_13 = arith.addi %arg1, %add3A_12 : i32
    %lt3A_14 = arith.constant 250 : i32
    %lt3A_15 = arith.cmpi slt, %add3A_13, %lt3A_14 : i32
    %convert_element_type3A_16 = arith.extui %lt3A_15 : i1 to i32
    %cond3A_17 = arith.constant 0 : i32
    %cond3A_18 = arith.cmpi ne, %convert_element_type3A_16, %cond3A_17 : i32
    scf.if %cond3A_18 {
      %mul3A_707 = arith.constant 40 : i32
      %mul3A_708 = arith.muli %add3A_13, %mul3A_707 : i32
      %dma_start3A_709 = arith.constant 0 : i32
      %dma_start3A_710 = tpu.memref_slice %arg23[%mul3A_708, %dma_start3A_709] : memref<10000x128xf32, #tpu.memory_space<vmem_shared>> -> memref<40x128xf32, #tpu.memory_space<vmem_shared>>
      %dma_start3A_711 = arith.constant 0 : i32
      %dma_start3A_712 = tpu.memref_slice %arg23[%mul3A_708, %dma_start3A_711] : memref<10000x128xf32, #tpu.memory_space<vmem_shared>> -> memref<40x128xf32, #tpu.memory_space<vmem_shared>>
      tpu.enqueue_dma source(%arg19 : memref<40x128xf32, #tpu.memory_space<vmem>>) target(%dma_start3A_712 : memref<40x128xf32, #tpu.memory_space<vmem_shared>>) target_semaphore(%arg24 : memref<!tpu.dma_semaphore, #tpu.memory_space<semaphore_mem>>)
    } else {
    }
    %add3A_19 = arith.constant 32 : i32
    %add3A_20 = arith.addi %arg1, %add3A_19 : i32
    %lt3A_21 = arith.constant 250 : i32
    %lt3A_22 = arith.cmpi slt, %add3A_20, %lt3A_21 : i32
    %convert_element_type3A_23 = arith.extui %lt3A_22 : i1 to i32
    %cond3A_24 = arith.constant 0 : i32
    %cond3A_25 = arith.cmpi ne, %convert_element_type3A_23, %cond3A_24 : i32
    scf.if %cond3A_25 {
      %mul3A_707 = arith.constant 40 : i32
      %mul3A_708 = arith.muli %add3A_20, %mul3A_707 : i32
      %dma_start3A_709 = arith.constant 0 : i32
      %dma_start3A_710 = tpu.memref_slice %arg23[%mul3A_708, %dma_start3A_709] : memref<10000x128xf32, #tpu.memory_space<vmem_shared>> -> memref<40x128xf32, #tpu.memory_space<vmem_shared>>
      %dma_start3A_711 = arith.constant 0 : i32
      %dma_start3A_712 = tpu.memref_slice %arg23[%mul3A_708, %dma_start3A_711] : memref<10000x128xf32, #tpu.memory_space<vmem_shared>> -> memref<40x128xf32, #tpu.memory_space<vmem_shared>>
      tpu.enqueue_dma source(%arg19 : memref<40x128xf32, #tpu.memory_space<vmem>>) target(%dma_start3A_712 : memref<40x128xf32, #tpu.memory_space<vmem_shared>>) target_semaphore(%arg24 : memref<!tpu.dma_semaphore, #tpu.memory_space<semaphore_mem>>)
    } else {
    }
    %add3A_26 = arith.constant 48 : i32
    %add3A_27 = arith.addi %arg1, %add3A_26 : i32
    %lt3A_28 = arith.constant 250 : i32
    %lt3A_29 = arith.cmpi slt, %add3A_27, %lt3A_28 : i32
    %convert_element_type3A_30 = arith.extui %lt3A_29 : i1 to i32
    %cond3A_31 = arith.constant 0 : i32
    %cond3A_32 = arith.cmpi ne, %convert_element_type3A_30, %cond3A_31 : i32
    scf.if %cond3A_32 {
      %mul3A_707 = arith.constant 40 : i32
      %mul3A_708 = arith.muli %add3A_27, %mul3A_707 : i32
      %dma_start3A_709 = arith.constant 0 : i32
      %dma_start3A_710 = tpu.memref_slice %arg23[%mul3A_708, %dma_start3A_709] : memref<10000x128xf32, #tpu.memory_space<vmem_shared>> -> memref<40x128xf32, #tpu.memory_space<vmem_shared>>
      %dma_start3A_711 = arith.constant 0 : i32
      %dma_start3A_712 = tpu.memref_slice %arg23[%mul3A_708, %dma_start3A_711] : memref<10000x128xf32, #tpu.memory_space<vmem_shared>> -> memref<40x128xf32, #tpu.memory_space<vmem_shared>>
      tpu.enqueue_dma source(%arg19 : memref<40x128xf32, #tpu.memory_space<vmem>>) target(%dma_start3A_712 : memref<40x128xf32, #tpu.memory_space<vmem_shared>>) target_semaphore(%arg24 : memref<!tpu.dma_semaphore, #tpu.memory_space<semaphore_mem>>)
    } else {
    }
    %add3A_33 = arith.constant 64 : i32
    %add3A_34 = arith.addi %arg1, %add3A_33 : i32
    %lt3A_35 = arith.constant 250 : i32
    %lt3A_36 = arith.cmpi slt, %add3A_34, %lt3A_35 : i32
    %convert_element_type3A_37 = arith.extui %lt3A_36 : i1 to i32
    %cond3A_38 = arith.constant 0 : i32
    %cond3A_39 = arith.cmpi ne, %convert_element_type3A_37, %cond3A_38 : i32
    scf.if %cond3A_39 {
      %mul3A_707 = arith.constant 40 : i32
      %mul3A_708 = arith.muli %add3A_34, %mul3A_707 : i32
      %dma_start3A_709 = arith.constant 0 : i32
      %dma_start3A_710 = tpu.memref_slice %arg23[%mul3A_708, %dma_start3A_709] : memref<10000x128xf32, #tpu.memory_space<vmem_shared>> -> memref<40x128xf32, #tpu.memory_space<vmem_shared>>
      %dma_start3A_711 = arith.constant 0 : i32
      %dma_start3A_712 = tpu.memref_slice %arg23[%mul3A_708, %dma_start3A_711] : memref<10000x128xf32, #tpu.memory_space<vmem_shared>> -> memref<40x128xf32, #tpu.memory_space<vmem_shared>>
      tpu.enqueue_dma source(%arg19 : memref<40x128xf32, #tpu.memory_space<vmem>>) target(%dma_start3A_712 : memref<40x128xf32, #tpu.memory_space<vmem_shared>>) target_semaphore(%arg24 : memref<!tpu.dma_semaphore, #tpu.memory_space<semaphore_mem>>)
    } else {
    }
    %add3A_40 = arith.constant 80 : i32
    %add3A_41 = arith.addi %arg1, %add3A_40 : i32
    %lt3A_42 = arith.constant 250 : i32
    %lt3A_43 = arith.cmpi slt, %add3A_41, %lt3A_42 : i32
    %convert_element_type3A_44 = arith.extui %lt3A_43 : i1 to i32
    %cond3A_45 = arith.constant 0 : i32
    %cond3A_46 = arith.cmpi ne, %convert_element_type3A_44, %cond3A_45 : i32
    scf.if %cond3A_46 {
      %mul3A_707 = arith.constant 40 : i32
      %mul3A_708 = arith.muli %add3A_41, %mul3A_707 : i32
      %dma_start3A_709 = arith.constant 0 : i32
      %dma_start3A_710 = tpu.memref_slice %arg23[%mul3A_708, %dma_start3A_709] : memref<10000x128xf32, #tpu.memory_space<vmem_shared>> -> memref<40x128xf32, #tpu.memory_space<vmem_shared>>
      %dma_start3A_711 = arith.constant 0 : i32
      %dma_start3A_712 = tpu.memref_slice %arg23[%mul3A_708, %dma_start3A_711] : memref<10000x128xf32, #tpu.memory_space<vmem_shared>> -> memref<40x128xf32, #tpu.memory_space<vmem_shared>>
      tpu.enqueue_dma source(%arg19 : memref<40x128xf32, #tpu.memory_space<vmem>>) target(%dma_start3A_712 : memref<40x128xf32, #tpu.memory_space<vmem_shared>>) target_semaphore(%arg24 : memref<!tpu.dma_semaphore, #tpu.memory_space<semaphore_mem>>)
    } else {
    }
    %add3A_47 = arith.constant 96 : i32
    %add3A_48 = arith.addi %arg1, %add3A_47 : i32
    %lt3A_49 = arith.constant 250 : i32
    %lt3A_50 = arith.cmpi slt, %add3A_48, %lt3A_49 : i32
    %convert_element_type3A_51 = arith.extui %lt3A_50 : i1 to i32
    %cond3A_52 = arith.constant 0 : i32
    %cond3A_53 = arith.cmpi ne, %convert_element_type3A_51, %cond3A_52 : i32
    scf.if %cond3A_53 {
      %mul3A_707 = arith.constant 40 : i32
      %mul3A_708 = arith.muli %add3A_48, %mul3A_707 : i32
      %dma_start3A_709 = arith.constant 0 : i32
      %dma_start3A_710 = tpu.memref_slice %arg23[%mul3A_708, %dma_start3A_709] : memref<10000x128xf32, #tpu.memory_space<vmem_shared>> -> memref<40x128xf32, #tpu.memory_space<vmem_shared>>
      %dma_start3A_711 = arith.constant 0 : i32
      %dma_start3A_712 = tpu.memref_slice %arg23[%mul3A_708, %dma_start3A_711] : memref<10000x128xf32, #tpu.memory_space<vmem_shared>> -> memref<40x128xf32, #tpu.memory_space<vmem_shared>>
      tpu.enqueue_dma source(%arg19 : memref<40x128xf32, #tpu.memory_space<vmem>>) target(%dma_start3A_712 : memref<40x128xf32, #tpu.memory_space<vmem_shared>>) target_semaphore(%arg24 : memref<!tpu.dma_semaphore, #tpu.memory_space<semaphore_mem>>)
    } else {
    }
    %add3A_54 = arith.constant 112 : i32
    %add3A_55 = arith.addi %arg1, %add3A_54 : i32
    %lt3A_56 = arith.constant 250 : i32
    %lt3A_57 = arith.cmpi slt, %add3A_55, %lt3A_56 : i32
    %convert_element_type3A_58 = arith.extui %lt3A_57 : i1 to i32
    %cond3A_59 = arith.constant 0 : i32
    %cond3A_60 = arith.cmpi ne, %convert_element_type3A_58, %cond3A_59 : i32
    scf.if %cond3A_60 {
      %mul3A_707 = arith.constant 40 : i32
      %mul3A_708 = arith.muli %add3A_55, %mul3A_707 : i32
      %dma_start3A_709 = arith.constant 0 : i32
      %dma_start3A_710 = tpu.memref_slice %arg23[%mul3A_708, %dma_start3A_709] : memref<10000x128xf32, #tpu.memory_space<vmem_shared>> -> memref<40x128xf32, #tpu.memory_space<vmem_shared>>
      %dma_start3A_711 = arith.constant 0 : i32
      %dma_start3A_712 = tpu.memref_slice %arg23[%mul3A_708, %dma_start3A_711] : memref<10000x128xf32, #tpu.memory_space<vmem_shared>> -> memref<40x128xf32, #tpu.memory_space<vmem_shared>>
      tpu.enqueue_dma source(%arg19 : memref<40x128xf32, #tpu.memory_space<vmem>>) target(%dma_start3A_712 : memref<40x128xf32, #tpu.memory_space<vmem_shared>>) target_semaphore(%arg24 : memref<!tpu.dma_semaphore, #tpu.memory_space<semaphore_mem>>)
    } else {
    }
    %add3A_61 = arith.constant 128 : i32
    %add3A_62 = arith.addi %arg1, %add3A_61 : i32
    %lt3A_63 = arith.constant 250 : i32
    %lt3A_64 = arith.cmpi slt, %add3A_62, %lt3A_63 : i32
    %convert_element_type3A_65 = arith.extui %lt3A_64 : i1 to i32
    %cond3A_66 = arith.constant 0 : i32
    %cond3A_67 = arith.cmpi ne, %convert_element_type3A_65, %cond3A_66 : i32
    scf.if %cond3A_67 {
      %mul3A_707 = arith.constant 40 : i32
      %mul3A_708 = arith.muli %add3A_62, %mul3A_707 : i32
      %dma_start3A_709 = arith.constant 0 : i32
      %dma_start3A_710 = tpu.memref_slice %arg23[%mul3A_708, %dma_start3A_709] : memref<10000x128xf32, #tpu.memory_space<vmem_shared>> -> memref<40x128xf32, #tpu.memory_space<vmem_shared>>
      %dma_start3A_711 = arith.constant 0 : i32
      %dma_start3A_712 = tpu.memref_slice %arg23[%mul3A_708, %dma_start3A_711] : memref<10000x128xf32, #tpu.memory_space<vmem_shared>> -> memref<40x128xf32, #tpu.memory_space<vmem_shared>>
      tpu.enqueue_dma source(%arg19 : memref<40x128xf32, #tpu.memory_space<vmem>>) target(%dma_start3A_712 : memref<40x128xf32, #tpu.memory_space<vmem_shared>>) target_semaphore(%arg24 : memref<!tpu.dma_semaphore, #tpu.memory_space<semaphore_mem>>)
    } else {
    }
    %add3A_68 = arith.constant 144 : i32
    %add3A_69 = arith.addi %arg1, %add3A_68 : i32
    %lt3A_70 = arith.constant 250 : i32
    %lt3A_71 = arith.cmpi slt, %add3A_69, %lt3A_70 : i32
    %convert_element_type3A_72 = arith.extui %lt3A_71 : i1 to i32
    %cond3A_73 = arith.constant 0 : i32
    %cond3A_74 = arith.cmpi ne, %convert_element_type3A_72, %cond3A_73 : i32
    scf.if %cond3A_74 {
      %mul3A_707 = arith.constant 40 : i32
      %mul3A_708 = arith.muli %add3A_69, %mul3A_707 : i32
      %dma_start3A_709 = arith.constant 0 : i32
      %dma_start3A_710 = tpu.memref_slice %arg23[%mul3A_708, %dma_start3A_709] : memref<10000x128xf32, #tpu.memory_space<vmem_shared>> -> memref<40x128xf32, #tpu.memory_space<vmem_shared>>
      %dma_start3A_711 = arith.constant 0 : i32
      %dma_start3A_712 = tpu.memref_slice %arg23[%mul3A_708, %dma_start3A_711] : memref<10000x128xf32, #tpu.memory_space<vmem_shared>> -> memref<40x128xf32, #tpu.memory_space<vmem_shared>>
      tpu.enqueue_dma source(%arg19 : memref<40x128xf32, #tpu.memory_space<vmem>>) target(%dma_start3A_712 : memref<40x128xf32, #tpu.memory_space<vmem_shared>>) target_semaphore(%arg24 : memref<!tpu.dma_semaphore, #tpu.memory_space<semaphore_mem>>)
    } else {
    }
    %add3A_75 = arith.constant 160 : i32
    %add3A_76 = arith.addi %arg1, %add3A_75 : i32
    %lt3A_77 = arith.constant 250 : i32
    %lt3A_78 = arith.cmpi slt, %add3A_76, %lt3A_77 : i32
    %convert_element_type3A_79 = arith.extui %lt3A_78 : i1 to i32
    %cond3A_80 = arith.constant 0 : i32
    %cond3A_81 = arith.cmpi ne, %convert_element_type3A_79, %cond3A_80 : i32
    scf.if %cond3A_81 {
      %mul3A_707 = arith.constant 40 : i32
      %mul3A_708 = arith.muli %add3A_76, %mul3A_707 : i32
      %dma_start3A_709 = arith.constant 0 : i32
      %dma_start3A_710 = tpu.memref_slice %arg23[%mul3A_708, %dma_start3A_709] : memref<10000x128xf32, #tpu.memory_space<vmem_shared>> -> memref<40x128xf32, #tpu.memory_space<vmem_shared>>
      %dma_start3A_711 = arith.constant 0 : i32
      %dma_start3A_712 = tpu.memref_slice %arg23[%mul3A_708, %dma_start3A_711] : memref<10000x128xf32, #tpu.memory_space<vmem_shared>> -> memref<40x128xf32, #tpu.memory_space<vmem_shared>>
      tpu.enqueue_dma source(%arg19 : memref<40x128xf32, #tpu.memory_space<vmem>>) target(%dma_start3A_712 : memref<40x128xf32, #tpu.memory_space<vmem_shared>>) target_semaphore(%arg24 : memref<!tpu.dma_semaphore, #tpu.memory_space<semaphore_mem>>)
    } else {
    }
    %add3A_82 = arith.constant 176 : i32
    %add3A_83 = arith.addi %arg1, %add3A_82 : i32
    %lt3A_84 = arith.constant 250 : i32
    %lt3A_85 = arith.cmpi slt, %add3A_83, %lt3A_84 : i32
    %convert_element_type3A_86 = arith.extui %lt3A_85 : i1 to i32
    %cond3A_87 = arith.constant 0 : i32
    %cond3A_88 = arith.cmpi ne, %convert_element_type3A_86, %cond3A_87 : i32
    scf.if %cond3A_88 {
      %mul3A_707 = arith.constant 40 : i32
      %mul3A_708 = arith.muli %add3A_83, %mul3A_707 : i32
      %dma_start3A_709 = arith.constant 0 : i32
      %dma_start3A_710 = tpu.memref_slice %arg23[%mul3A_708, %dma_start3A_709] : memref<10000x128xf32, #tpu.memory_space<vmem_shared>> -> memref<40x128xf32, #tpu.memory_space<vmem_shared>>
      %dma_start3A_711 = arith.constant 0 : i32
      %dma_start3A_712 = tpu.memref_slice %arg23[%mul3A_708, %dma_start3A_711] : memref<10000x128xf32, #tpu.memory_space<vmem_shared>> -> memref<40x128xf32, #tpu.memory_space<vmem_shared>>
      tpu.enqueue_dma source(%arg19 : memref<40x128xf32, #tpu.memory_space<vmem>>) target(%dma_start3A_712 : memref<40x128xf32, #tpu.memory_space<vmem_shared>>) target_semaphore(%arg24 : memref<!tpu.dma_semaphore, #tpu.memory_space<semaphore_mem>>)
    } else {
    }
    %add3A_89 = arith.constant 192 : i32
    %add3A_90 = arith.addi %arg1, %add3A_89 : i32
    %lt3A_91 = arith.constant 250 : i32
    %lt3A_92 = arith.cmpi slt, %add3A_90, %lt3A_91 : i32
    %convert_element_type3A_93 = arith.extui %lt3A_92 : i1 to i32
    %cond3A_94 = arith.constant 0 : i32
    %cond3A_95 = arith.cmpi ne, %convert_element_type3A_93, %cond3A_94 : i32
    scf.if %cond3A_95 {
      %mul3A_707 = arith.constant 40 : i32
      %mul3A_708 = arith.muli %add3A_90, %mul3A_707 : i32
      %dma_start3A_709 = arith.constant 0 : i32
      %dma_start3A_710 = tpu.memref_slice %arg23[%mul3A_708, %dma_start3A_709] : memref<10000x128xf32, #tpu.memory_space<vmem_shared>> -> memref<40x128xf32, #tpu.memory_space<vmem_shared>>
      %dma_start3A_711 = arith.constant 0 : i32
      %dma_start3A_712 = tpu.memref_slice %arg23[%mul3A_708, %dma_start3A_711] : memref<10000x128xf32, #tpu.memory_space<vmem_shared>> -> memref<40x128xf32, #tpu.memory_space<vmem_shared>>
      tpu.enqueue_dma source(%arg19 : memref<40x128xf32, #tpu.memory_space<vmem>>) target(%dma_start3A_712 : memref<40x128xf32, #tpu.memory_space<vmem_shared>>) target_semaphore(%arg24 : memref<!tpu.dma_semaphore, #tpu.memory_space<semaphore_mem>>)
    } else {
    }
    %add3A_96 = arith.constant 208 : i32
    %add3A_97 = arith.addi %arg1, %add3A_96 : i32
    %lt3A_98 = arith.constant 250 : i32
    %lt3A_99 = arith.cmpi slt, %add3A_97, %lt3A_98 : i32
    %convert_element_type3A_100 = arith.extui %lt3A_99 : i1 to i32
    %cond3A_101 = arith.constant 0 : i32
    %cond3A_102 = arith.cmpi ne, %convert_element_type3A_100, %cond3A_101 : i32
    scf.if %cond3A_102 {
      %mul3A_707 = arith.constant 40 : i32
      %mul3A_708 = arith.muli %add3A_97, %mul3A_707 : i32
      %dma_start3A_709 = arith.constant 0 : i32
      %dma_start3A_710 = tpu.memref_slice %arg23[%mul3A_708, %dma_start3A_709] : memref<10000x128xf32, #tpu.memory_space<vmem_shared>> -> memref<40x128xf32, #tpu.memory_space<vmem_shared>>
      %dma_start3A_711 = arith.constant 0 : i32
      %dma_start3A_712 = tpu.memref_slice %arg23[%mul3A_708, %dma_start3A_711] : memref<10000x128xf32, #tpu.memory_space<vmem_shared>> -> memref<40x128xf32, #tpu.memory_space<vmem_shared>>
      tpu.enqueue_dma source(%arg19 : memref<40x128xf32, #tpu.memory_space<vmem>>) target(%dma_start3A_712 : memref<40x128xf32, #tpu.memory_space<vmem_shared>>) target_semaphore(%arg24 : memref<!tpu.dma_semaphore, #tpu.memory_space<semaphore_mem>>)
    } else {
    }
    %add3A_103 = arith.constant 224 : i32
    %add3A_104 = arith.addi %arg1, %add3A_103 : i32
    %lt3A_105 = arith.constant 250 : i32
    %lt3A_106 = arith.cmpi slt, %add3A_104, %lt3A_105 : i32
    %convert_element_type3A_107 = arith.extui %lt3A_106 : i1 to i32
    %cond3A_108 = arith.constant 0 : i32
    %cond3A_109 = arith.cmpi ne, %convert_element_type3A_107, %cond3A_108 : i32
    scf.if %cond3A_109 {
      %mul3A_707 = arith.constant 40 : i32
      %mul3A_708 = arith.muli %add3A_104, %mul3A_707 : i32
      %dma_start3A_709 = arith.constant 0 : i32
      %dma_start3A_710 = tpu.memref_slice %arg23[%mul3A_708, %dma_start3A_709] : memref<10000x128xf32, #tpu.memory_space<vmem_shared>> -> memref<40x128xf32, #tpu.memory_space<vmem_shared>>
      %dma_start3A_711 = arith.constant 0 : i32
      %dma_start3A_712 = tpu.memref_slice %arg23[%mul3A_708, %dma_start3A_711] : memref<10000x128xf32, #tpu.memory_space<vmem_shared>> -> memref<40x128xf32, #tpu.memory_space<vmem_shared>>
      tpu.enqueue_dma source(%arg19 : memref<40x128xf32, #tpu.memory_space<vmem>>) target(%dma_start3A_712 : memref<40x128xf32, #tpu.memory_space<vmem_shared>>) target_semaphore(%arg24 : memref<!tpu.dma_semaphore, #tpu.memory_space<semaphore_mem>>)
    } else {
    }
    %add3A_110 = arith.constant 240 : i32
    %add3A_111 = arith.addi %arg1, %add3A_110 : i32
    %lt3A_112 = arith.constant 250 : i32
    %lt3A_113 = arith.cmpi slt, %add3A_111, %lt3A_112 : i32
    %convert_element_type3A_114 = arith.extui %lt3A_113 : i1 to i32
    %cond3A_115 = arith.constant 0 : i32
    %cond3A_116 = arith.cmpi ne, %convert_element_type3A_114, %cond3A_115 : i32
    scf.if %cond3A_116 {
      %mul3A_707 = arith.constant 40 : i32
      %mul3A_708 = arith.muli %add3A_111, %mul3A_707 : i32
      %dma_start3A_709 = arith.constant 0 : i32
      %dma_start3A_710 = tpu.memref_slice %arg23[%mul3A_708, %dma_start3A_709] : memref<10000x128xf32, #tpu.memory_space<vmem_shared>> -> memref<40x128xf32, #tpu.memory_space<vmem_shared>>
      %dma_start3A_711 = arith.constant 0 : i32
      %dma_start3A_712 = tpu.memref_slice %arg23[%mul3A_708, %dma_start3A_711] : memref<10000x128xf32, #tpu.memory_space<vmem_shared>> -> memref<40x128xf32, #tpu.memory_space<vmem_shared>>
      tpu.enqueue_dma source(%arg19 : memref<40x128xf32, #tpu.memory_space<vmem>>) target(%dma_start3A_712 : memref<40x128xf32, #tpu.memory_space<vmem_shared>>) target_semaphore(%arg24 : memref<!tpu.dma_semaphore, #tpu.memory_space<semaphore_mem>>)
    } else {
    }
    %add3A_117 = arith.constant 0 : i32
    %add3A_118 = arith.addi %arg1, %add3A_117 : i32
    %lt3A_119 = arith.constant 250 : i32
    %lt3A_120 = arith.cmpi slt, %add3A_118, %lt3A_119 : i32
    %convert_element_type3A_121 = arith.extui %lt3A_120 : i1 to i32
    %cond3A_122 = arith.constant 0 : i32
    %cond3A_123 = arith.cmpi ne, %convert_element_type3A_121, %cond3A_122 : i32
    scf.if %cond3A_123 {
      %dma_wait3A_707 = arith.constant 0 : i32
      %dma_wait3A_708 = arith.constant 0 : i32
      %dma_wait3A_709 = tpu.memref_slice %arg23[%dma_wait3A_707, %dma_wait3A_708] : memref<10000x128xf32, #tpu.memory_space<vmem_shared>> -> memref<40x128xf32, #tpu.memory_space<vmem_shared>>
      %dma_wait3A_710 = arith.constant 0 : i32
      %dma_wait3A_711 = arith.constant 0 : i32
      %dma_wait3A_712 = tpu.memref_slice %arg23[%dma_wait3A_710, %dma_wait3A_711] : memref<10000x128xf32, #tpu.memory_space<vmem_shared>> -> memref<40x128xf32, #tpu.memory_space<vmem_shared>>
      tpu.wait_dma2 semaphore(%arg24 : memref<!tpu.dma_semaphore, #tpu.memory_space<semaphore_mem>>) src(%arg19 : memref<40x128xf32, #tpu.memory_space<vmem>>) dst(%dma_wait3A_712 : memref<40x128xf32, #tpu.memory_space<vmem_shared>>)
    } else {
    }
    %add3A_124 = arith.constant 16 : i32
    %add3A_125 = arith.addi %arg1, %add3A_124 : i32
    %lt3A_126 = arith.constant 250 : i32
    %lt3A_127 = arith.cmpi slt, %add3A_125, %lt3A_126 : i32
    %convert_element_type3A_128 = arith.extui %lt3A_127 : i1 to i32
    %cond3A_129 = arith.constant 0 : i32
    %cond3A_130 = arith.cmpi ne, %convert_element_type3A_128, %cond3A_129 : i32
    scf.if %cond3A_130 {
      %dma_wait3A_707 = arith.constant 0 : i32
      %dma_wait3A_708 = arith.constant 0 : i32
      %dma_wait3A_709 = tpu.memref_slice %arg23[%dma_wait3A_707, %dma_wait3A_708] : memref<10000x128xf32, #tpu.memory_space<vmem_shared>> -> memref<40x128xf32, #tpu.memory_space<vmem_shared>>
      %dma_wait3A_710 = arith.constant 0 : i32
      %dma_wait3A_711 = arith.constant 0 : i32
      %dma_wait3A_712 = tpu.memref_slice %arg23[%dma_wait3A_710, %dma_wait3A_711] : memref<10000x128xf32, #tpu.memory_space<vmem_shared>> -> memref<40x128xf32, #tpu.memory_space<vmem_shared>>
      tpu.wait_dma2 semaphore(%arg24 : memref<!tpu.dma_semaphore, #tpu.memory_space<semaphore_mem>>) src(%arg19 : memref<40x128xf32, #tpu.memory_space<vmem>>) dst(%dma_wait3A_712 : memref<40x128xf32, #tpu.memory_space<vmem_shared>>)
    } else {
    }
    %add3A_131 = arith.constant 32 : i32
    %add3A_132 = arith.addi %arg1, %add3A_131 : i32
    %lt3A_133 = arith.constant 250 : i32
    %lt3A_134 = arith.cmpi slt, %add3A_132, %lt3A_133 : i32
    %convert_element_type3A_135 = arith.extui %lt3A_134 : i1 to i32
    %cond3A_136 = arith.constant 0 : i32
    %cond3A_137 = arith.cmpi ne, %convert_element_type3A_135, %cond3A_136 : i32
    scf.if %cond3A_137 {
      %dma_wait3A_707 = arith.constant 0 : i32
      %dma_wait3A_708 = arith.constant 0 : i32
      %dma_wait3A_709 = tpu.memref_slice %arg23[%dma_wait3A_707, %dma_wait3A_708] : memref<10000x128xf32, #tpu.memory_space<vmem_shared>> -> memref<40x128xf32, #tpu.memory_space<vmem_shared>>
      %dma_wait3A_710 = arith.constant 0 : i32
      %dma_wait3A_711 = arith.constant 0 : i32
      %dma_wait3A_712 = tpu.memref_slice %arg23[%dma_wait3A_710, %dma_wait3A_711] : memref<10000x128xf32, #tpu.memory_space<vmem_shared>> -> memref<40x128xf32, #tpu.memory_space<vmem_shared>>
      tpu.wait_dma2 semaphore(%arg24 : memref<!tpu.dma_semaphore, #tpu.memory_space<semaphore_mem>>) src(%arg19 : memref<40x128xf32, #tpu.memory_space<vmem>>) dst(%dma_wait3A_712 : memref<40x128xf32, #tpu.memory_space<vmem_shared>>)
    } else {
    }
    %add3A_138 = arith.constant 48 : i32
    %add3A_139 = arith.addi %arg1, %add3A_138 : i32
    %lt3A_140 = arith.constant 250 : i32
    %lt3A_141 = arith.cmpi slt, %add3A_139, %lt3A_140 : i32
    %convert_element_type3A_142 = arith.extui %lt3A_141 : i1 to i32
    %cond3A_143 = arith.constant 0 : i32
    %cond3A_144 = arith.cmpi ne, %convert_element_type3A_142, %cond3A_143 : i32
    scf.if %cond3A_144 {
      %dma_wait3A_707 = arith.constant 0 : i32
      %dma_wait3A_708 = arith.constant 0 : i32
      %dma_wait3A_709 = tpu.memref_slice %arg23[%dma_wait3A_707, %dma_wait3A_708] : memref<10000x128xf32, #tpu.memory_space<vmem_shared>> -> memref<40x128xf32, #tpu.memory_space<vmem_shared>>
      %dma_wait3A_710 = arith.constant 0 : i32
      %dma_wait3A_711 = arith.constant 0 : i32
      %dma_wait3A_712 = tpu.memref_slice %arg23[%dma_wait3A_710, %dma_wait3A_711] : memref<10000x128xf32, #tpu.memory_space<vmem_shared>> -> memref<40x128xf32, #tpu.memory_space<vmem_shared>>
      tpu.wait_dma2 semaphore(%arg24 : memref<!tpu.dma_semaphore, #tpu.memory_space<semaphore_mem>>) src(%arg19 : memref<40x128xf32, #tpu.memory_space<vmem>>) dst(%dma_wait3A_712 : memref<40x128xf32, #tpu.memory_space<vmem_shared>>)
    } else {
    }
    %add3A_145 = arith.constant 64 : i32
    %add3A_146 = arith.addi %arg1, %add3A_145 : i32
    %lt3A_147 = arith.constant 250 : i32
    %lt3A_148 = arith.cmpi slt, %add3A_146, %lt3A_147 : i32
    %convert_element_type3A_149 = arith.extui %lt3A_148 : i1 to i32
    %cond3A_150 = arith.constant 0 : i32
    %cond3A_151 = arith.cmpi ne, %convert_element_type3A_149, %cond3A_150 : i32
    scf.if %cond3A_151 {
      %dma_wait3A_707 = arith.constant 0 : i32
      %dma_wait3A_708 = arith.constant 0 : i32
      %dma_wait3A_709 = tpu.memref_slice %arg23[%dma_wait3A_707, %dma_wait3A_708] : memref<10000x128xf32, #tpu.memory_space<vmem_shared>> -> memref<40x128xf32, #tpu.memory_space<vmem_shared>>
      %dma_wait3A_710 = arith.constant 0 : i32
      %dma_wait3A_711 = arith.constant 0 : i32
      %dma_wait3A_712 = tpu.memref_slice %arg23[%dma_wait3A_710, %dma_wait3A_711] : memref<10000x128xf32, #tpu.memory_space<vmem_shared>> -> memref<40x128xf32, #tpu.memory_space<vmem_shared>>
      tpu.wait_dma2 semaphore(%arg24 : memref<!tpu.dma_semaphore, #tpu.memory_space<semaphore_mem>>) src(%arg19 : memref<40x128xf32, #tpu.memory_space<vmem>>) dst(%dma_wait3A_712 : memref<40x128xf32, #tpu.memory_space<vmem_shared>>)
    } else {
    }
    %add3A_152 = arith.constant 80 : i32
    %add3A_153 = arith.addi %arg1, %add3A_152 : i32
    %lt3A_154 = arith.constant 250 : i32
    %lt3A_155 = arith.cmpi slt, %add3A_153, %lt3A_154 : i32
    %convert_element_type3A_156 = arith.extui %lt3A_155 : i1 to i32
    %cond3A_157 = arith.constant 0 : i32
    %cond3A_158 = arith.cmpi ne, %convert_element_type3A_156, %cond3A_157 : i32
    scf.if %cond3A_158 {
      %dma_wait3A_707 = arith.constant 0 : i32
      %dma_wait3A_708 = arith.constant 0 : i32
      %dma_wait3A_709 = tpu.memref_slice %arg23[%dma_wait3A_707, %dma_wait3A_708] : memref<10000x128xf32, #tpu.memory_space<vmem_shared>> -> memref<40x128xf32, #tpu.memory_space<vmem_shared>>
      %dma_wait3A_710 = arith.constant 0 : i32
      %dma_wait3A_711 = arith.constant 0 : i32
      %dma_wait3A_712 = tpu.memref_slice %arg23[%dma_wait3A_710, %dma_wait3A_711] : memref<10000x128xf32, #tpu.memory_space<vmem_shared>> -> memref<40x128xf32, #tpu.memory_space<vmem_shared>>
      tpu.wait_dma2 semaphore(%arg24 : memref<!tpu.dma_semaphore, #tpu.memory_space<semaphore_mem>>) src(%arg19 : memref<40x128xf32, #tpu.memory_space<vmem>>) dst(%dma_wait3A_712 : memref<40x128xf32, #tpu.memory_space<vmem_shared>>)
    } else {
    }
    %add3A_159 = arith.constant 96 : i32
    %add3A_160 = arith.addi %arg1, %add3A_159 : i32
    %lt3A_161 = arith.constant 250 : i32
    %lt3A_162 = arith.cmpi slt, %add3A_160, %lt3A_161 : i32
    %convert_element_type3A_163 = arith.extui %lt3A_162 : i1 to i32
    %cond3A_164 = arith.constant 0 : i32
    %cond3A_165 = arith.cmpi ne, %convert_element_type3A_163, %cond3A_164 : i32
    scf.if %cond3A_165 {
      %dma_wait3A_707 = arith.constant 0 : i32
      %dma_wait3A_708 = arith.constant 0 : i32
      %dma_wait3A_709 = tpu.memref_slice %arg23[%dma_wait3A_707, %dma_wait3A_708] : memref<10000x128xf32, #tpu.memory_space<vmem_shared>> -> memref<40x128xf32, #tpu.memory_space<vmem_shared>>
      %dma_wait3A_710 = arith.constant 0 : i32
      %dma_wait3A_711 = arith.constant 0 : i32
      %dma_wait3A_712 = tpu.memref_slice %arg23[%dma_wait3A_710, %dma_wait3A_711] : memref<10000x128xf32, #tpu.memory_space<vmem_shared>> -> memref<40x128xf32, #tpu.memory_space<vmem_shared>>
      tpu.wait_dma2 semaphore(%arg24 : memref<!tpu.dma_semaphore, #tpu.memory_space<semaphore_mem>>) src(%arg19 : memref<40x128xf32, #tpu.memory_space<vmem>>) dst(%dma_wait3A_712 : memref<40x128xf32, #tpu.memory_space<vmem_shared>>)
    } else {
    }
    %add3A_166 = arith.constant 112 : i32
    %add3A_167 = arith.addi %arg1, %add3A_166 : i32
    %lt3A_168 = arith.constant 250 : i32
    %lt3A_169 = arith.cmpi slt, %add3A_167, %lt3A_168 : i32
    %convert_element_type3A_170 = arith.extui %lt3A_169 : i1 to i32
    %cond3A_171 = arith.constant 0 : i32
    %cond3A_172 = arith.cmpi ne, %convert_element_type3A_170, %cond3A_171 : i32
    scf.if %cond3A_172 {
      %dma_wait3A_707 = arith.constant 0 : i32
      %dma_wait3A_708 = arith.constant 0 : i32
      %dma_wait3A_709 = tpu.memref_slice %arg23[%dma_wait3A_707, %dma_wait3A_708] : memref<10000x128xf32, #tpu.memory_space<vmem_shared>> -> memref<40x128xf32, #tpu.memory_space<vmem_shared>>
      %dma_wait3A_710 = arith.constant 0 : i32
      %dma_wait3A_711 = arith.constant 0 : i32
      %dma_wait3A_712 = tpu.memref_slice %arg23[%dma_wait3A_710, %dma_wait3A_711] : memref<10000x128xf32, #tpu.memory_space<vmem_shared>> -> memref<40x128xf32, #tpu.memory_space<vmem_shared>>
      tpu.wait_dma2 semaphore(%arg24 : memref<!tpu.dma_semaphore, #tpu.memory_space<semaphore_mem>>) src(%arg19 : memref<40x128xf32, #tpu.memory_space<vmem>>) dst(%dma_wait3A_712 : memref<40x128xf32, #tpu.memory_space<vmem_shared>>)
    } else {
    }
    %add3A_173 = arith.constant 128 : i32
    %add3A_174 = arith.addi %arg1, %add3A_173 : i32
    %lt3A_175 = arith.constant 250 : i32
    %lt3A_176 = arith.cmpi slt, %add3A_174, %lt3A_175 : i32
    %convert_element_type3A_177 = arith.extui %lt3A_176 : i1 to i32
    %cond3A_178 = arith.constant 0 : i32
    %cond3A_179 = arith.cmpi ne, %convert_element_type3A_177, %cond3A_178 : i32
    scf.if %cond3A_179 {
      %dma_wait3A_707 = arith.constant 0 : i32
      %dma_wait3A_708 = arith.constant 0 : i32
      %dma_wait3A_709 = tpu.memref_slice %arg23[%dma_wait3A_707, %dma_wait3A_708] : memref<10000x128xf32, #tpu.memory_space<vmem_shared>> -> memref<40x128xf32, #tpu.memory_space<vmem_shared>>
      %dma_wait3A_710 = arith.constant 0 : i32
      %dma_wait3A_711 = arith.constant 0 : i32
      %dma_wait3A_712 = tpu.memref_slice %arg23[%dma_wait3A_710, %dma_wait3A_711] : memref<10000x128xf32, #tpu.memory_space<vmem_shared>> -> memref<40x128xf32, #tpu.memory_space<vmem_shared>>
      tpu.wait_dma2 semaphore(%arg24 : memref<!tpu.dma_semaphore, #tpu.memory_space<semaphore_mem>>) src(%arg19 : memref<40x128xf32, #tpu.memory_space<vmem>>) dst(%dma_wait3A_712 : memref<40x128xf32, #tpu.memory_space<vmem_shared>>)
    } else {
    }
    %add3A_180 = arith.constant 144 : i32
    %add3A_181 = arith.addi %arg1, %add3A_180 : i32
    %lt3A_182 = arith.constant 250 : i32
    %lt3A_183 = arith.cmpi slt, %add3A_181, %lt3A_182 : i32
    %convert_element_type3A_184 = arith.extui %lt3A_183 : i1 to i32
    %cond3A_185 = arith.constant 0 : i32
    %cond3A_186 = arith.cmpi ne, %convert_element_type3A_184, %cond3A_185 : i32
    scf.if %cond3A_186 {
      %dma_wait3A_707 = arith.constant 0 : i32
      %dma_wait3A_708 = arith.constant 0 : i32
      %dma_wait3A_709 = tpu.memref_slice %arg23[%dma_wait3A_707, %dma_wait3A_708] : memref<10000x128xf32, #tpu.memory_space<vmem_shared>> -> memref<40x128xf32, #tpu.memory_space<vmem_shared>>
      %dma_wait3A_710 = arith.constant 0 : i32
      %dma_wait3A_711 = arith.constant 0 : i32
      %dma_wait3A_712 = tpu.memref_slice %arg23[%dma_wait3A_710, %dma_wait3A_711] : memref<10000x128xf32, #tpu.memory_space<vmem_shared>> -> memref<40x128xf32, #tpu.memory_space<vmem_shared>>
      tpu.wait_dma2 semaphore(%arg24 : memref<!tpu.dma_semaphore, #tpu.memory_space<semaphore_mem>>) src(%arg19 : memref<40x128xf32, #tpu.memory_space<vmem>>) dst(%dma_wait3A_712 : memref<40x128xf32, #tpu.memory_space<vmem_shared>>)
    } else {
    }
    %add3A_187 = arith.constant 160 : i32
    %add3A_188 = arith.addi %arg1, %add3A_187 : i32
    %lt3A_189 = arith.constant 250 : i32
    %lt3A_190 = arith.cmpi slt, %add3A_188, %lt3A_189 : i32
    %convert_element_type3A_191 = arith.extui %lt3A_190 : i1 to i32
    %cond3A_192 = arith.constant 0 : i32
    %cond3A_193 = arith.cmpi ne, %convert_element_type3A_191, %cond3A_192 : i32
    scf.if %cond3A_193 {
      %dma_wait3A_707 = arith.constant 0 : i32
      %dma_wait3A_708 = arith.constant 0 : i32
      %dma_wait3A_709 = tpu.memref_slice %arg23[%dma_wait3A_707, %dma_wait3A_708] : memref<10000x128xf32, #tpu.memory_space<vmem_shared>> -> memref<40x128xf32, #tpu.memory_space<vmem_shared>>
      %dma_wait3A_710 = arith.constant 0 : i32
      %dma_wait3A_711 = arith.constant 0 : i32
      %dma_wait3A_712 = tpu.memref_slice %arg23[%dma_wait3A_710, %dma_wait3A_711] : memref<10000x128xf32, #tpu.memory_space<vmem_shared>> -> memref<40x128xf32, #tpu.memory_space<vmem_shared>>
      tpu.wait_dma2 semaphore(%arg24 : memref<!tpu.dma_semaphore, #tpu.memory_space<semaphore_mem>>) src(%arg19 : memref<40x128xf32, #tpu.memory_space<vmem>>) dst(%dma_wait3A_712 : memref<40x128xf32, #tpu.memory_space<vmem_shared>>)
    } else {
    }
    %add3A_194 = arith.constant 176 : i32
    %add3A_195 = arith.addi %arg1, %add3A_194 : i32
    %lt3A_196 = arith.constant 250 : i32
    %lt3A_197 = arith.cmpi slt, %add3A_195, %lt3A_196 : i32
    %convert_element_type3A_198 = arith.extui %lt3A_197 : i1 to i32
    %cond3A_199 = arith.constant 0 : i32
    %cond3A_200 = arith.cmpi ne, %convert_element_type3A_198, %cond3A_199 : i32
    scf.if %cond3A_200 {
      %dma_wait3A_707 = arith.constant 0 : i32
      %dma_wait3A_708 = arith.constant 0 : i32
      %dma_wait3A_709 = tpu.memref_slice %arg23[%dma_wait3A_707, %dma_wait3A_708] : memref<10000x128xf32, #tpu.memory_space<vmem_shared>> -> memref<40x128xf32, #tpu.memory_space<vmem_shared>>
      %dma_wait3A_710 = arith.constant 0 : i32
      %dma_wait3A_711 = arith.constant 0 : i32
      %dma_wait3A_712 = tpu.memref_slice %arg23[%dma_wait3A_710, %dma_wait3A_711] : memref<10000x128xf32, #tpu.memory_space<vmem_shared>> -> memref<40x128xf32, #tpu.memory_space<vmem_shared>>
      tpu.wait_dma2 semaphore(%arg24 : memref<!tpu.dma_semaphore, #tpu.memory_space<semaphore_mem>>) src(%arg19 : memref<40x128xf32, #tpu.memory_space<vmem>>) dst(%dma_wait3A_712 : memref<40x128xf32, #tpu.memory_space<vmem_shared>>)
    } else {
    }
    %add3A_201 = arith.constant 192 : i32
    %add3A_202 = arith.addi %arg1, %add3A_201 : i32
    %lt3A_203 = arith.constant 250 : i32
    %lt3A_204 = arith.cmpi slt, %add3A_202, %lt3A_203 : i32
    %convert_element_type3A_205 = arith.extui %lt3A_204 : i1 to i32
    %cond3A_206 = arith.constant 0 : i32
    %cond3A_207 = arith.cmpi ne, %convert_element_type3A_205, %cond3A_206 : i32
    scf.if %cond3A_207 {
      %dma_wait3A_707 = arith.constant 0 : i32
      %dma_wait3A_708 = arith.constant 0 : i32
      %dma_wait3A_709 = tpu.memref_slice %arg23[%dma_wait3A_707, %dma_wait3A_708] : memref<10000x128xf32, #tpu.memory_space<vmem_shared>> -> memref<40x128xf32, #tpu.memory_space<vmem_shared>>
      %dma_wait3A_710 = arith.constant 0 : i32
      %dma_wait3A_711 = arith.constant 0 : i32
      %dma_wait3A_712 = tpu.memref_slice %arg23[%dma_wait3A_710, %dma_wait3A_711] : memref<10000x128xf32, #tpu.memory_space<vmem_shared>> -> memref<40x128xf32, #tpu.memory_space<vmem_shared>>
      tpu.wait_dma2 semaphore(%arg24 : memref<!tpu.dma_semaphore, #tpu.memory_space<semaphore_mem>>) src(%arg19 : memref<40x128xf32, #tpu.memory_space<vmem>>) dst(%dma_wait3A_712 : memref<40x128xf32, #tpu.memory_space<vmem_shared>>)
    } else {
    }
    %add3A_208 = arith.constant 208 : i32
    %add3A_209 = arith.addi %arg1, %add3A_208 : i32
    %lt3A_210 = arith.constant 250 : i32
    %lt3A_211 = arith.cmpi slt, %add3A_209, %lt3A_210 : i32
    %convert_element_type3A_212 = arith.extui %lt3A_211 : i1 to i32
    %cond3A_213 = arith.constant 0 : i32
    %cond3A_214 = arith.cmpi ne, %convert_element_type3A_212, %cond3A_213 : i32
    scf.if %cond3A_214 {
      %dma_wait3A_707 = arith.constant 0 : i32
      %dma_wait3A_708 = arith.constant 0 : i32
      %dma_wait3A_709 = tpu.memref_slice %arg23[%dma_wait3A_707, %dma_wait3A_708] : memref<10000x128xf32, #tpu.memory_space<vmem_shared>> -> memref<40x128xf32, #tpu.memory_space<vmem_shared>>
      %dma_wait3A_710 = arith.constant 0 : i32
      %dma_wait3A_711 = arith.constant 0 : i32
      %dma_wait3A_712 = tpu.memref_slice %arg23[%dma_wait3A_710, %dma_wait3A_711] : memref<10000x128xf32, #tpu.memory_space<vmem_shared>> -> memref<40x128xf32, #tpu.memory_space<vmem_shared>>
      tpu.wait_dma2 semaphore(%arg24 : memref<!tpu.dma_semaphore, #tpu.memory_space<semaphore_mem>>) src(%arg19 : memref<40x128xf32, #tpu.memory_space<vmem>>) dst(%dma_wait3A_712 : memref<40x128xf32, #tpu.memory_space<vmem_shared>>)
    } else {
    }
    %add3A_215 = arith.constant 224 : i32
    %add3A_216 = arith.addi %arg1, %add3A_215 : i32
    %lt3A_217 = arith.constant 250 : i32
    %lt3A_218 = arith.cmpi slt, %add3A_216, %lt3A_217 : i32
    %convert_element_type3A_219 = arith.extui %lt3A_218 : i1 to i32
    %cond3A_220 = arith.constant 0 : i32
    %cond3A_221 = arith.cmpi ne, %convert_element_type3A_219, %cond3A_220 : i32
    scf.if %cond3A_221 {
      %dma_wait3A_707 = arith.constant 0 : i32
      %dma_wait3A_708 = arith.constant 0 : i32
      %dma_wait3A_709 = tpu.memref_slice %arg23[%dma_wait3A_707, %dma_wait3A_708] : memref<10000x128xf32, #tpu.memory_space<vmem_shared>> -> memref<40x128xf32, #tpu.memory_space<vmem_shared>>
      %dma_wait3A_710 = arith.constant 0 : i32
      %dma_wait3A_711 = arith.constant 0 : i32
      %dma_wait3A_712 = tpu.memref_slice %arg23[%dma_wait3A_710, %dma_wait3A_711] : memref<10000x128xf32, #tpu.memory_space<vmem_shared>> -> memref<40x128xf32, #tpu.memory_space<vmem_shared>>
      tpu.wait_dma2 semaphore(%arg24 : memref<!tpu.dma_semaphore, #tpu.memory_space<semaphore_mem>>) src(%arg19 : memref<40x128xf32, #tpu.memory_space<vmem>>) dst(%dma_wait3A_712 : memref<40x128xf32, #tpu.memory_space<vmem_shared>>)
    } else {
    }
    %add3A_222 = arith.constant 240 : i32
    %add3A_223 = arith.addi %arg1, %add3A_222 : i32
    %lt3A_224 = arith.constant 250 : i32
    %lt3A_225 = arith.cmpi slt, %add3A_223, %lt3A_224 : i32
    %convert_element_type3A_226 = arith.extui %lt3A_225 : i1 to i32
    %cond3A_227 = arith.constant 0 : i32
    %cond3A_228 = arith.cmpi ne, %convert_element_type3A_226, %cond3A_227 : i32
    scf.if %cond3A_228 {
      %dma_wait3A_707 = arith.constant 0 : i32
      %dma_wait3A_708 = arith.constant 0 : i32
      %dma_wait3A_709 = tpu.memref_slice %arg23[%dma_wait3A_707, %dma_wait3A_708] : memref<10000x128xf32, #tpu.memory_space<vmem_shared>> -> memref<40x128xf32, #tpu.memory_space<vmem_shared>>
      %dma_wait3A_710 = arith.constant 0 : i32
      %dma_wait3A_711 = arith.constant 0 : i32
      %dma_wait3A_712 = tpu.memref_slice %arg23[%dma_wait3A_710, %dma_wait3A_711] : memref<10000x128xf32, #tpu.memory_space<vmem_shared>> -> memref<40x128xf32, #tpu.memory_space<vmem_shared>>
      tpu.wait_dma2 semaphore(%arg24 : memref<!tpu.dma_semaphore, #tpu.memory_space<semaphore_mem>>) src(%arg19 : memref<40x128xf32, #tpu.memory_space<vmem>>) dst(%dma_wait3A_712 : memref<40x128xf32, #tpu.memory_space<vmem_shared>>)
    } else {
    }
    %barrier3A = arith.constant 0 : index
    tpu.barrier barrier_id(%barrier3A)
    %add3A_229 = arith.constant 0 : i32
    %add3A_230 = arith.addi %mul3A_2, %add3A_229 : i32
    %dma_start3A = tpu.memref_slice %arg4[%add3A_230] : memref<320000xi32, #tpu.memory_space<hbm>> -> memref<40xi32, #tpu.memory_space<hbm>>
    %dma_start3A_231 = tpu.memref_slice %arg4[%add3A_230] : memref<320000xi32, #tpu.memory_space<hbm>> -> memref<40xi32, #tpu.memory_space<hbm>>
    tpu.enqueue_dma source(%dma_start3A_231 : memref<40xi32, #tpu.memory_space<hbm>>) target(%arg7 : memref<40xi32, #tpu.memory_space<vmem>>) target_semaphore(%arg24 : memref<!tpu.dma_semaphore, #tpu.memory_space<semaphore_mem>>)
    %dma_start3A_232 = tpu.memref_slice %arg5[%add3A_230] : memref<320000xi32, #tpu.memory_space<hbm>> -> memref<40xi32, #tpu.memory_space<hbm>>
    %dma_start3A_233 = tpu.memref_slice %arg5[%add3A_230] : memref<320000xi32, #tpu.memory_space<hbm>> -> memref<40xi32, #tpu.memory_space<hbm>>
    tpu.enqueue_dma source(%dma_start3A_233 : memref<40xi32, #tpu.memory_space<hbm>>) target(%arg9 : memref<40xi32, #tpu.memory_space<vmem>>) target_semaphore(%arg26 : memref<!tpu.dma_semaphore, #tpu.memory_space<semaphore_mem>>)
    %add3A_234 = arith.constant 40 : i32
    %add3A_235 = arith.addi %mul3A_2, %add3A_234 : i32
    %dma_start3A_236 = tpu.memref_slice %arg4[%add3A_235] : memref<320000xi32, #tpu.memory_space<hbm>> -> memref<40xi32, #tpu.memory_space<hbm>>
    %dma_start3A_237 = tpu.memref_slice %arg4[%add3A_235] : memref<320000xi32, #tpu.memory_space<hbm>> -> memref<40xi32, #tpu.memory_space<hbm>>
    tpu.enqueue_dma source(%dma_start3A_237 : memref<40xi32, #tpu.memory_space<hbm>>) target(%arg8 : memref<40xi32, #tpu.memory_space<vmem>>) target_semaphore(%arg25 : memref<!tpu.dma_semaphore, #tpu.memory_space<semaphore_mem>>)
    %dma_start3A_238 = tpu.memref_slice %arg5[%add3A_235] : memref<320000xi32, #tpu.memory_space<hbm>> -> memref<40xi32, #tpu.memory_space<hbm>>
    %dma_start3A_239 = tpu.memref_slice %arg5[%add3A_235] : memref<320000xi32, #tpu.memory_space<hbm>> -> memref<40xi32, #tpu.memory_space<hbm>>
    tpu.enqueue_dma source(%dma_start3A_239 : memref<40xi32, #tpu.memory_space<hbm>>) target(%arg10 : memref<40xi32, #tpu.memory_space<vmem>>) target_semaphore(%arg27 : memref<!tpu.dma_semaphore, #tpu.memory_space<semaphore_mem>>)
    %dma_wait3A = arith.constant 0 : i32
    %dma_wait3A_240 = tpu.memref_slice %arg4[%dma_wait3A] : memref<320000xi32, #tpu.memory_space<hbm>> -> memref<40xi32, #tpu.memory_space<hbm>>
    %dma_wait3A_241 = arith.constant 0 : i32
    %dma_wait3A_242 = tpu.memref_slice %arg4[%dma_wait3A_241] : memref<320000xi32, #tpu.memory_space<hbm>> -> memref<40xi32, #tpu.memory_space<hbm>>
    tpu.wait_dma2 semaphore(%arg24 : memref<!tpu.dma_semaphore, #tpu.memory_space<semaphore_mem>>) src(%dma_wait3A_242 : memref<40xi32, #tpu.memory_space<hbm>>) dst(%arg7 : memref<40xi32, #tpu.memory_space<vmem>>)
    %dma_wait3A_243 = arith.constant 0 : i32
    %dma_wait3A_244 = tpu.memref_slice %arg5[%dma_wait3A_243] : memref<320000xi32, #tpu.memory_space<hbm>> -> memref<40xi32, #tpu.memory_space<hbm>>
    %dma_wait3A_245 = arith.constant 0 : i32
    %dma_wait3A_246 = tpu.memref_slice %arg5[%dma_wait3A_245] : memref<320000xi32, #tpu.memory_space<hbm>> -> memref<40xi32, #tpu.memory_space<hbm>>
    tpu.wait_dma2 semaphore(%arg26 : memref<!tpu.dma_semaphore, #tpu.memory_space<semaphore_mem>>) src(%dma_wait3A_246 : memref<40xi32, #tpu.memory_space<hbm>>) dst(%arg9 : memref<40xi32, #tpu.memory_space<vmem>>)
    %dma_start3A_247 = arith.constant 0 : i32
    %dma_start3A_248 = arith.constant 0 : i32
    %dma_start3A_249 = tpu.memref_slice %arg2[%dma_start3A_247, %dma_start3A_248] : memref<10000x128xf32, #tpu.memory_space<hbm>> -> memref<10000x128xf32, #tpu.memory_space<hbm>>
    tpu.enqueue_indirect_dma source(%dma_start3A_249 : memref<10000x128xf32, #tpu.memory_space<hbm>>) target(%arg19 : memref<40x128xf32, #tpu.memory_space<vmem>>) offsets(%arg7 : memref<40xi32, #tpu.memory_space<vmem>>) semaphore(%arg32 : memref<!tpu.dma_semaphore, #tpu.memory_space<semaphore_mem>>)
    %add3A_250 = arith.constant 0 : i32
    %add3A_251 = arith.addi %mul3A_2, %add3A_250 : i32
    %dma_start3A_252 = arith.constant 0 : i32
    %dma_start3A_253 = tpu.memref_slice %arg3[%add3A_251, %dma_start3A_252] : memref<320000x128xf32, #tpu.memory_space<hbm>> -> memref<40x128xf32, #tpu.memory_space<hbm>>
    %dma_start3A_254 = arith.constant 0 : i32
    %dma_start3A_255 = tpu.memref_slice %arg3[%add3A_251, %dma_start3A_254] : memref<320000x128xf32, #tpu.memory_space<hbm>> -> memref<40x128xf32, #tpu.memory_space<hbm>>
    tpu.enqueue_dma source(%dma_start3A_255 : memref<40x128xf32, #tpu.memory_space<hbm>>) target(%arg15 : memref<40x128xf32, #tpu.memory_space<vmem>>) target_semaphore(%arg28 : memref<!tpu.dma_semaphore, #tpu.memory_space<semaphore_mem>>)
    %scan3A_256 = arith.constant 0 : i32
    %scan3A_257 = arith.constant 0 : i32
    %scan3A_258 = arith.constant 62 : i32
    %scan3A_259 = arith.addi %scan3A_257, %scan3A_258 : i32
    %scan3A_260 = arith.constant 1 : i32
    scf.for %scan3A_707 = %scan3A_257 to %scan3A_259 step %scan3A_260  : i32 {
      %mul3A_708 = arith.constant 4 : i32
      %mul3A_709 = arith.muli %scan3A_707, %mul3A_708 : i32
      %add3A_710 = arith.constant 0 : i32
      %add3A_711 = arith.addi %mul3A_709, %add3A_710 : i32
      %dma_wait3A_712 = arith.constant 0 : i32
      %dma_wait3A_713 = arith.constant 0 : i32
      %dma_wait3A_714 = tpu.memref_slice %arg2[%dma_wait3A_712, %dma_wait3A_713] : memref<10000x128xf32, #tpu.memory_space<hbm>> -> memref<10000x128xf32, #tpu.memory_space<hbm>>
      tpu.wait_indirect_dma semaphore(%arg32 : memref<!tpu.dma_semaphore, #tpu.memory_space<semaphore_mem>>) src(%dma_wait3A_714 : memref<10000x128xf32, #tpu.memory_space<hbm>>) dst(%arg19 : memref<40x128xf32, #tpu.memory_space<vmem>>)
      %dma_wait3A_715 = arith.constant 0 : i32
      %dma_wait3A_716 = arith.constant 0 : i32
      %dma_wait3A_717 = tpu.memref_slice %arg3[%dma_wait3A_715, %dma_wait3A_716] : memref<320000x128xf32, #tpu.memory_space<hbm>> -> memref<40x128xf32, #tpu.memory_space<hbm>>
      %dma_wait3A_718 = arith.constant 0 : i32
      %dma_wait3A_719 = arith.constant 0 : i32
      %dma_wait3A_720 = tpu.memref_slice %arg3[%dma_wait3A_718, %dma_wait3A_719] : memref<320000x128xf32, #tpu.memory_space<hbm>> -> memref<40x128xf32, #tpu.memory_space<hbm>>
      tpu.wait_dma2 semaphore(%arg28 : memref<!tpu.dma_semaphore, #tpu.memory_space<semaphore_mem>>) src(%dma_wait3A_720 : memref<40x128xf32, #tpu.memory_space<hbm>>) dst(%arg15 : memref<40x128xf32, #tpu.memory_space<vmem>>)
      %get3A_721 = arith.constant 0 : index
      %get3A_722 = tpu.vector_load %arg9[%get3A_721] {strides = array<i32>} : memref<40xi32, #tpu.memory_space<vmem>>, vector<16xi32>,
      %get3A_723 = vector.shape_cast %get3A_722 : vector<16xi32> to vector<16xi32>
      %swap3A_724 = arith.constant 0 : index
      %swap3A_725 = tpu.vector_load %arg11[%swap3A_724] {strides = array<i32>} : memref<40xi32, #tpu.memory_space<vmem>>, vector<16xi32>,
      %swap3A_726 = vector.shape_cast %swap3A_725 : vector<16xi32> to vector<16xi32>
      %swap3A_727 = vector.shape_cast %get3A_723 : vector<16xi32> to vector<16xi32>
      tpu.vector_store %arg11[%swap3A_724], %swap3A_727 {strides = array<i32>} : memref<40xi32, #tpu.memory_space<vmem>>, vector<16xi32>,
      %get3A_728 = arith.constant 16 : index
      %get3A_729 = tpu.vector_load %arg9[%get3A_728] {strides = array<i32>} : memref<40xi32, #tpu.memory_space<vmem>>, vector<16xi32>,
      %get3A_730 = vector.shape_cast %get3A_729 : vector<16xi32> to vector<16xi32>
      %swap3A_731 = arith.constant 16 : index
      %swap3A_732 = tpu.vector_load %arg11[%swap3A_731] {strides = array<i32>} : memref<40xi32, #tpu.memory_space<vmem>>, vector<16xi32>,
      %swap3A_733 = vector.shape_cast %swap3A_732 : vector<16xi32> to vector<16xi32>
      %swap3A_734 = vector.shape_cast %get3A_730 : vector<16xi32> to vector<16xi32>
      tpu.vector_store %arg11[%swap3A_731], %swap3A_734 {strides = array<i32>} : memref<40xi32, #tpu.memory_space<vmem>>, vector<16xi32>,
      %get3A_735 = arith.constant 24 : index
      %get3A_736 = tpu.vector_load %arg9[%get3A_735] {strides = array<i32>} : memref<40xi32, #tpu.memory_space<vmem>>, vector<16xi32>,
      %get3A_737 = vector.shape_cast %get3A_736 : vector<16xi32> to vector<16xi32>
      %swap3A_738 = arith.constant 24 : index
      %swap3A_739 = tpu.vector_load %arg11[%swap3A_738] {strides = array<i32>} : memref<40xi32, #tpu.memory_space<vmem>>, vector<16xi32>,
      %swap3A_740 = vector.shape_cast %swap3A_739 : vector<16xi32> to vector<16xi32>
      %swap3A_741 = vector.shape_cast %get3A_737 : vector<16xi32> to vector<16xi32>
      tpu.vector_store %arg11[%swap3A_738], %swap3A_741 {strides = array<i32>} : memref<40xi32, #tpu.memory_space<vmem>>, vector<16xi32>,
      %add3A_742 = arith.constant 2 : i32
      %add3A_743 = arith.addi %add3A_711, %add3A_742 : i32
      %mul3A_744 = arith.constant 40 : i32
      %mul3A_745 = arith.muli %add3A_743, %mul3A_744 : i32
      %add3A_746 = arith.addi %mul3A_2, %mul3A_745 : i32
      %dma_start3A_747 = tpu.memref_slice %arg4[%add3A_746] : memref<320000xi32, #tpu.memory_space<hbm>> -> memref<40xi32, #tpu.memory_space<hbm>>
      %dma_start3A_748 = tpu.memref_slice %arg4[%add3A_746] : memref<320000xi32, #tpu.memory_space<hbm>> -> memref<40xi32, #tpu.memory_space<hbm>>
      tpu.enqueue_dma source(%dma_start3A_748 : memref<40xi32, #tpu.memory_space<hbm>>) target(%arg7 : memref<40xi32, #tpu.memory_space<vmem>>) target_semaphore(%arg24 : memref<!tpu.dma_semaphore, #tpu.memory_space<semaphore_mem>>)
      %dma_start3A_749 = tpu.memref_slice %arg5[%add3A_746] : memref<320000xi32, #tpu.memory_space<hbm>> -> memref<40xi32, #tpu.memory_space<hbm>>
      %dma_start3A_750 = tpu.memref_slice %arg5[%add3A_746] : memref<320000xi32, #tpu.memory_space<hbm>> -> memref<40xi32, #tpu.memory_space<hbm>>
      tpu.enqueue_dma source(%dma_start3A_750 : memref<40xi32, #tpu.memory_space<hbm>>) target(%arg9 : memref<40xi32, #tpu.memory_space<vmem>>) target_semaphore(%arg26 : memref<!tpu.dma_semaphore, #tpu.memory_space<semaphore_mem>>)
      %dma_wait3A_751 = arith.constant 0 : i32
      %dma_wait3A_752 = tpu.memref_slice %arg4[%dma_wait3A_751] : memref<320000xi32, #tpu.memory_space<hbm>> -> memref<40xi32, #tpu.memory_space<hbm>>
      %dma_wait3A_753 = arith.constant 0 : i32
      %dma_wait3A_754 = tpu.memref_slice %arg4[%dma_wait3A_753] : memref<320000xi32, #tpu.memory_space<hbm>> -> memref<40xi32, #tpu.memory_space<hbm>>
      tpu.wait_dma2 semaphore(%arg25 : memref<!tpu.dma_semaphore, #tpu.memory_space<semaphore_mem>>) src(%dma_wait3A_754 : memref<40xi32, #tpu.memory_space<hbm>>) dst(%arg8 : memref<40xi32, #tpu.memory_space<vmem>>)
      %dma_wait3A_755 = arith.constant 0 : i32
      %dma_wait3A_756 = tpu.memref_slice %arg5[%dma_wait3A_755] : memref<320000xi32, #tpu.memory_space<hbm>> -> memref<40xi32, #tpu.memory_space<hbm>>
      %dma_wait3A_757 = arith.constant 0 : i32
      %dma_wait3A_758 = tpu.memref_slice %arg5[%dma_wait3A_757] : memref<320000xi32, #tpu.memory_space<hbm>> -> memref<40xi32, #tpu.memory_space<hbm>>
      tpu.wait_dma2 semaphore(%arg27 : memref<!tpu.dma_semaphore, #tpu.memory_space<semaphore_mem>>) src(%dma_wait3A_758 : memref<40xi32, #tpu.memory_space<hbm>>) dst(%arg10 : memref<40xi32, #tpu.memory_space<vmem>>)
      %add3A_759 = arith.constant 1 : i32
      %add3A_760 = arith.addi %add3A_711, %add3A_759 : i32
      %mul3A_761 = arith.constant 40 : i32
      %mul3A_762 = arith.muli %add3A_760, %mul3A_761 : i32
      %add3A_763 = arith.addi %mul3A_2, %mul3A_762 : i32
      %dma_start3A_764 = arith.constant 0 : i32
      %dma_start3A_765 = tpu.memref_slice %arg3[%add3A_763, %dma_start3A_764] : memref<320000x128xf32, #tpu.memory_space<hbm>> -> memref<40x128xf32, #tpu.memory_space<hbm>>
      %dma_start3A_766 = arith.constant 0 : i32
      %dma_start3A_767 = tpu.memref_slice %arg3[%add3A_763, %dma_start3A_766] : memref<320000x128xf32, #tpu.memory_space<hbm>> -> memref<40x128xf32, #tpu.memory_space<hbm>>
      tpu.enqueue_dma source(%dma_start3A_767 : memref<40x128xf32, #tpu.memory_space<hbm>>) target(%arg16 : memref<40x128xf32, #tpu.memory_space<vmem>>) target_semaphore(%arg29 : memref<!tpu.dma_semaphore, #tpu.memory_space<semaphore_mem>>)
      %ge3A = arith.constant 3 : i32
      %ge3A_768 = arith.cmpi sge, %add3A_711, %ge3A : i32
      %convert_element_type3A_769 = arith.extui %ge3A_768 : i1 to i32
      %cond3A_770 = arith.constant 0 : i32
      %cond3A_771 = arith.cmpi ne, %convert_element_type3A_769, %cond3A_770 : i32
      scf.if %cond3A_771 {
        %dma_wait3A_1015 = arith.constant 0 : i32
        %dma_wait3A_1016 = arith.constant 0 : i32
        %dma_wait3A_1017 = tpu.memref_slice %arg23[%dma_wait3A_1015, %dma_wait3A_1016] : memref<10000x128xf32, #tpu.memory_space<vmem_shared>> -> memref<10000x128xf32, #tpu.memory_space<vmem_shared>>
        tpu.wait_indirect_dma semaphore(%arg37 : memref<!tpu.dma_semaphore, #tpu.memory_space<semaphore_mem>>) src(%arg20 : memref<40x128xf32, #tpu.memory_space<vmem>>) dst(%dma_wait3A_1017 : memref<10000x128xf32, #tpu.memory_space<vmem_shared>>)
      } else {
      }
      %dma_start3A_772 = arith.constant 0 : i32
      %dma_start3A_773 = arith.constant 0 : i32
      %dma_start3A_774 = tpu.memref_slice %arg2[%dma_start3A_772, %dma_start3A_773] : memref<10000x128xf32, #tpu.memory_space<hbm>> -> memref<10000x128xf32, #tpu.memory_space<hbm>>
      tpu.enqueue_indirect_dma source(%dma_start3A_774 : memref<10000x128xf32, #tpu.memory_space<hbm>>) target(%arg20 : memref<40x128xf32, #tpu.memory_space<vmem>>) offsets(%arg8 : memref<40xi32, #tpu.memory_space<vmem>>) semaphore(%arg33 : memref<!tpu.dma_semaphore, #tpu.memory_space<semaphore_mem>>)
      %scan3A_775 = arith.constant 0 : i32
      %scan3A_776 = arith.constant 0 : i32
      %scan3A_777 = arith.constant 40 : i32
      %scan3A_778 = arith.addi %scan3A_776, %scan3A_777 : i32
      %scan3A_779 = arith.constant 1 : i32
      scf.for %scan3A_1015 = %scan3A_776 to %scan3A_778 step %scan3A_779  : i32 {
        %get3A_1016 = arith.index_cast %scan3A_1015 : i32 to index
        %get3A_1017 = arith.constant 0 : index
        %get3A_1018 = tpu.vector_load %arg19[%get3A_1016, %get3A_1017] {strides = array<i32>} : memref<40x128xf32, #tpu.memory_space<vmem>>, vector<1x16xf32>,
        %get3A_1019 = vector.shape_cast %get3A_1018 : vector<1x16xf32> to vector<16xf32>
        %get3A_1020 = arith.index_cast %scan3A_1015 : i32 to index
        %get3A_1021 = arith.constant 0 : index
        %get3A_1022 = tpu.vector_load %arg15[%get3A_1020, %get3A_1021] {strides = array<i32>} : memref<40x128xf32, #tpu.memory_space<vmem>>, vector<1x16xf32>,
        %get3A_1023 = vector.shape_cast %get3A_1022 : vector<1x16xf32> to vector<16xf32>
        %add3A_1024 = arith.addf %get3A_1019, %get3A_1023 : vector<16xf32>
        %neg3A = arith.constant 0.000000e+00 : f32
        %neg3A_1025 = vector.broadcast %neg3A : f32 to vector<16xf32>
        %neg3A_1026 = arith.subf %neg3A_1025, %add3A_1024 : vector<16xf32>
        %exp3A = math.exp %neg3A_1026 : vector<16xf32>
        %add3A_1027 = arith.constant 1.000000e+00 : f32
        %add3A_1028 = vector.broadcast %add3A_1027 : f32 to vector<16xf32>
        %add3A_1029 = arith.addf %add3A_1028, %exp3A : vector<16xf32>
        %div3A = arith.divf %add3A_1024, %add3A_1029 : vector<16xf32>
        %swap3A_1030 = arith.index_cast %scan3A_1015 : i32 to index
        %swap3A_1031 = arith.constant 0 : index
        %swap3A_1032 = tpu.vector_load %arg19[%swap3A_1030, %swap3A_1031] {strides = array<i32>} : memref<40x128xf32, #tpu.memory_space<vmem>>, vector<1x16xf32>,
        %swap3A_1033 = vector.shape_cast %swap3A_1032 : vector<1x16xf32> to vector<16xf32>
        %swap3A_1034 = vector.shape_cast %div3A : vector<16xf32> to vector<1x16xf32>
        tpu.vector_store %arg19[%swap3A_1030, %swap3A_1031], %swap3A_1034 {strides = array<i32>} : memref<40x128xf32, #tpu.memory_space<vmem>>, vector<1x16xf32>,
        %get3A_1035 = arith.index_cast %scan3A_1015 : i32 to index
        %get3A_1036 = arith.constant 16 : index
        %get3A_1037 = tpu.vector_load %arg19[%get3A_1035, %get3A_1036] {strides = array<i32>} : memref<40x128xf32, #tpu.memory_space<vmem>>, vector<1x16xf32>,
        %get3A_1038 = vector.shape_cast %get3A_1037 : vector<1x16xf32> to vector<16xf32>
        %get3A_1039 = arith.index_cast %scan3A_1015 : i32 to index
        %get3A_1040 = arith.constant 16 : index
        %get3A_1041 = tpu.vector_load %arg15[%get3A_1039, %get3A_1040] {strides = array<i32>} : memref<40x128xf32, #tpu.memory_space<vmem>>, vector<1x16xf32>,
        %get3A_1042 = vector.shape_cast %get3A_1041 : vector<1x16xf32> to vector<16xf32>
        %add3A_1043 = arith.addf %get3A_1038, %get3A_1042 : vector<16xf32>
        %neg3A_1044 = arith.constant 0.000000e+00 : f32
        %neg3A_1045 = vector.broadcast %neg3A_1044 : f32 to vector<16xf32>
        %neg3A_1046 = arith.subf %neg3A_1045, %add3A_1043 : vector<16xf32>
        %exp3A_1047 = math.exp %neg3A_1046 : vector<16xf32>
        %add3A_1048 = arith.constant 1.000000e+00 : f32
        %add3A_1049 = vector.broadcast %add3A_1048 : f32 to vector<16xf32>
        %add3A_1050 = arith.addf %add3A_1049, %exp3A_1047 : vector<16xf32>
        %div3A_1051 = arith.divf %add3A_1043, %add3A_1050 : vector<16xf32>
        %swap3A_1052 = arith.index_cast %scan3A_1015 : i32 to index
        %swap3A_1053 = arith.constant 16 : index
        %swap3A_1054 = tpu.vector_load %arg19[%swap3A_1052, %swap3A_1053] {strides = array<i32>} : memref<40x128xf32, #tpu.memory_space<vmem>>, vector<1x16xf32>,
        %swap3A_1055 = vector.shape_cast %swap3A_1054 : vector<1x16xf32> to vector<16xf32>
        %swap3A_1056 = vector.shape_cast %div3A_1051 : vector<16xf32> to vector<1x16xf32>
        tpu.vector_store %arg19[%swap3A_1052, %swap3A_1053], %swap3A_1056 {strides = array<i32>} : memref<40x128xf32, #tpu.memory_space<vmem>>, vector<1x16xf32>,
        %get3A_1057 = arith.index_cast %scan3A_1015 : i32 to index
        %get3A_1058 = arith.constant 32 : index
        %get3A_1059 = tpu.vector_load %arg19[%get3A_1057, %get3A_1058] {strides = array<i32>} : memref<40x128xf32, #tpu.memory_space<vmem>>, vector<1x16xf32>,
        %get3A_1060 = vector.shape_cast %get3A_1059 : vector<1x16xf32> to vector<16xf32>
        %get3A_1061 = arith.index_cast %scan3A_1015 : i32 to index
        %get3A_1062 = arith.constant 32 : index
        %get3A_1063 = tpu.vector_load %arg15[%get3A_1061, %get3A_1062] {strides = array<i32>} : memref<40x128xf32, #tpu.memory_space<vmem>>, vector<1x16xf32>,
        %get3A_1064 = vector.shape_cast %get3A_1063 : vector<1x16xf32> to vector<16xf32>
        %add3A_1065 = arith.addf %get3A_1060, %get3A_1064 : vector<16xf32>
        %neg3A_1066 = arith.constant 0.000000e+00 : f32
        %neg3A_1067 = vector.broadcast %neg3A_1066 : f32 to vector<16xf32>
        %neg3A_1068 = arith.subf %neg3A_1067, %add3A_1065 : vector<16xf32>
        %exp3A_1069 = math.exp %neg3A_1068 : vector<16xf32>
        %add3A_1070 = arith.constant 1.000000e+00 : f32
        %add3A_1071 = vector.broadcast %add3A_1070 : f32 to vector<16xf32>
        %add3A_1072 = arith.addf %add3A_1071, %exp3A_1069 : vector<16xf32>
        %div3A_1073 = arith.divf %add3A_1065, %add3A_1072 : vector<16xf32>
        %swap3A_1074 = arith.index_cast %scan3A_1015 : i32 to index
        %swap3A_1075 = arith.constant 32 : index
        %swap3A_1076 = tpu.vector_load %arg19[%swap3A_1074, %swap3A_1075] {strides = array<i32>} : memref<40x128xf32, #tpu.memory_space<vmem>>, vector<1x16xf32>,
        %swap3A_1077 = vector.shape_cast %swap3A_1076 : vector<1x16xf32> to vector<16xf32>
        %swap3A_1078 = vector.shape_cast %div3A_1073 : vector<16xf32> to vector<1x16xf32>
        tpu.vector_store %arg19[%swap3A_1074, %swap3A_1075], %swap3A_1078 {strides = array<i32>} : memref<40x128xf32, #tpu.memory_space<vmem>>, vector<1x16xf32>,
        %get3A_1079 = arith.index_cast %scan3A_1015 : i32 to index
        %get3A_1080 = arith.constant 48 : index
        %get3A_1081 = tpu.vector_load %arg19[%get3A_1079, %get3A_1080] {strides = array<i32>} : memref<40x128xf32, #tpu.memory_space<vmem>>, vector<1x16xf32>,
        %get3A_1082 = vector.shape_cast %get3A_1081 : vector<1x16xf32> to vector<16xf32>
        %get3A_1083 = arith.index_cast %scan3A_1015 : i32 to index
        %get3A_1084 = arith.constant 48 : index
        %get3A_1085 = tpu.vector_load %arg15[%get3A_1083, %get3A_1084] {strides = array<i32>} : memref<40x128xf32, #tpu.memory_space<vmem>>, vector<1x16xf32>,
        %get3A_1086 = vector.shape_cast %get3A_1085 : vector<1x16xf32> to vector<16xf32>
        %add3A_1087 = arith.addf %get3A_1082, %get3A_1086 : vector<16xf32>
        %neg3A_1088 = arith.constant 0.000000e+00 : f32
        %neg3A_1089 = vector.broadcast %neg3A_1088 : f32 to vector<16xf32>
        %neg3A_1090 = arith.subf %neg3A_1089, %add3A_1087 : vector<16xf32>
        %exp3A_1091 = math.exp %neg3A_1090 : vector<16xf32>
        %add3A_1092 = arith.constant 1.000000e+00 : f32
        %add3A_1093 = vector.broadcast %add3A_1092 : f32 to vector<16xf32>
        %add3A_1094 = arith.addf %add3A_1093, %exp3A_1091 : vector<16xf32>
        %div3A_1095 = arith.divf %add3A_1087, %add3A_1094 : vector<16xf32>
        %swap3A_1096 = arith.index_cast %scan3A_1015 : i32 to index
        %swap3A_1097 = arith.constant 48 : index
        %swap3A_1098 = tpu.vector_load %arg19[%swap3A_1096, %swap3A_1097] {strides = array<i32>} : memref<40x128xf32, #tpu.memory_space<vmem>>, vector<1x16xf32>,
        %swap3A_1099 = vector.shape_cast %swap3A_1098 : vector<1x16xf32> to vector<16xf32>
        %swap3A_1100 = vector.shape_cast %div3A_1095 : vector<16xf32> to vector<1x16xf32>
        tpu.vector_store %arg19[%swap3A_1096, %swap3A_1097], %swap3A_1100 {strides = array<i32>} : memref<40x128xf32, #tpu.memory_space<vmem>>, vector<1x16xf32>,
        %get3A_1101 = arith.index_cast %scan3A_1015 : i32 to index
        %get3A_1102 = arith.constant 64 : index
        %get3A_1103 = tpu.vector_load %arg19[%get3A_1101, %get3A_1102] {strides = array<i32>} : memref<40x128xf32, #tpu.memory_space<vmem>>, vector<1x16xf32>,
        %get3A_1104 = vector.shape_cast %get3A_1103 : vector<1x16xf32> to vector<16xf32>
        %get3A_1105 = arith.index_cast %scan3A_1015 : i32 to index
        %get3A_1106 = arith.constant 64 : index
        %get3A_1107 = tpu.vector_load %arg15[%get3A_1105, %get3A_1106] {strides = array<i32>} : memref<40x128xf32, #tpu.memory_space<vmem>>, vector<1x16xf32>,
        %get3A_1108 = vector.shape_cast %get3A_1107 : vector<1x16xf32> to vector<16xf32>
        %add3A_1109 = arith.addf %get3A_1104, %get3A_1108 : vector<16xf32>
        %neg3A_1110 = arith.constant 0.000000e+00 : f32
        %neg3A_1111 = vector.broadcast %neg3A_1110 : f32 to vector<16xf32>
        %neg3A_1112 = arith.subf %neg3A_1111, %add3A_1109 : vector<16xf32>
        %exp3A_1113 = math.exp %neg3A_1112 : vector<16xf32>
        %add3A_1114 = arith.constant 1.000000e+00 : f32
        %add3A_1115 = vector.broadcast %add3A_1114 : f32 to vector<16xf32>
        %add3A_1116 = arith.addf %add3A_1115, %exp3A_1113 : vector<16xf32>
        %div3A_1117 = arith.divf %add3A_1109, %add3A_1116 : vector<16xf32>
        %swap3A_1118 = arith.index_cast %scan3A_1015 : i32 to index
        %swap3A_1119 = arith.constant 64 : index
        %swap3A_1120 = tpu.vector_load %arg19[%swap3A_1118, %swap3A_1119] {strides = array<i32>} : memref<40x128xf32, #tpu.memory_space<vmem>>, vector<1x16xf32>,
        %swap3A_1121 = vector.shape_cast %swap3A_1120 : vector<1x16xf32> to vector<16xf32>
        %swap3A_1122 = vector.shape_cast %div3A_1117 : vector<16xf32> to vector<1x16xf32>
        tpu.vector_store %arg19[%swap3A_1118, %swap3A_1119], %swap3A_1122 {strides = array<i32>} : memref<40x128xf32, #tpu.memory_space<vmem>>, vector<1x16xf32>,
        %get3A_1123 = arith.index_cast %scan3A_1015 : i32 to index
        %get3A_1124 = arith.constant 80 : index
        %get3A_1125 = tpu.vector_load %arg19[%get3A_1123, %get3A_1124] {strides = array<i32>} : memref<40x128xf32, #tpu.memory_space<vmem>>, vector<1x16xf32>,
        %get3A_1126 = vector.shape_cast %get3A_1125 : vector<1x16xf32> to vector<16xf32>
        %get3A_1127 = arith.index_cast %scan3A_1015 : i32 to index
        %get3A_1128 = arith.constant 80 : index
        %get3A_1129 = tpu.vector_load %arg15[%get3A_1127, %get3A_1128] {strides = array<i32>} : memref<40x128xf32, #tpu.memory_space<vmem>>, vector<1x16xf32>,
        %get3A_1130 = vector.shape_cast %get3A_1129 : vector<1x16xf32> to vector<16xf32>
        %add3A_1131 = arith.addf %get3A_1126, %get3A_1130 : vector<16xf32>
        %neg3A_1132 = arith.constant 0.000000e+00 : f32
        %neg3A_1133 = vector.broadcast %neg3A_1132 : f32 to vector<16xf32>
        %neg3A_1134 = arith.subf %neg3A_1133, %add3A_1131 : vector<16xf32>
        %exp3A_1135 = math.exp %neg3A_1134 : vector<16xf32>
        %add3A_1136 = arith.constant 1.000000e+00 : f32
        %add3A_1137 = vector.broadcast %add3A_1136 : f32 to vector<16xf32>
        %add3A_1138 = arith.addf %add3A_1137, %exp3A_1135 : vector<16xf32>
        %div3A_1139 = arith.divf %add3A_1131, %add3A_1138 : vector<16xf32>
        %swap3A_1140 = arith.index_cast %scan3A_1015 : i32 to index
        %swap3A_1141 = arith.constant 80 : index
        %swap3A_1142 = tpu.vector_load %arg19[%swap3A_1140, %swap3A_1141] {strides = array<i32>} : memref<40x128xf32, #tpu.memory_space<vmem>>, vector<1x16xf32>,
        %swap3A_1143 = vector.shape_cast %swap3A_1142 : vector<1x16xf32> to vector<16xf32>
        %swap3A_1144 = vector.shape_cast %div3A_1139 : vector<16xf32> to vector<1x16xf32>
        tpu.vector_store %arg19[%swap3A_1140, %swap3A_1141], %swap3A_1144 {strides = array<i32>} : memref<40x128xf32, #tpu.memory_space<vmem>>, vector<1x16xf32>,
        %get3A_1145 = arith.index_cast %scan3A_1015 : i32 to index
        %get3A_1146 = arith.constant 96 : index
        %get3A_1147 = tpu.vector_load %arg19[%get3A_1145, %get3A_1146] {strides = array<i32>} : memref<40x128xf32, #tpu.memory_space<vmem>>, vector<1x16xf32>,
        %get3A_1148 = vector.shape_cast %get3A_1147 : vector<1x16xf32> to vector<16xf32>
        %get3A_1149 = arith.index_cast %scan3A_1015 : i32 to index
        %get3A_1150 = arith.constant 96 : index
        %get3A_1151 = tpu.vector_load %arg15[%get3A_1149, %get3A_1150] {strides = array<i32>} : memref<40x128xf32, #tpu.memory_space<vmem>>, vector<1x16xf32>,
        %get3A_1152 = vector.shape_cast %get3A_1151 : vector<1x16xf32> to vector<16xf32>
        %add3A_1153 = arith.addf %get3A_1148, %get3A_1152 : vector<16xf32>
        %neg3A_1154 = arith.constant 0.000000e+00 : f32
        %neg3A_1155 = vector.broadcast %neg3A_1154 : f32 to vector<16xf32>
        %neg3A_1156 = arith.subf %neg3A_1155, %add3A_1153 : vector<16xf32>
        %exp3A_1157 = math.exp %neg3A_1156 : vector<16xf32>
        %add3A_1158 = arith.constant 1.000000e+00 : f32
        %add3A_1159 = vector.broadcast %add3A_1158 : f32 to vector<16xf32>
        %add3A_1160 = arith.addf %add3A_1159, %exp3A_1157 : vector<16xf32>
        %div3A_1161 = arith.divf %add3A_1153, %add3A_1160 : vector<16xf32>
        %swap3A_1162 = arith.index_cast %scan3A_1015 : i32 to index
        %swap3A_1163 = arith.constant 96 : index
        %swap3A_1164 = tpu.vector_load %arg19[%swap3A_1162, %swap3A_1163] {strides = array<i32>} : memref<40x128xf32, #tpu.memory_space<vmem>>, vector<1x16xf32>,
        %swap3A_1165 = vector.shape_cast %swap3A_1164 : vector<1x16xf32> to vector<16xf32>
        %swap3A_1166 = vector.shape_cast %div3A_1161 : vector<16xf32> to vector<1x16xf32>
        tpu.vector_store %arg19[%swap3A_1162, %swap3A_1163], %swap3A_1166 {strides = array<i32>} : memref<40x128xf32, #tpu.memory_space<vmem>>, vector<1x16xf32>,
        %get3A_1167 = arith.index_cast %scan3A_1015 : i32 to index
        %get3A_1168 = arith.constant 112 : index
        %get3A_1169 = tpu.vector_load %arg19[%get3A_1167, %get3A_1168] {strides = array<i32>} : memref<40x128xf32, #tpu.memory_space<vmem>>, vector<1x16xf32>,
        %get3A_1170 = vector.shape_cast %get3A_1169 : vector<1x16xf32> to vector<16xf32>
        %get3A_1171 = arith.index_cast %scan3A_1015 : i32 to index
        %get3A_1172 = arith.constant 112 : index
        %get3A_1173 = tpu.vector_load %arg15[%get3A_1171, %get3A_1172] {strides = array<i32>} : memref<40x128xf32, #tpu.memory_space<vmem>>, vector<1x16xf32>,
        %get3A_1174 = vector.shape_cast %get3A_1173 : vector<1x16xf32> to vector<16xf32>
        %add3A_1175 = arith.addf %get3A_1170, %get3A_1174 : vector<16xf32>
        %neg3A_1176 = arith.constant 0.000000e+00 : f32
        %neg3A_1177 = vector.broadcast %neg3A_1176 : f32 to vector<16xf32>
        %neg3A_1178 = arith.subf %neg3A_1177, %add3A_1175 : vector<16xf32>
        %exp3A_1179 = math.exp %neg3A_1178 : vector<16xf32>
        %add3A_1180 = arith.constant 1.000000e+00 : f32
        %add3A_1181 = vector.broadcast %add3A_1180 : f32 to vector<16xf32>
        %add3A_1182 = arith.addf %add3A_1181, %exp3A_1179 : vector<16xf32>
        %div3A_1183 = arith.divf %add3A_1175, %add3A_1182 : vector<16xf32>
        %swap3A_1184 = arith.index_cast %scan3A_1015 : i32 to index
        %swap3A_1185 = arith.constant 112 : index
        %swap3A_1186 = tpu.vector_load %arg19[%swap3A_1184, %swap3A_1185] {strides = array<i32>} : memref<40x128xf32, #tpu.memory_space<vmem>>, vector<1x16xf32>,
        %swap3A_1187 = vector.shape_cast %swap3A_1186 : vector<1x16xf32> to vector<16xf32>
        %swap3A_1188 = vector.shape_cast %div3A_1183 : vector<16xf32> to vector<1x16xf32>
        tpu.vector_store %arg19[%swap3A_1184, %swap3A_1185], %swap3A_1188 {strides = array<i32>} : memref<40x128xf32, #tpu.memory_space<vmem>>, vector<1x16xf32>,
      }
      %scan3A_780 = arith.constant 40 : i32
      %dma_start3A_781 = arith.constant 0 : i32
      %dma_start3A_782 = arith.constant 0 : i32
      %dma_start3A_783 = tpu.memref_slice %arg23[%dma_start3A_781, %dma_start3A_782] : memref<10000x128xf32, #tpu.memory_space<vmem_shared>> -> memref<10000x128xf32, #tpu.memory_space<vmem_shared>>
      tpu.enqueue_indirect_dma source(%arg19 : memref<40x128xf32, #tpu.memory_space<vmem>>) target(%dma_start3A_783 : memref<10000x128xf32, #tpu.memory_space<vmem_shared>>) offsets(%arg11 : memref<40xi32, #tpu.memory_space<vmem>>) semaphore(%arg36 : memref<!tpu.dma_semaphore, #tpu.memory_space<semaphore_mem>>) {add = true}
      %mul3A_784 = arith.constant 4 : i32
      %mul3A_785 = arith.muli %scan3A_707, %mul3A_784 : i32
      %add3A_786 = arith.constant 1 : i32
      %add3A_787 = arith.addi %mul3A_785, %add3A_786 : i32
      %dma_wait3A_788 = arith.constant 0 : i32
      %dma_wait3A_789 = arith.constant 0 : i32
      %dma_wait3A_790 = tpu.memref_slice %arg2[%dma_wait3A_788, %dma_wait3A_789] : memref<10000x128xf32, #tpu.memory_space<hbm>> -> memref<10000x128xf32, #tpu.memory_space<hbm>>
      tpu.wait_indirect_dma semaphore(%arg33 : memref<!tpu.dma_semaphore, #tpu.memory_space<semaphore_mem>>) src(%dma_wait3A_790 : memref<10000x128xf32, #tpu.memory_space<hbm>>) dst(%arg20 : memref<40x128xf32, #tpu.memory_space<vmem>>)
      %dma_wait3A_791 = arith.constant 0 : i32
      %dma_wait3A_792 = arith.constant 0 : i32
      %dma_wait3A_793 = tpu.memref_slice %arg3[%dma_wait3A_791, %dma_wait3A_792] : memref<320000x128xf32, #tpu.memory_space<hbm>> -> memref<40x128xf32, #tpu.memory_space<hbm>>
      %dma_wait3A_794 = arith.constant 0 : i32
      %dma_wait3A_795 = arith.constant 0 : i32
      %dma_wait3A_796 = tpu.memref_slice %arg3[%dma_wait3A_794, %dma_wait3A_795] : memref<320000x128xf32, #tpu.memory_space<hbm>> -> memref<40x128xf32, #tpu.memory_space<hbm>>
      tpu.wait_dma2 semaphore(%arg29 : memref<!tpu.dma_semaphore, #tpu.memory_space<semaphore_mem>>) src(%dma_wait3A_796 : memref<40x128xf32, #tpu.memory_space<hbm>>) dst(%arg16 : memref<40x128xf32, #tpu.memory_space<vmem>>)
      %get3A_797 = arith.constant 0 : index
      %get3A_798 = tpu.vector_load %arg10[%get3A_797] {strides = array<i32>} : memref<40xi32, #tpu.memory_space<vmem>>, vector<16xi32>,
      %get3A_799 = vector.shape_cast %get3A_798 : vector<16xi32> to vector<16xi32>
      %swap3A_800 = arith.constant 0 : index
      %swap3A_801 = tpu.vector_load %arg12[%swap3A_800] {strides = array<i32>} : memref<40xi32, #tpu.memory_space<vmem>>, vector<16xi32>,
      %swap3A_802 = vector.shape_cast %swap3A_801 : vector<16xi32> to vector<16xi32>
      %swap3A_803 = vector.shape_cast %get3A_799 : vector<16xi32> to vector<16xi32>
      tpu.vector_store %arg12[%swap3A_800], %swap3A_803 {strides = array<i32>} : memref<40xi32, #tpu.memory_space<vmem>>, vector<16xi32>,
      %get3A_804 = arith.constant 16 : index
      %get3A_805 = tpu.vector_load %arg10[%get3A_804] {strides = array<i32>} : memref<40xi32, #tpu.memory_space<vmem>>, vector<16xi32>,
      %get3A_806 = vector.shape_cast %get3A_805 : vector<16xi32> to vector<16xi32>
      %swap3A_807 = arith.constant 16 : index
      %swap3A_808 = tpu.vector_load %arg12[%swap3A_807] {strides = array<i32>} : memref<40xi32, #tpu.memory_space<vmem>>, vector<16xi32>,
      %swap3A_809 = vector.shape_cast %swap3A_808 : vector<16xi32> to vector<16xi32>
      %swap3A_810 = vector.shape_cast %get3A_806 : vector<16xi32> to vector<16xi32>
      tpu.vector_store %arg12[%swap3A_807], %swap3A_810 {strides = array<i32>} : memref<40xi32, #tpu.memory_space<vmem>>, vector<16xi32>,
      %get3A_811 = arith.constant 24 : index
      %get3A_812 = tpu.vector_load %arg10[%get3A_811] {strides = array<i32>} : memref<40xi32, #tpu.memory_space<vmem>>, vector<16xi32>,
      %get3A_813 = vector.shape_cast %get3A_812 : vector<16xi32> to vector<16xi32>
      %swap3A_814 = arith.constant 24 : index
      %swap3A_815 = tpu.vector_load %arg12[%swap3A_814] {strides = array<i32>} : memref<40xi32, #tpu.memory_space<vmem>>, vector<16xi32>,
      %swap3A_816 = vector.shape_cast %swap3A_815 : vector<16xi32> to vector<16xi32>
      %swap3A_817 = vector.shape_cast %get3A_813 : vector<16xi32> to vector<16xi32>
      tpu.vector_store %arg12[%swap3A_814], %swap3A_817 {strides = array<i32>} : memref<40xi32, #tpu.memory_space<vmem>>, vector<16xi32>,
      %add3A_818 = arith.constant 2 : i32
      %add3A_819 = arith.addi %add3A_787, %add3A_818 : i32
      %mul3A_820 = arith.constant 40 : i32
      %mul3A_821 = arith.muli %add3A_819, %mul3A_820 : i32
      %add3A_822 = arith.addi %mul3A_2, %mul3A_821 : i32
      %dma_start3A_823 = tpu.memref_slice %arg4[%add3A_822] : memref<320000xi32, #tpu.memory_space<hbm>> -> memref<40xi32, #tpu.memory_space<hbm>>
      %dma_start3A_824 = tpu.memref_slice %arg4[%add3A_822] : memref<320000xi32, #tpu.memory_space<hbm>> -> memref<40xi32, #tpu.memory_space<hbm>>
      tpu.enqueue_dma source(%dma_start3A_824 : memref<40xi32, #tpu.memory_space<hbm>>) target(%arg8 : memref<40xi32, #tpu.memory_space<vmem>>) target_semaphore(%arg25 : memref<!tpu.dma_semaphore, #tpu.memory_space<semaphore_mem>>)
      %dma_start3A_825 = tpu.memref_slice %arg5[%add3A_822] : memref<320000xi32, #tpu.memory_space<hbm>> -> memref<40xi32, #tpu.memory_space<hbm>>
      %dma_start3A_826 = tpu.memref_slice %arg5[%add3A_822] : memref<320000xi32, #tpu.memory_space<hbm>> -> memref<40xi32, #tpu.memory_space<hbm>>
      tpu.enqueue_dma source(%dma_start3A_826 : memref<40xi32, #tpu.memory_space<hbm>>) target(%arg10 : memref<40xi32, #tpu.memory_space<vmem>>) target_semaphore(%arg27 : memref<!tpu.dma_semaphore, #tpu.memory_space<semaphore_mem>>)
      %dma_wait3A_827 = arith.constant 0 : i32
      %dma_wait3A_828 = tpu.memref_slice %arg4[%dma_wait3A_827] : memref<320000xi32, #tpu.memory_space<hbm>> -> memref<40xi32, #tpu.memory_space<hbm>>
      %dma_wait3A_829 = arith.constant 0 : i32
      %dma_wait3A_830 = tpu.memref_slice %arg4[%dma_wait3A_829] : memref<320000xi32, #tpu.memory_space<hbm>> -> memref<40xi32, #tpu.memory_space<hbm>>
      tpu.wait_dma2 semaphore(%arg24 : memref<!tpu.dma_semaphore, #tpu.memory_space<semaphore_mem>>) src(%dma_wait3A_830 : memref<40xi32, #tpu.memory_space<hbm>>) dst(%arg7 : memref<40xi32, #tpu.memory_space<vmem>>)
      %dma_wait3A_831 = arith.constant 0 : i32
      %dma_wait3A_832 = tpu.memref_slice %arg5[%dma_wait3A_831] : memref<320000xi32, #tpu.memory_space<hbm>> -> memref<40xi32, #tpu.memory_space<hbm>>
      %dma_wait3A_833 = arith.constant 0 : i32
      %dma_wait3A_834 = tpu.memref_slice %arg5[%dma_wait3A_833] : memref<320000xi32, #tpu.memory_space<hbm>> -> memref<40xi32, #tpu.memory_space<hbm>>
      tpu.wait_dma2 semaphore(%arg26 : memref<!tpu.dma_semaphore, #tpu.memory_space<semaphore_mem>>) src(%dma_wait3A_834 : memref<40xi32, #tpu.memory_space<hbm>>) dst(%arg9 : memref<40xi32, #tpu.memory_space<vmem>>)
      %add3A_835 = arith.constant 1 : i32
      %add3A_836 = arith.addi %add3A_787, %add3A_835 : i32
      %mul3A_837 = arith.constant 40 : i32
      %mul3A_838 = arith.muli %add3A_836, %mul3A_837 : i32
      %add3A_839 = arith.addi %mul3A_2, %mul3A_838 : i32
      %dma_start3A_840 = arith.constant 0 : i32
      %dma_start3A_841 = tpu.memref_slice %arg3[%add3A_839, %dma_start3A_840] : memref<320000x128xf32, #tpu.memory_space<hbm>> -> memref<40x128xf32, #tpu.memory_space<hbm>>
      %dma_start3A_842 = arith.constant 0 : i32
      %dma_start3A_843 = tpu.memref_slice %arg3[%add3A_839, %dma_start3A_842] : memref<320000x128xf32, #tpu.memory_space<hbm>> -> memref<40x128xf32, #tpu.memory_space<hbm>>
      tpu.enqueue_dma source(%dma_start3A_843 : memref<40x128xf32, #tpu.memory_space<hbm>>) target(%arg17 : memref<40x128xf32, #tpu.memory_space<vmem>>) target_semaphore(%arg30 : memref<!tpu.dma_semaphore, #tpu.memory_space<semaphore_mem>>)
      %ge3A_844 = arith.constant 3 : i32
      %ge3A_845 = arith.cmpi sge, %add3A_787, %ge3A_844 : i32
      %convert_element_type3A_846 = arith.extui %ge3A_845 : i1 to i32
      %cond3A_847 = arith.constant 0 : i32
      %cond3A_848 = arith.cmpi ne, %convert_element_type3A_846, %cond3A_847 : i32
      scf.if %cond3A_848 {
        %dma_wait3A_1015 = arith.constant 0 : i32
        %dma_wait3A_1016 = arith.constant 0 : i32
        %dma_wait3A_1017 = tpu.memref_slice %arg23[%dma_wait3A_1015, %dma_wait3A_1016] : memref<10000x128xf32, #tpu.memory_space<vmem_shared>> -> memref<10000x128xf32, #tpu.memory_space<vmem_shared>>
        tpu.wait_indirect_dma semaphore(%arg38 : memref<!tpu.dma_semaphore, #tpu.memory_space<semaphore_mem>>) src(%arg21 : memref<40x128xf32, #tpu.memory_space<vmem>>) dst(%dma_wait3A_1017 : memref<10000x128xf32, #tpu.memory_space<vmem_shared>>)
      } else {
      }
      %dma_start3A_849 = arith.constant 0 : i32
      %dma_start3A_850 = arith.constant 0 : i32
      %dma_start3A_851 = tpu.memref_slice %arg2[%dma_start3A_849, %dma_start3A_850] : memref<10000x128xf32, #tpu.memory_space<hbm>> -> memref<10000x128xf32, #tpu.memory_space<hbm>>
      tpu.enqueue_indirect_dma source(%dma_start3A_851 : memref<10000x128xf32, #tpu.memory_space<hbm>>) target(%arg21 : memref<40x128xf32, #tpu.memory_space<vmem>>) offsets(%arg7 : memref<40xi32, #tpu.memory_space<vmem>>) semaphore(%arg34 : memref<!tpu.dma_semaphore, #tpu.memory_space<semaphore_mem>>)
      %scan3A_852 = arith.constant 0 : i32
      %scan3A_853 = arith.constant 0 : i32
      %scan3A_854 = arith.constant 40 : i32
      %scan3A_855 = arith.addi %scan3A_853, %scan3A_854 : i32
      %scan3A_856 = arith.constant 1 : i32
      scf.for %scan3A_1015 = %scan3A_853 to %scan3A_855 step %scan3A_856  : i32 {
        %get3A_1016 = arith.index_cast %scan3A_1015 : i32 to index
        %get3A_1017 = arith.constant 0 : index
        %get3A_1018 = tpu.vector_load %arg20[%get3A_1016, %get3A_1017] {strides = array<i32>} : memref<40x128xf32, #tpu.memory_space<vmem>>, vector<1x16xf32>,
        %get3A_1019 = vector.shape_cast %get3A_1018 : vector<1x16xf32> to vector<16xf32>
        %get3A_1020 = arith.index_cast %scan3A_1015 : i32 to index
        %get3A_1021 = arith.constant 0 : index
        %get3A_1022 = tpu.vector_load %arg16[%get3A_1020, %get3A_1021] {strides = array<i32>} : memref<40x128xf32, #tpu.memory_space<vmem>>, vector<1x16xf32>,
        %get3A_1023 = vector.shape_cast %get3A_1022 : vector<1x16xf32> to vector<16xf32>
        %add3A_1024 = arith.addf %get3A_1019, %get3A_1023 : vector<16xf32>
        %neg3A = arith.constant 0.000000e+00 : f32
        %neg3A_1025 = vector.broadcast %neg3A : f32 to vector<16xf32>
        %neg3A_1026 = arith.subf %neg3A_1025, %add3A_1024 : vector<16xf32>
        %exp3A = math.exp %neg3A_1026 : vector<16xf32>
        %add3A_1027 = arith.constant 1.000000e+00 : f32
        %add3A_1028 = vector.broadcast %add3A_1027 : f32 to vector<16xf32>
        %add3A_1029 = arith.addf %add3A_1028, %exp3A : vector<16xf32>
        %div3A = arith.divf %add3A_1024, %add3A_1029 : vector<16xf32>
        %swap3A_1030 = arith.index_cast %scan3A_1015 : i32 to index
        %swap3A_1031 = arith.constant 0 : index
        %swap3A_1032 = tpu.vector_load %arg20[%swap3A_1030, %swap3A_1031] {strides = array<i32>} : memref<40x128xf32, #tpu.memory_space<vmem>>, vector<1x16xf32>,
        %swap3A_1033 = vector.shape_cast %swap3A_1032 : vector<1x16xf32> to vector<16xf32>
        %swap3A_1034 = vector.shape_cast %div3A : vector<16xf32> to vector<1x16xf32>
        tpu.vector_store %arg20[%swap3A_1030, %swap3A_1031], %swap3A_1034 {strides = array<i32>} : memref<40x128xf32, #tpu.memory_space<vmem>>, vector<1x16xf32>,
        %get3A_1035 = arith.index_cast %scan3A_1015 : i32 to index
        %get3A_1036 = arith.constant 16 : index
        %get3A_1037 = tpu.vector_load %arg20[%get3A_1035, %get3A_1036] {strides = array<i32>} : memref<40x128xf32, #tpu.memory_space<vmem>>, vector<1x16xf32>,
        %get3A_1038 = vector.shape_cast %get3A_1037 : vector<1x16xf32> to vector<16xf32>
        %get3A_1039 = arith.index_cast %scan3A_1015 : i32 to index
        %get3A_1040 = arith.constant 16 : index
        %get3A_1041 = tpu.vector_load %arg16[%get3A_1039, %get3A_1040] {strides = array<i32>} : memref<40x128xf32, #tpu.memory_space<vmem>>, vector<1x16xf32>,
        %get3A_1042 = vector.shape_cast %get3A_1041 : vector<1x16xf32> to vector<16xf32>
        %add3A_1043 = arith.addf %get3A_1038, %get3A_1042 : vector<16xf32>
        %neg3A_1044 = arith.constant 0.000000e+00 : f32
        %neg3A_1045 = vector.broadcast %neg3A_1044 : f32 to vector<16xf32>
        %neg3A_1046 = arith.subf %neg3A_1045, %add3A_1043 : vector<16xf32>
        %exp3A_1047 = math.exp %neg3A_1046 : vector<16xf32>
        %add3A_1048 = arith.constant 1.000000e+00 : f32
        %add3A_1049 = vector.broadcast %add3A_1048 : f32 to vector<16xf32>
        %add3A_1050 = arith.addf %add3A_1049, %exp3A_1047 : vector<16xf32>
        %div3A_1051 = arith.divf %add3A_1043, %add3A_1050 : vector<16xf32>
        %swap3A_1052 = arith.index_cast %scan3A_1015 : i32 to index
        %swap3A_1053 = arith.constant 16 : index
        %swap3A_1054 = tpu.vector_load %arg20[%swap3A_1052, %swap3A_1053] {strides = array<i32>} : memref<40x128xf32, #tpu.memory_space<vmem>>, vector<1x16xf32>,
        %swap3A_1055 = vector.shape_cast %swap3A_1054 : vector<1x16xf32> to vector<16xf32>
        %swap3A_1056 = vector.shape_cast %div3A_1051 : vector<16xf32> to vector<1x16xf32>
        tpu.vector_store %arg20[%swap3A_1052, %swap3A_1053], %swap3A_1056 {strides = array<i32>} : memref<40x128xf32, #tpu.memory_space<vmem>>, vector<1x16xf32>,
        %get3A_1057 = arith.index_cast %scan3A_1015 : i32 to index
        %get3A_1058 = arith.constant 32 : index
        %get3A_1059 = tpu.vector_load %arg20[%get3A_1057, %get3A_1058] {strides = array<i32>} : memref<40x128xf32, #tpu.memory_space<vmem>>, vector<1x16xf32>,
        %get3A_1060 = vector.shape_cast %get3A_1059 : vector<1x16xf32> to vector<16xf32>
        %get3A_1061 = arith.index_cast %scan3A_1015 : i32 to index
        %get3A_1062 = arith.constant 32 : index
        %get3A_1063 = tpu.vector_load %arg16[%get3A_1061, %get3A_1062] {strides = array<i32>} : memref<40x128xf32, #tpu.memory_space<vmem>>, vector<1x16xf32>,
        %get3A_1064 = vector.shape_cast %get3A_1063 : vector<1x16xf32> to vector<16xf32>
        %add3A_1065 = arith.addf %get3A_1060, %get3A_1064 : vector<16xf32>
        %neg3A_1066 = arith.constant 0.000000e+00 : f32
        %neg3A_1067 = vector.broadcast %neg3A_1066 : f32 to vector<16xf32>
        %neg3A_1068 = arith.subf %neg3A_1067, %add3A_1065 : vector<16xf32>
        %exp3A_1069 = math.exp %neg3A_1068 : vector<16xf32>
        %add3A_1070 = arith.constant 1.000000e+00 : f32
        %add3A_1071 = vector.broadcast %add3A_1070 : f32 to vector<16xf32>
        %add3A_1072 = arith.addf %add3A_1071, %exp3A_1069 : vector<16xf32>
        %div3A_1073 = arith.divf %add3A_1065, %add3A_1072 : vector<16xf32>
        %swap3A_1074 = arith.index_cast %scan3A_1015 : i32 to index
        %swap3A_1075 = arith.constant 32 : index
        %swap3A_1076 = tpu.vector_load %arg20[%swap3A_1074, %swap3A_1075] {strides = array<i32>} : memref<40x128xf32, #tpu.memory_space<vmem>>, vector<1x16xf32>,
        %swap3A_1077 = vector.shape_cast %swap3A_1076 : vector<1x16xf32> to vector<16xf32>
        %swap3A_1078 = vector.shape_cast %div3A_1073 : vector<16xf32> to vector<1x16xf32>
        tpu.vector_store %arg20[%swap3A_1074, %swap3A_1075], %swap3A_1078 {strides = array<i32>} : memref<40x128xf32, #tpu.memory_space<vmem>>, vector<1x16xf32>,
        %get3A_1079 = arith.index_cast %scan3A_1015 : i32 to index
        %get3A_1080 = arith.constant 48 : index
        %get3A_1081 = tpu.vector_load %arg20[%get3A_1079, %get3A_1080] {strides = array<i32>} : memref<40x128xf32, #tpu.memory_space<vmem>>, vector<1x16xf32>,
        %get3A_1082 = vector.shape_cast %get3A_1081 : vector<1x16xf32> to vector<16xf32>
        %get3A_1083 = arith.index_cast %scan3A_1015 : i32 to index
        %get3A_1084 = arith.constant 48 : index
        %get3A_1085 = tpu.vector_load %arg16[%get3A_1083, %get3A_1084] {strides = array<i32>} : memref<40x128xf32, #tpu.memory_space<vmem>>, vector<1x16xf32>,
        %get3A_1086 = vector.shape_cast %get3A_1085 : vector<1x16xf32> to vector<16xf32>
        %add3A_1087 = arith.addf %get3A_1082, %get3A_1086 : vector<16xf32>
        %neg3A_1088 = arith.constant 0.000000e+00 : f32
        %neg3A_1089 = vector.broadcast %neg3A_1088 : f32 to vector<16xf32>
        %neg3A_1090 = arith.subf %neg3A_1089, %add3A_1087 : vector<16xf32>
        %exp3A_1091 = math.exp %neg3A_1090 : vector<16xf32>
        %add3A_1092 = arith.constant 1.000000e+00 : f32
        %add3A_1093 = vector.broadcast %add3A_1092 : f32 to vector<16xf32>
        %add3A_1094 = arith.addf %add3A_1093, %exp3A_1091 : vector<16xf32>
        %div3A_1095 = arith.divf %add3A_1087, %add3A_1094 : vector<16xf32>
        %swap3A_1096 = arith.index_cast %scan3A_1015 : i32 to index
        %swap3A_1097 = arith.constant 48 : index
        %swap3A_1098 = tpu.vector_load %arg20[%swap3A_1096, %swap3A_1097] {strides = array<i32>} : memref<40x128xf32, #tpu.memory_space<vmem>>, vector<1x16xf32>,
        %swap3A_1099 = vector.shape_cast %swap3A_1098 : vector<1x16xf32> to vector<16xf32>
        %swap3A_1100 = vector.shape_cast %div3A_1095 : vector<16xf32> to vector<1x16xf32>
        tpu.vector_store %arg20[%swap3A_1096, %swap3A_1097], %swap3A_1100 {strides = array<i32>} : memref<40x128xf32, #tpu.memory_space<vmem>>, vector<1x16xf32>,
        %get3A_1101 = arith.index_cast %scan3A_1015 : i32 to index
        %get3A_1102 = arith.constant 64 : index
        %get3A_1103 = tpu.vector_load %arg20[%get3A_1101, %get3A_1102] {strides = array<i32>} : memref<40x128xf32, #tpu.memory_space<vmem>>, vector<1x16xf32>,
        %get3A_1104 = vector.shape_cast %get3A_1103 : vector<1x16xf32> to vector<16xf32>
        %get3A_1105 = arith.index_cast %scan3A_1015 : i32 to index
        %get3A_1106 = arith.constant 64 : index
        %get3A_1107 = tpu.vector_load %arg16[%get3A_1105, %get3A_1106] {strides = array<i32>} : memref<40x128xf32, #tpu.memory_space<vmem>>, vector<1x16xf32>,
        %get3A_1108 = vector.shape_cast %get3A_1107 : vector<1x16xf32> to vector<16xf32>
        %add3A_1109 = arith.addf %get3A_1104, %get3A_1108 : vector<16xf32>
        %neg3A_1110 = arith.constant 0.000000e+00 : f32
        %neg3A_1111 = vector.broadcast %neg3A_1110 : f32 to vector<16xf32>
        %neg3A_1112 = arith.subf %neg3A_1111, %add3A_1109 : vector<16xf32>
        %exp3A_1113 = math.exp %neg3A_1112 : vector<16xf32>
        %add3A_1114 = arith.constant 1.000000e+00 : f32
        %add3A_1115 = vector.broadcast %add3A_1114 : f32 to vector<16xf32>
        %add3A_1116 = arith.addf %add3A_1115, %exp3A_1113 : vector<16xf32>
        %div3A_1117 = arith.divf %add3A_1109, %add3A_1116 : vector<16xf32>
        %swap3A_1118 = arith.index_cast %scan3A_1015 : i32 to index
        %swap3A_1119 = arith.constant 64 : index
        %swap3A_1120 = tpu.vector_load %arg20[%swap3A_1118, %swap3A_1119] {strides = array<i32>} : memref<40x128xf32, #tpu.memory_space<vmem>>, vector<1x16xf32>,
        %swap3A_1121 = vector.shape_cast %swap3A_1120 : vector<1x16xf32> to vector<16xf32>
        %swap3A_1122 = vector.shape_cast %div3A_1117 : vector<16xf32> to vector<1x16xf32>
        tpu.vector_store %arg20[%swap3A_1118, %swap3A_1119], %swap3A_1122 {strides = array<i32>} : memref<40x128xf32, #tpu.memory_space<vmem>>, vector<1x16xf32>,
        %get3A_1123 = arith.index_cast %scan3A_1015 : i32 to index
        %get3A_1124 = arith.constant 80 : index
        %get3A_1125 = tpu.vector_load %arg20[%get3A_1123, %get3A_1124] {strides = array<i32>} : memref<40x128xf32, #tpu.memory_space<vmem>>, vector<1x16xf32>,
        %get3A_1126 = vector.shape_cast %get3A_1125 : vector<1x16xf32> to vector<16xf32>
        %get3A_1127 = arith.index_cast %scan3A_1015 : i32 to index
        %get3A_1128 = arith.constant 80 : index
        %get3A_1129 = tpu.vector_load %arg16[%get3A_1127, %get3A_1128] {strides = array<i32>} : memref<40x128xf32, #tpu.memory_space<vmem>>, vector<1x16xf32>,
        %get3A_1130 = vector.shape_cast %get3A_1129 : vector<1x16xf32> to vector<16xf32>
        %add3A_1131 = arith.addf %get3A_1126, %get3A_1130 : vector<16xf32>
        %neg3A_1132 = arith.constant 0.000000e+00 : f32
        %neg3A_1133 = vector.broadcast %neg3A_1132 : f32 to vector<16xf32>
        %neg3A_1134 = arith.subf %neg3A_1133, %add3A_1131 : vector<16xf32>
        %exp3A_1135 = math.exp %neg3A_1134 : vector<16xf32>
        %add3A_1136 = arith.constant 1.000000e+00 : f32
        %add3A_1137 = vector.broadcast %add3A_1136 : f32 to vector<16xf32>
        %add3A_1138 = arith.addf %add3A_1137, %exp3A_1135 : vector<16xf32>
        %div3A_1139 = arith.divf %add3A_1131, %add3A_1138 : vector<16xf32>
        %swap3A_1140 = arith.index_cast %scan3A_1015 : i32 to index
        %swap3A_1141 = arith.constant 80 : index
        %swap3A_1142 = tpu.vector_load %arg20[%swap3A_1140, %swap3A_1141] {strides = array<i32>} : memref<40x128xf32, #tpu.memory_space<vmem>>, vector<1x16xf32>,
        %swap3A_1143 = vector.shape_cast %swap3A_1142 : vector<1x16xf32> to vector<16xf32>
        %swap3A_1144 = vector.shape_cast %div3A_1139 : vector<16xf32> to vector<1x16xf32>
        tpu.vector_store %arg20[%swap3A_1140, %swap3A_1141], %swap3A_1144 {strides = array<i32>} : memref<40x128xf32, #tpu.memory_space<vmem>>, vector<1x16xf32>,
        %get3A_1145 = arith.index_cast %scan3A_1015 : i32 to index
        %get3A_1146 = arith.constant 96 : index
        %get3A_1147 = tpu.vector_load %arg20[%get3A_1145, %get3A_1146] {strides = array<i32>} : memref<40x128xf32, #tpu.memory_space<vmem>>, vector<1x16xf32>,
        %get3A_1148 = vector.shape_cast %get3A_1147 : vector<1x16xf32> to vector<16xf32>
        %get3A_1149 = arith.index_cast %scan3A_1015 : i32 to index
        %get3A_1150 = arith.constant 96 : index
        %get3A_1151 = tpu.vector_load %arg16[%get3A_1149, %get3A_1150] {strides = array<i32>} : memref<40x128xf32, #tpu.memory_space<vmem>>, vector<1x16xf32>,
        %get3A_1152 = vector.shape_cast %get3A_1151 : vector<1x16xf32> to vector<16xf32>
        %add3A_1153 = arith.addf %get3A_1148, %get3A_1152 : vector<16xf32>
        %neg3A_1154 = arith.constant 0.000000e+00 : f32
        %neg3A_1155 = vector.broadcast %neg3A_1154 : f32 to vector<16xf32>
        %neg3A_1156 = arith.subf %neg3A_1155, %add3A_1153 : vector<16xf32>
        %exp3A_1157 = math.exp %neg3A_1156 : vector<16xf32>
        %add3A_1158 = arith.constant 1.000000e+00 : f32
        %add3A_1159 = vector.broadcast %add3A_1158 : f32 to vector<16xf32>
        %add3A_1160 = arith.addf %add3A_1159, %exp3A_1157 : vector<16xf32>
        %div3A_1161 = arith.divf %add3A_1153, %add3A_1160 : vector<16xf32>
        %swap3A_1162 = arith.index_cast %scan3A_1015 : i32 to index
        %swap3A_1163 = arith.constant 96 : index
        %swap3A_1164 = tpu.vector_load %arg20[%swap3A_1162, %swap3A_1163] {strides = array<i32>} : memref<40x128xf32, #tpu.memory_space<vmem>>, vector<1x16xf32>,
        %swap3A_1165 = vector.shape_cast %swap3A_1164 : vector<1x16xf32> to vector<16xf32>
        %swap3A_1166 = vector.shape_cast %div3A_1161 : vector<16xf32> to vector<1x16xf32>
        tpu.vector_store %arg20[%swap3A_1162, %swap3A_1163], %swap3A_1166 {strides = array<i32>} : memref<40x128xf32, #tpu.memory_space<vmem>>, vector<1x16xf32>,
        %get3A_1167 = arith.index_cast %scan3A_1015 : i32 to index
        %get3A_1168 = arith.constant 112 : index
        %get3A_1169 = tpu.vector_load %arg20[%get3A_1167, %get3A_1168] {strides = array<i32>} : memref<40x128xf32, #tpu.memory_space<vmem>>, vector<1x16xf32>,
        %get3A_1170 = vector.shape_cast %get3A_1169 : vector<1x16xf32> to vector<16xf32>
        %get3A_1171 = arith.index_cast %scan3A_1015 : i32 to index
        %get3A_1172 = arith.constant 112 : index
        %get3A_1173 = tpu.vector_load %arg16[%get3A_1171, %get3A_1172] {strides = array<i32>} : memref<40x128xf32, #tpu.memory_space<vmem>>, vector<1x16xf32>,
        %get3A_1174 = vector.shape_cast %get3A_1173 : vector<1x16xf32> to vector<16xf32>
        %add3A_1175 = arith.addf %get3A_1170, %get3A_1174 : vector<16xf32>
        %neg3A_1176 = arith.constant 0.000000e+00 : f32
        %neg3A_1177 = vector.broadcast %neg3A_1176 : f32 to vector<16xf32>
        %neg3A_1178 = arith.subf %neg3A_1177, %add3A_1175 : vector<16xf32>
        %exp3A_1179 = math.exp %neg3A_1178 : vector<16xf32>
        %add3A_1180 = arith.constant 1.000000e+00 : f32
        %add3A_1181 = vector.broadcast %add3A_1180 : f32 to vector<16xf32>
        %add3A_1182 = arith.addf %add3A_1181, %exp3A_1179 : vector<16xf32>
        %div3A_1183 = arith.divf %add3A_1175, %add3A_1182 : vector<16xf32>
        %swap3A_1184 = arith.index_cast %scan3A_1015 : i32 to index
        %swap3A_1185 = arith.constant 112 : index
        %swap3A_1186 = tpu.vector_load %arg20[%swap3A_1184, %swap3A_1185] {strides = array<i32>} : memref<40x128xf32, #tpu.memory_space<vmem>>, vector<1x16xf32>,
        %swap3A_1187 = vector.shape_cast %swap3A_1186 : vector<1x16xf32> to vector<16xf32>
        %swap3A_1188 = vector.shape_cast %div3A_1183 : vector<16xf32> to vector<1x16xf32>
        tpu.vector_store %arg20[%swap3A_1184, %swap3A_1185], %swap3A_1188 {strides = array<i32>} : memref<40x128xf32, #tpu.memory_space<vmem>>, vector<1x16xf32>,
      }
      %scan3A_857 = arith.constant 40 : i32
      %dma_start3A_858 = arith.constant 0 : i32
      %dma_start3A_859 = arith.constant 0 : i32
      %dma_start3A_860 = tpu.memref_slice %arg23[%dma_start3A_858, %dma_start3A_859] : memref<10000x128xf32, #tpu.memory_space<vmem_shared>> -> memref<10000x128xf32, #tpu.memory_space<vmem_shared>>
      tpu.enqueue_indirect_dma source(%arg20 : memref<40x128xf32, #tpu.memory_space<vmem>>) target(%dma_start3A_860 : memref<10000x128xf32, #tpu.memory_space<vmem_shared>>) offsets(%arg12 : memref<40xi32, #tpu.memory_space<vmem>>) semaphore(%arg37 : memref<!tpu.dma_semaphore, #tpu.memory_space<semaphore_mem>>) {add = true}
      %mul3A_861 = arith.constant 4 : i32
      %mul3A_862 = arith.muli %scan3A_707, %mul3A_861 : i32
      %add3A_863 = arith.constant 2 : i32
      %add3A_864 = arith.addi %mul3A_862, %add3A_863 : i32
      %dma_wait3A_865 = arith.constant 0 : i32
      %dma_wait3A_866 = arith.constant 0 : i32
      %dma_wait3A_867 = tpu.memref_slice %arg2[%dma_wait3A_865, %dma_wait3A_866] : memref<10000x128xf32, #tpu.memory_space<hbm>> -> memref<10000x128xf32, #tpu.memory_space<hbm>>
      tpu.wait_indirect_dma semaphore(%arg34 : memref<!tpu.dma_semaphore, #tpu.memory_space<semaphore_mem>>) src(%dma_wait3A_867 : memref<10000x128xf32, #tpu.memory_space<hbm>>) dst(%arg21 : memref<40x128xf32, #tpu.memory_space<vmem>>)
      %dma_wait3A_868 = arith.constant 0 : i32
      %dma_wait3A_869 = arith.constant 0 : i32
      %dma_wait3A_870 = tpu.memref_slice %arg3[%dma_wait3A_868, %dma_wait3A_869] : memref<320000x128xf32, #tpu.memory_space<hbm>> -> memref<40x128xf32, #tpu.memory_space<hbm>>
      %dma_wait3A_871 = arith.constant 0 : i32
      %dma_wait3A_872 = arith.constant 0 : i32
      %dma_wait3A_873 = tpu.memref_slice %arg3[%dma_wait3A_871, %dma_wait3A_872] : memref<320000x128xf32, #tpu.memory_space<hbm>> -> memref<40x128xf32, #tpu.memory_space<hbm>>
      tpu.wait_dma2 semaphore(%arg30 : memref<!tpu.dma_semaphore, #tpu.memory_space<semaphore_mem>>) src(%dma_wait3A_873 : memref<40x128xf32, #tpu.memory_space<hbm>>) dst(%arg17 : memref<40x128xf32, #tpu.memory_space<vmem>>)
      %get3A_874 = arith.constant 0 : index
      %get3A_875 = tpu.vector_load %arg9[%get3A_874] {strides = array<i32>} : memref<40xi32, #tpu.memory_space<vmem>>, vector<16xi32>,
      %get3A_876 = vector.shape_cast %get3A_875 : vector<16xi32> to vector<16xi32>
      %swap3A_877 = arith.constant 0 : index
      %swap3A_878 = tpu.vector_load %arg13[%swap3A_877] {strides = array<i32>} : memref<40xi32, #tpu.memory_space<vmem>>, vector<16xi32>,
      %swap3A_879 = vector.shape_cast %swap3A_878 : vector<16xi32> to vector<16xi32>
      %swap3A_880 = vector.shape_cast %get3A_876 : vector<16xi32> to vector<16xi32>
      tpu.vector_store %arg13[%swap3A_877], %swap3A_880 {strides = array<i32>} : memref<40xi32, #tpu.memory_space<vmem>>, vector<16xi32>,
      %get3A_881 = arith.constant 16 : index
      %get3A_882 = tpu.vector_load %arg9[%get3A_881] {strides = array<i32>} : memref<40xi32, #tpu.memory_space<vmem>>, vector<16xi32>,
      %get3A_883 = vector.shape_cast %get3A_882 : vector<16xi32> to vector<16xi32>
      %swap3A_884 = arith.constant 16 : index
      %swap3A_885 = tpu.vector_load %arg13[%swap3A_884] {strides = array<i32>} : memref<40xi32, #tpu.memory_space<vmem>>, vector<16xi32>,
      %swap3A_886 = vector.shape_cast %swap3A_885 : vector<16xi32> to vector<16xi32>
      %swap3A_887 = vector.shape_cast %get3A_883 : vector<16xi32> to vector<16xi32>
      tpu.vector_store %arg13[%swap3A_884], %swap3A_887 {strides = array<i32>} : memref<40xi32, #tpu.memory_space<vmem>>, vector<16xi32>,
      %get3A_888 = arith.constant 24 : index
      %get3A_889 = tpu.vector_load %arg9[%get3A_888] {strides = array<i32>} : memref<40xi32, #tpu.memory_space<vmem>>, vector<16xi32>,
      %get3A_890 = vector.shape_cast %get3A_889 : vector<16xi32> to vector<16xi32>
      %swap3A_891 = arith.constant 24 : index
      %swap3A_892 = tpu.vector_load %arg13[%swap3A_891] {strides = array<i32>} : memref<40xi32, #tpu.memory_space<vmem>>, vector<16xi32>,
      %swap3A_893 = vector.shape_cast %swap3A_892 : vector<16xi32> to vector<16xi32>
      %swap3A_894 = vector.shape_cast %get3A_890 : vector<16xi32> to vector<16xi32>
      tpu.vector_store %arg13[%swap3A_891], %swap3A_894 {strides = array<i32>} : memref<40xi32, #tpu.memory_space<vmem>>, vector<16xi32>,
      %add3A_895 = arith.constant 2 : i32
      %add3A_896 = arith.addi %add3A_864, %add3A_895 : i32
      %mul3A_897 = arith.constant 40 : i32
      %mul3A_898 = arith.muli %add3A_896, %mul3A_897 : i32
      %add3A_899 = arith.addi %mul3A_2, %mul3A_898 : i32
      %dma_start3A_900 = tpu.memref_slice %arg4[%add3A_899] : memref<320000xi32, #tpu.memory_space<hbm>> -> memref<40xi32, #tpu.memory_space<hbm>>
      %dma_start3A_901 = tpu.memref_slice %arg4[%add3A_899] : memref<320000xi32, #tpu.memory_space<hbm>> -> memref<40xi32, #tpu.memory_space<hbm>>
      tpu.enqueue_dma source(%dma_start3A_901 : memref<40xi32, #tpu.memory_space<hbm>>) target(%arg7 : memref<40xi32, #tpu.memory_space<vmem>>) target_semaphore(%arg24 : memref<!tpu.dma_semaphore, #tpu.memory_space<semaphore_mem>>)
      %dma_start3A_902 = tpu.memref_slice %arg5[%add3A_899] : memref<320000xi32, #tpu.memory_space<hbm>> -> memref<40xi32, #tpu.memory_space<hbm>>
      %dma_start3A_903 = tpu.memref_slice %arg5[%add3A_899] : memref<320000xi32, #tpu.memory_space<hbm>> -> memref<40xi32, #tpu.memory_space<hbm>>
      tpu.enqueue_dma source(%dma_start3A_903 : memref<40xi32, #tpu.memory_space<hbm>>) target(%arg9 : memref<40xi32, #tpu.memory_space<vmem>>) target_semaphore(%arg26 : memref<!tpu.dma_semaphore, #tpu.memory_space<semaphore_mem>>)
      %dma_wait3A_904 = arith.constant 0 : i32
      %dma_wait3A_905 = tpu.memref_slice %arg4[%dma_wait3A_904] : memref<320000xi32, #tpu.memory_space<hbm>> -> memref<40xi32, #tpu.memory_space<hbm>>
      %dma_wait3A_906 = arith.constant 0 : i32
      %dma_wait3A_907 = tpu.memref_slice %arg4[%dma_wait3A_906] : memref<320000xi32, #tpu.memory_space<hbm>> -> memref<40xi32, #tpu.memory_space<hbm>>
      tpu.wait_dma2 semaphore(%arg25 : memref<!tpu.dma_semaphore, #tpu.memory_space<semaphore_mem>>) src(%dma_wait3A_907 : memref<40xi32, #tpu.memory_space<hbm>>) dst(%arg8 : memref<40xi32, #tpu.memory_space<vmem>>)
      %dma_wait3A_908 = arith.constant 0 : i32
      %dma_wait3A_909 = tpu.memref_slice %arg5[%dma_wait3A_908] : memref<320000xi32, #tpu.memory_space<hbm>> -> memref<40xi32, #tpu.memory_space<hbm>>
      %dma_wait3A_910 = arith.constant 0 : i32
      %dma_wait3A_911 = tpu.memref_slice %arg5[%dma_wait3A_910] : memref<320000xi32, #tpu.memory_space<hbm>> -> memref<40xi32, #tpu.memory_space<hbm>>
      tpu.wait_dma2 semaphore(%arg27 : memref<!tpu.dma_semaphore, #tpu.memory_space<semaphore_mem>>) src(%dma_wait3A_911 : memref<40xi32, #tpu.memory_space<hbm>>) dst(%arg10 : memref<40xi32, #tpu.memory_space<vmem>>)
      %add3A_912 = arith.constant 1 : i32
      %add3A_913 = arith.addi %add3A_864, %add3A_912 : i32
      %mul3A_914 = arith.constant 40 : i32
      %mul3A_915 = arith.muli %add3A_913, %mul3A_914 : i32
      %add3A_916 = arith.addi %mul3A_2, %mul3A_915 : i32
      %dma_start3A_917 = arith.constant 0 : i32
      %dma_start3A_918 = tpu.memref_slice %arg3[%add3A_916, %dma_start3A_917] : memref<320000x128xf32, #tpu.memory_space<hbm>> -> memref<40x128xf32, #tpu.memory_space<hbm>>
      %dma_start3A_919 = arith.constant 0 : i32
      %dma_start3A_920 = tpu.memref_slice %arg3[%add3A_916, %dma_start3A_919] : memref<320000x128xf32, #tpu.memory_space<hbm>> -> memref<40x128xf32, #tpu.memory_space<hbm>>
      tpu.enqueue_dma source(%dma_start3A_920 : memref<40x128xf32, #tpu.memory_space<hbm>>) target(%arg18 : memref<40x128xf32, #tpu.memory_space<vmem>>) target_semaphore(%arg31 : memref<!tpu.dma_semaphore, #tpu.memory_space<semaphore_mem>>)
      %ge3A_921 = arith.constant 3 : i32
      %ge3A_922 = arith.cmpi sge, %add3A_864, %ge3A_921 : i32
      %convert_element_type3A_923 = arith.extui %ge3A_922 : i1 to i32
      %cond3A_924 = arith.constant 0 : i32
      %cond3A_925 = arith.cmpi ne, %convert_element_type3A_923, %cond3A_924 : i32
      scf.if %cond3A_925 {
        %dma_wait3A_1015 = arith.constant 0 : i32
        %dma_wait3A_1016 = arith.constant 0 : i32
        %dma_wait3A_1017 = tpu.memref_slice %arg23[%dma_wait3A_1015, %dma_wait3A_1016] : memref<10000x128xf32, #tpu.memory_space<vmem_shared>> -> memref<10000x128xf32, #tpu.memory_space<vmem_shared>>
        tpu.wait_indirect_dma semaphore(%arg39 : memref<!tpu.dma_semaphore, #tpu.memory_space<semaphore_mem>>) src(%arg22 : memref<40x128xf32, #tpu.memory_space<vmem>>) dst(%dma_wait3A_1017 : memref<10000x128xf32, #tpu.memory_space<vmem_shared>>)
      } else {
      }
      %dma_start3A_926 = arith.constant 0 : i32
      %dma_start3A_927 = arith.constant 0 : i32
      %dma_start3A_928 = tpu.memref_slice %arg2[%dma_start3A_926, %dma_start3A_927] : memref<10000x128xf32, #tpu.memory_space<hbm>> -> memref<10000x128xf32, #tpu.memory_space<hbm>>
      tpu.enqueue_indirect_dma source(%dma_start3A_928 : memref<10000x128xf32, #tpu.memory_space<hbm>>) target(%arg22 : memref<40x128xf32, #tpu.memory_space<vmem>>) offsets(%arg8 : memref<40xi32, #tpu.memory_space<vmem>>) semaphore(%arg35 : memref<!tpu.dma_semaphore, #tpu.memory_space<semaphore_mem>>)
      %scan3A_929 = arith.constant 0 : i32
      %scan3A_930 = arith.constant 0 : i32
      %scan3A_931 = arith.constant 40 : i32
      %scan3A_932 = arith.addi %scan3A_930, %scan3A_931 : i32
      %scan3A_933 = arith.constant 1 : i32
      scf.for %scan3A_1015 = %scan3A_930 to %scan3A_932 step %scan3A_933  : i32 {
        %get3A_1016 = arith.index_cast %scan3A_1015 : i32 to index
        %get3A_1017 = arith.constant 0 : index
        %get3A_1018 = tpu.vector_load %arg21[%get3A_1016, %get3A_1017] {strides = array<i32>} : memref<40x128xf32, #tpu.memory_space<vmem>>, vector<1x16xf32>,
        %get3A_1019 = vector.shape_cast %get3A_1018 : vector<1x16xf32> to vector<16xf32>
        %get3A_1020 = arith.index_cast %scan3A_1015 : i32 to index
        %get3A_1021 = arith.constant 0 : index
        %get3A_1022 = tpu.vector_load %arg17[%get3A_1020, %get3A_1021] {strides = array<i32>} : memref<40x128xf32, #tpu.memory_space<vmem>>, vector<1x16xf32>,
        %get3A_1023 = vector.shape_cast %get3A_1022 : vector<1x16xf32> to vector<16xf32>
        %add3A_1024 = arith.addf %get3A_1019, %get3A_1023 : vector<16xf32>
        %neg3A = arith.constant 0.000000e+00 : f32
        %neg3A_1025 = vector.broadcast %neg3A : f32 to vector<16xf32>
        %neg3A_1026 = arith.subf %neg3A_1025, %add3A_1024 : vector<16xf32>
        %exp3A = math.exp %neg3A_1026 : vector<16xf32>
        %add3A_1027 = arith.constant 1.000000e+00 : f32
        %add3A_1028 = vector.broadcast %add3A_1027 : f32 to vector<16xf32>
        %add3A_1029 = arith.addf %add3A_1028, %exp3A : vector<16xf32>
        %div3A = arith.divf %add3A_1024, %add3A_1029 : vector<16xf32>
        %swap3A_1030 = arith.index_cast %scan3A_1015 : i32 to index
        %swap3A_1031 = arith.constant 0 : index
        %swap3A_1032 = tpu.vector_load %arg21[%swap3A_1030, %swap3A_1031] {strides = array<i32>} : memref<40x128xf32, #tpu.memory_space<vmem>>, vector<1x16xf32>,
        %swap3A_1033 = vector.shape_cast %swap3A_1032 : vector<1x16xf32> to vector<16xf32>
        %swap3A_1034 = vector.shape_cast %div3A : vector<16xf32> to vector<1x16xf32>
        tpu.vector_store %arg21[%swap3A_1030, %swap3A_1031], %swap3A_1034 {strides = array<i32>} : memref<40x128xf32, #tpu.memory_space<vmem>>, vector<1x16xf32>,
        %get3A_1035 = arith.index_cast %scan3A_1015 : i32 to index
        %get3A_1036 = arith.constant 16 : index
        %get3A_1037 = tpu.vector_load %arg21[%get3A_1035, %get3A_1036] {strides = array<i32>} : memref<40x128xf32, #tpu.memory_space<vmem>>, vector<1x16xf32>,
        %get3A_1038 = vector.shape_cast %get3A_1037 : vector<1x16xf32> to vector<16xf32>
        %get3A_1039 = arith.index_cast %scan3A_1015 : i32 to index
        %get3A_1040 = arith.constant 16 : index
        %get3A_1041 = tpu.vector_load %arg17[%get3A_1039, %get3A_1040] {strides = array<i32>} : memref<40x128xf32, #tpu.memory_space<vmem>>, vector<1x16xf32>,
        %get3A_1042 = vector.shape_cast %get3A_1041 : vector<1x16xf32> to vector<16xf32>
        %add3A_1043 = arith.addf %get3A_1038, %get3A_1042 : vector<16xf32>
        %neg3A_1044 = arith.constant 0.000000e+00 : f32
        %neg3A_1045 = vector.broadcast %neg3A_1044 : f32 to vector<16xf32>
        %neg3A_1046 = arith.subf %neg3A_1045, %add3A_1043 : vector<16xf32>
        %exp3A_1047 = math.exp %neg3A_1046 : vector<16xf32>
        %add3A_1048 = arith.constant 1.000000e+00 : f32
        %add3A_1049 = vector.broadcast %add3A_1048 : f32 to vector<16xf32>
        %add3A_1050 = arith.addf %add3A_1049, %exp3A_1047 : vector<16xf32>
        %div3A_1051 = arith.divf %add3A_1043, %add3A_1050 : vector<16xf32>
        %swap3A_1052 = arith.index_cast %scan3A_1015 : i32 to index
        %swap3A_1053 = arith.constant 16 : index
        %swap3A_1054 = tpu.vector_load %arg21[%swap3A_1052, %swap3A_1053] {strides = array<i32>} : memref<40x128xf32, #tpu.memory_space<vmem>>, vector<1x16xf32>,
        %swap3A_1055 = vector.shape_cast %swap3A_1054 : vector<1x16xf32> to vector<16xf32>
        %swap3A_1056 = vector.shape_cast %div3A_1051 : vector<16xf32> to vector<1x16xf32>
        tpu.vector_store %arg21[%swap3A_1052, %swap3A_1053], %swap3A_1056 {strides = array<i32>} : memref<40x128xf32, #tpu.memory_space<vmem>>, vector<1x16xf32>,
        %get3A_1057 = arith.index_cast %scan3A_1015 : i32 to index
        %get3A_1058 = arith.constant 32 : index
        %get3A_1059 = tpu.vector_load %arg21[%get3A_1057, %get3A_1058] {strides = array<i32>} : memref<40x128xf32, #tpu.memory_space<vmem>>, vector<1x16xf32>,
        %get3A_1060 = vector.shape_cast %get3A_1059 : vector<1x16xf32> to vector<16xf32>
        %get3A_1061 = arith.index_cast %scan3A_1015 : i32 to index
        %get3A_1062 = arith.constant 32 : index
        %get3A_1063 = tpu.vector_load %arg17[%get3A_1061, %get3A_1062] {strides = array<i32>} : memref<40x128xf32, #tpu.memory_space<vmem>>, vector<1x16xf32>,
        %get3A_1064 = vector.shape_cast %get3A_1063 : vector<1x16xf32> to vector<16xf32>
        %add3A_1065 = arith.addf %get3A_1060, %get3A_1064 : vector<16xf32>
        %neg3A_1066 = arith.constant 0.000000e+00 : f32
        %neg3A_1067 = vector.broadcast %neg3A_1066 : f32 to vector<16xf32>
        %neg3A_1068 = arith.subf %neg3A_1067, %add3A_1065 : vector<16xf32>
        %exp3A_1069 = math.exp %neg3A_1068 : vector<16xf32>
        %add3A_1070 = arith.constant 1.000000e+00 : f32
        %add3A_1071 = vector.broadcast %add3A_1070 : f32 to vector<16xf32>
        %add3A_1072 = arith.addf %add3A_1071, %exp3A_1069 : vector<16xf32>
        %div3A_1073 = arith.divf %add3A_1065, %add3A_1072 : vector<16xf32>
        %swap3A_1074 = arith.index_cast %scan3A_1015 : i32 to index
        %swap3A_1075 = arith.constant 32 : index
        %swap3A_1076 = tpu.vector_load %arg21[%swap3A_1074, %swap3A_1075] {strides = array<i32>} : memref<40x128xf32, #tpu.memory_space<vmem>>, vector<1x16xf32>,
        %swap3A_1077 = vector.shape_cast %swap3A_1076 : vector<1x16xf32> to vector<16xf32>
        %swap3A_1078 = vector.shape_cast %div3A_1073 : vector<16xf32> to vector<1x16xf32>
        tpu.vector_store %arg21[%swap3A_1074, %swap3A_1075], %swap3A_1078 {strides = array<i32>} : memref<40x128xf32, #tpu.memory_space<vmem>>, vector<1x16xf32>,
        %get3A_1079 = arith.index_cast %scan3A_1015 : i32 to index
        %get3A_1080 = arith.constant 48 : index
        %get3A_1081 = tpu.vector_load %arg21[%get3A_1079, %get3A_1080] {strides = array<i32>} : memref<40x128xf32, #tpu.memory_space<vmem>>, vector<1x16xf32>,
        %get3A_1082 = vector.shape_cast %get3A_1081 : vector<1x16xf32> to vector<16xf32>
        %get3A_1083 = arith.index_cast %scan3A_1015 : i32 to index
        %get3A_1084 = arith.constant 48 : index
        %get3A_1085 = tpu.vector_load %arg17[%get3A_1083, %get3A_1084] {strides = array<i32>} : memref<40x128xf32, #tpu.memory_space<vmem>>, vector<1x16xf32>,
        %get3A_1086 = vector.shape_cast %get3A_1085 : vector<1x16xf32> to vector<16xf32>
        %add3A_1087 = arith.addf %get3A_1082, %get3A_1086 : vector<16xf32>
        %neg3A_1088 = arith.constant 0.000000e+00 : f32
        %neg3A_1089 = vector.broadcast %neg3A_1088 : f32 to vector<16xf32>
        %neg3A_1090 = arith.subf %neg3A_1089, %add3A_1087 : vector<16xf32>
        %exp3A_1091 = math.exp %neg3A_1090 : vector<16xf32>
        %add3A_1092 = arith.constant 1.000000e+00 : f32
        %add3A_1093 = vector.broadcast %add3A_1092 : f32 to vector<16xf32>
        %add3A_1094 = arith.addf %add3A_1093, %exp3A_1091 : vector<16xf32>
        %div3A_1095 = arith.divf %add3A_1087, %add3A_1094 : vector<16xf32>
        %swap3A_1096 = arith.index_cast %scan3A_1015 : i32 to index
        %swap3A_1097 = arith.constant 48 : index
        %swap3A_1098 = tpu.vector_load %arg21[%swap3A_1096, %swap3A_1097] {strides = array<i32>} : memref<40x128xf32, #tpu.memory_space<vmem>>, vector<1x16xf32>,
        %swap3A_1099 = vector.shape_cast %swap3A_1098 : vector<1x16xf32> to vector<16xf32>
        %swap3A_1100 = vector.shape_cast %div3A_1095 : vector<16xf32> to vector<1x16xf32>
        tpu.vector_store %arg21[%swap3A_1096, %swap3A_1097], %swap3A_1100 {strides = array<i32>} : memref<40x128xf32, #tpu.memory_space<vmem>>, vector<1x16xf32>,
        %get3A_1101 = arith.index_cast %scan3A_1015 : i32 to index
        %get3A_1102 = arith.constant 64 : index
        %get3A_1103 = tpu.vector_load %arg21[%get3A_1101, %get3A_1102] {strides = array<i32>} : memref<40x128xf32, #tpu.memory_space<vmem>>, vector<1x16xf32>,
        %get3A_1104 = vector.shape_cast %get3A_1103 : vector<1x16xf32> to vector<16xf32>
        %get3A_1105 = arith.index_cast %scan3A_1015 : i32 to index
        %get3A_1106 = arith.constant 64 : index
        %get3A_1107 = tpu.vector_load %arg17[%get3A_1105, %get3A_1106] {strides = array<i32>} : memref<40x128xf32, #tpu.memory_space<vmem>>, vector<1x16xf32>,
        %get3A_1108 = vector.shape_cast %get3A_1107 : vector<1x16xf32> to vector<16xf32>
        %add3A_1109 = arith.addf %get3A_1104, %get3A_1108 : vector<16xf32>
        %neg3A_1110 = arith.constant 0.000000e+00 : f32
        %neg3A_1111 = vector.broadcast %neg3A_1110 : f32 to vector<16xf32>
        %neg3A_1112 = arith.subf %neg3A_1111, %add3A_1109 : vector<16xf32>
        %exp3A_1113 = math.exp %neg3A_1112 : vector<16xf32>
        %add3A_1114 = arith.constant 1.000000e+00 : f32
        %add3A_1115 = vector.broadcast %add3A_1114 : f32 to vector<16xf32>
        %add3A_1116 = arith.addf %add3A_1115, %exp3A_1113 : vector<16xf32>
        %div3A_1117 = arith.divf %add3A_1109, %add3A_1116 : vector<16xf32>
        %swap3A_1118 = arith.index_cast %scan3A_1015 : i32 to index
        %swap3A_1119 = arith.constant 64 : index
        %swap3A_1120 = tpu.vector_load %arg21[%swap3A_1118, %swap3A_1119] {strides = array<i32>} : memref<40x128xf32, #tpu.memory_space<vmem>>, vector<1x16xf32>,
        %swap3A_1121 = vector.shape_cast %swap3A_1120 : vector<1x16xf32> to vector<16xf32>
        %swap3A_1122 = vector.shape_cast %div3A_1117 : vector<16xf32> to vector<1x16xf32>
        tpu.vector_store %arg21[%swap3A_1118, %swap3A_1119], %swap3A_1122 {strides = array<i32>} : memref<40x128xf32, #tpu.memory_space<vmem>>, vector<1x16xf32>,
        %get3A_1123 = arith.index_cast %scan3A_1015 : i32 to index
        %get3A_1124 = arith.constant 80 : index
        %get3A_1125 = tpu.vector_load %arg21[%get3A_1123, %get3A_1124] {strides = array<i32>} : memref<40x128xf32, #tpu.memory_space<vmem>>, vector<1x16xf32>,
        %get3A_1126 = vector.shape_cast %get3A_1125 : vector<1x16xf32> to vector<16xf32>
        %get3A_1127 = arith.index_cast %scan3A_1015 : i32 to index
        %get3A_1128 = arith.constant 80 : index
        %get3A_1129 = tpu.vector_load %arg17[%get3A_1127, %get3A_1128] {strides = array<i32>} : memref<40x128xf32, #tpu.memory_space<vmem>>, vector<1x16xf32>,
        %get3A_1130 = vector.shape_cast %get3A_1129 : vector<1x16xf32> to vector<16xf32>
        %add3A_1131 = arith.addf %get3A_1126, %get3A_1130 : vector<16xf32>
        %neg3A_1132 = arith.constant 0.000000e+00 : f32
        %neg3A_1133 = vector.broadcast %neg3A_1132 : f32 to vector<16xf32>
        %neg3A_1134 = arith.subf %neg3A_1133, %add3A_1131 : vector<16xf32>
        %exp3A_1135 = math.exp %neg3A_1134 : vector<16xf32>
        %add3A_1136 = arith.constant 1.000000e+00 : f32
        %add3A_1137 = vector.broadcast %add3A_1136 : f32 to vector<16xf32>
        %add3A_1138 = arith.addf %add3A_1137, %exp3A_1135 : vector<16xf32>
        %div3A_1139 = arith.divf %add3A_1131, %add3A_1138 : vector<16xf32>
        %swap3A_1140 = arith.index_cast %scan3A_1015 : i32 to index
        %swap3A_1141 = arith.constant 80 : index
        %swap3A_1142 = tpu.vector_load %arg21[%swap3A_1140, %swap3A_1141] {strides = array<i32>} : memref<40x128xf32, #tpu.memory_space<vmem>>, vector<1x16xf32>,
        %swap3A_1143 = vector.shape_cast %swap3A_1142 : vector<1x16xf32> to vector<16xf32>
        %swap3A_1144 = vector.shape_cast %div3A_1139 : vector<16xf32> to vector<1x16xf32>
        tpu.vector_store %arg21[%swap3A_1140, %swap3A_1141], %swap3A_1144 {strides = array<i32>} : memref<40x128xf32, #tpu.memory_space<vmem>>, vector<1x16xf32>,
        %get3A_1145 = arith.index_cast %scan3A_1015 : i32 to index
        %get3A_1146 = arith.constant 96 : index
        %get3A_1147 = tpu.vector_load %arg21[%get3A_1145, %get3A_1146] {strides = array<i32>} : memref<40x128xf32, #tpu.memory_space<vmem>>, vector<1x16xf32>,
        %get3A_1148 = vector.shape_cast %get3A_1147 : vector<1x16xf32> to vector<16xf32>
        %get3A_1149 = arith.index_cast %scan3A_1015 : i32 to index
        %get3A_1150 = arith.constant 96 : index
        %get3A_1151 = tpu.vector_load %arg17[%get3A_1149, %get3A_1150] {strides = array<i32>} : memref<40x128xf32, #tpu.memory_space<vmem>>, vector<1x16xf32>,
        %get3A_1152 = vector.shape_cast %get3A_1151 : vector<1x16xf32> to vector<16xf32>
        %add3A_1153 = arith.addf %get3A_1148, %get3A_1152 : vector<16xf32>
        %neg3A_1154 = arith.constant 0.000000e+00 : f32
        %neg3A_1155 = vector.broadcast %neg3A_1154 : f32 to vector<16xf32>
        %neg3A_1156 = arith.subf %neg3A_1155, %add3A_1153 : vector<16xf32>
        %exp3A_1157 = math.exp %neg3A_1156 : vector<16xf32>
        %add3A_1158 = arith.constant 1.000000e+00 : f32
        %add3A_1159 = vector.broadcast %add3A_1158 : f32 to vector<16xf32>
        %add3A_1160 = arith.addf %add3A_1159, %exp3A_1157 : vector<16xf32>
        %div3A_1161 = arith.divf %add3A_1153, %add3A_1160 : vector<16xf32>
        %swap3A_1162 = arith.index_cast %scan3A_1015 : i32 to index
        %swap3A_1163 = arith.constant 96 : index
        %swap3A_1164 = tpu.vector_load %arg21[%swap3A_1162, %swap3A_1163] {strides = array<i32>} : memref<40x128xf32, #tpu.memory_space<vmem>>, vector<1x16xf32>,
        %swap3A_1165 = vector.shape_cast %swap3A_1164 : vector<1x16xf32> to vector<16xf32>
        %swap3A_1166 = vector.shape_cast %div3A_1161 : vector<16xf32> to vector<1x16xf32>
        tpu.vector_store %arg21[%swap3A_1162, %swap3A_1163], %swap3A_1166 {strides = array<i32>} : memref<40x128xf32, #tpu.memory_space<vmem>>, vector<1x16xf32>,
        %get3A_1167 = arith.index_cast %scan3A_1015 : i32 to index
        %get3A_1168 = arith.constant 112 : index
        %get3A_1169 = tpu.vector_load %arg21[%get3A_1167, %get3A_1168] {strides = array<i32>} : memref<40x128xf32, #tpu.memory_space<vmem>>, vector<1x16xf32>,
        %get3A_1170 = vector.shape_cast %get3A_1169 : vector<1x16xf32> to vector<16xf32>
        %get3A_1171 = arith.index_cast %scan3A_1015 : i32 to index
        %get3A_1172 = arith.constant 112 : index
        %get3A_1173 = tpu.vector_load %arg17[%get3A_1171, %get3A_1172] {strides = array<i32>} : memref<40x128xf32, #tpu.memory_space<vmem>>, vector<1x16xf32>,
        %get3A_1174 = vector.shape_cast %get3A_1173 : vector<1x16xf32> to vector<16xf32>
        %add3A_1175 = arith.addf %get3A_1170, %get3A_1174 : vector<16xf32>
        %neg3A_1176 = arith.constant 0.000000e+00 : f32
        %neg3A_1177 = vector.broadcast %neg3A_1176 : f32 to vector<16xf32>
        %neg3A_1178 = arith.subf %neg3A_1177, %add3A_1175 : vector<16xf32>
        %exp3A_1179 = math.exp %neg3A_1178 : vector<16xf32>
        %add3A_1180 = arith.constant 1.000000e+00 : f32
        %add3A_1181 = vector.broadcast %add3A_1180 : f32 to vector<16xf32>
        %add3A_1182 = arith.addf %add3A_1181, %exp3A_1179 : vector<16xf32>
        %div3A_1183 = arith.divf %add3A_1175, %add3A_1182 : vector<16xf32>
        %swap3A_1184 = arith.index_cast %scan3A_1015 : i32 to index
        %swap3A_1185 = arith.constant 112 : index
        %swap3A_1186 = tpu.vector_load %arg21[%swap3A_1184, %swap3A_1185] {strides = array<i32>} : memref<40x128xf32, #tpu.memory_space<vmem>>, vector<1x16xf32>,
        %swap3A_1187 = vector.shape_cast %swap3A_1186 : vector<1x16xf32> to vector<16xf32>
        %swap3A_1188 = vector.shape_cast %div3A_1183 : vector<16xf32> to vector<1x16xf32>
        tpu.vector_store %arg21[%swap3A_1184, %swap3A_1185], %swap3A_1188 {strides = array<i32>} : memref<40x128xf32, #tpu.memory_space<vmem>>, vector<1x16xf32>,
      }
      %scan3A_934 = arith.constant 40 : i32
      %dma_start3A_935 = arith.constant 0 : i32
      %dma_start3A_936 = arith.constant 0 : i32
      %dma_start3A_937 = tpu.memref_slice %arg23[%dma_start3A_935, %dma_start3A_936] : memref<10000x128xf32, #tpu.memory_space<vmem_shared>> -> memref<10000x128xf32, #tpu.memory_space<vmem_shared>>
      tpu.enqueue_indirect_dma source(%arg21 : memref<40x128xf32, #tpu.memory_space<vmem>>) target(%dma_start3A_937 : memref<10000x128xf32, #tpu.memory_space<vmem_shared>>) offsets(%arg13 : memref<40xi32, #tpu.memory_space<vmem>>) semaphore(%arg38 : memref<!tpu.dma_semaphore, #tpu.memory_space<semaphore_mem>>) {add = true}
      %mul3A_938 = arith.constant 4 : i32
      %mul3A_939 = arith.muli %scan3A_707, %mul3A_938 : i32
      %add3A_940 = arith.constant 3 : i32
      %add3A_941 = arith.addi %mul3A_939, %add3A_940 : i32
      %dma_wait3A_942 = arith.constant 0 : i32
      %dma_wait3A_943 = arith.constant 0 : i32
      %dma_wait3A_944 = tpu.memref_slice %arg2[%dma_wait3A_942, %dma_wait3A_943] : memref<10000x128xf32, #tpu.memory_space<hbm>> -> memref<10000x128xf32, #tpu.memory_space<hbm>>
      tpu.wait_indirect_dma semaphore(%arg35 : memref<!tpu.dma_semaphore, #tpu.memory_space<semaphore_mem>>) src(%dma_wait3A_944 : memref<10000x128xf32, #tpu.memory_space<hbm>>) dst(%arg22 : memref<40x128xf32, #tpu.memory_space<vmem>>)
      %dma_wait3A_945 = arith.constant 0 : i32
      %dma_wait3A_946 = arith.constant 0 : i32
      %dma_wait3A_947 = tpu.memref_slice %arg3[%dma_wait3A_945, %dma_wait3A_946] : memref<320000x128xf32, #tpu.memory_space<hbm>> -> memref<40x128xf32, #tpu.memory_space<hbm>>
      %dma_wait3A_948 = arith.constant 0 : i32
      %dma_wait3A_949 = arith.constant 0 : i32
      %dma_wait3A_950 = tpu.memref_slice %arg3[%dma_wait3A_948, %dma_wait3A_949] : memref<320000x128xf32, #tpu.memory_space<hbm>> -> memref<40x128xf32, #tpu.memory_space<hbm>>
      tpu.wait_dma2 semaphore(%arg31 : memref<!tpu.dma_semaphore, #tpu.memory_space<semaphore_mem>>) src(%dma_wait3A_950 : memref<40x128xf32, #tpu.memory_space<hbm>>) dst(%arg18 : memref<40x128xf32, #tpu.memory_space<vmem>>)
      %get3A_951 = arith.constant 0 : index
      %get3A_952 = tpu.vector_load %arg10[%get3A_951] {strides = array<i32>} : memref<40xi32, #tpu.memory_space<vmem>>, vector<16xi32>,
      %get3A_953 = vector.shape_cast %get3A_952 : vector<16xi32> to vector<16xi32>
      %swap3A_954 = arith.constant 0 : index
      %swap3A_955 = tpu.vector_load %arg14[%swap3A_954] {strides = array<i32>} : memref<40xi32, #tpu.memory_space<vmem>>, vector<16xi32>,
      %swap3A_956 = vector.shape_cast %swap3A_955 : vector<16xi32> to vector<16xi32>
      %swap3A_957 = vector.shape_cast %get3A_953 : vector<16xi32> to vector<16xi32>
      tpu.vector_store %arg14[%swap3A_954], %swap3A_957 {strides = array<i32>} : memref<40xi32, #tpu.memory_space<vmem>>, vector<16xi32>,
      %get3A_958 = arith.constant 16 : index
      %get3A_959 = tpu.vector_load %arg10[%get3A_958] {strides = array<i32>} : memref<40xi32, #tpu.memory_space<vmem>>, vector<16xi32>,
      %get3A_960 = vector.shape_cast %get3A_959 : vector<16xi32> to vector<16xi32>
      %swap3A_961 = arith.constant 16 : index
      %swap3A_962 = tpu.vector_load %arg14[%swap3A_961] {strides = array<i32>} : memref<40xi32, #tpu.memory_space<vmem>>, vector<16xi32>,
      %swap3A_963 = vector.shape_cast %swap3A_962 : vector<16xi32> to vector<16xi32>
      %swap3A_964 = vector.shape_cast %get3A_960 : vector<16xi32> to vector<16xi32>
      tpu.vector_store %arg14[%swap3A_961], %swap3A_964 {strides = array<i32>} : memref<40xi32, #tpu.memory_space<vmem>>, vector<16xi32>,
      %get3A_965 = arith.constant 24 : index
      %get3A_966 = tpu.vector_load %arg10[%get3A_965] {strides = array<i32>} : memref<40xi32, #tpu.memory_space<vmem>>, vector<16xi32>,
      %get3A_967 = vector.shape_cast %get3A_966 : vector<16xi32> to vector<16xi32>
      %swap3A_968 = arith.constant 24 : index
      %swap3A_969 = tpu.vector_load %arg14[%swap3A_968] {strides = array<i32>} : memref<40xi32, #tpu.memory_space<vmem>>, vector<16xi32>,
      %swap3A_970 = vector.shape_cast %swap3A_969 : vector<16xi32> to vector<16xi32>
      %swap3A_971 = vector.shape_cast %get3A_967 : vector<16xi32> to vector<16xi32>
      tpu.vector_store %arg14[%swap3A_968], %swap3A_971 {strides = array<i32>} : memref<40xi32, #tpu.memory_space<vmem>>, vector<16xi32>,
      %add3A_972 = arith.constant 2 : i32
      %add3A_973 = arith.addi %add3A_941, %add3A_972 : i32
      %mul3A_974 = arith.constant 40 : i32
      %mul3A_975 = arith.muli %add3A_973, %mul3A_974 : i32
      %add3A_976 = arith.addi %mul3A_2, %mul3A_975 : i32
      %dma_start3A_977 = tpu.memref_slice %arg4[%add3A_976] : memref<320000xi32, #tpu.memory_space<hbm>> -> memref<40xi32, #tpu.memory_space<hbm>>
      %dma_start3A_978 = tpu.memref_slice %arg4[%add3A_976] : memref<320000xi32, #tpu.memory_space<hbm>> -> memref<40xi32, #tpu.memory_space<hbm>>
      tpu.enqueue_dma source(%dma_start3A_978 : memref<40xi32, #tpu.memory_space<hbm>>) target(%arg8 : memref<40xi32, #tpu.memory_space<vmem>>) target_semaphore(%arg25 : memref<!tpu.dma_semaphore, #tpu.memory_space<semaphore_mem>>)
      %dma_start3A_979 = tpu.memref_slice %arg5[%add3A_976] : memref<320000xi32, #tpu.memory_space<hbm>> -> memref<40xi32, #tpu.memory_space<hbm>>
      %dma_start3A_980 = tpu.memref_slice %arg5[%add3A_976] : memref<320000xi32, #tpu.memory_space<hbm>> -> memref<40xi32, #tpu.memory_space<hbm>>
      tpu.enqueue_dma source(%dma_start3A_980 : memref<40xi32, #tpu.memory_space<hbm>>) target(%arg10 : memref<40xi32, #tpu.memory_space<vmem>>) target_semaphore(%arg27 : memref<!tpu.dma_semaphore, #tpu.memory_space<semaphore_mem>>)
      %dma_wait3A_981 = arith.constant 0 : i32
      %dma_wait3A_982 = tpu.memref_slice %arg4[%dma_wait3A_981] : memref<320000xi32, #tpu.memory_space<hbm>> -> memref<40xi32, #tpu.memory_space<hbm>>
      %dma_wait3A_983 = arith.constant 0 : i32
      %dma_wait3A_984 = tpu.memref_slice %arg4[%dma_wait3A_983] : memref<320000xi32, #tpu.memory_space<hbm>> -> memref<40xi32, #tpu.memory_space<hbm>>
      tpu.wait_dma2 semaphore(%arg24 : memref<!tpu.dma_semaphore, #tpu.memory_space<semaphore_mem>>) src(%dma_wait3A_984 : memref<40xi32, #tpu.memory_space<hbm>>) dst(%arg7 : memref<40xi32, #tpu.memory_space<vmem>>)
      %dma_wait3A_985 = arith.constant 0 : i32
      %dma_wait3A_986 = tpu.memref_slice %arg5[%dma_wait3A_985] : memref<320000xi32, #tpu.memory_space<hbm>> -> memref<40xi32, #tpu.memory_space<hbm>>
      %dma_wait3A_987 = arith.constant 0 : i32
      %dma_wait3A_988 = tpu.memref_slice %arg5[%dma_wait3A_987] : memref<320000xi32, #tpu.memory_space<hbm>> -> memref<40xi32, #tpu.memory_space<hbm>>
      tpu.wait_dma2 semaphore(%arg26 : memref<!tpu.dma_semaphore, #tpu.memory_space<semaphore_mem>>) src(%dma_wait3A_988 : memref<40xi32, #tpu.memory_space<hbm>>) dst(%arg9 : memref<40xi32, #tpu.memory_space<vmem>>)
      %add3A_989 = arith.constant 1 : i32
      %add3A_990 = arith.addi %add3A_941, %add3A_989 : i32
      %mul3A_991 = arith.constant 40 : i32
      %mul3A_992 = arith.muli %add3A_990, %mul3A_991 : i32
      %add3A_993 = arith.addi %mul3A_2, %mul3A_992 : i32
      %dma_start3A_994 = arith.constant 0 : i32
      %dma_start3A_995 = tpu.memref_slice %arg3[%add3A_993, %dma_start3A_994] : memref<320000x128xf32, #tpu.memory_space<hbm>> -> memref<40x128xf32, #tpu.memory_space<hbm>>
      %dma_start3A_996 = arith.constant 0 : i32
      %dma_start3A_997 = tpu.memref_slice %arg3[%add3A_993, %dma_start3A_996] : memref<320000x128xf32, #tpu.memory_space<hbm>> -> memref<40x128xf32, #tpu.memory_space<hbm>>
      tpu.enqueue_dma source(%dma_start3A_997 : memref<40x128xf32, #tpu.memory_space<hbm>>) target(%arg15 : memref<40x128xf32, #tpu.memory_space<vmem>>) target_semaphore(%arg28 : memref<!tpu.dma_semaphore, #tpu.memory_space<semaphore_mem>>)
      %ge3A_998 = arith.constant 3 : i32
      %ge3A_999 = arith.cmpi sge, %add3A_941, %ge3A_998 : i32
      %convert_element_type3A_1000 = arith.extui %ge3A_999 : i1 to i32
      %cond3A_1001 = arith.constant 0 : i32
      %cond3A_1002 = arith.cmpi ne, %convert_element_type3A_1000, %cond3A_1001 : i32
      scf.if %cond3A_1002 {
        %dma_wait3A_1015 = arith.constant 0 : i32
        %dma_wait3A_1016 = arith.constant 0 : i32
        %dma_wait3A_1017 = tpu.memref_slice %arg23[%dma_wait3A_1015, %dma_wait3A_1016] : memref<10000x128xf32, #tpu.memory_space<vmem_shared>> -> memref<10000x128xf32, #tpu.memory_space<vmem_shared>>
        tpu.wait_indirect_dma semaphore(%arg36 : memref<!tpu.dma_semaphore, #tpu.memory_space<semaphore_mem>>) src(%arg19 : memref<40x128xf32, #tpu.memory_space<vmem>>) dst(%dma_wait3A_1017 : memref<10000x128xf32, #tpu.memory_space<vmem_shared>>)
      } else {
      }
      %dma_start3A_1003 = arith.constant 0 : i32
      %dma_start3A_1004 = arith.constant 0 : i32
      %dma_start3A_1005 = tpu.memref_slice %arg2[%dma_start3A_1003, %dma_start3A_1004] : memref<10000x128xf32, #tpu.memory_space<hbm>> -> memref<10000x128xf32, #tpu.memory_space<hbm>>
      tpu.enqueue_indirect_dma source(%dma_start3A_1005 : memref<10000x128xf32, #tpu.memory_space<hbm>>) target(%arg19 : memref<40x128xf32, #tpu.memory_space<vmem>>) offsets(%arg7 : memref<40xi32, #tpu.memory_space<vmem>>) semaphore(%arg32 : memref<!tpu.dma_semaphore, #tpu.memory_space<semaphore_mem>>)
      %scan3A_1006 = arith.constant 0 : i32
      %scan3A_1007 = arith.constant 0 : i32
      %scan3A_1008 = arith.constant 40 : i32
      %scan3A_1009 = arith.addi %scan3A_1007, %scan3A_1008 : i32
      %scan3A_1010 = arith.constant 1 : i32
      scf.for %scan3A_1015 = %scan3A_1007 to %scan3A_1009 step %scan3A_1010  : i32 {
        %get3A_1016 = arith.index_cast %scan3A_1015 : i32 to index
        %get3A_1017 = arith.constant 0 : index
        %get3A_1018 = tpu.vector_load %arg22[%get3A_1016, %get3A_1017] {strides = array<i32>} : memref<40x128xf32, #tpu.memory_space<vmem>>, vector<1x16xf32>,
        %get3A_1019 = vector.shape_cast %get3A_1018 : vector<1x16xf32> to vector<16xf32>
        %get3A_1020 = arith.index_cast %scan3A_1015 : i32 to index
        %get3A_1021 = arith.constant 0 : index
        %get3A_1022 = tpu.vector_load %arg18[%get3A_1020, %get3A_1021] {strides = array<i32>} : memref<40x128xf32, #tpu.memory_space<vmem>>, vector<1x16xf32>,
        %get3A_1023 = vector.shape_cast %get3A_1022 : vector<1x16xf32> to vector<16xf32>
        %add3A_1024 = arith.addf %get3A_1019, %get3A_1023 : vector<16xf32>
        %neg3A = arith.constant 0.000000e+00 : f32
        %neg3A_1025 = vector.broadcast %neg3A : f32 to vector<16xf32>
        %neg3A_1026 = arith.subf %neg3A_1025, %add3A_1024 : vector<16xf32>
        %exp3A = math.exp %neg3A_1026 : vector<16xf32>
        %add3A_1027 = arith.constant 1.000000e+00 : f32
        %add3A_1028 = vector.broadcast %add3A_1027 : f32 to vector<16xf32>
        %add3A_1029 = arith.addf %add3A_1028, %exp3A : vector<16xf32>
        %div3A = arith.divf %add3A_1024, %add3A_1029 : vector<16xf32>
        %swap3A_1030 = arith.index_cast %scan3A_1015 : i32 to index
        %swap3A_1031 = arith.constant 0 : index
        %swap3A_1032 = tpu.vector_load %arg22[%swap3A_1030, %swap3A_1031] {strides = array<i32>} : memref<40x128xf32, #tpu.memory_space<vmem>>, vector<1x16xf32>,
        %swap3A_1033 = vector.shape_cast %swap3A_1032 : vector<1x16xf32> to vector<16xf32>
        %swap3A_1034 = vector.shape_cast %div3A : vector<16xf32> to vector<1x16xf32>
        tpu.vector_store %arg22[%swap3A_1030, %swap3A_1031], %swap3A_1034 {strides = array<i32>} : memref<40x128xf32, #tpu.memory_space<vmem>>, vector<1x16xf32>,
        %get3A_1035 = arith.index_cast %scan3A_1015 : i32 to index
        %get3A_1036 = arith.constant 16 : index
        %get3A_1037 = tpu.vector_load %arg22[%get3A_1035, %get3A_1036] {strides = array<i32>} : memref<40x128xf32, #tpu.memory_space<vmem>>, vector<1x16xf32>,
        %get3A_1038 = vector.shape_cast %get3A_1037 : vector<1x16xf32> to vector<16xf32>
        %get3A_1039 = arith.index_cast %scan3A_1015 : i32 to index
        %get3A_1040 = arith.constant 16 : index
        %get3A_1041 = tpu.vector_load %arg18[%get3A_1039, %get3A_1040] {strides = array<i32>} : memref<40x128xf32, #tpu.memory_space<vmem>>, vector<1x16xf32>,
        %get3A_1042 = vector.shape_cast %get3A_1041 : vector<1x16xf32> to vector<16xf32>
        %add3A_1043 = arith.addf %get3A_1038, %get3A_1042 : vector<16xf32>
        %neg3A_1044 = arith.constant 0.000000e+00 : f32
        %neg3A_1045 = vector.broadcast %neg3A_1044 : f32 to vector<16xf32>
        %neg3A_1046 = arith.subf %neg3A_1045, %add3A_1043 : vector<16xf32>
        %exp3A_1047 = math.exp %neg3A_1046 : vector<16xf32>
        %add3A_1048 = arith.constant 1.000000e+00 : f32
        %add3A_1049 = vector.broadcast %add3A_1048 : f32 to vector<16xf32>
        %add3A_1050 = arith.addf %add3A_1049, %exp3A_1047 : vector<16xf32>
        %div3A_1051 = arith.divf %add3A_1043, %add3A_1050 : vector<16xf32>
        %swap3A_1052 = arith.index_cast %scan3A_1015 : i32 to index
        %swap3A_1053 = arith.constant 16 : index
        %swap3A_1054 = tpu.vector_load %arg22[%swap3A_1052, %swap3A_1053] {strides = array<i32>} : memref<40x128xf32, #tpu.memory_space<vmem>>, vector<1x16xf32>,
        %swap3A_1055 = vector.shape_cast %swap3A_1054 : vector<1x16xf32> to vector<16xf32>
        %swap3A_1056 = vector.shape_cast %div3A_1051 : vector<16xf32> to vector<1x16xf32>
        tpu.vector_store %arg22[%swap3A_1052, %swap3A_1053], %swap3A_1056 {strides = array<i32>} : memref<40x128xf32, #tpu.memory_space<vmem>>, vector<1x16xf32>,
        %get3A_1057 = arith.index_cast %scan3A_1015 : i32 to index
        %get3A_1058 = arith.constant 32 : index
        %get3A_1059 = tpu.vector_load %arg22[%get3A_1057, %get3A_1058] {strides = array<i32>} : memref<40x128xf32, #tpu.memory_space<vmem>>, vector<1x16xf32>,
        %get3A_1060 = vector.shape_cast %get3A_1059 : vector<1x16xf32> to vector<16xf32>
        %get3A_1061 = arith.index_cast %scan3A_1015 : i32 to index
        %get3A_1062 = arith.constant 32 : index
        %get3A_1063 = tpu.vector_load %arg18[%get3A_1061, %get3A_1062] {strides = array<i32>} : memref<40x128xf32, #tpu.memory_space<vmem>>, vector<1x16xf32>,
        %get3A_1064 = vector.shape_cast %get3A_1063 : vector<1x16xf32> to vector<16xf32>
        %add3A_1065 = arith.addf %get3A_1060, %get3A_1064 : vector<16xf32>
        %neg3A_1066 = arith.constant 0.000000e+00 : f32
        %neg3A_1067 = vector.broadcast %neg3A_1066 : f32 to vector<16xf32>
        %neg3A_1068 = arith.subf %neg3A_1067, %add3A_1065 : vector<16xf32>
        %exp3A_1069 = math.exp %neg3A_1068 : vector<16xf32>
        %add3A_1070 = arith.constant 1.000000e+00 : f32
        %add3A_1071 = vector.broadcast %add3A_1070 : f32 to vector<16xf32>
        %add3A_1072 = arith.addf %add3A_1071, %exp3A_1069 : vector<16xf32>
        %div3A_1073 = arith.divf %add3A_1065, %add3A_1072 : vector<16xf32>
        %swap3A_1074 = arith.index_cast %scan3A_1015 : i32 to index
        %swap3A_1075 = arith.constant 32 : index
        %swap3A_1076 = tpu.vector_load %arg22[%swap3A_1074, %swap3A_1075] {strides = array<i32>} : memref<40x128xf32, #tpu.memory_space<vmem>>, vector<1x16xf32>,
        %swap3A_1077 = vector.shape_cast %swap3A_1076 : vector<1x16xf32> to vector<16xf32>
        %swap3A_1078 = vector.shape_cast %div3A_1073 : vector<16xf32> to vector<1x16xf32>
        tpu.vector_store %arg22[%swap3A_1074, %swap3A_1075], %swap3A_1078 {strides = array<i32>} : memref<40x128xf32, #tpu.memory_space<vmem>>, vector<1x16xf32>,
        %get3A_1079 = arith.index_cast %scan3A_1015 : i32 to index
        %get3A_1080 = arith.constant 48 : index
        %get3A_1081 = tpu.vector_load %arg22[%get3A_1079, %get3A_1080] {strides = array<i32>} : memref<40x128xf32, #tpu.memory_space<vmem>>, vector<1x16xf32>,
        %get3A_1082 = vector.shape_cast %get3A_1081 : vector<1x16xf32> to vector<16xf32>
        %get3A_1083 = arith.index_cast %scan3A_1015 : i32 to index
        %get3A_1084 = arith.constant 48 : index
        %get3A_1085 = tpu.vector_load %arg18[%get3A_1083, %get3A_1084] {strides = array<i32>} : memref<40x128xf32, #tpu.memory_space<vmem>>, vector<1x16xf32>,
        %get3A_1086 = vector.shape_cast %get3A_1085 : vector<1x16xf32> to vector<16xf32>
        %add3A_1087 = arith.addf %get3A_1082, %get3A_1086 : vector<16xf32>
        %neg3A_1088 = arith.constant 0.000000e+00 : f32
        %neg3A_1089 = vector.broadcast %neg3A_1088 : f32 to vector<16xf32>
        %neg3A_1090 = arith.subf %neg3A_1089, %add3A_1087 : vector<16xf32>
        %exp3A_1091 = math.exp %neg3A_1090 : vector<16xf32>
        %add3A_1092 = arith.constant 1.000000e+00 : f32
        %add3A_1093 = vector.broadcast %add3A_1092 : f32 to vector<16xf32>
        %add3A_1094 = arith.addf %add3A_1093, %exp3A_1091 : vector<16xf32>
        %div3A_1095 = arith.divf %add3A_1087, %add3A_1094 : vector<16xf32>
        %swap3A_1096 = arith.index_cast %scan3A_1015 : i32 to index
        %swap3A_1097 = arith.constant 48 : index
        %swap3A_1098 = tpu.vector_load %arg22[%swap3A_1096, %swap3A_1097] {strides = array<i32>} : memref<40x128xf32, #tpu.memory_space<vmem>>, vector<1x16xf32>,
        %swap3A_1099 = vector.shape_cast %swap3A_1098 : vector<1x16xf32> to vector<16xf32>
        %swap3A_1100 = vector.shape_cast %div3A_1095 : vector<16xf32> to vector<1x16xf32>
        tpu.vector_store %arg22[%swap3A_1096, %swap3A_1097], %swap3A_1100 {strides = array<i32>} : memref<40x128xf32, #tpu.memory_space<vmem>>, vector<1x16xf32>,
        %get3A_1101 = arith.index_cast %scan3A_1015 : i32 to index
        %get3A_1102 = arith.constant 64 : index
        %get3A_1103 = tpu.vector_load %arg22[%get3A_1101, %get3A_1102] {strides = array<i32>} : memref<40x128xf32, #tpu.memory_space<vmem>>, vector<1x16xf32>,
        %get3A_1104 = vector.shape_cast %get3A_1103 : vector<1x16xf32> to vector<16xf32>
        %get3A_1105 = arith.index_cast %scan3A_1015 : i32 to index
        %get3A_1106 = arith.constant 64 : index
        %get3A_1107 = tpu.vector_load %arg18[%get3A_1105, %get3A_1106] {strides = array<i32>} : memref<40x128xf32, #tpu.memory_space<vmem>>, vector<1x16xf32>,
        %get3A_1108 = vector.shape_cast %get3A_1107 : vector<1x16xf32> to vector<16xf32>
        %add3A_1109 = arith.addf %get3A_1104, %get3A_1108 : vector<16xf32>
        %neg3A_1110 = arith.constant 0.000000e+00 : f32
        %neg3A_1111 = vector.broadcast %neg3A_1110 : f32 to vector<16xf32>
        %neg3A_1112 = arith.subf %neg3A_1111, %add3A_1109 : vector<16xf32>
        %exp3A_1113 = math.exp %neg3A_1112 : vector<16xf32>
        %add3A_1114 = arith.constant 1.000000e+00 : f32
        %add3A_1115 = vector.broadcast %add3A_1114 : f32 to vector<16xf32>
        %add3A_1116 = arith.addf %add3A_1115, %exp3A_1113 : vector<16xf32>
        %div3A_1117 = arith.divf %add3A_1109, %add3A_1116 : vector<16xf32>
        %swap3A_1118 = arith.index_cast %scan3A_1015 : i32 to index
        %swap3A_1119 = arith.constant 64 : index
        %swap3A_1120 = tpu.vector_load %arg22[%swap3A_1118, %swap3A_1119] {strides = array<i32>} : memref<40x128xf32, #tpu.memory_space<vmem>>, vector<1x16xf32>,
        %swap3A_1121 = vector.shape_cast %swap3A_1120 : vector<1x16xf32> to vector<16xf32>
        %swap3A_1122 = vector.shape_cast %div3A_1117 : vector<16xf32> to vector<1x16xf32>
        tpu.vector_store %arg22[%swap3A_1118, %swap3A_1119], %swap3A_1122 {strides = array<i32>} : memref<40x128xf32, #tpu.memory_space<vmem>>, vector<1x16xf32>,
        %get3A_1123 = arith.index_cast %scan3A_1015 : i32 to index
        %get3A_1124 = arith.constant 80 : index
        %get3A_1125 = tpu.vector_load %arg22[%get3A_1123, %get3A_1124] {strides = array<i32>} : memref<40x128xf32, #tpu.memory_space<vmem>>, vector<1x16xf32>,
        %get3A_1126 = vector.shape_cast %get3A_1125 : vector<1x16xf32> to vector<16xf32>
        %get3A_1127 = arith.index_cast %scan3A_1015 : i32 to index
        %get3A_1128 = arith.constant 80 : index
        %get3A_1129 = tpu.vector_load %arg18[%get3A_1127, %get3A_1128] {strides = array<i32>} : memref<40x128xf32, #tpu.memory_space<vmem>>, vector<1x16xf32>,
        %get3A_1130 = vector.shape_cast %get3A_1129 : vector<1x16xf32> to vector<16xf32>
        %add3A_1131 = arith.addf %get3A_1126, %get3A_1130 : vector<16xf32>
        %neg3A_1132 = arith.constant 0.000000e+00 : f32
        %neg3A_1133 = vector.broadcast %neg3A_1132 : f32 to vector<16xf32>
        %neg3A_1134 = arith.subf %neg3A_1133, %add3A_1131 : vector<16xf32>
        %exp3A_1135 = math.exp %neg3A_1134 : vector<16xf32>
        %add3A_1136 = arith.constant 1.000000e+00 : f32
        %add3A_1137 = vector.broadcast %add3A_1136 : f32 to vector<16xf32>
        %add3A_1138 = arith.addf %add3A_1137, %exp3A_1135 : vector<16xf32>
        %div3A_1139 = arith.divf %add3A_1131, %add3A_1138 : vector<16xf32>
        %swap3A_1140 = arith.index_cast %scan3A_1015 : i32 to index
        %swap3A_1141 = arith.constant 80 : index
        %swap3A_1142 = tpu.vector_load %arg22[%swap3A_1140, %swap3A_1141] {strides = array<i32>} : memref<40x128xf32, #tpu.memory_space<vmem>>, vector<1x16xf32>,
        %swap3A_1143 = vector.shape_cast %swap3A_1142 : vector<1x16xf32> to vector<16xf32>
        %swap3A_1144 = vector.shape_cast %div3A_1139 : vector<16xf32> to vector<1x16xf32>
        tpu.vector_store %arg22[%swap3A_1140, %swap3A_1141], %swap3A_1144 {strides = array<i32>} : memref<40x128xf32, #tpu.memory_space<vmem>>, vector<1x16xf32>,
        %get3A_1145 = arith.index_cast %scan3A_1015 : i32 to index
        %get3A_1146 = arith.constant 96 : index
        %get3A_1147 = tpu.vector_load %arg22[%get3A_1145, %get3A_1146] {strides = array<i32>} : memref<40x128xf32, #tpu.memory_space<vmem>>, vector<1x16xf32>,
        %get3A_1148 = vector.shape_cast %get3A_1147 : vector<1x16xf32> to vector<16xf32>
        %get3A_1149 = arith.index_cast %scan3A_1015 : i32 to index
        %get3A_1150 = arith.constant 96 : index
        %get3A_1151 = tpu.vector_load %arg18[%get3A_1149, %get3A_1150] {strides = array<i32>} : memref<40x128xf32, #tpu.memory_space<vmem>>, vector<1x16xf32>,
        %get3A_1152 = vector.shape_cast %get3A_1151 : vector<1x16xf32> to vector<16xf32>
        %add3A_1153 = arith.addf %get3A_1148, %get3A_1152 : vector<16xf32>
        %neg3A_1154 = arith.constant 0.000000e+00 : f32
        %neg3A_1155 = vector.broadcast %neg3A_1154 : f32 to vector<16xf32>
        %neg3A_1156 = arith.subf %neg3A_1155, %add3A_1153 : vector<16xf32>
        %exp3A_1157 = math.exp %neg3A_1156 : vector<16xf32>
        %add3A_1158 = arith.constant 1.000000e+00 : f32
        %add3A_1159 = vector.broadcast %add3A_1158 : f32 to vector<16xf32>
        %add3A_1160 = arith.addf %add3A_1159, %exp3A_1157 : vector<16xf32>
        %div3A_1161 = arith.divf %add3A_1153, %add3A_1160 : vector<16xf32>
        %swap3A_1162 = arith.index_cast %scan3A_1015 : i32 to index
        %swap3A_1163 = arith.constant 96 : index
        %swap3A_1164 = tpu.vector_load %arg22[%swap3A_1162, %swap3A_1163] {strides = array<i32>} : memref<40x128xf32, #tpu.memory_space<vmem>>, vector<1x16xf32>,
        %swap3A_1165 = vector.shape_cast %swap3A_1164 : vector<1x16xf32> to vector<16xf32>
        %swap3A_1166 = vector.shape_cast %div3A_1161 : vector<16xf32> to vector<1x16xf32>
        tpu.vector_store %arg22[%swap3A_1162, %swap3A_1163], %swap3A_1166 {strides = array<i32>} : memref<40x128xf32, #tpu.memory_space<vmem>>, vector<1x16xf32>,
        %get3A_1167 = arith.index_cast %scan3A_1015 : i32 to index
        %get3A_1168 = arith.constant 112 : index
        %get3A_1169 = tpu.vector_load %arg22[%get3A_1167, %get3A_1168] {strides = array<i32>} : memref<40x128xf32, #tpu.memory_space<vmem>>, vector<1x16xf32>,
        %get3A_1170 = vector.shape_cast %get3A_1169 : vector<1x16xf32> to vector<16xf32>
        %get3A_1171 = arith.index_cast %scan3A_1015 : i32 to index
        %get3A_1172 = arith.constant 112 : index
        %get3A_1173 = tpu.vector_load %arg18[%get3A_1171, %get3A_1172] {strides = array<i32>} : memref<40x128xf32, #tpu.memory_space<vmem>>, vector<1x16xf32>,
        %get3A_1174 = vector.shape_cast %get3A_1173 : vector<1x16xf32> to vector<16xf32>
        %add3A_1175 = arith.addf %get3A_1170, %get3A_1174 : vector<16xf32>
        %neg3A_1176 = arith.constant 0.000000e+00 : f32
        %neg3A_1177 = vector.broadcast %neg3A_1176 : f32 to vector<16xf32>
        %neg3A_1178 = arith.subf %neg3A_1177, %add3A_1175 : vector<16xf32>
        %exp3A_1179 = math.exp %neg3A_1178 : vector<16xf32>
        %add3A_1180 = arith.constant 1.000000e+00 : f32
        %add3A_1181 = vector.broadcast %add3A_1180 : f32 to vector<16xf32>
        %add3A_1182 = arith.addf %add3A_1181, %exp3A_1179 : vector<16xf32>
        %div3A_1183 = arith.divf %add3A_1175, %add3A_1182 : vector<16xf32>
        %swap3A_1184 = arith.index_cast %scan3A_1015 : i32 to index
        %swap3A_1185 = arith.constant 112 : index
        %swap3A_1186 = tpu.vector_load %arg22[%swap3A_1184, %swap3A_1185] {strides = array<i32>} : memref<40x128xf32, #tpu.memory_space<vmem>>, vector<1x16xf32>,
        %swap3A_1187 = vector.shape_cast %swap3A_1186 : vector<1x16xf32> to vector<16xf32>
        %swap3A_1188 = vector.shape_cast %div3A_1183 : vector<16xf32> to vector<1x16xf32>
        tpu.vector_store %arg22[%swap3A_1184, %swap3A_1185], %swap3A_1188 {strides = array<i32>} : memref<40x128xf32, #tpu.memory_space<vmem>>, vector<1x16xf32>,
      }
      %scan3A_1011 = arith.constant 40 : i32
      %dma_start3A_1012 = arith.constant 0 : i32
      %dma_start3A_1013 = arith.constant 0 : i32
      %dma_start3A_1014 = tpu.memref_slice %arg23[%dma_start3A_1012, %dma_start3A_1013] : memref<10000x128xf32, #tpu.memory_space<vmem_shared>> -> memref<10000x128xf32, #tpu.memory_space<vmem_shared>>
      tpu.enqueue_indirect_dma source(%arg22 : memref<40x128xf32, #tpu.memory_space<vmem>>) target(%dma_start3A_1014 : memref<10000x128xf32, #tpu.memory_space<vmem_shared>>) offsets(%arg14 : memref<40xi32, #tpu.memory_space<vmem>>) semaphore(%arg39 : memref<!tpu.dma_semaphore, #tpu.memory_space<semaphore_mem>>) {add = true}
    }
    %scan3A_261 = arith.constant 62 : i32
    %dma_wait3A_262 = arith.constant 0 : i32
    %dma_wait3A_263 = arith.constant 0 : i32
    %dma_wait3A_264 = tpu.memref_slice %arg2[%dma_wait3A_262, %dma_wait3A_263] : memref<10000x128xf32, #tpu.memory_space<hbm>> -> memref<10000x128xf32, #tpu.memory_space<hbm>>
    tpu.wait_indirect_dma semaphore(%arg32 : memref<!tpu.dma_semaphore, #tpu.memory_space<semaphore_mem>>) src(%dma_wait3A_264 : memref<10000x128xf32, #tpu.memory_space<hbm>>) dst(%arg19 : memref<40x128xf32, #tpu.memory_space<vmem>>)
    %dma_wait3A_265 = arith.constant 0 : i32
    %dma_wait3A_266 = arith.constant 0 : i32
    %dma_wait3A_267 = tpu.memref_slice %arg3[%dma_wait3A_265, %dma_wait3A_266] : memref<320000x128xf32, #tpu.memory_space<hbm>> -> memref<40x128xf32, #tpu.memory_space<hbm>>
    %dma_wait3A_268 = arith.constant 0 : i32
    %dma_wait3A_269 = arith.constant 0 : i32
    %dma_wait3A_270 = tpu.memref_slice %arg3[%dma_wait3A_268, %dma_wait3A_269] : memref<320000x128xf32, #tpu.memory_space<hbm>> -> memref<40x128xf32, #tpu.memory_space<hbm>>
    tpu.wait_dma2 semaphore(%arg28 : memref<!tpu.dma_semaphore, #tpu.memory_space<semaphore_mem>>) src(%dma_wait3A_270 : memref<40x128xf32, #tpu.memory_space<hbm>>) dst(%arg15 : memref<40x128xf32, #tpu.memory_space<vmem>>)
    %get3A = arith.constant 0 : index
    %get3A_271 = tpu.vector_load %arg9[%get3A] {strides = array<i32>} : memref<40xi32, #tpu.memory_space<vmem>>, vector<16xi32>,
    %get3A_272 = vector.shape_cast %get3A_271 : vector<16xi32> to vector<16xi32>
    %swap3A = arith.constant 0 : index
    %swap3A_273 = tpu.vector_load %arg11[%swap3A] {strides = array<i32>} : memref<40xi32, #tpu.memory_space<vmem>>, vector<16xi32>,
    %swap3A_274 = vector.shape_cast %swap3A_273 : vector<16xi32> to vector<16xi32>
    %swap3A_275 = vector.shape_cast %get3A_272 : vector<16xi32> to vector<16xi32>
    tpu.vector_store %arg11[%swap3A], %swap3A_275 {strides = array<i32>} : memref<40xi32, #tpu.memory_space<vmem>>, vector<16xi32>,
    %get3A_276 = arith.constant 16 : index
    %get3A_277 = tpu.vector_load %arg9[%get3A_276] {strides = array<i32>} : memref<40xi32, #tpu.memory_space<vmem>>, vector<16xi32>,
    %get3A_278 = vector.shape_cast %get3A_277 : vector<16xi32> to vector<16xi32>
    %swap3A_279 = arith.constant 16 : index
    %swap3A_280 = tpu.vector_load %arg11[%swap3A_279] {strides = array<i32>} : memref<40xi32, #tpu.memory_space<vmem>>, vector<16xi32>,
    %swap3A_281 = vector.shape_cast %swap3A_280 : vector<16xi32> to vector<16xi32>
    %swap3A_282 = vector.shape_cast %get3A_278 : vector<16xi32> to vector<16xi32>
    tpu.vector_store %arg11[%swap3A_279], %swap3A_282 {strides = array<i32>} : memref<40xi32, #tpu.memory_space<vmem>>, vector<16xi32>,
    %get3A_283 = arith.constant 24 : index
    %get3A_284 = tpu.vector_load %arg9[%get3A_283] {strides = array<i32>} : memref<40xi32, #tpu.memory_space<vmem>>, vector<16xi32>,
    %get3A_285 = vector.shape_cast %get3A_284 : vector<16xi32> to vector<16xi32>
    %swap3A_286 = arith.constant 24 : index
    %swap3A_287 = tpu.vector_load %arg11[%swap3A_286] {strides = array<i32>} : memref<40xi32, #tpu.memory_space<vmem>>, vector<16xi32>,
    %swap3A_288 = vector.shape_cast %swap3A_287 : vector<16xi32> to vector<16xi32>
    %swap3A_289 = vector.shape_cast %get3A_285 : vector<16xi32> to vector<16xi32>
    tpu.vector_store %arg11[%swap3A_286], %swap3A_289 {strides = array<i32>} : memref<40xi32, #tpu.memory_space<vmem>>, vector<16xi32>,
    %dma_wait3A_290 = arith.constant 0 : i32
    %dma_wait3A_291 = tpu.memref_slice %arg4[%dma_wait3A_290] : memref<320000xi32, #tpu.memory_space<hbm>> -> memref<40xi32, #tpu.memory_space<hbm>>
    %dma_wait3A_292 = arith.constant 0 : i32
    %dma_wait3A_293 = tpu.memref_slice %arg4[%dma_wait3A_292] : memref<320000xi32, #tpu.memory_space<hbm>> -> memref<40xi32, #tpu.memory_space<hbm>>
    tpu.wait_dma2 semaphore(%arg25 : memref<!tpu.dma_semaphore, #tpu.memory_space<semaphore_mem>>) src(%dma_wait3A_293 : memref<40xi32, #tpu.memory_space<hbm>>) dst(%arg8 : memref<40xi32, #tpu.memory_space<vmem>>)
    %dma_wait3A_294 = arith.constant 0 : i32
    %dma_wait3A_295 = tpu.memref_slice %arg5[%dma_wait3A_294] : memref<320000xi32, #tpu.memory_space<hbm>> -> memref<40xi32, #tpu.memory_space<hbm>>
    %dma_wait3A_296 = arith.constant 0 : i32
    %dma_wait3A_297 = tpu.memref_slice %arg5[%dma_wait3A_296] : memref<320000xi32, #tpu.memory_space<hbm>> -> memref<40xi32, #tpu.memory_space<hbm>>
    tpu.wait_dma2 semaphore(%arg27 : memref<!tpu.dma_semaphore, #tpu.memory_space<semaphore_mem>>) src(%dma_wait3A_297 : memref<40xi32, #tpu.memory_space<hbm>>) dst(%arg10 : memref<40xi32, #tpu.memory_space<vmem>>)
    %add3A_298 = arith.constant 9960 : i32
    %add3A_299 = arith.addi %mul3A_2, %add3A_298 : i32
    %dma_start3A_300 = arith.constant 0 : i32
    %dma_start3A_301 = tpu.memref_slice %arg3[%add3A_299, %dma_start3A_300] : memref<320000x128xf32, #tpu.memory_space<hbm>> -> memref<40x128xf32, #tpu.memory_space<hbm>>
    %dma_start3A_302 = arith.constant 0 : i32
    %dma_start3A_303 = tpu.memref_slice %arg3[%add3A_299, %dma_start3A_302] : memref<320000x128xf32, #tpu.memory_space<hbm>> -> memref<40x128xf32, #tpu.memory_space<hbm>>
    tpu.enqueue_dma source(%dma_start3A_303 : memref<40x128xf32, #tpu.memory_space<hbm>>) target(%arg16 : memref<40x128xf32, #tpu.memory_space<vmem>>) target_semaphore(%arg29 : memref<!tpu.dma_semaphore, #tpu.memory_space<semaphore_mem>>)
    %dma_wait3A_304 = arith.constant 0 : i32
    %dma_wait3A_305 = arith.constant 0 : i32
    %dma_wait3A_306 = tpu.memref_slice %arg23[%dma_wait3A_304, %dma_wait3A_305] : memref<10000x128xf32, #tpu.memory_space<vmem_shared>> -> memref<10000x128xf32, #tpu.memory_space<vmem_shared>>
    tpu.wait_indirect_dma semaphore(%arg37 : memref<!tpu.dma_semaphore, #tpu.memory_space<semaphore_mem>>) src(%arg20 : memref<40x128xf32, #tpu.memory_space<vmem>>) dst(%dma_wait3A_306 : memref<10000x128xf32, #tpu.memory_space<vmem_shared>>)
    %dma_start3A_307 = arith.constant 0 : i32
    %dma_start3A_308 = arith.constant 0 : i32
    %dma_start3A_309 = tpu.memref_slice %arg2[%dma_start3A_307, %dma_start3A_308] : memref<10000x128xf32, #tpu.memory_space<hbm>> -> memref<10000x128xf32, #tpu.memory_space<hbm>>
    tpu.enqueue_indirect_dma source(%dma_start3A_309 : memref<10000x128xf32, #tpu.memory_space<hbm>>) target(%arg20 : memref<40x128xf32, #tpu.memory_space<vmem>>) offsets(%arg8 : memref<40xi32, #tpu.memory_space<vmem>>) semaphore(%arg33 : memref<!tpu.dma_semaphore, #tpu.memory_space<semaphore_mem>>)
    %scan3A_310 = arith.constant 0 : i32
    %scan3A_311 = arith.constant 0 : i32
    %scan3A_312 = arith.constant 40 : i32
    %scan3A_313 = arith.addi %scan3A_311, %scan3A_312 : i32
    %scan3A_314 = arith.constant 1 : i32
    scf.for %scan3A_707 = %scan3A_311 to %scan3A_313 step %scan3A_314  : i32 {
      %get3A_708 = arith.index_cast %scan3A_707 : i32 to index
      %get3A_709 = arith.constant 0 : index
      %get3A_710 = tpu.vector_load %arg19[%get3A_708, %get3A_709] {strides = array<i32>} : memref<40x128xf32, #tpu.memory_space<vmem>>, vector<1x16xf32>,
      %get3A_711 = vector.shape_cast %get3A_710 : vector<1x16xf32> to vector<16xf32>
      %get3A_712 = arith.index_cast %scan3A_707 : i32 to index
      %get3A_713 = arith.constant 0 : index
      %get3A_714 = tpu.vector_load %arg15[%get3A_712, %get3A_713] {strides = array<i32>} : memref<40x128xf32, #tpu.memory_space<vmem>>, vector<1x16xf32>,
      %get3A_715 = vector.shape_cast %get3A_714 : vector<1x16xf32> to vector<16xf32>
      %add3A_716 = arith.addf %get3A_711, %get3A_715 : vector<16xf32>
      %neg3A = arith.constant 0.000000e+00 : f32
      %neg3A_717 = vector.broadcast %neg3A : f32 to vector<16xf32>
      %neg3A_718 = arith.subf %neg3A_717, %add3A_716 : vector<16xf32>
      %exp3A = math.exp %neg3A_718 : vector<16xf32>
      %add3A_719 = arith.constant 1.000000e+00 : f32
      %add3A_720 = vector.broadcast %add3A_719 : f32 to vector<16xf32>
      %add3A_721 = arith.addf %add3A_720, %exp3A : vector<16xf32>
      %div3A = arith.divf %add3A_716, %add3A_721 : vector<16xf32>
      %swap3A_722 = arith.index_cast %scan3A_707 : i32 to index
      %swap3A_723 = arith.constant 0 : index
      %swap3A_724 = tpu.vector_load %arg19[%swap3A_722, %swap3A_723] {strides = array<i32>} : memref<40x128xf32, #tpu.memory_space<vmem>>, vector<1x16xf32>,
      %swap3A_725 = vector.shape_cast %swap3A_724 : vector<1x16xf32> to vector<16xf32>
      %swap3A_726 = vector.shape_cast %div3A : vector<16xf32> to vector<1x16xf32>
      tpu.vector_store %arg19[%swap3A_722, %swap3A_723], %swap3A_726 {strides = array<i32>} : memref<40x128xf32, #tpu.memory_space<vmem>>, vector<1x16xf32>,
      %get3A_727 = arith.index_cast %scan3A_707 : i32 to index
      %get3A_728 = arith.constant 16 : index
      %get3A_729 = tpu.vector_load %arg19[%get3A_727, %get3A_728] {strides = array<i32>} : memref<40x128xf32, #tpu.memory_space<vmem>>, vector<1x16xf32>,
      %get3A_730 = vector.shape_cast %get3A_729 : vector<1x16xf32> to vector<16xf32>
      %get3A_731 = arith.index_cast %scan3A_707 : i32 to index
      %get3A_732 = arith.constant 16 : index
      %get3A_733 = tpu.vector_load %arg15[%get3A_731, %get3A_732] {strides = array<i32>} : memref<40x128xf32, #tpu.memory_space<vmem>>, vector<1x16xf32>,
      %get3A_734 = vector.shape_cast %get3A_733 : vector<1x16xf32> to vector<16xf32>
      %add3A_735 = arith.addf %get3A_730, %get3A_734 : vector<16xf32>
      %neg3A_736 = arith.constant 0.000000e+00 : f32
      %neg3A_737 = vector.broadcast %neg3A_736 : f32 to vector<16xf32>
      %neg3A_738 = arith.subf %neg3A_737, %add3A_735 : vector<16xf32>
      %exp3A_739 = math.exp %neg3A_738 : vector<16xf32>
      %add3A_740 = arith.constant 1.000000e+00 : f32
      %add3A_741 = vector.broadcast %add3A_740 : f32 to vector<16xf32>
      %add3A_742 = arith.addf %add3A_741, %exp3A_739 : vector<16xf32>
      %div3A_743 = arith.divf %add3A_735, %add3A_742 : vector<16xf32>
      %swap3A_744 = arith.index_cast %scan3A_707 : i32 to index
      %swap3A_745 = arith.constant 16 : index
      %swap3A_746 = tpu.vector_load %arg19[%swap3A_744, %swap3A_745] {strides = array<i32>} : memref<40x128xf32, #tpu.memory_space<vmem>>, vector<1x16xf32>,
      %swap3A_747 = vector.shape_cast %swap3A_746 : vector<1x16xf32> to vector<16xf32>
      %swap3A_748 = vector.shape_cast %div3A_743 : vector<16xf32> to vector<1x16xf32>
      tpu.vector_store %arg19[%swap3A_744, %swap3A_745], %swap3A_748 {strides = array<i32>} : memref<40x128xf32, #tpu.memory_space<vmem>>, vector<1x16xf32>,
      %get3A_749 = arith.index_cast %scan3A_707 : i32 to index
      %get3A_750 = arith.constant 32 : index
      %get3A_751 = tpu.vector_load %arg19[%get3A_749, %get3A_750] {strides = array<i32>} : memref<40x128xf32, #tpu.memory_space<vmem>>, vector<1x16xf32>,
      %get3A_752 = vector.shape_cast %get3A_751 : vector<1x16xf32> to vector<16xf32>
      %get3A_753 = arith.index_cast %scan3A_707 : i32 to index
      %get3A_754 = arith.constant 32 : index
      %get3A_755 = tpu.vector_load %arg15[%get3A_753, %get3A_754] {strides = array<i32>} : memref<40x128xf32, #tpu.memory_space<vmem>>, vector<1x16xf32>,
      %get3A_756 = vector.shape_cast %get3A_755 : vector<1x16xf32> to vector<16xf32>
      %add3A_757 = arith.addf %get3A_752, %get3A_756 : vector<16xf32>
      %neg3A_758 = arith.constant 0.000000e+00 : f32
      %neg3A_759 = vector.broadcast %neg3A_758 : f32 to vector<16xf32>
      %neg3A_760 = arith.subf %neg3A_759, %add3A_757 : vector<16xf32>
      %exp3A_761 = math.exp %neg3A_760 : vector<16xf32>
      %add3A_762 = arith.constant 1.000000e+00 : f32
      %add3A_763 = vector.broadcast %add3A_762 : f32 to vector<16xf32>
      %add3A_764 = arith.addf %add3A_763, %exp3A_761 : vector<16xf32>
      %div3A_765 = arith.divf %add3A_757, %add3A_764 : vector<16xf32>
      %swap3A_766 = arith.index_cast %scan3A_707 : i32 to index
      %swap3A_767 = arith.constant 32 : index
      %swap3A_768 = tpu.vector_load %arg19[%swap3A_766, %swap3A_767] {strides = array<i32>} : memref<40x128xf32, #tpu.memory_space<vmem>>, vector<1x16xf32>,
      %swap3A_769 = vector.shape_cast %swap3A_768 : vector<1x16xf32> to vector<16xf32>
      %swap3A_770 = vector.shape_cast %div3A_765 : vector<16xf32> to vector<1x16xf32>
      tpu.vector_store %arg19[%swap3A_766, %swap3A_767], %swap3A_770 {strides = array<i32>} : memref<40x128xf32, #tpu.memory_space<vmem>>, vector<1x16xf32>,
      %get3A_771 = arith.index_cast %scan3A_707 : i32 to index
      %get3A_772 = arith.constant 48 : index
      %get3A_773 = tpu.vector_load %arg19[%get3A_771, %get3A_772] {strides = array<i32>} : memref<40x128xf32, #tpu.memory_space<vmem>>, vector<1x16xf32>,
      %get3A_774 = vector.shape_cast %get3A_773 : vector<1x16xf32> to vector<16xf32>
      %get3A_775 = arith.index_cast %scan3A_707 : i32 to index
      %get3A_776 = arith.constant 48 : index
      %get3A_777 = tpu.vector_load %arg15[%get3A_775, %get3A_776] {strides = array<i32>} : memref<40x128xf32, #tpu.memory_space<vmem>>, vector<1x16xf32>,
      %get3A_778 = vector.shape_cast %get3A_777 : vector<1x16xf32> to vector<16xf32>
      %add3A_779 = arith.addf %get3A_774, %get3A_778 : vector<16xf32>
      %neg3A_780 = arith.constant 0.000000e+00 : f32
      %neg3A_781 = vector.broadcast %neg3A_780 : f32 to vector<16xf32>
      %neg3A_782 = arith.subf %neg3A_781, %add3A_779 : vector<16xf32>
      %exp3A_783 = math.exp %neg3A_782 : vector<16xf32>
      %add3A_784 = arith.constant 1.000000e+00 : f32
      %add3A_785 = vector.broadcast %add3A_784 : f32 to vector<16xf32>
      %add3A_786 = arith.addf %add3A_785, %exp3A_783 : vector<16xf32>
      %div3A_787 = arith.divf %add3A_779, %add3A_786 : vector<16xf32>
      %swap3A_788 = arith.index_cast %scan3A_707 : i32 to index
      %swap3A_789 = arith.constant 48 : index
      %swap3A_790 = tpu.vector_load %arg19[%swap3A_788, %swap3A_789] {strides = array<i32>} : memref<40x128xf32, #tpu.memory_space<vmem>>, vector<1x16xf32>,
      %swap3A_791 = vector.shape_cast %swap3A_790 : vector<1x16xf32> to vector<16xf32>
      %swap3A_792 = vector.shape_cast %div3A_787 : vector<16xf32> to vector<1x16xf32>
      tpu.vector_store %arg19[%swap3A_788, %swap3A_789], %swap3A_792 {strides = array<i32>} : memref<40x128xf32, #tpu.memory_space<vmem>>, vector<1x16xf32>,
      %get3A_793 = arith.index_cast %scan3A_707 : i32 to index
      %get3A_794 = arith.constant 64 : index
      %get3A_795 = tpu.vector_load %arg19[%get3A_793, %get3A_794] {strides = array<i32>} : memref<40x128xf32, #tpu.memory_space<vmem>>, vector<1x16xf32>,
      %get3A_796 = vector.shape_cast %get3A_795 : vector<1x16xf32> to vector<16xf32>
      %get3A_797 = arith.index_cast %scan3A_707 : i32 to index
      %get3A_798 = arith.constant 64 : index
      %get3A_799 = tpu.vector_load %arg15[%get3A_797, %get3A_798] {strides = array<i32>} : memref<40x128xf32, #tpu.memory_space<vmem>>, vector<1x16xf32>,
      %get3A_800 = vector.shape_cast %get3A_799 : vector<1x16xf32> to vector<16xf32>
      %add3A_801 = arith.addf %get3A_796, %get3A_800 : vector<16xf32>
      %neg3A_802 = arith.constant 0.000000e+00 : f32
      %neg3A_803 = vector.broadcast %neg3A_802 : f32 to vector<16xf32>
      %neg3A_804 = arith.subf %neg3A_803, %add3A_801 : vector<16xf32>
      %exp3A_805 = math.exp %neg3A_804 : vector<16xf32>
      %add3A_806 = arith.constant 1.000000e+00 : f32
      %add3A_807 = vector.broadcast %add3A_806 : f32 to vector<16xf32>
      %add3A_808 = arith.addf %add3A_807, %exp3A_805 : vector<16xf32>
      %div3A_809 = arith.divf %add3A_801, %add3A_808 : vector<16xf32>
      %swap3A_810 = arith.index_cast %scan3A_707 : i32 to index
      %swap3A_811 = arith.constant 64 : index
      %swap3A_812 = tpu.vector_load %arg19[%swap3A_810, %swap3A_811] {strides = array<i32>} : memref<40x128xf32, #tpu.memory_space<vmem>>, vector<1x16xf32>,
      %swap3A_813 = vector.shape_cast %swap3A_812 : vector<1x16xf32> to vector<16xf32>
      %swap3A_814 = vector.shape_cast %div3A_809 : vector<16xf32> to vector<1x16xf32>
      tpu.vector_store %arg19[%swap3A_810, %swap3A_811], %swap3A_814 {strides = array<i32>} : memref<40x128xf32, #tpu.memory_space<vmem>>, vector<1x16xf32>,
      %get3A_815 = arith.index_cast %scan3A_707 : i32 to index
      %get3A_816 = arith.constant 80 : index
      %get3A_817 = tpu.vector_load %arg19[%get3A_815, %get3A_816] {strides = array<i32>} : memref<40x128xf32, #tpu.memory_space<vmem>>, vector<1x16xf32>,
      %get3A_818 = vector.shape_cast %get3A_817 : vector<1x16xf32> to vector<16xf32>
      %get3A_819 = arith.index_cast %scan3A_707 : i32 to index
      %get3A_820 = arith.constant 80 : index
      %get3A_821 = tpu.vector_load %arg15[%get3A_819, %get3A_820] {strides = array<i32>} : memref<40x128xf32, #tpu.memory_space<vmem>>, vector<1x16xf32>,
      %get3A_822 = vector.shape_cast %get3A_821 : vector<1x16xf32> to vector<16xf32>
      %add3A_823 = arith.addf %get3A_818, %get3A_822 : vector<16xf32>
      %neg3A_824 = arith.constant 0.000000e+00 : f32
      %neg3A_825 = vector.broadcast %neg3A_824 : f32 to vector<16xf32>
      %neg3A_826 = arith.subf %neg3A_825, %add3A_823 : vector<16xf32>
      %exp3A_827 = math.exp %neg3A_826 : vector<16xf32>
      %add3A_828 = arith.constant 1.000000e+00 : f32
      %add3A_829 = vector.broadcast %add3A_828 : f32 to vector<16xf32>
      %add3A_830 = arith.addf %add3A_829, %exp3A_827 : vector<16xf32>
      %div3A_831 = arith.divf %add3A_823, %add3A_830 : vector<16xf32>
      %swap3A_832 = arith.index_cast %scan3A_707 : i32 to index
      %swap3A_833 = arith.constant 80 : index
      %swap3A_834 = tpu.vector_load %arg19[%swap3A_832, %swap3A_833] {strides = array<i32>} : memref<40x128xf32, #tpu.memory_space<vmem>>, vector<1x16xf32>,
      %swap3A_835 = vector.shape_cast %swap3A_834 : vector<1x16xf32> to vector<16xf32>
      %swap3A_836 = vector.shape_cast %div3A_831 : vector<16xf32> to vector<1x16xf32>
      tpu.vector_store %arg19[%swap3A_832, %swap3A_833], %swap3A_836 {strides = array<i32>} : memref<40x128xf32, #tpu.memory_space<vmem>>, vector<1x16xf32>,
      %get3A_837 = arith.index_cast %scan3A_707 : i32 to index
      %get3A_838 = arith.constant 96 : index
      %get3A_839 = tpu.vector_load %arg19[%get3A_837, %get3A_838] {strides = array<i32>} : memref<40x128xf32, #tpu.memory_space<vmem>>, vector<1x16xf32>,
      %get3A_840 = vector.shape_cast %get3A_839 : vector<1x16xf32> to vector<16xf32>
      %get3A_841 = arith.index_cast %scan3A_707 : i32 to index
      %get3A_842 = arith.constant 96 : index
      %get3A_843 = tpu.vector_load %arg15[%get3A_841, %get3A_842] {strides = array<i32>} : memref<40x128xf32, #tpu.memory_space<vmem>>, vector<1x16xf32>,
      %get3A_844 = vector.shape_cast %get3A_843 : vector<1x16xf32> to vector<16xf32>
      %add3A_845 = arith.addf %get3A_840, %get3A_844 : vector<16xf32>
      %neg3A_846 = arith.constant 0.000000e+00 : f32
      %neg3A_847 = vector.broadcast %neg3A_846 : f32 to vector<16xf32>
      %neg3A_848 = arith.subf %neg3A_847, %add3A_845 : vector<16xf32>
      %exp3A_849 = math.exp %neg3A_848 : vector<16xf32>
      %add3A_850 = arith.constant 1.000000e+00 : f32
      %add3A_851 = vector.broadcast %add3A_850 : f32 to vector<16xf32>
      %add3A_852 = arith.addf %add3A_851, %exp3A_849 : vector<16xf32>
      %div3A_853 = arith.divf %add3A_845, %add3A_852 : vector<16xf32>
      %swap3A_854 = arith.index_cast %scan3A_707 : i32 to index
      %swap3A_855 = arith.constant 96 : index
      %swap3A_856 = tpu.vector_load %arg19[%swap3A_854, %swap3A_855] {strides = array<i32>} : memref<40x128xf32, #tpu.memory_space<vmem>>, vector<1x16xf32>,
      %swap3A_857 = vector.shape_cast %swap3A_856 : vector<1x16xf32> to vector<16xf32>
      %swap3A_858 = vector.shape_cast %div3A_853 : vector<16xf32> to vector<1x16xf32>
      tpu.vector_store %arg19[%swap3A_854, %swap3A_855], %swap3A_858 {strides = array<i32>} : memref<40x128xf32, #tpu.memory_space<vmem>>, vector<1x16xf32>,
      %get3A_859 = arith.index_cast %scan3A_707 : i32 to index
      %get3A_860 = arith.constant 112 : index
      %get3A_861 = tpu.vector_load %arg19[%get3A_859, %get3A_860] {strides = array<i32>} : memref<40x128xf32, #tpu.memory_space<vmem>>, vector<1x16xf32>,
      %get3A_862 = vector.shape_cast %get3A_861 : vector<1x16xf32> to vector<16xf32>
      %get3A_863 = arith.index_cast %scan3A_707 : i32 to index
      %get3A_864 = arith.constant 112 : index
      %get3A_865 = tpu.vector_load %arg15[%get3A_863, %get3A_864] {strides = array<i32>} : memref<40x128xf32, #tpu.memory_space<vmem>>, vector<1x16xf32>,
      %get3A_866 = vector.shape_cast %get3A_865 : vector<1x16xf32> to vector<16xf32>
      %add3A_867 = arith.addf %get3A_862, %get3A_866 : vector<16xf32>
      %neg3A_868 = arith.constant 0.000000e+00 : f32
      %neg3A_869 = vector.broadcast %neg3A_868 : f32 to vector<16xf32>
      %neg3A_870 = arith.subf %neg3A_869, %add3A_867 : vector<16xf32>
      %exp3A_871 = math.exp %neg3A_870 : vector<16xf32>
      %add3A_872 = arith.constant 1.000000e+00 : f32
      %add3A_873 = vector.broadcast %add3A_872 : f32 to vector<16xf32>
      %add3A_874 = arith.addf %add3A_873, %exp3A_871 : vector<16xf32>
      %div3A_875 = arith.divf %add3A_867, %add3A_874 : vector<16xf32>
      %swap3A_876 = arith.index_cast %scan3A_707 : i32 to index
      %swap3A_877 = arith.constant 112 : index
      %swap3A_878 = tpu.vector_load %arg19[%swap3A_876, %swap3A_877] {strides = array<i32>} : memref<40x128xf32, #tpu.memory_space<vmem>>, vector<1x16xf32>,
      %swap3A_879 = vector.shape_cast %swap3A_878 : vector<1x16xf32> to vector<16xf32>
      %swap3A_880 = vector.shape_cast %div3A_875 : vector<16xf32> to vector<1x16xf32>
      tpu.vector_store %arg19[%swap3A_876, %swap3A_877], %swap3A_880 {strides = array<i32>} : memref<40x128xf32, #tpu.memory_space<vmem>>, vector<1x16xf32>,
    }
    %scan3A_315 = arith.constant 40 : i32
    %dma_start3A_316 = arith.constant 0 : i32
    %dma_start3A_317 = arith.constant 0 : i32
    %dma_start3A_318 = tpu.memref_slice %arg23[%dma_start3A_316, %dma_start3A_317] : memref<10000x128xf32, #tpu.memory_space<vmem_shared>> -> memref<10000x128xf32, #tpu.memory_space<vmem_shared>>
    tpu.enqueue_indirect_dma source(%arg19 : memref<40x128xf32, #tpu.memory_space<vmem>>) target(%dma_start3A_318 : memref<10000x128xf32, #tpu.memory_space<vmem_shared>>) offsets(%arg11 : memref<40xi32, #tpu.memory_space<vmem>>) semaphore(%arg36 : memref<!tpu.dma_semaphore, #tpu.memory_space<semaphore_mem>>) {add = true}
    %dma_wait3A_319 = arith.constant 0 : i32
    %dma_wait3A_320 = arith.constant 0 : i32
    %dma_wait3A_321 = tpu.memref_slice %arg2[%dma_wait3A_319, %dma_wait3A_320] : memref<10000x128xf32, #tpu.memory_space<hbm>> -> memref<10000x128xf32, #tpu.memory_space<hbm>>
    tpu.wait_indirect_dma semaphore(%arg33 : memref<!tpu.dma_semaphore, #tpu.memory_space<semaphore_mem>>) src(%dma_wait3A_321 : memref<10000x128xf32, #tpu.memory_space<hbm>>) dst(%arg20 : memref<40x128xf32, #tpu.memory_space<vmem>>)
    %dma_wait3A_322 = arith.constant 0 : i32
    %dma_wait3A_323 = arith.constant 0 : i32
    %dma_wait3A_324 = tpu.memref_slice %arg3[%dma_wait3A_322, %dma_wait3A_323] : memref<320000x128xf32, #tpu.memory_space<hbm>> -> memref<40x128xf32, #tpu.memory_space<hbm>>
    %dma_wait3A_325 = arith.constant 0 : i32
    %dma_wait3A_326 = arith.constant 0 : i32
    %dma_wait3A_327 = tpu.memref_slice %arg3[%dma_wait3A_325, %dma_wait3A_326] : memref<320000x128xf32, #tpu.memory_space<hbm>> -> memref<40x128xf32, #tpu.memory_space<hbm>>
    tpu.wait_dma2 semaphore(%arg29 : memref<!tpu.dma_semaphore, #tpu.memory_space<semaphore_mem>>) src(%dma_wait3A_327 : memref<40x128xf32, #tpu.memory_space<hbm>>) dst(%arg16 : memref<40x128xf32, #tpu.memory_space<vmem>>)
    %get3A_328 = arith.constant 0 : index
    %get3A_329 = tpu.vector_load %arg10[%get3A_328] {strides = array<i32>} : memref<40xi32, #tpu.memory_space<vmem>>, vector<16xi32>,
    %get3A_330 = vector.shape_cast %get3A_329 : vector<16xi32> to vector<16xi32>
    %swap3A_331 = arith.constant 0 : index
    %swap3A_332 = tpu.vector_load %arg12[%swap3A_331] {strides = array<i32>} : memref<40xi32, #tpu.memory_space<vmem>>, vector<16xi32>,
    %swap3A_333 = vector.shape_cast %swap3A_332 : vector<16xi32> to vector<16xi32>
    %swap3A_334 = vector.shape_cast %get3A_330 : vector<16xi32> to vector<16xi32>
    tpu.vector_store %arg12[%swap3A_331], %swap3A_334 {strides = array<i32>} : memref<40xi32, #tpu.memory_space<vmem>>, vector<16xi32>,
    %get3A_335 = arith.constant 16 : index
    %get3A_336 = tpu.vector_load %arg10[%get3A_335] {strides = array<i32>} : memref<40xi32, #tpu.memory_space<vmem>>, vector<16xi32>,
    %get3A_337 = vector.shape_cast %get3A_336 : vector<16xi32> to vector<16xi32>
    %swap3A_338 = arith.constant 16 : index
    %swap3A_339 = tpu.vector_load %arg12[%swap3A_338] {strides = array<i32>} : memref<40xi32, #tpu.memory_space<vmem>>, vector<16xi32>,
    %swap3A_340 = vector.shape_cast %swap3A_339 : vector<16xi32> to vector<16xi32>
    %swap3A_341 = vector.shape_cast %get3A_337 : vector<16xi32> to vector<16xi32>
    tpu.vector_store %arg12[%swap3A_338], %swap3A_341 {strides = array<i32>} : memref<40xi32, #tpu.memory_space<vmem>>, vector<16xi32>,
    %get3A_342 = arith.constant 24 : index
    %get3A_343 = tpu.vector_load %arg10[%get3A_342] {strides = array<i32>} : memref<40xi32, #tpu.memory_space<vmem>>, vector<16xi32>,
    %get3A_344 = vector.shape_cast %get3A_343 : vector<16xi32> to vector<16xi32>
    %swap3A_345 = arith.constant 24 : index
    %swap3A_346 = tpu.vector_load %arg12[%swap3A_345] {strides = array<i32>} : memref<40xi32, #tpu.memory_space<vmem>>, vector<16xi32>,
    %swap3A_347 = vector.shape_cast %swap3A_346 : vector<16xi32> to vector<16xi32>
    %swap3A_348 = vector.shape_cast %get3A_344 : vector<16xi32> to vector<16xi32>
    tpu.vector_store %arg12[%swap3A_345], %swap3A_348 {strides = array<i32>} : memref<40xi32, #tpu.memory_space<vmem>>, vector<16xi32>,
    %scan3A_349 = arith.constant 0 : i32
    %scan3A_350 = arith.constant 0 : i32
    %scan3A_351 = arith.constant 40 : i32
    %scan3A_352 = arith.addi %scan3A_350, %scan3A_351 : i32
    %scan3A_353 = arith.constant 1 : i32
    scf.for %scan3A_707 = %scan3A_350 to %scan3A_352 step %scan3A_353  : i32 {
      %get3A_708 = arith.index_cast %scan3A_707 : i32 to index
      %get3A_709 = arith.constant 0 : index
      %get3A_710 = tpu.vector_load %arg20[%get3A_708, %get3A_709] {strides = array<i32>} : memref<40x128xf32, #tpu.memory_space<vmem>>, vector<1x16xf32>,
      %get3A_711 = vector.shape_cast %get3A_710 : vector<1x16xf32> to vector<16xf32>
      %get3A_712 = arith.index_cast %scan3A_707 : i32 to index
      %get3A_713 = arith.constant 0 : index
      %get3A_714 = tpu.vector_load %arg16[%get3A_712, %get3A_713] {strides = array<i32>} : memref<40x128xf32, #tpu.memory_space<vmem>>, vector<1x16xf32>,
      %get3A_715 = vector.shape_cast %get3A_714 : vector<1x16xf32> to vector<16xf32>
      %add3A_716 = arith.addf %get3A_711, %get3A_715 : vector<16xf32>
      %neg3A = arith.constant 0.000000e+00 : f32
      %neg3A_717 = vector.broadcast %neg3A : f32 to vector<16xf32>
      %neg3A_718 = arith.subf %neg3A_717, %add3A_716 : vector<16xf32>
      %exp3A = math.exp %neg3A_718 : vector<16xf32>
      %add3A_719 = arith.constant 1.000000e+00 : f32
      %add3A_720 = vector.broadcast %add3A_719 : f32 to vector<16xf32>
      %add3A_721 = arith.addf %add3A_720, %exp3A : vector<16xf32>
      %div3A = arith.divf %add3A_716, %add3A_721 : vector<16xf32>
      %swap3A_722 = arith.index_cast %scan3A_707 : i32 to index
      %swap3A_723 = arith.constant 0 : index
      %swap3A_724 = tpu.vector_load %arg20[%swap3A_722, %swap3A_723] {strides = array<i32>} : memref<40x128xf32, #tpu.memory_space<vmem>>, vector<1x16xf32>,
      %swap3A_725 = vector.shape_cast %swap3A_724 : vector<1x16xf32> to vector<16xf32>
      %swap3A_726 = vector.shape_cast %div3A : vector<16xf32> to vector<1x16xf32>
      tpu.vector_store %arg20[%swap3A_722, %swap3A_723], %swap3A_726 {strides = array<i32>} : memref<40x128xf32, #tpu.memory_space<vmem>>, vector<1x16xf32>,
      %get3A_727 = arith.index_cast %scan3A_707 : i32 to index
      %get3A_728 = arith.constant 16 : index
      %get3A_729 = tpu.vector_load %arg20[%get3A_727, %get3A_728] {strides = array<i32>} : memref<40x128xf32, #tpu.memory_space<vmem>>, vector<1x16xf32>,
      %get3A_730 = vector.shape_cast %get3A_729 : vector<1x16xf32> to vector<16xf32>
      %get3A_731 = arith.index_cast %scan3A_707 : i32 to index
      %get3A_732 = arith.constant 16 : index
      %get3A_733 = tpu.vector_load %arg16[%get3A_731, %get3A_732] {strides = array<i32>} : memref<40x128xf32, #tpu.memory_space<vmem>>, vector<1x16xf32>,
      %get3A_734 = vector.shape_cast %get3A_733 : vector<1x16xf32> to vector<16xf32>
      %add3A_735 = arith.addf %get3A_730, %get3A_734 : vector<16xf32>
      %neg3A_736 = arith.constant 0.000000e+00 : f32
      %neg3A_737 = vector.broadcast %neg3A_736 : f32 to vector<16xf32>
      %neg3A_738 = arith.subf %neg3A_737, %add3A_735 : vector<16xf32>
      %exp3A_739 = math.exp %neg3A_738 : vector<16xf32>
      %add3A_740 = arith.constant 1.000000e+00 : f32
      %add3A_741 = vector.broadcast %add3A_740 : f32 to vector<16xf32>
      %add3A_742 = arith.addf %add3A_741, %exp3A_739 : vector<16xf32>
      %div3A_743 = arith.divf %add3A_735, %add3A_742 : vector<16xf32>
      %swap3A_744 = arith.index_cast %scan3A_707 : i32 to index
      %swap3A_745 = arith.constant 16 : index
      %swap3A_746 = tpu.vector_load %arg20[%swap3A_744, %swap3A_745] {strides = array<i32>} : memref<40x128xf32, #tpu.memory_space<vmem>>, vector<1x16xf32>,
      %swap3A_747 = vector.shape_cast %swap3A_746 : vector<1x16xf32> to vector<16xf32>
      %swap3A_748 = vector.shape_cast %div3A_743 : vector<16xf32> to vector<1x16xf32>
      tpu.vector_store %arg20[%swap3A_744, %swap3A_745], %swap3A_748 {strides = array<i32>} : memref<40x128xf32, #tpu.memory_space<vmem>>, vector<1x16xf32>,
      %get3A_749 = arith.index_cast %scan3A_707 : i32 to index
      %get3A_750 = arith.constant 32 : index
      %get3A_751 = tpu.vector_load %arg20[%get3A_749, %get3A_750] {strides = array<i32>} : memref<40x128xf32, #tpu.memory_space<vmem>>, vector<1x16xf32>,
      %get3A_752 = vector.shape_cast %get3A_751 : vector<1x16xf32> to vector<16xf32>
      %get3A_753 = arith.index_cast %scan3A_707 : i32 to index
      %get3A_754 = arith.constant 32 : index
      %get3A_755 = tpu.vector_load %arg16[%get3A_753, %get3A_754] {strides = array<i32>} : memref<40x128xf32, #tpu.memory_space<vmem>>, vector<1x16xf32>,
      %get3A_756 = vector.shape_cast %get3A_755 : vector<1x16xf32> to vector<16xf32>
      %add3A_757 = arith.addf %get3A_752, %get3A_756 : vector<16xf32>
      %neg3A_758 = arith.constant 0.000000e+00 : f32
      %neg3A_759 = vector.broadcast %neg3A_758 : f32 to vector<16xf32>
      %neg3A_760 = arith.subf %neg3A_759, %add3A_757 : vector<16xf32>
      %exp3A_761 = math.exp %neg3A_760 : vector<16xf32>
      %add3A_762 = arith.constant 1.000000e+00 : f32
      %add3A_763 = vector.broadcast %add3A_762 : f32 to vector<16xf32>
      %add3A_764 = arith.addf %add3A_763, %exp3A_761 : vector<16xf32>
      %div3A_765 = arith.divf %add3A_757, %add3A_764 : vector<16xf32>
      %swap3A_766 = arith.index_cast %scan3A_707 : i32 to index
      %swap3A_767 = arith.constant 32 : index
      %swap3A_768 = tpu.vector_load %arg20[%swap3A_766, %swap3A_767] {strides = array<i32>} : memref<40x128xf32, #tpu.memory_space<vmem>>, vector<1x16xf32>,
      %swap3A_769 = vector.shape_cast %swap3A_768 : vector<1x16xf32> to vector<16xf32>
      %swap3A_770 = vector.shape_cast %div3A_765 : vector<16xf32> to vector<1x16xf32>
      tpu.vector_store %arg20[%swap3A_766, %swap3A_767], %swap3A_770 {strides = array<i32>} : memref<40x128xf32, #tpu.memory_space<vmem>>, vector<1x16xf32>,
      %get3A_771 = arith.index_cast %scan3A_707 : i32 to index
      %get3A_772 = arith.constant 48 : index
      %get3A_773 = tpu.vector_load %arg20[%get3A_771, %get3A_772] {strides = array<i32>} : memref<40x128xf32, #tpu.memory_space<vmem>>, vector<1x16xf32>,
      %get3A_774 = vector.shape_cast %get3A_773 : vector<1x16xf32> to vector<16xf32>
      %get3A_775 = arith.index_cast %scan3A_707 : i32 to index
      %get3A_776 = arith.constant 48 : index
      %get3A_777 = tpu.vector_load %arg16[%get3A_775, %get3A_776] {strides = array<i32>} : memref<40x128xf32, #tpu.memory_space<vmem>>, vector<1x16xf32>,
      %get3A_778 = vector.shape_cast %get3A_777 : vector<1x16xf32> to vector<16xf32>
      %add3A_779 = arith.addf %get3A_774, %get3A_778 : vector<16xf32>
      %neg3A_780 = arith.constant 0.000000e+00 : f32
      %neg3A_781 = vector.broadcast %neg3A_780 : f32 to vector<16xf32>
      %neg3A_782 = arith.subf %neg3A_781, %add3A_779 : vector<16xf32>
      %exp3A_783 = math.exp %neg3A_782 : vector<16xf32>
      %add3A_784 = arith.constant 1.000000e+00 : f32
      %add3A_785 = vector.broadcast %add3A_784 : f32 to vector<16xf32>
      %add3A_786 = arith.addf %add3A_785, %exp3A_783 : vector<16xf32>
      %div3A_787 = arith.divf %add3A_779, %add3A_786 : vector<16xf32>
      %swap3A_788 = arith.index_cast %scan3A_707 : i32 to index
      %swap3A_789 = arith.constant 48 : index
      %swap3A_790 = tpu.vector_load %arg20[%swap3A_788, %swap3A_789] {strides = array<i32>} : memref<40x128xf32, #tpu.memory_space<vmem>>, vector<1x16xf32>,
      %swap3A_791 = vector.shape_cast %swap3A_790 : vector<1x16xf32> to vector<16xf32>
      %swap3A_792 = vector.shape_cast %div3A_787 : vector<16xf32> to vector<1x16xf32>
      tpu.vector_store %arg20[%swap3A_788, %swap3A_789], %swap3A_792 {strides = array<i32>} : memref<40x128xf32, #tpu.memory_space<vmem>>, vector<1x16xf32>,
      %get3A_793 = arith.index_cast %scan3A_707 : i32 to index
      %get3A_794 = arith.constant 64 : index
      %get3A_795 = tpu.vector_load %arg20[%get3A_793, %get3A_794] {strides = array<i32>} : memref<40x128xf32, #tpu.memory_space<vmem>>, vector<1x16xf32>,
      %get3A_796 = vector.shape_cast %get3A_795 : vector<1x16xf32> to vector<16xf32>
      %get3A_797 = arith.index_cast %scan3A_707 : i32 to index
      %get3A_798 = arith.constant 64 : index
      %get3A_799 = tpu.vector_load %arg16[%get3A_797, %get3A_798] {strides = array<i32>} : memref<40x128xf32, #tpu.memory_space<vmem>>, vector<1x16xf32>,
      %get3A_800 = vector.shape_cast %get3A_799 : vector<1x16xf32> to vector<16xf32>
      %add3A_801 = arith.addf %get3A_796, %get3A_800 : vector<16xf32>
      %neg3A_802 = arith.constant 0.000000e+00 : f32
      %neg3A_803 = vector.broadcast %neg3A_802 : f32 to vector<16xf32>
      %neg3A_804 = arith.subf %neg3A_803, %add3A_801 : vector<16xf32>
      %exp3A_805 = math.exp %neg3A_804 : vector<16xf32>
      %add3A_806 = arith.constant 1.000000e+00 : f32
      %add3A_807 = vector.broadcast %add3A_806 : f32 to vector<16xf32>
      %add3A_808 = arith.addf %add3A_807, %exp3A_805 : vector<16xf32>
      %div3A_809 = arith.divf %add3A_801, %add3A_808 : vector<16xf32>
      %swap3A_810 = arith.index_cast %scan3A_707 : i32 to index
      %swap3A_811 = arith.constant 64 : index
      %swap3A_812 = tpu.vector_load %arg20[%swap3A_810, %swap3A_811] {strides = array<i32>} : memref<40x128xf32, #tpu.memory_space<vmem>>, vector<1x16xf32>,
      %swap3A_813 = vector.shape_cast %swap3A_812 : vector<1x16xf32> to vector<16xf32>
      %swap3A_814 = vector.shape_cast %div3A_809 : vector<16xf32> to vector<1x16xf32>
      tpu.vector_store %arg20[%swap3A_810, %swap3A_811], %swap3A_814 {strides = array<i32>} : memref<40x128xf32, #tpu.memory_space<vmem>>, vector<1x16xf32>,
      %get3A_815 = arith.index_cast %scan3A_707 : i32 to index
      %get3A_816 = arith.constant 80 : index
      %get3A_817 = tpu.vector_load %arg20[%get3A_815, %get3A_816] {strides = array<i32>} : memref<40x128xf32, #tpu.memory_space<vmem>>, vector<1x16xf32>,
      %get3A_818 = vector.shape_cast %get3A_817 : vector<1x16xf32> to vector<16xf32>
      %get3A_819 = arith.index_cast %scan3A_707 : i32 to index
      %get3A_820 = arith.constant 80 : index
      %get3A_821 = tpu.vector_load %arg16[%get3A_819, %get3A_820] {strides = array<i32>} : memref<40x128xf32, #tpu.memory_space<vmem>>, vector<1x16xf32>,
      %get3A_822 = vector.shape_cast %get3A_821 : vector<1x16xf32> to vector<16xf32>
      %add3A_823 = arith.addf %get3A_818, %get3A_822 : vector<16xf32>
      %neg3A_824 = arith.constant 0.000000e+00 : f32
      %neg3A_825 = vector.broadcast %neg3A_824 : f32 to vector<16xf32>
      %neg3A_826 = arith.subf %neg3A_825, %add3A_823 : vector<16xf32>
      %exp3A_827 = math.exp %neg3A_826 : vector<16xf32>
      %add3A_828 = arith.constant 1.000000e+00 : f32
      %add3A_829 = vector.broadcast %add3A_828 : f32 to vector<16xf32>
      %add3A_830 = arith.addf %add3A_829, %exp3A_827 : vector<16xf32>
      %div3A_831 = arith.divf %add3A_823, %add3A_830 : vector<16xf32>
      %swap3A_832 = arith.index_cast %scan3A_707 : i32 to index
      %swap3A_833 = arith.constant 80 : index
      %swap3A_834 = tpu.vector_load %arg20[%swap3A_832, %swap3A_833] {strides = array<i32>} : memref<40x128xf32, #tpu.memory_space<vmem>>, vector<1x16xf32>,
      %swap3A_835 = vector.shape_cast %swap3A_834 : vector<1x16xf32> to vector<16xf32>
      %swap3A_836 = vector.shape_cast %div3A_831 : vector<16xf32> to vector<1x16xf32>
      tpu.vector_store %arg20[%swap3A_832, %swap3A_833], %swap3A_836 {strides = array<i32>} : memref<40x128xf32, #tpu.memory_space<vmem>>, vector<1x16xf32>,
      %get3A_837 = arith.index_cast %scan3A_707 : i32 to index
      %get3A_838 = arith.constant 96 : index
      %get3A_839 = tpu.vector_load %arg20[%get3A_837, %get3A_838] {strides = array<i32>} : memref<40x128xf32, #tpu.memory_space<vmem>>, vector<1x16xf32>,
      %get3A_840 = vector.shape_cast %get3A_839 : vector<1x16xf32> to vector<16xf32>
      %get3A_841 = arith.index_cast %scan3A_707 : i32 to index
      %get3A_842 = arith.constant 96 : index
      %get3A_843 = tpu.vector_load %arg16[%get3A_841, %get3A_842] {strides = array<i32>} : memref<40x128xf32, #tpu.memory_space<vmem>>, vector<1x16xf32>,
      %get3A_844 = vector.shape_cast %get3A_843 : vector<1x16xf32> to vector<16xf32>
      %add3A_845 = arith.addf %get3A_840, %get3A_844 : vector<16xf32>
      %neg3A_846 = arith.constant 0.000000e+00 : f32
      %neg3A_847 = vector.broadcast %neg3A_846 : f32 to vector<16xf32>
      %neg3A_848 = arith.subf %neg3A_847, %add3A_845 : vector<16xf32>
      %exp3A_849 = math.exp %neg3A_848 : vector<16xf32>
      %add3A_850 = arith.constant 1.000000e+00 : f32
      %add3A_851 = vector.broadcast %add3A_850 : f32 to vector<16xf32>
      %add3A_852 = arith.addf %add3A_851, %exp3A_849 : vector<16xf32>
      %div3A_853 = arith.divf %add3A_845, %add3A_852 : vector<16xf32>
      %swap3A_854 = arith.index_cast %scan3A_707 : i32 to index
      %swap3A_855 = arith.constant 96 : index
      %swap3A_856 = tpu.vector_load %arg20[%swap3A_854, %swap3A_855] {strides = array<i32>} : memref<40x128xf32, #tpu.memory_space<vmem>>, vector<1x16xf32>,
      %swap3A_857 = vector.shape_cast %swap3A_856 : vector<1x16xf32> to vector<16xf32>
      %swap3A_858 = vector.shape_cast %div3A_853 : vector<16xf32> to vector<1x16xf32>
      tpu.vector_store %arg20[%swap3A_854, %swap3A_855], %swap3A_858 {strides = array<i32>} : memref<40x128xf32, #tpu.memory_space<vmem>>, vector<1x16xf32>,
      %get3A_859 = arith.index_cast %scan3A_707 : i32 to index
      %get3A_860 = arith.constant 112 : index
      %get3A_861 = tpu.vector_load %arg20[%get3A_859, %get3A_860] {strides = array<i32>} : memref<40x128xf32, #tpu.memory_space<vmem>>, vector<1x16xf32>,
      %get3A_862 = vector.shape_cast %get3A_861 : vector<1x16xf32> to vector<16xf32>
      %get3A_863 = arith.index_cast %scan3A_707 : i32 to index
      %get3A_864 = arith.constant 112 : index
      %get3A_865 = tpu.vector_load %arg16[%get3A_863, %get3A_864] {strides = array<i32>} : memref<40x128xf32, #tpu.memory_space<vmem>>, vector<1x16xf32>,
      %get3A_866 = vector.shape_cast %get3A_865 : vector<1x16xf32> to vector<16xf32>
      %add3A_867 = arith.addf %get3A_862, %get3A_866 : vector<16xf32>
      %neg3A_868 = arith.constant 0.000000e+00 : f32
      %neg3A_869 = vector.broadcast %neg3A_868 : f32 to vector<16xf32>
      %neg3A_870 = arith.subf %neg3A_869, %add3A_867 : vector<16xf32>
      %exp3A_871 = math.exp %neg3A_870 : vector<16xf32>
      %add3A_872 = arith.constant 1.000000e+00 : f32
      %add3A_873 = vector.broadcast %add3A_872 : f32 to vector<16xf32>
      %add3A_874 = arith.addf %add3A_873, %exp3A_871 : vector<16xf32>
      %div3A_875 = arith.divf %add3A_867, %add3A_874 : vector<16xf32>
      %swap3A_876 = arith.index_cast %scan3A_707 : i32 to index
      %swap3A_877 = arith.constant 112 : index
      %swap3A_878 = tpu.vector_load %arg20[%swap3A_876, %swap3A_877] {strides = array<i32>} : memref<40x128xf32, #tpu.memory_space<vmem>>, vector<1x16xf32>,
      %swap3A_879 = vector.shape_cast %swap3A_878 : vector<1x16xf32> to vector<16xf32>
      %swap3A_880 = vector.shape_cast %div3A_875 : vector<16xf32> to vector<1x16xf32>
      tpu.vector_store %arg20[%swap3A_876, %swap3A_877], %swap3A_880 {strides = array<i32>} : memref<40x128xf32, #tpu.memory_space<vmem>>, vector<1x16xf32>,
    }
    %scan3A_354 = arith.constant 40 : i32
    %dma_start3A_355 = arith.constant 0 : i32
    %dma_start3A_356 = arith.constant 0 : i32
    %dma_start3A_357 = tpu.memref_slice %arg23[%dma_start3A_355, %dma_start3A_356] : memref<10000x128xf32, #tpu.memory_space<vmem_shared>> -> memref<10000x128xf32, #tpu.memory_space<vmem_shared>>
    tpu.enqueue_indirect_dma source(%arg20 : memref<40x128xf32, #tpu.memory_space<vmem>>) target(%dma_start3A_357 : memref<10000x128xf32, #tpu.memory_space<vmem_shared>>) offsets(%arg12 : memref<40xi32, #tpu.memory_space<vmem>>) semaphore(%arg37 : memref<!tpu.dma_semaphore, #tpu.memory_space<semaphore_mem>>) {add = true}
    %dma_wait3A_358 = arith.constant 0 : i32
    %dma_wait3A_359 = arith.constant 0 : i32
    %dma_wait3A_360 = tpu.memref_slice %arg23[%dma_wait3A_358, %dma_wait3A_359] : memref<10000x128xf32, #tpu.memory_space<vmem_shared>> -> memref<10000x128xf32, #tpu.memory_space<vmem_shared>>
    tpu.wait_indirect_dma semaphore(%arg38 : memref<!tpu.dma_semaphore, #tpu.memory_space<semaphore_mem>>) src(%arg21 : memref<40x128xf32, #tpu.memory_space<vmem>>) dst(%dma_wait3A_360 : memref<10000x128xf32, #tpu.memory_space<vmem_shared>>)
    %dma_wait3A_361 = arith.constant 0 : i32
    %dma_wait3A_362 = arith.constant 0 : i32
    %dma_wait3A_363 = tpu.memref_slice %arg23[%dma_wait3A_361, %dma_wait3A_362] : memref<10000x128xf32, #tpu.memory_space<vmem_shared>> -> memref<10000x128xf32, #tpu.memory_space<vmem_shared>>
    tpu.wait_indirect_dma semaphore(%arg39 : memref<!tpu.dma_semaphore, #tpu.memory_space<semaphore_mem>>) src(%arg22 : memref<40x128xf32, #tpu.memory_space<vmem>>) dst(%dma_wait3A_363 : memref<10000x128xf32, #tpu.memory_space<vmem_shared>>)
    %dma_wait3A_364 = arith.constant 0 : i32
    %dma_wait3A_365 = arith.constant 0 : i32
    %dma_wait3A_366 = tpu.memref_slice %arg23[%dma_wait3A_364, %dma_wait3A_365] : memref<10000x128xf32, #tpu.memory_space<vmem_shared>> -> memref<10000x128xf32, #tpu.memory_space<vmem_shared>>
    tpu.wait_indirect_dma semaphore(%arg36 : memref<!tpu.dma_semaphore, #tpu.memory_space<semaphore_mem>>) src(%arg19 : memref<40x128xf32, #tpu.memory_space<vmem>>) dst(%dma_wait3A_366 : memref<10000x128xf32, #tpu.memory_space<vmem_shared>>)
    %dma_wait3A_367 = arith.constant 0 : i32
    %dma_wait3A_368 = arith.constant 0 : i32
    %dma_wait3A_369 = tpu.memref_slice %arg23[%dma_wait3A_367, %dma_wait3A_368] : memref<10000x128xf32, #tpu.memory_space<vmem_shared>> -> memref<10000x128xf32, #tpu.memory_space<vmem_shared>>
    tpu.wait_indirect_dma semaphore(%arg37 : memref<!tpu.dma_semaphore, #tpu.memory_space<semaphore_mem>>) src(%arg20 : memref<40x128xf32, #tpu.memory_space<vmem>>) dst(%dma_wait3A_369 : memref<10000x128xf32, #tpu.memory_space<vmem_shared>>)
    %barrier3A_370 = arith.constant 0 : index
    tpu.barrier barrier_id(%barrier3A_370)
    %add3A_371 = arith.constant 0 : i32
    %add3A_372 = arith.addi %arg1, %add3A_371 : i32
    %lt3A_373 = arith.constant 250 : i32
    %lt3A_374 = arith.cmpi slt, %add3A_372, %lt3A_373 : i32
    %convert_element_type3A_375 = arith.extui %lt3A_374 : i1 to i32
    %cond3A_376 = arith.constant 0 : i32
    %cond3A_377 = arith.cmpi ne, %convert_element_type3A_375, %cond3A_376 : i32
    scf.if %cond3A_377 {
      %mul3A_707 = arith.constant 40 : i32
      %mul3A_708 = arith.muli %add3A_372, %mul3A_707 : i32
      %dma_start3A_709 = arith.constant 0 : i32
      %dma_start3A_710 = tpu.memref_slice %arg23[%mul3A_708, %dma_start3A_709] : memref<10000x128xf32, #tpu.memory_space<vmem_shared>> -> memref<40x128xf32, #tpu.memory_space<vmem_shared>>
      %dma_start3A_711 = arith.constant 0 : i32
      %dma_start3A_712 = tpu.memref_slice %arg23[%mul3A_708, %dma_start3A_711] : memref<10000x128xf32, #tpu.memory_space<vmem_shared>> -> memref<40x128xf32, #tpu.memory_space<vmem_shared>>
      tpu.enqueue_dma source(%dma_start3A_712 : memref<40x128xf32, #tpu.memory_space<vmem_shared>>) target(%arg19 : memref<40x128xf32, #tpu.memory_space<vmem>>) target_semaphore(%arg24 : memref<!tpu.dma_semaphore, #tpu.memory_space<semaphore_mem>>)
    } else {
    }
    %add3A_378 = arith.constant 16 : i32
    %add3A_379 = arith.addi %arg1, %add3A_378 : i32
    %lt3A_380 = arith.constant 250 : i32
    %lt3A_381 = arith.cmpi slt, %add3A_379, %lt3A_380 : i32
    %convert_element_type3A_382 = arith.extui %lt3A_381 : i1 to i32
    %cond3A_383 = arith.constant 0 : i32
    %cond3A_384 = arith.cmpi ne, %convert_element_type3A_382, %cond3A_383 : i32
    scf.if %cond3A_384 {
      %mul3A_707 = arith.constant 40 : i32
      %mul3A_708 = arith.muli %add3A_379, %mul3A_707 : i32
      %dma_start3A_709 = arith.constant 0 : i32
      %dma_start3A_710 = tpu.memref_slice %arg23[%mul3A_708, %dma_start3A_709] : memref<10000x128xf32, #tpu.memory_space<vmem_shared>> -> memref<40x128xf32, #tpu.memory_space<vmem_shared>>
      %dma_start3A_711 = arith.constant 0 : i32
      %dma_start3A_712 = tpu.memref_slice %arg23[%mul3A_708, %dma_start3A_711] : memref<10000x128xf32, #tpu.memory_space<vmem_shared>> -> memref<40x128xf32, #tpu.memory_space<vmem_shared>>
      tpu.enqueue_dma source(%dma_start3A_712 : memref<40x128xf32, #tpu.memory_space<vmem_shared>>) target(%arg20 : memref<40x128xf32, #tpu.memory_space<vmem>>) target_semaphore(%arg25 : memref<!tpu.dma_semaphore, #tpu.memory_space<semaphore_mem>>)
    } else {
    }
    %add3A_385 = arith.constant 0 : i32
    %add3A_386 = arith.addi %arg1, %add3A_385 : i32
    %lt3A_387 = arith.constant 250 : i32
    %lt3A_388 = arith.cmpi slt, %add3A_386, %lt3A_387 : i32
    %convert_element_type3A_389 = arith.extui %lt3A_388 : i1 to i32
    %cond3A_390 = arith.constant 0 : i32
    %cond3A_391 = arith.cmpi ne, %convert_element_type3A_389, %cond3A_390 : i32
    scf.if %cond3A_391 {
      %dma_wait3A_707 = arith.constant 0 : i32
      %dma_wait3A_708 = arith.constant 0 : i32
      %dma_wait3A_709 = tpu.memref_slice %arg23[%dma_wait3A_707, %dma_wait3A_708] : memref<10000x128xf32, #tpu.memory_space<vmem_shared>> -> memref<40x128xf32, #tpu.memory_space<vmem_shared>>
      %dma_wait3A_710 = arith.constant 0 : i32
      %dma_wait3A_711 = arith.constant 0 : i32
      %dma_wait3A_712 = tpu.memref_slice %arg23[%dma_wait3A_710, %dma_wait3A_711] : memref<10000x128xf32, #tpu.memory_space<vmem_shared>> -> memref<40x128xf32, #tpu.memory_space<vmem_shared>>
      tpu.wait_dma2 semaphore(%arg24 : memref<!tpu.dma_semaphore, #tpu.memory_space<semaphore_mem>>) src(%dma_wait3A_712 : memref<40x128xf32, #tpu.memory_space<vmem_shared>>) dst(%arg19 : memref<40x128xf32, #tpu.memory_space<vmem>>)
      %mul3A_713 = arith.constant 40 : i32
      %mul3A_714 = arith.muli %add3A_386, %mul3A_713 : i32
      %dma_start3A_715 = arith.constant 0 : i32
      %dma_start3A_716 = tpu.memref_slice %arg6[%arg0, %mul3A_714, %dma_start3A_715] : memref<2x10000x128xf32, #tpu.memory_space<hbm>> -> memref<1x40x128xf32, #tpu.memory_space<hbm>>
      %dma_start3A_717 = tpu.memref_squeeze %dma_start3A_716 : memref<1x40x128xf32, #tpu.memory_space<hbm>> -> memref<40x128xf32, #tpu.memory_space<hbm>>
      %dma_start3A_718 = arith.constant 0 : i32
      %dma_start3A_719 = tpu.memref_slice %arg6[%arg0, %mul3A_714, %dma_start3A_718] : memref<2x10000x128xf32, #tpu.memory_space<hbm>> -> memref<1x40x128xf32, #tpu.memory_space<hbm>>
      %dma_start3A_720 = tpu.memref_squeeze %dma_start3A_719 : memref<1x40x128xf32, #tpu.memory_space<hbm>> -> memref<40x128xf32, #tpu.memory_space<hbm>>
      tpu.enqueue_dma source(%arg19 : memref<40x128xf32, #tpu.memory_space<vmem>>) target(%dma_start3A_720 : memref<40x128xf32, #tpu.memory_space<hbm>>) target_semaphore(%arg26 : memref<!tpu.dma_semaphore, #tpu.memory_space<semaphore_mem>>)
    } else {
    }
    %add3A_392 = arith.constant 32 : i32
    %add3A_393 = arith.addi %arg1, %add3A_392 : i32
    %add3A_394 = arith.constant 0 : i32
    %add3A_395 = arith.addi %arg1, %add3A_394 : i32
    %lt3A_396 = arith.constant 250 : i32
    %lt3A_397 = arith.cmpi slt, %add3A_395, %lt3A_396 : i32
    %convert_element_type3A_398 = arith.extui %lt3A_397 : i1 to i32
    %cond3A_399 = arith.constant 0 : i32
    %cond3A_400 = arith.cmpi ne, %convert_element_type3A_398, %cond3A_399 : i32
    scf.if %cond3A_400 {
      %dma_wait3A_707 = arith.constant 0 : i32
      %dma_wait3A_708 = arith.constant 0 : i32
      %dma_wait3A_709 = tpu.memref_slice %arg6[%arg0, %dma_wait3A_707, %dma_wait3A_708] : memref<2x10000x128xf32, #tpu.memory_space<hbm>> -> memref<1x40x128xf32, #tpu.memory_space<hbm>>
      %dma_wait3A_710 = tpu.memref_squeeze %dma_wait3A_709 : memref<1x40x128xf32, #tpu.memory_space<hbm>> -> memref<40x128xf32, #tpu.memory_space<hbm>>
      %dma_wait3A_711 = arith.constant 0 : i32
      %dma_wait3A_712 = arith.constant 0 : i32
      %dma_wait3A_713 = tpu.memref_slice %arg6[%arg0, %dma_wait3A_711, %dma_wait3A_712] : memref<2x10000x128xf32, #tpu.memory_space<hbm>> -> memref<1x40x128xf32, #tpu.memory_space<hbm>>
      %dma_wait3A_714 = tpu.memref_squeeze %dma_wait3A_713 : memref<1x40x128xf32, #tpu.memory_space<hbm>> -> memref<40x128xf32, #tpu.memory_space<hbm>>
      tpu.wait_dma2 semaphore(%arg26 : memref<!tpu.dma_semaphore, #tpu.memory_space<semaphore_mem>>) src(%arg19 : memref<40x128xf32, #tpu.memory_space<vmem>>) dst(%dma_wait3A_714 : memref<40x128xf32, #tpu.memory_space<hbm>>)
    } else {
    }
    %lt3A_401 = arith.constant 250 : i32
    %lt3A_402 = arith.cmpi slt, %add3A_393, %lt3A_401 : i32
    %convert_element_type3A_403 = arith.extui %lt3A_402 : i1 to i32
    %cond3A_404 = arith.constant 0 : i32
    %cond3A_405 = arith.cmpi ne, %convert_element_type3A_403, %cond3A_404 : i32
    scf.if %cond3A_405 {
      %mul3A_707 = arith.constant 40 : i32
      %mul3A_708 = arith.muli %add3A_393, %mul3A_707 : i32
      %dma_start3A_709 = arith.constant 0 : i32
      %dma_start3A_710 = tpu.memref_slice %arg23[%mul3A_708, %dma_start3A_709] : memref<10000x128xf32, #tpu.memory_space<vmem_shared>> -> memref<40x128xf32, #tpu.memory_space<vmem_shared>>
      %dma_start3A_711 = arith.constant 0 : i32
      %dma_start3A_712 = tpu.memref_slice %arg23[%mul3A_708, %dma_start3A_711] : memref<10000x128xf32, #tpu.memory_space<vmem_shared>> -> memref<40x128xf32, #tpu.memory_space<vmem_shared>>
      tpu.enqueue_dma source(%dma_start3A_712 : memref<40x128xf32, #tpu.memory_space<vmem_shared>>) target(%arg19 : memref<40x128xf32, #tpu.memory_space<vmem>>) target_semaphore(%arg24 : memref<!tpu.dma_semaphore, #tpu.memory_space<semaphore_mem>>)
    } else {
    }
    %add3A_406 = arith.constant 16 : i32
    %add3A_407 = arith.addi %arg1, %add3A_406 : i32
    %lt3A_408 = arith.constant 250 : i32
    %lt3A_409 = arith.cmpi slt, %add3A_407, %lt3A_408 : i32
    %convert_element_type3A_410 = arith.extui %lt3A_409 : i1 to i32
    %cond3A_411 = arith.constant 0 : i32
    %cond3A_412 = arith.cmpi ne, %convert_element_type3A_410, %cond3A_411 : i32
    scf.if %cond3A_412 {
      %dma_wait3A_707 = arith.constant 0 : i32
      %dma_wait3A_708 = arith.constant 0 : i32
      %dma_wait3A_709 = tpu.memref_slice %arg23[%dma_wait3A_707, %dma_wait3A_708] : memref<10000x128xf32, #tpu.memory_space<vmem_shared>> -> memref<40x128xf32, #tpu.memory_space<vmem_shared>>
      %dma_wait3A_710 = arith.constant 0 : i32
      %dma_wait3A_711 = arith.constant 0 : i32
      %dma_wait3A_712 = tpu.memref_slice %arg23[%dma_wait3A_710, %dma_wait3A_711] : memref<10000x128xf32, #tpu.memory_space<vmem_shared>> -> memref<40x128xf32, #tpu.memory_space<vmem_shared>>
      tpu.wait_dma2 semaphore(%arg25 : memref<!tpu.dma_semaphore, #tpu.memory_space<semaphore_mem>>) src(%dma_wait3A_712 : memref<40x128xf32, #tpu.memory_space<vmem_shared>>) dst(%arg20 : memref<40x128xf32, #tpu.memory_space<vmem>>)
      %mul3A_713 = arith.constant 40 : i32
      %mul3A_714 = arith.muli %add3A_407, %mul3A_713 : i32
      %dma_start3A_715 = arith.constant 0 : i32
      %dma_start3A_716 = tpu.memref_slice %arg6[%arg0, %mul3A_714, %dma_start3A_715] : memref<2x10000x128xf32, #tpu.memory_space<hbm>> -> memref<1x40x128xf32, #tpu.memory_space<hbm>>
      %dma_start3A_717 = tpu.memref_squeeze %dma_start3A_716 : memref<1x40x128xf32, #tpu.memory_space<hbm>> -> memref<40x128xf32, #tpu.memory_space<hbm>>
      %dma_start3A_718 = arith.constant 0 : i32
      %dma_start3A_719 = tpu.memref_slice %arg6[%arg0, %mul3A_714, %dma_start3A_718] : memref<2x10000x128xf32, #tpu.memory_space<hbm>> -> memref<1x40x128xf32, #tpu.memory_space<hbm>>
      %dma_start3A_720 = tpu.memref_squeeze %dma_start3A_719 : memref<1x40x128xf32, #tpu.memory_space<hbm>> -> memref<40x128xf32, #tpu.memory_space<hbm>>
      tpu.enqueue_dma source(%arg20 : memref<40x128xf32, #tpu.memory_space<vmem>>) target(%dma_start3A_720 : memref<40x128xf32, #tpu.memory_space<hbm>>) target_semaphore(%arg27 : memref<!tpu.dma_semaphore, #tpu.memory_space<semaphore_mem>>)
    } else {
    }
    %add3A_413 = arith.constant 48 : i32
    %add3A_414 = arith.addi %arg1, %add3A_413 : i32
    %add3A_415 = arith.constant 16 : i32
    %add3A_416 = arith.addi %arg1, %add3A_415 : i32
    %lt3A_417 = arith.constant 250 : i32
    %lt3A_418 = arith.cmpi slt, %add3A_416, %lt3A_417 : i32
    %convert_element_type3A_419 = arith.extui %lt3A_418 : i1 to i32
    %cond3A_420 = arith.constant 0 : i32
    %cond3A_421 = arith.cmpi ne, %convert_element_type3A_419, %cond3A_420 : i32
    scf.if %cond3A_421 {
      %dma_wait3A_707 = arith.constant 0 : i32
      %dma_wait3A_708 = arith.constant 0 : i32
      %dma_wait3A_709 = tpu.memref_slice %arg6[%arg0, %dma_wait3A_707, %dma_wait3A_708] : memref<2x10000x128xf32, #tpu.memory_space<hbm>> -> memref<1x40x128xf32, #tpu.memory_space<hbm>>
      %dma_wait3A_710 = tpu.memref_squeeze %dma_wait3A_709 : memref<1x40x128xf32, #tpu.memory_space<hbm>> -> memref<40x128xf32, #tpu.memory_space<hbm>>
      %dma_wait3A_711 = arith.constant 0 : i32
      %dma_wait3A_712 = arith.constant 0 : i32
      %dma_wait3A_713 = tpu.memref_slice %arg6[%arg0, %dma_wait3A_711, %dma_wait3A_712] : memref<2x10000x128xf32, #tpu.memory_space<hbm>> -> memref<1x40x128xf32, #tpu.memory_space<hbm>>
      %dma_wait3A_714 = tpu.memref_squeeze %dma_wait3A_713 : memref<1x40x128xf32, #tpu.memory_space<hbm>> -> memref<40x128xf32, #tpu.memory_space<hbm>>
      tpu.wait_dma2 semaphore(%arg27 : memref<!tpu.dma_semaphore, #tpu.memory_space<semaphore_mem>>) src(%arg20 : memref<40x128xf32, #tpu.memory_space<vmem>>) dst(%dma_wait3A_714 : memref<40x128xf32, #tpu.memory_space<hbm>>)
    } else {
    }
    %lt3A_422 = arith.constant 250 : i32
    %lt3A_423 = arith.cmpi slt, %add3A_414, %lt3A_422 : i32
    %convert_element_type3A_424 = arith.extui %lt3A_423 : i1 to i32
    %cond3A_425 = arith.constant 0 : i32
    %cond3A_426 = arith.cmpi ne, %convert_element_type3A_424, %cond3A_425 : i32
    scf.if %cond3A_426 {
      %mul3A_707 = arith.constant 40 : i32
      %mul3A_708 = arith.muli %add3A_414, %mul3A_707 : i32
      %dma_start3A_709 = arith.constant 0 : i32
      %dma_start3A_710 = tpu.memref_slice %arg23[%mul3A_708, %dma_start3A_709] : memref<10000x128xf32, #tpu.memory_space<vmem_shared>> -> memref<40x128xf32, #tpu.memory_space<vmem_shared>>
      %dma_start3A_711 = arith.constant 0 : i32
      %dma_start3A_712 = tpu.memref_slice %arg23[%mul3A_708, %dma_start3A_711] : memref<10000x128xf32, #tpu.memory_space<vmem_shared>> -> memref<40x128xf32, #tpu.memory_space<vmem_shared>>
      tpu.enqueue_dma source(%dma_start3A_712 : memref<40x128xf32, #tpu.memory_space<vmem_shared>>) target(%arg20 : memref<40x128xf32, #tpu.memory_space<vmem>>) target_semaphore(%arg25 : memref<!tpu.dma_semaphore, #tpu.memory_space<semaphore_mem>>)
    } else {
    }
    %add3A_427 = arith.constant 32 : i32
    %add3A_428 = arith.addi %arg1, %add3A_427 : i32
    %lt3A_429 = arith.constant 250 : i32
    %lt3A_430 = arith.cmpi slt, %add3A_428, %lt3A_429 : i32
    %convert_element_type3A_431 = arith.extui %lt3A_430 : i1 to i32
    %cond3A_432 = arith.constant 0 : i32
    %cond3A_433 = arith.cmpi ne, %convert_element_type3A_431, %cond3A_432 : i32
    scf.if %cond3A_433 {
      %dma_wait3A_707 = arith.constant 0 : i32
      %dma_wait3A_708 = arith.constant 0 : i32
      %dma_wait3A_709 = tpu.memref_slice %arg23[%dma_wait3A_707, %dma_wait3A_708] : memref<10000x128xf32, #tpu.memory_space<vmem_shared>> -> memref<40x128xf32, #tpu.memory_space<vmem_shared>>
      %dma_wait3A_710 = arith.constant 0 : i32
      %dma_wait3A_711 = arith.constant 0 : i32
      %dma_wait3A_712 = tpu.memref_slice %arg23[%dma_wait3A_710, %dma_wait3A_711] : memref<10000x128xf32, #tpu.memory_space<vmem_shared>> -> memref<40x128xf32, #tpu.memory_space<vmem_shared>>
      tpu.wait_dma2 semaphore(%arg24 : memref<!tpu.dma_semaphore, #tpu.memory_space<semaphore_mem>>) src(%dma_wait3A_712 : memref<40x128xf32, #tpu.memory_space<vmem_shared>>) dst(%arg19 : memref<40x128xf32, #tpu.memory_space<vmem>>)
      %mul3A_713 = arith.constant 40 : i32
      %mul3A_714 = arith.muli %add3A_428, %mul3A_713 : i32
      %dma_start3A_715 = arith.constant 0 : i32
      %dma_start3A_716 = tpu.memref_slice %arg6[%arg0, %mul3A_714, %dma_start3A_715] : memref<2x10000x128xf32, #tpu.memory_space<hbm>> -> memref<1x40x128xf32, #tpu.memory_space<hbm>>
      %dma_start3A_717 = tpu.memref_squeeze %dma_start3A_716 : memref<1x40x128xf32, #tpu.memory_space<hbm>> -> memref<40x128xf32, #tpu.memory_space<hbm>>
      %dma_start3A_718 = arith.constant 0 : i32
      %dma_start3A_719 = tpu.memref_slice %arg6[%arg0, %mul3A_714, %dma_start3A_718] : memref<2x10000x128xf32, #tpu.memory_space<hbm>> -> memref<1x40x128xf32, #tpu.memory_space<hbm>>
      %dma_start3A_720 = tpu.memref_squeeze %dma_start3A_719 : memref<1x40x128xf32, #tpu.memory_space<hbm>> -> memref<40x128xf32, #tpu.memory_space<hbm>>
      tpu.enqueue_dma source(%arg19 : memref<40x128xf32, #tpu.memory_space<vmem>>) target(%dma_start3A_720 : memref<40x128xf32, #tpu.memory_space<hbm>>) target_semaphore(%arg26 : memref<!tpu.dma_semaphore, #tpu.memory_space<semaphore_mem>>)
    } else {
    }
    %add3A_434 = arith.constant 64 : i32
    %add3A_435 = arith.addi %arg1, %add3A_434 : i32
    %add3A_436 = arith.constant 32 : i32
    %add3A_437 = arith.addi %arg1, %add3A_436 : i32
    %lt3A_438 = arith.constant 250 : i32
    %lt3A_439 = arith.cmpi slt, %add3A_437, %lt3A_438 : i32
    %convert_element_type3A_440 = arith.extui %lt3A_439 : i1 to i32
    %cond3A_441 = arith.constant 0 : i32
    %cond3A_442 = arith.cmpi ne, %convert_element_type3A_440, %cond3A_441 : i32
    scf.if %cond3A_442 {
      %dma_wait3A_707 = arith.constant 0 : i32
      %dma_wait3A_708 = arith.constant 0 : i32
      %dma_wait3A_709 = tpu.memref_slice %arg6[%arg0, %dma_wait3A_707, %dma_wait3A_708] : memref<2x10000x128xf32, #tpu.memory_space<hbm>> -> memref<1x40x128xf32, #tpu.memory_space<hbm>>
      %dma_wait3A_710 = tpu.memref_squeeze %dma_wait3A_709 : memref<1x40x128xf32, #tpu.memory_space<hbm>> -> memref<40x128xf32, #tpu.memory_space<hbm>>
      %dma_wait3A_711 = arith.constant 0 : i32
      %dma_wait3A_712 = arith.constant 0 : i32
      %dma_wait3A_713 = tpu.memref_slice %arg6[%arg0, %dma_wait3A_711, %dma_wait3A_712] : memref<2x10000x128xf32, #tpu.memory_space<hbm>> -> memref<1x40x128xf32, #tpu.memory_space<hbm>>
      %dma_wait3A_714 = tpu.memref_squeeze %dma_wait3A_713 : memref<1x40x128xf32, #tpu.memory_space<hbm>> -> memref<40x128xf32, #tpu.memory_space<hbm>>
      tpu.wait_dma2 semaphore(%arg26 : memref<!tpu.dma_semaphore, #tpu.memory_space<semaphore_mem>>) src(%arg19 : memref<40x128xf32, #tpu.memory_space<vmem>>) dst(%dma_wait3A_714 : memref<40x128xf32, #tpu.memory_space<hbm>>)
    } else {
    }
    %lt3A_443 = arith.constant 250 : i32
    %lt3A_444 = arith.cmpi slt, %add3A_435, %lt3A_443 : i32
    %convert_element_type3A_445 = arith.extui %lt3A_444 : i1 to i32
    %cond3A_446 = arith.constant 0 : i32
    %cond3A_447 = arith.cmpi ne, %convert_element_type3A_445, %cond3A_446 : i32
    scf.if %cond3A_447 {
      %mul3A_707 = arith.constant 40 : i32
      %mul3A_708 = arith.muli %add3A_435, %mul3A_707 : i32
      %dma_start3A_709 = arith.constant 0 : i32
      %dma_start3A_710 = tpu.memref_slice %arg23[%mul3A_708, %dma_start3A_709] : memref<10000x128xf32, #tpu.memory_space<vmem_shared>> -> memref<40x128xf32, #tpu.memory_space<vmem_shared>>
      %dma_start3A_711 = arith.constant 0 : i32
      %dma_start3A_712 = tpu.memref_slice %arg23[%mul3A_708, %dma_start3A_711] : memref<10000x128xf32, #tpu.memory_space<vmem_shared>> -> memref<40x128xf32, #tpu.memory_space<vmem_shared>>
      tpu.enqueue_dma source(%dma_start3A_712 : memref<40x128xf32, #tpu.memory_space<vmem_shared>>) target(%arg19 : memref<40x128xf32, #tpu.memory_space<vmem>>) target_semaphore(%arg24 : memref<!tpu.dma_semaphore, #tpu.memory_space<semaphore_mem>>)
    } else {
    }
    %add3A_448 = arith.constant 48 : i32
    %add3A_449 = arith.addi %arg1, %add3A_448 : i32
    %lt3A_450 = arith.constant 250 : i32
    %lt3A_451 = arith.cmpi slt, %add3A_449, %lt3A_450 : i32
    %convert_element_type3A_452 = arith.extui %lt3A_451 : i1 to i32
    %cond3A_453 = arith.constant 0 : i32
    %cond3A_454 = arith.cmpi ne, %convert_element_type3A_452, %cond3A_453 : i32
    scf.if %cond3A_454 {
      %dma_wait3A_707 = arith.constant 0 : i32
      %dma_wait3A_708 = arith.constant 0 : i32
      %dma_wait3A_709 = tpu.memref_slice %arg23[%dma_wait3A_707, %dma_wait3A_708] : memref<10000x128xf32, #tpu.memory_space<vmem_shared>> -> memref<40x128xf32, #tpu.memory_space<vmem_shared>>
      %dma_wait3A_710 = arith.constant 0 : i32
      %dma_wait3A_711 = arith.constant 0 : i32
      %dma_wait3A_712 = tpu.memref_slice %arg23[%dma_wait3A_710, %dma_wait3A_711] : memref<10000x128xf32, #tpu.memory_space<vmem_shared>> -> memref<40x128xf32, #tpu.memory_space<vmem_shared>>
      tpu.wait_dma2 semaphore(%arg25 : memref<!tpu.dma_semaphore, #tpu.memory_space<semaphore_mem>>) src(%dma_wait3A_712 : memref<40x128xf32, #tpu.memory_space<vmem_shared>>) dst(%arg20 : memref<40x128xf32, #tpu.memory_space<vmem>>)
      %mul3A_713 = arith.constant 40 : i32
      %mul3A_714 = arith.muli %add3A_449, %mul3A_713 : i32
      %dma_start3A_715 = arith.constant 0 : i32
      %dma_start3A_716 = tpu.memref_slice %arg6[%arg0, %mul3A_714, %dma_start3A_715] : memref<2x10000x128xf32, #tpu.memory_space<hbm>> -> memref<1x40x128xf32, #tpu.memory_space<hbm>>
      %dma_start3A_717 = tpu.memref_squeeze %dma_start3A_716 : memref<1x40x128xf32, #tpu.memory_space<hbm>> -> memref<40x128xf32, #tpu.memory_space<hbm>>
      %dma_start3A_718 = arith.constant 0 : i32
      %dma_start3A_719 = tpu.memref_slice %arg6[%arg0, %mul3A_714, %dma_start3A_718] : memref<2x10000x128xf32, #tpu.memory_space<hbm>> -> memref<1x40x128xf32, #tpu.memory_space<hbm>>
      %dma_start3A_720 = tpu.memref_squeeze %dma_start3A_719 : memref<1x40x128xf32, #tpu.memory_space<hbm>> -> memref<40x128xf32, #tpu.memory_space<hbm>>
      tpu.enqueue_dma source(%arg20 : memref<40x128xf32, #tpu.memory_space<vmem>>) target(%dma_start3A_720 : memref<40x128xf32, #tpu.memory_space<hbm>>) target_semaphore(%arg27 : memref<!tpu.dma_semaphore, #tpu.memory_space<semaphore_mem>>)
    } else {
    }
    %add3A_455 = arith.constant 80 : i32
    %add3A_456 = arith.addi %arg1, %add3A_455 : i32
    %add3A_457 = arith.constant 48 : i32
    %add3A_458 = arith.addi %arg1, %add3A_457 : i32
    %lt3A_459 = arith.constant 250 : i32
    %lt3A_460 = arith.cmpi slt, %add3A_458, %lt3A_459 : i32
    %convert_element_type3A_461 = arith.extui %lt3A_460 : i1 to i32
    %cond3A_462 = arith.constant 0 : i32
    %cond3A_463 = arith.cmpi ne, %convert_element_type3A_461, %cond3A_462 : i32
    scf.if %cond3A_463 {
      %dma_wait3A_707 = arith.constant 0 : i32
      %dma_wait3A_708 = arith.constant 0 : i32
      %dma_wait3A_709 = tpu.memref_slice %arg6[%arg0, %dma_wait3A_707, %dma_wait3A_708] : memref<2x10000x128xf32, #tpu.memory_space<hbm>> -> memref<1x40x128xf32, #tpu.memory_space<hbm>>
      %dma_wait3A_710 = tpu.memref_squeeze %dma_wait3A_709 : memref<1x40x128xf32, #tpu.memory_space<hbm>> -> memref<40x128xf32, #tpu.memory_space<hbm>>
      %dma_wait3A_711 = arith.constant 0 : i32
      %dma_wait3A_712 = arith.constant 0 : i32
      %dma_wait3A_713 = tpu.memref_slice %arg6[%arg0, %dma_wait3A_711, %dma_wait3A_712] : memref<2x10000x128xf32, #tpu.memory_space<hbm>> -> memref<1x40x128xf32, #tpu.memory_space<hbm>>
      %dma_wait3A_714 = tpu.memref_squeeze %dma_wait3A_713 : memref<1x40x128xf32, #tpu.memory_space<hbm>> -> memref<40x128xf32, #tpu.memory_space<hbm>>
      tpu.wait_dma2 semaphore(%arg27 : memref<!tpu.dma_semaphore, #tpu.memory_space<semaphore_mem>>) src(%arg20 : memref<40x128xf32, #tpu.memory_space<vmem>>) dst(%dma_wait3A_714 : memref<40x128xf32, #tpu.memory_space<hbm>>)
    } else {
    }
    %lt3A_464 = arith.constant 250 : i32
    %lt3A_465 = arith.cmpi slt, %add3A_456, %lt3A_464 : i32
    %convert_element_type3A_466 = arith.extui %lt3A_465 : i1 to i32
    %cond3A_467 = arith.constant 0 : i32
    %cond3A_468 = arith.cmpi ne, %convert_element_type3A_466, %cond3A_467 : i32
    scf.if %cond3A_468 {
      %mul3A_707 = arith.constant 40 : i32
      %mul3A_708 = arith.muli %add3A_456, %mul3A_707 : i32
      %dma_start3A_709 = arith.constant 0 : i32
      %dma_start3A_710 = tpu.memref_slice %arg23[%mul3A_708, %dma_start3A_709] : memref<10000x128xf32, #tpu.memory_space<vmem_shared>> -> memref<40x128xf32, #tpu.memory_space<vmem_shared>>
      %dma_start3A_711 = arith.constant 0 : i32
      %dma_start3A_712 = tpu.memref_slice %arg23[%mul3A_708, %dma_start3A_711] : memref<10000x128xf32, #tpu.memory_space<vmem_shared>> -> memref<40x128xf32, #tpu.memory_space<vmem_shared>>
      tpu.enqueue_dma source(%dma_start3A_712 : memref<40x128xf32, #tpu.memory_space<vmem_shared>>) target(%arg20 : memref<40x128xf32, #tpu.memory_space<vmem>>) target_semaphore(%arg25 : memref<!tpu.dma_semaphore, #tpu.memory_space<semaphore_mem>>)
    } else {
    }
    %add3A_469 = arith.constant 64 : i32
    %add3A_470 = arith.addi %arg1, %add3A_469 : i32
    %lt3A_471 = arith.constant 250 : i32
    %lt3A_472 = arith.cmpi slt, %add3A_470, %lt3A_471 : i32
    %convert_element_type3A_473 = arith.extui %lt3A_472 : i1 to i32
    %cond3A_474 = arith.constant 0 : i32
    %cond3A_475 = arith.cmpi ne, %convert_element_type3A_473, %cond3A_474 : i32
    scf.if %cond3A_475 {
      %dma_wait3A_707 = arith.constant 0 : i32
      %dma_wait3A_708 = arith.constant 0 : i32
      %dma_wait3A_709 = tpu.memref_slice %arg23[%dma_wait3A_707, %dma_wait3A_708] : memref<10000x128xf32, #tpu.memory_space<vmem_shared>> -> memref<40x128xf32, #tpu.memory_space<vmem_shared>>
      %dma_wait3A_710 = arith.constant 0 : i32
      %dma_wait3A_711 = arith.constant 0 : i32
      %dma_wait3A_712 = tpu.memref_slice %arg23[%dma_wait3A_710, %dma_wait3A_711] : memref<10000x128xf32, #tpu.memory_space<vmem_shared>> -> memref<40x128xf32, #tpu.memory_space<vmem_shared>>
      tpu.wait_dma2 semaphore(%arg24 : memref<!tpu.dma_semaphore, #tpu.memory_space<semaphore_mem>>) src(%dma_wait3A_712 : memref<40x128xf32, #tpu.memory_space<vmem_shared>>) dst(%arg19 : memref<40x128xf32, #tpu.memory_space<vmem>>)
      %mul3A_713 = arith.constant 40 : i32
      %mul3A_714 = arith.muli %add3A_470, %mul3A_713 : i32
      %dma_start3A_715 = arith.constant 0 : i32
      %dma_start3A_716 = tpu.memref_slice %arg6[%arg0, %mul3A_714, %dma_start3A_715] : memref<2x10000x128xf32, #tpu.memory_space<hbm>> -> memref<1x40x128xf32, #tpu.memory_space<hbm>>
      %dma_start3A_717 = tpu.memref_squeeze %dma_start3A_716 : memref<1x40x128xf32, #tpu.memory_space<hbm>> -> memref<40x128xf32, #tpu.memory_space<hbm>>
      %dma_start3A_718 = arith.constant 0 : i32
      %dma_start3A_719 = tpu.memref_slice %arg6[%arg0, %mul3A_714, %dma_start3A_718] : memref<2x10000x128xf32, #tpu.memory_space<hbm>> -> memref<1x40x128xf32, #tpu.memory_space<hbm>>
      %dma_start3A_720 = tpu.memref_squeeze %dma_start3A_719 : memref<1x40x128xf32, #tpu.memory_space<hbm>> -> memref<40x128xf32, #tpu.memory_space<hbm>>
      tpu.enqueue_dma source(%arg19 : memref<40x128xf32, #tpu.memory_space<vmem>>) target(%dma_start3A_720 : memref<40x128xf32, #tpu.memory_space<hbm>>) target_semaphore(%arg26 : memref<!tpu.dma_semaphore, #tpu.memory_space<semaphore_mem>>)
    } else {
    }
    %add3A_476 = arith.constant 96 : i32
    %add3A_477 = arith.addi %arg1, %add3A_476 : i32
    %add3A_478 = arith.constant 64 : i32
    %add3A_479 = arith.addi %arg1, %add3A_478 : i32
    %lt3A_480 = arith.constant 250 : i32
    %lt3A_481 = arith.cmpi slt, %add3A_479, %lt3A_480 : i32
    %convert_element_type3A_482 = arith.extui %lt3A_481 : i1 to i32
    %cond3A_483 = arith.constant 0 : i32
    %cond3A_484 = arith.cmpi ne, %convert_element_type3A_482, %cond3A_483 : i32
    scf.if %cond3A_484 {
      %dma_wait3A_707 = arith.constant 0 : i32
      %dma_wait3A_708 = arith.constant 0 : i32
      %dma_wait3A_709 = tpu.memref_slice %arg6[%arg0, %dma_wait3A_707, %dma_wait3A_708] : memref<2x10000x128xf32, #tpu.memory_space<hbm>> -> memref<1x40x128xf32, #tpu.memory_space<hbm>>
      %dma_wait3A_710 = tpu.memref_squeeze %dma_wait3A_709 : memref<1x40x128xf32, #tpu.memory_space<hbm>> -> memref<40x128xf32, #tpu.memory_space<hbm>>
      %dma_wait3A_711 = arith.constant 0 : i32
      %dma_wait3A_712 = arith.constant 0 : i32
      %dma_wait3A_713 = tpu.memref_slice %arg6[%arg0, %dma_wait3A_711, %dma_wait3A_712] : memref<2x10000x128xf32, #tpu.memory_space<hbm>> -> memref<1x40x128xf32, #tpu.memory_space<hbm>>
      %dma_wait3A_714 = tpu.memref_squeeze %dma_wait3A_713 : memref<1x40x128xf32, #tpu.memory_space<hbm>> -> memref<40x128xf32, #tpu.memory_space<hbm>>
      tpu.wait_dma2 semaphore(%arg26 : memref<!tpu.dma_semaphore, #tpu.memory_space<semaphore_mem>>) src(%arg19 : memref<40x128xf32, #tpu.memory_space<vmem>>) dst(%dma_wait3A_714 : memref<40x128xf32, #tpu.memory_space<hbm>>)
    } else {
    }
    %lt3A_485 = arith.constant 250 : i32
    %lt3A_486 = arith.cmpi slt, %add3A_477, %lt3A_485 : i32
    %convert_element_type3A_487 = arith.extui %lt3A_486 : i1 to i32
    %cond3A_488 = arith.constant 0 : i32
    %cond3A_489 = arith.cmpi ne, %convert_element_type3A_487, %cond3A_488 : i32
    scf.if %cond3A_489 {
      %mul3A_707 = arith.constant 40 : i32
      %mul3A_708 = arith.muli %add3A_477, %mul3A_707 : i32
      %dma_start3A_709 = arith.constant 0 : i32
      %dma_start3A_710 = tpu.memref_slice %arg23[%mul3A_708, %dma_start3A_709] : memref<10000x128xf32, #tpu.memory_space<vmem_shared>> -> memref<40x128xf32, #tpu.memory_space<vmem_shared>>
      %dma_start3A_711 = arith.constant 0 : i32
      %dma_start3A_712 = tpu.memref_slice %arg23[%mul3A_708, %dma_start3A_711] : memref<10000x128xf32, #tpu.memory_space<vmem_shared>> -> memref<40x128xf32, #tpu.memory_space<vmem_shared>>
      tpu.enqueue_dma source(%dma_start3A_712 : memref<40x128xf32, #tpu.memory_space<vmem_shared>>) target(%arg19 : memref<40x128xf32, #tpu.memory_space<vmem>>) target_semaphore(%arg24 : memref<!tpu.dma_semaphore, #tpu.memory_space<semaphore_mem>>)
    } else {
    }
    %add3A_490 = arith.constant 80 : i32
    %add3A_491 = arith.addi %arg1, %add3A_490 : i32
    %lt3A_492 = arith.constant 250 : i32
    %lt3A_493 = arith.cmpi slt, %add3A_491, %lt3A_492 : i32
    %convert_element_type3A_494 = arith.extui %lt3A_493 : i1 to i32
    %cond3A_495 = arith.constant 0 : i32
    %cond3A_496 = arith.cmpi ne, %convert_element_type3A_494, %cond3A_495 : i32
    scf.if %cond3A_496 {
      %dma_wait3A_707 = arith.constant 0 : i32
      %dma_wait3A_708 = arith.constant 0 : i32
      %dma_wait3A_709 = tpu.memref_slice %arg23[%dma_wait3A_707, %dma_wait3A_708] : memref<10000x128xf32, #tpu.memory_space<vmem_shared>> -> memref<40x128xf32, #tpu.memory_space<vmem_shared>>
      %dma_wait3A_710 = arith.constant 0 : i32
      %dma_wait3A_711 = arith.constant 0 : i32
      %dma_wait3A_712 = tpu.memref_slice %arg23[%dma_wait3A_710, %dma_wait3A_711] : memref<10000x128xf32, #tpu.memory_space<vmem_shared>> -> memref<40x128xf32, #tpu.memory_space<vmem_shared>>
      tpu.wait_dma2 semaphore(%arg25 : memref<!tpu.dma_semaphore, #tpu.memory_space<semaphore_mem>>) src(%dma_wait3A_712 : memref<40x128xf32, #tpu.memory_space<vmem_shared>>) dst(%arg20 : memref<40x128xf32, #tpu.memory_space<vmem>>)
      %mul3A_713 = arith.constant 40 : i32
      %mul3A_714 = arith.muli %add3A_491, %mul3A_713 : i32
      %dma_start3A_715 = arith.constant 0 : i32
      %dma_start3A_716 = tpu.memref_slice %arg6[%arg0, %mul3A_714, %dma_start3A_715] : memref<2x10000x128xf32, #tpu.memory_space<hbm>> -> memref<1x40x128xf32, #tpu.memory_space<hbm>>
      %dma_start3A_717 = tpu.memref_squeeze %dma_start3A_716 : memref<1x40x128xf32, #tpu.memory_space<hbm>> -> memref<40x128xf32, #tpu.memory_space<hbm>>
      %dma_start3A_718 = arith.constant 0 : i32
      %dma_start3A_719 = tpu.memref_slice %arg6[%arg0, %mul3A_714, %dma_start3A_718] : memref<2x10000x128xf32, #tpu.memory_space<hbm>> -> memref<1x40x128xf32, #tpu.memory_space<hbm>>
      %dma_start3A_720 = tpu.memref_squeeze %dma_start3A_719 : memref<1x40x128xf32, #tpu.memory_space<hbm>> -> memref<40x128xf32, #tpu.memory_space<hbm>>
      tpu.enqueue_dma source(%arg20 : memref<40x128xf32, #tpu.memory_space<vmem>>) target(%dma_start3A_720 : memref<40x128xf32, #tpu.memory_space<hbm>>) target_semaphore(%arg27 : memref<!tpu.dma_semaphore, #tpu.memory_space<semaphore_mem>>)
    } else {
    }
    %add3A_497 = arith.constant 112 : i32
    %add3A_498 = arith.addi %arg1, %add3A_497 : i32
    %add3A_499 = arith.constant 80 : i32
    %add3A_500 = arith.addi %arg1, %add3A_499 : i32
    %lt3A_501 = arith.constant 250 : i32
    %lt3A_502 = arith.cmpi slt, %add3A_500, %lt3A_501 : i32
    %convert_element_type3A_503 = arith.extui %lt3A_502 : i1 to i32
    %cond3A_504 = arith.constant 0 : i32
    %cond3A_505 = arith.cmpi ne, %convert_element_type3A_503, %cond3A_504 : i32
    scf.if %cond3A_505 {
      %dma_wait3A_707 = arith.constant 0 : i32
      %dma_wait3A_708 = arith.constant 0 : i32
      %dma_wait3A_709 = tpu.memref_slice %arg6[%arg0, %dma_wait3A_707, %dma_wait3A_708] : memref<2x10000x128xf32, #tpu.memory_space<hbm>> -> memref<1x40x128xf32, #tpu.memory_space<hbm>>
      %dma_wait3A_710 = tpu.memref_squeeze %dma_wait3A_709 : memref<1x40x128xf32, #tpu.memory_space<hbm>> -> memref<40x128xf32, #tpu.memory_space<hbm>>
      %dma_wait3A_711 = arith.constant 0 : i32
      %dma_wait3A_712 = arith.constant 0 : i32
      %dma_wait3A_713 = tpu.memref_slice %arg6[%arg0, %dma_wait3A_711, %dma_wait3A_712] : memref<2x10000x128xf32, #tpu.memory_space<hbm>> -> memref<1x40x128xf32, #tpu.memory_space<hbm>>
      %dma_wait3A_714 = tpu.memref_squeeze %dma_wait3A_713 : memref<1x40x128xf32, #tpu.memory_space<hbm>> -> memref<40x128xf32, #tpu.memory_space<hbm>>
      tpu.wait_dma2 semaphore(%arg27 : memref<!tpu.dma_semaphore, #tpu.memory_space<semaphore_mem>>) src(%arg20 : memref<40x128xf32, #tpu.memory_space<vmem>>) dst(%dma_wait3A_714 : memref<40x128xf32, #tpu.memory_space<hbm>>)
    } else {
    }
    %lt3A_506 = arith.constant 250 : i32
    %lt3A_507 = arith.cmpi slt, %add3A_498, %lt3A_506 : i32
    %convert_element_type3A_508 = arith.extui %lt3A_507 : i1 to i32
    %cond3A_509 = arith.constant 0 : i32
    %cond3A_510 = arith.cmpi ne, %convert_element_type3A_508, %cond3A_509 : i32
    scf.if %cond3A_510 {
      %mul3A_707 = arith.constant 40 : i32
      %mul3A_708 = arith.muli %add3A_498, %mul3A_707 : i32
      %dma_start3A_709 = arith.constant 0 : i32
      %dma_start3A_710 = tpu.memref_slice %arg23[%mul3A_708, %dma_start3A_709] : memref<10000x128xf32, #tpu.memory_space<vmem_shared>> -> memref<40x128xf32, #tpu.memory_space<vmem_shared>>
      %dma_start3A_711 = arith.constant 0 : i32
      %dma_start3A_712 = tpu.memref_slice %arg23[%mul3A_708, %dma_start3A_711] : memref<10000x128xf32, #tpu.memory_space<vmem_shared>> -> memref<40x128xf32, #tpu.memory_space<vmem_shared>>
      tpu.enqueue_dma source(%dma_start3A_712 : memref<40x128xf32, #tpu.memory_space<vmem_shared>>) target(%arg20 : memref<40x128xf32, #tpu.memory_space<vmem>>) target_semaphore(%arg25 : memref<!tpu.dma_semaphore, #tpu.memory_space<semaphore_mem>>)
    } else {
    }
    %add3A_511 = arith.constant 96 : i32
    %add3A_512 = arith.addi %arg1, %add3A_511 : i32
    %lt3A_513 = arith.constant 250 : i32
    %lt3A_514 = arith.cmpi slt, %add3A_512, %lt3A_513 : i32
    %convert_element_type3A_515 = arith.extui %lt3A_514 : i1 to i32
    %cond3A_516 = arith.constant 0 : i32
    %cond3A_517 = arith.cmpi ne, %convert_element_type3A_515, %cond3A_516 : i32
    scf.if %cond3A_517 {
      %dma_wait3A_707 = arith.constant 0 : i32
      %dma_wait3A_708 = arith.constant 0 : i32
      %dma_wait3A_709 = tpu.memref_slice %arg23[%dma_wait3A_707, %dma_wait3A_708] : memref<10000x128xf32, #tpu.memory_space<vmem_shared>> -> memref<40x128xf32, #tpu.memory_space<vmem_shared>>
      %dma_wait3A_710 = arith.constant 0 : i32
      %dma_wait3A_711 = arith.constant 0 : i32
      %dma_wait3A_712 = tpu.memref_slice %arg23[%dma_wait3A_710, %dma_wait3A_711] : memref<10000x128xf32, #tpu.memory_space<vmem_shared>> -> memref<40x128xf32, #tpu.memory_space<vmem_shared>>
      tpu.wait_dma2 semaphore(%arg24 : memref<!tpu.dma_semaphore, #tpu.memory_space<semaphore_mem>>) src(%dma_wait3A_712 : memref<40x128xf32, #tpu.memory_space<vmem_shared>>) dst(%arg19 : memref<40x128xf32, #tpu.memory_space<vmem>>)
      %mul3A_713 = arith.constant 40 : i32
      %mul3A_714 = arith.muli %add3A_512, %mul3A_713 : i32
      %dma_start3A_715 = arith.constant 0 : i32
      %dma_start3A_716 = tpu.memref_slice %arg6[%arg0, %mul3A_714, %dma_start3A_715] : memref<2x10000x128xf32, #tpu.memory_space<hbm>> -> memref<1x40x128xf32, #tpu.memory_space<hbm>>
      %dma_start3A_717 = tpu.memref_squeeze %dma_start3A_716 : memref<1x40x128xf32, #tpu.memory_space<hbm>> -> memref<40x128xf32, #tpu.memory_space<hbm>>
      %dma_start3A_718 = arith.constant 0 : i32
      %dma_start3A_719 = tpu.memref_slice %arg6[%arg0, %mul3A_714, %dma_start3A_718] : memref<2x10000x128xf32, #tpu.memory_space<hbm>> -> memref<1x40x128xf32, #tpu.memory_space<hbm>>
      %dma_start3A_720 = tpu.memref_squeeze %dma_start3A_719 : memref<1x40x128xf32, #tpu.memory_space<hbm>> -> memref<40x128xf32, #tpu.memory_space<hbm>>
      tpu.enqueue_dma source(%arg19 : memref<40x128xf32, #tpu.memory_space<vmem>>) target(%dma_start3A_720 : memref<40x128xf32, #tpu.memory_space<hbm>>) target_semaphore(%arg26 : memref<!tpu.dma_semaphore, #tpu.memory_space<semaphore_mem>>)
    } else {
    }
    %add3A_518 = arith.constant 128 : i32
    %add3A_519 = arith.addi %arg1, %add3A_518 : i32
    %add3A_520 = arith.constant 96 : i32
    %add3A_521 = arith.addi %arg1, %add3A_520 : i32
    %lt3A_522 = arith.constant 250 : i32
    %lt3A_523 = arith.cmpi slt, %add3A_521, %lt3A_522 : i32
    %convert_element_type3A_524 = arith.extui %lt3A_523 : i1 to i32
    %cond3A_525 = arith.constant 0 : i32
    %cond3A_526 = arith.cmpi ne, %convert_element_type3A_524, %cond3A_525 : i32
    scf.if %cond3A_526 {
      %dma_wait3A_707 = arith.constant 0 : i32
      %dma_wait3A_708 = arith.constant 0 : i32
      %dma_wait3A_709 = tpu.memref_slice %arg6[%arg0, %dma_wait3A_707, %dma_wait3A_708] : memref<2x10000x128xf32, #tpu.memory_space<hbm>> -> memref<1x40x128xf32, #tpu.memory_space<hbm>>
      %dma_wait3A_710 = tpu.memref_squeeze %dma_wait3A_709 : memref<1x40x128xf32, #tpu.memory_space<hbm>> -> memref<40x128xf32, #tpu.memory_space<hbm>>
      %dma_wait3A_711 = arith.constant 0 : i32
      %dma_wait3A_712 = arith.constant 0 : i32
      %dma_wait3A_713 = tpu.memref_slice %arg6[%arg0, %dma_wait3A_711, %dma_wait3A_712] : memref<2x10000x128xf32, #tpu.memory_space<hbm>> -> memref<1x40x128xf32, #tpu.memory_space<hbm>>
      %dma_wait3A_714 = tpu.memref_squeeze %dma_wait3A_713 : memref<1x40x128xf32, #tpu.memory_space<hbm>> -> memref<40x128xf32, #tpu.memory_space<hbm>>
      tpu.wait_dma2 semaphore(%arg26 : memref<!tpu.dma_semaphore, #tpu.memory_space<semaphore_mem>>) src(%arg19 : memref<40x128xf32, #tpu.memory_space<vmem>>) dst(%dma_wait3A_714 : memref<40x128xf32, #tpu.memory_space<hbm>>)
    } else {
    }
    %lt3A_527 = arith.constant 250 : i32
    %lt3A_528 = arith.cmpi slt, %add3A_519, %lt3A_527 : i32
    %convert_element_type3A_529 = arith.extui %lt3A_528 : i1 to i32
    %cond3A_530 = arith.constant 0 : i32
    %cond3A_531 = arith.cmpi ne, %convert_element_type3A_529, %cond3A_530 : i32
    scf.if %cond3A_531 {
      %mul3A_707 = arith.constant 40 : i32
      %mul3A_708 = arith.muli %add3A_519, %mul3A_707 : i32
      %dma_start3A_709 = arith.constant 0 : i32
      %dma_start3A_710 = tpu.memref_slice %arg23[%mul3A_708, %dma_start3A_709] : memref<10000x128xf32, #tpu.memory_space<vmem_shared>> -> memref<40x128xf32, #tpu.memory_space<vmem_shared>>
      %dma_start3A_711 = arith.constant 0 : i32
      %dma_start3A_712 = tpu.memref_slice %arg23[%mul3A_708, %dma_start3A_711] : memref<10000x128xf32, #tpu.memory_space<vmem_shared>> -> memref<40x128xf32, #tpu.memory_space<vmem_shared>>
      tpu.enqueue_dma source(%dma_start3A_712 : memref<40x128xf32, #tpu.memory_space<vmem_shared>>) target(%arg19 : memref<40x128xf32, #tpu.memory_space<vmem>>) target_semaphore(%arg24 : memref<!tpu.dma_semaphore, #tpu.memory_space<semaphore_mem>>)
    } else {
    }
    %add3A_532 = arith.constant 112 : i32
    %add3A_533 = arith.addi %arg1, %add3A_532 : i32
    %lt3A_534 = arith.constant 250 : i32
    %lt3A_535 = arith.cmpi slt, %add3A_533, %lt3A_534 : i32
    %convert_element_type3A_536 = arith.extui %lt3A_535 : i1 to i32
    %cond3A_537 = arith.constant 0 : i32
    %cond3A_538 = arith.cmpi ne, %convert_element_type3A_536, %cond3A_537 : i32
    scf.if %cond3A_538 {
      %dma_wait3A_707 = arith.constant 0 : i32
      %dma_wait3A_708 = arith.constant 0 : i32
      %dma_wait3A_709 = tpu.memref_slice %arg23[%dma_wait3A_707, %dma_wait3A_708] : memref<10000x128xf32, #tpu.memory_space<vmem_shared>> -> memref<40x128xf32, #tpu.memory_space<vmem_shared>>
      %dma_wait3A_710 = arith.constant 0 : i32
      %dma_wait3A_711 = arith.constant 0 : i32
      %dma_wait3A_712 = tpu.memref_slice %arg23[%dma_wait3A_710, %dma_wait3A_711] : memref<10000x128xf32, #tpu.memory_space<vmem_shared>> -> memref<40x128xf32, #tpu.memory_space<vmem_shared>>
      tpu.wait_dma2 semaphore(%arg25 : memref<!tpu.dma_semaphore, #tpu.memory_space<semaphore_mem>>) src(%dma_wait3A_712 : memref<40x128xf32, #tpu.memory_space<vmem_shared>>) dst(%arg20 : memref<40x128xf32, #tpu.memory_space<vmem>>)
      %mul3A_713 = arith.constant 40 : i32
      %mul3A_714 = arith.muli %add3A_533, %mul3A_713 : i32
      %dma_start3A_715 = arith.constant 0 : i32
      %dma_start3A_716 = tpu.memref_slice %arg6[%arg0, %mul3A_714, %dma_start3A_715] : memref<2x10000x128xf32, #tpu.memory_space<hbm>> -> memref<1x40x128xf32, #tpu.memory_space<hbm>>
      %dma_start3A_717 = tpu.memref_squeeze %dma_start3A_716 : memref<1x40x128xf32, #tpu.memory_space<hbm>> -> memref<40x128xf32, #tpu.memory_space<hbm>>
      %dma_start3A_718 = arith.constant 0 : i32
      %dma_start3A_719 = tpu.memref_slice %arg6[%arg0, %mul3A_714, %dma_start3A_718] : memref<2x10000x128xf32, #tpu.memory_space<hbm>> -> memref<1x40x128xf32, #tpu.memory_space<hbm>>
      %dma_start3A_720 = tpu.memref_squeeze %dma_start3A_719 : memref<1x40x128xf32, #tpu.memory_space<hbm>> -> memref<40x128xf32, #tpu.memory_space<hbm>>
      tpu.enqueue_dma source(%arg20 : memref<40x128xf32, #tpu.memory_space<vmem>>) target(%dma_start3A_720 : memref<40x128xf32, #tpu.memory_space<hbm>>) target_semaphore(%arg27 : memref<!tpu.dma_semaphore, #tpu.memory_space<semaphore_mem>>)
    } else {
    }
    %add3A_539 = arith.constant 144 : i32
    %add3A_540 = arith.addi %arg1, %add3A_539 : i32
    %add3A_541 = arith.constant 112 : i32
    %add3A_542 = arith.addi %arg1, %add3A_541 : i32
    %lt3A_543 = arith.constant 250 : i32
    %lt3A_544 = arith.cmpi slt, %add3A_542, %lt3A_543 : i32
    %convert_element_type3A_545 = arith.extui %lt3A_544 : i1 to i32
    %cond3A_546 = arith.constant 0 : i32
    %cond3A_547 = arith.cmpi ne, %convert_element_type3A_545, %cond3A_546 : i32
    scf.if %cond3A_547 {
      %dma_wait3A_707 = arith.constant 0 : i32
      %dma_wait3A_708 = arith.constant 0 : i32
      %dma_wait3A_709 = tpu.memref_slice %arg6[%arg0, %dma_wait3A_707, %dma_wait3A_708] : memref<2x10000x128xf32, #tpu.memory_space<hbm>> -> memref<1x40x128xf32, #tpu.memory_space<hbm>>
      %dma_wait3A_710 = tpu.memref_squeeze %dma_wait3A_709 : memref<1x40x128xf32, #tpu.memory_space<hbm>> -> memref<40x128xf32, #tpu.memory_space<hbm>>
      %dma_wait3A_711 = arith.constant 0 : i32
      %dma_wait3A_712 = arith.constant 0 : i32
      %dma_wait3A_713 = tpu.memref_slice %arg6[%arg0, %dma_wait3A_711, %dma_wait3A_712] : memref<2x10000x128xf32, #tpu.memory_space<hbm>> -> memref<1x40x128xf32, #tpu.memory_space<hbm>>
      %dma_wait3A_714 = tpu.memref_squeeze %dma_wait3A_713 : memref<1x40x128xf32, #tpu.memory_space<hbm>> -> memref<40x128xf32, #tpu.memory_space<hbm>>
      tpu.wait_dma2 semaphore(%arg27 : memref<!tpu.dma_semaphore, #tpu.memory_space<semaphore_mem>>) src(%arg20 : memref<40x128xf32, #tpu.memory_space<vmem>>) dst(%dma_wait3A_714 : memref<40x128xf32, #tpu.memory_space<hbm>>)
    } else {
    }
    %lt3A_548 = arith.constant 250 : i32
    %lt3A_549 = arith.cmpi slt, %add3A_540, %lt3A_548 : i32
    %convert_element_type3A_550 = arith.extui %lt3A_549 : i1 to i32
    %cond3A_551 = arith.constant 0 : i32
    %cond3A_552 = arith.cmpi ne, %convert_element_type3A_550, %cond3A_551 : i32
    scf.if %cond3A_552 {
      %mul3A_707 = arith.constant 40 : i32
      %mul3A_708 = arith.muli %add3A_540, %mul3A_707 : i32
      %dma_start3A_709 = arith.constant 0 : i32
      %dma_start3A_710 = tpu.memref_slice %arg23[%mul3A_708, %dma_start3A_709] : memref<10000x128xf32, #tpu.memory_space<vmem_shared>> -> memref<40x128xf32, #tpu.memory_space<vmem_shared>>
      %dma_start3A_711 = arith.constant 0 : i32
      %dma_start3A_712 = tpu.memref_slice %arg23[%mul3A_708, %dma_start3A_711] : memref<10000x128xf32, #tpu.memory_space<vmem_shared>> -> memref<40x128xf32, #tpu.memory_space<vmem_shared>>
      tpu.enqueue_dma source(%dma_start3A_712 : memref<40x128xf32, #tpu.memory_space<vmem_shared>>) target(%arg20 : memref<40x128xf32, #tpu.memory_space<vmem>>) target_semaphore(%arg25 : memref<!tpu.dma_semaphore, #tpu.memory_space<semaphore_mem>>)
    } else {
    }
    %add3A_553 = arith.constant 128 : i32
    %add3A_554 = arith.addi %arg1, %add3A_553 : i32
    %lt3A_555 = arith.constant 250 : i32
    %lt3A_556 = arith.cmpi slt, %add3A_554, %lt3A_555 : i32
    %convert_element_type3A_557 = arith.extui %lt3A_556 : i1 to i32
    %cond3A_558 = arith.constant 0 : i32
    %cond3A_559 = arith.cmpi ne, %convert_element_type3A_557, %cond3A_558 : i32
    scf.if %cond3A_559 {
      %dma_wait3A_707 = arith.constant 0 : i32
      %dma_wait3A_708 = arith.constant 0 : i32
      %dma_wait3A_709 = tpu.memref_slice %arg23[%dma_wait3A_707, %dma_wait3A_708] : memref<10000x128xf32, #tpu.memory_space<vmem_shared>> -> memref<40x128xf32, #tpu.memory_space<vmem_shared>>
      %dma_wait3A_710 = arith.constant 0 : i32
      %dma_wait3A_711 = arith.constant 0 : i32
      %dma_wait3A_712 = tpu.memref_slice %arg23[%dma_wait3A_710, %dma_wait3A_711] : memref<10000x128xf32, #tpu.memory_space<vmem_shared>> -> memref<40x128xf32, #tpu.memory_space<vmem_shared>>
      tpu.wait_dma2 semaphore(%arg24 : memref<!tpu.dma_semaphore, #tpu.memory_space<semaphore_mem>>) src(%dma_wait3A_712 : memref<40x128xf32, #tpu.memory_space<vmem_shared>>) dst(%arg19 : memref<40x128xf32, #tpu.memory_space<vmem>>)
      %mul3A_713 = arith.constant 40 : i32
      %mul3A_714 = arith.muli %add3A_554, %mul3A_713 : i32
      %dma_start3A_715 = arith.constant 0 : i32
      %dma_start3A_716 = tpu.memref_slice %arg6[%arg0, %mul3A_714, %dma_start3A_715] : memref<2x10000x128xf32, #tpu.memory_space<hbm>> -> memref<1x40x128xf32, #tpu.memory_space<hbm>>
      %dma_start3A_717 = tpu.memref_squeeze %dma_start3A_716 : memref<1x40x128xf32, #tpu.memory_space<hbm>> -> memref<40x128xf32, #tpu.memory_space<hbm>>
      %dma_start3A_718 = arith.constant 0 : i32
      %dma_start3A_719 = tpu.memref_slice %arg6[%arg0, %mul3A_714, %dma_start3A_718] : memref<2x10000x128xf32, #tpu.memory_space<hbm>> -> memref<1x40x128xf32, #tpu.memory_space<hbm>>
      %dma_start3A_720 = tpu.memref_squeeze %dma_start3A_719 : memref<1x40x128xf32, #tpu.memory_space<hbm>> -> memref<40x128xf32, #tpu.memory_space<hbm>>
      tpu.enqueue_dma source(%arg19 : memref<40x128xf32, #tpu.memory_space<vmem>>) target(%dma_start3A_720 : memref<40x128xf32, #tpu.memory_space<hbm>>) target_semaphore(%arg26 : memref<!tpu.dma_semaphore, #tpu.memory_space<semaphore_mem>>)
    } else {
    }
    %add3A_560 = arith.constant 160 : i32
    %add3A_561 = arith.addi %arg1, %add3A_560 : i32
    %add3A_562 = arith.constant 128 : i32
    %add3A_563 = arith.addi %arg1, %add3A_562 : i32
    %lt3A_564 = arith.constant 250 : i32
    %lt3A_565 = arith.cmpi slt, %add3A_563, %lt3A_564 : i32
    %convert_element_type3A_566 = arith.extui %lt3A_565 : i1 to i32
    %cond3A_567 = arith.constant 0 : i32
    %cond3A_568 = arith.cmpi ne, %convert_element_type3A_566, %cond3A_567 : i32
    scf.if %cond3A_568 {
      %dma_wait3A_707 = arith.constant 0 : i32
      %dma_wait3A_708 = arith.constant 0 : i32
      %dma_wait3A_709 = tpu.memref_slice %arg6[%arg0, %dma_wait3A_707, %dma_wait3A_708] : memref<2x10000x128xf32, #tpu.memory_space<hbm>> -> memref<1x40x128xf32, #tpu.memory_space<hbm>>
      %dma_wait3A_710 = tpu.memref_squeeze %dma_wait3A_709 : memref<1x40x128xf32, #tpu.memory_space<hbm>> -> memref<40x128xf32, #tpu.memory_space<hbm>>
      %dma_wait3A_711 = arith.constant 0 : i32
      %dma_wait3A_712 = arith.constant 0 : i32
      %dma_wait3A_713 = tpu.memref_slice %arg6[%arg0, %dma_wait3A_711, %dma_wait3A_712] : memref<2x10000x128xf32, #tpu.memory_space<hbm>> -> memref<1x40x128xf32, #tpu.memory_space<hbm>>
      %dma_wait3A_714 = tpu.memref_squeeze %dma_wait3A_713 : memref<1x40x128xf32, #tpu.memory_space<hbm>> -> memref<40x128xf32, #tpu.memory_space<hbm>>
      tpu.wait_dma2 semaphore(%arg26 : memref<!tpu.dma_semaphore, #tpu.memory_space<semaphore_mem>>) src(%arg19 : memref<40x128xf32, #tpu.memory_space<vmem>>) dst(%dma_wait3A_714 : memref<40x128xf32, #tpu.memory_space<hbm>>)
    } else {
    }
    %lt3A_569 = arith.constant 250 : i32
    %lt3A_570 = arith.cmpi slt, %add3A_561, %lt3A_569 : i32
    %convert_element_type3A_571 = arith.extui %lt3A_570 : i1 to i32
    %cond3A_572 = arith.constant 0 : i32
    %cond3A_573 = arith.cmpi ne, %convert_element_type3A_571, %cond3A_572 : i32
    scf.if %cond3A_573 {
      %mul3A_707 = arith.constant 40 : i32
      %mul3A_708 = arith.muli %add3A_561, %mul3A_707 : i32
      %dma_start3A_709 = arith.constant 0 : i32
      %dma_start3A_710 = tpu.memref_slice %arg23[%mul3A_708, %dma_start3A_709] : memref<10000x128xf32, #tpu.memory_space<vmem_shared>> -> memref<40x128xf32, #tpu.memory_space<vmem_shared>>
      %dma_start3A_711 = arith.constant 0 : i32
      %dma_start3A_712 = tpu.memref_slice %arg23[%mul3A_708, %dma_start3A_711] : memref<10000x128xf32, #tpu.memory_space<vmem_shared>> -> memref<40x128xf32, #tpu.memory_space<vmem_shared>>
      tpu.enqueue_dma source(%dma_start3A_712 : memref<40x128xf32, #tpu.memory_space<vmem_shared>>) target(%arg19 : memref<40x128xf32, #tpu.memory_space<vmem>>) target_semaphore(%arg24 : memref<!tpu.dma_semaphore, #tpu.memory_space<semaphore_mem>>)
    } else {
    }
    %add3A_574 = arith.constant 144 : i32
    %add3A_575 = arith.addi %arg1, %add3A_574 : i32
    %lt3A_576 = arith.constant 250 : i32
    %lt3A_577 = arith.cmpi slt, %add3A_575, %lt3A_576 : i32
    %convert_element_type3A_578 = arith.extui %lt3A_577 : i1 to i32
    %cond3A_579 = arith.constant 0 : i32
    %cond3A_580 = arith.cmpi ne, %convert_element_type3A_578, %cond3A_579 : i32
    scf.if %cond3A_580 {
      %dma_wait3A_707 = arith.constant 0 : i32
      %dma_wait3A_708 = arith.constant 0 : i32
      %dma_wait3A_709 = tpu.memref_slice %arg23[%dma_wait3A_707, %dma_wait3A_708] : memref<10000x128xf32, #tpu.memory_space<vmem_shared>> -> memref<40x128xf32, #tpu.memory_space<vmem_shared>>
      %dma_wait3A_710 = arith.constant 0 : i32
      %dma_wait3A_711 = arith.constant 0 : i32
      %dma_wait3A_712 = tpu.memref_slice %arg23[%dma_wait3A_710, %dma_wait3A_711] : memref<10000x128xf32, #tpu.memory_space<vmem_shared>> -> memref<40x128xf32, #tpu.memory_space<vmem_shared>>
      tpu.wait_dma2 semaphore(%arg25 : memref<!tpu.dma_semaphore, #tpu.memory_space<semaphore_mem>>) src(%dma_wait3A_712 : memref<40x128xf32, #tpu.memory_space<vmem_shared>>) dst(%arg20 : memref<40x128xf32, #tpu.memory_space<vmem>>)
      %mul3A_713 = arith.constant 40 : i32
      %mul3A_714 = arith.muli %add3A_575, %mul3A_713 : i32
      %dma_start3A_715 = arith.constant 0 : i32
      %dma_start3A_716 = tpu.memref_slice %arg6[%arg0, %mul3A_714, %dma_start3A_715] : memref<2x10000x128xf32, #tpu.memory_space<hbm>> -> memref<1x40x128xf32, #tpu.memory_space<hbm>>
      %dma_start3A_717 = tpu.memref_squeeze %dma_start3A_716 : memref<1x40x128xf32, #tpu.memory_space<hbm>> -> memref<40x128xf32, #tpu.memory_space<hbm>>
      %dma_start3A_718 = arith.constant 0 : i32
      %dma_start3A_719 = tpu.memref_slice %arg6[%arg0, %mul3A_714, %dma_start3A_718] : memref<2x10000x128xf32, #tpu.memory_space<hbm>> -> memref<1x40x128xf32, #tpu.memory_space<hbm>>
      %dma_start3A_720 = tpu.memref_squeeze %dma_start3A_719 : memref<1x40x128xf32, #tpu.memory_space<hbm>> -> memref<40x128xf32, #tpu.memory_space<hbm>>
      tpu.enqueue_dma source(%arg20 : memref<40x128xf32, #tpu.memory_space<vmem>>) target(%dma_start3A_720 : memref<40x128xf32, #tpu.memory_space<hbm>>) target_semaphore(%arg27 : memref<!tpu.dma_semaphore, #tpu.memory_space<semaphore_mem>>)
    } else {
    }
    %add3A_581 = arith.constant 176 : i32
    %add3A_582 = arith.addi %arg1, %add3A_581 : i32
    %add3A_583 = arith.constant 144 : i32
    %add3A_584 = arith.addi %arg1, %add3A_583 : i32
    %lt3A_585 = arith.constant 250 : i32
    %lt3A_586 = arith.cmpi slt, %add3A_584, %lt3A_585 : i32
    %convert_element_type3A_587 = arith.extui %lt3A_586 : i1 to i32
    %cond3A_588 = arith.constant 0 : i32
    %cond3A_589 = arith.cmpi ne, %convert_element_type3A_587, %cond3A_588 : i32
    scf.if %cond3A_589 {
      %dma_wait3A_707 = arith.constant 0 : i32
      %dma_wait3A_708 = arith.constant 0 : i32
      %dma_wait3A_709 = tpu.memref_slice %arg6[%arg0, %dma_wait3A_707, %dma_wait3A_708] : memref<2x10000x128xf32, #tpu.memory_space<hbm>> -> memref<1x40x128xf32, #tpu.memory_space<hbm>>
      %dma_wait3A_710 = tpu.memref_squeeze %dma_wait3A_709 : memref<1x40x128xf32, #tpu.memory_space<hbm>> -> memref<40x128xf32, #tpu.memory_space<hbm>>
      %dma_wait3A_711 = arith.constant 0 : i32
      %dma_wait3A_712 = arith.constant 0 : i32
      %dma_wait3A_713 = tpu.memref_slice %arg6[%arg0, %dma_wait3A_711, %dma_wait3A_712] : memref<2x10000x128xf32, #tpu.memory_space<hbm>> -> memref<1x40x128xf32, #tpu.memory_space<hbm>>
      %dma_wait3A_714 = tpu.memref_squeeze %dma_wait3A_713 : memref<1x40x128xf32, #tpu.memory_space<hbm>> -> memref<40x128xf32, #tpu.memory_space<hbm>>
      tpu.wait_dma2 semaphore(%arg27 : memref<!tpu.dma_semaphore, #tpu.memory_space<semaphore_mem>>) src(%arg20 : memref<40x128xf32, #tpu.memory_space<vmem>>) dst(%dma_wait3A_714 : memref<40x128xf32, #tpu.memory_space<hbm>>)
    } else {
    }
    %lt3A_590 = arith.constant 250 : i32
    %lt3A_591 = arith.cmpi slt, %add3A_582, %lt3A_590 : i32
    %convert_element_type3A_592 = arith.extui %lt3A_591 : i1 to i32
    %cond3A_593 = arith.constant 0 : i32
    %cond3A_594 = arith.cmpi ne, %convert_element_type3A_592, %cond3A_593 : i32
    scf.if %cond3A_594 {
      %mul3A_707 = arith.constant 40 : i32
      %mul3A_708 = arith.muli %add3A_582, %mul3A_707 : i32
      %dma_start3A_709 = arith.constant 0 : i32
      %dma_start3A_710 = tpu.memref_slice %arg23[%mul3A_708, %dma_start3A_709] : memref<10000x128xf32, #tpu.memory_space<vmem_shared>> -> memref<40x128xf32, #tpu.memory_space<vmem_shared>>
      %dma_start3A_711 = arith.constant 0 : i32
      %dma_start3A_712 = tpu.memref_slice %arg23[%mul3A_708, %dma_start3A_711] : memref<10000x128xf32, #tpu.memory_space<vmem_shared>> -> memref<40x128xf32, #tpu.memory_space<vmem_shared>>
      tpu.enqueue_dma source(%dma_start3A_712 : memref<40x128xf32, #tpu.memory_space<vmem_shared>>) target(%arg20 : memref<40x128xf32, #tpu.memory_space<vmem>>) target_semaphore(%arg25 : memref<!tpu.dma_semaphore, #tpu.memory_space<semaphore_mem>>)
    } else {
    }
    %add3A_595 = arith.constant 160 : i32
    %add3A_596 = arith.addi %arg1, %add3A_595 : i32
    %lt3A_597 = arith.constant 250 : i32
    %lt3A_598 = arith.cmpi slt, %add3A_596, %lt3A_597 : i32
    %convert_element_type3A_599 = arith.extui %lt3A_598 : i1 to i32
    %cond3A_600 = arith.constant 0 : i32
    %cond3A_601 = arith.cmpi ne, %convert_element_type3A_599, %cond3A_600 : i32
    scf.if %cond3A_601 {
      %dma_wait3A_707 = arith.constant 0 : i32
      %dma_wait3A_708 = arith.constant 0 : i32
      %dma_wait3A_709 = tpu.memref_slice %arg23[%dma_wait3A_707, %dma_wait3A_708] : memref<10000x128xf32, #tpu.memory_space<vmem_shared>> -> memref<40x128xf32, #tpu.memory_space<vmem_shared>>
      %dma_wait3A_710 = arith.constant 0 : i32
      %dma_wait3A_711 = arith.constant 0 : i32
      %dma_wait3A_712 = tpu.memref_slice %arg23[%dma_wait3A_710, %dma_wait3A_711] : memref<10000x128xf32, #tpu.memory_space<vmem_shared>> -> memref<40x128xf32, #tpu.memory_space<vmem_shared>>
      tpu.wait_dma2 semaphore(%arg24 : memref<!tpu.dma_semaphore, #tpu.memory_space<semaphore_mem>>) src(%dma_wait3A_712 : memref<40x128xf32, #tpu.memory_space<vmem_shared>>) dst(%arg19 : memref<40x128xf32, #tpu.memory_space<vmem>>)
      %mul3A_713 = arith.constant 40 : i32
      %mul3A_714 = arith.muli %add3A_596, %mul3A_713 : i32
      %dma_start3A_715 = arith.constant 0 : i32
      %dma_start3A_716 = tpu.memref_slice %arg6[%arg0, %mul3A_714, %dma_start3A_715] : memref<2x10000x128xf32, #tpu.memory_space<hbm>> -> memref<1x40x128xf32, #tpu.memory_space<hbm>>
      %dma_start3A_717 = tpu.memref_squeeze %dma_start3A_716 : memref<1x40x128xf32, #tpu.memory_space<hbm>> -> memref<40x128xf32, #tpu.memory_space<hbm>>
      %dma_start3A_718 = arith.constant 0 : i32
      %dma_start3A_719 = tpu.memref_slice %arg6[%arg0, %mul3A_714, %dma_start3A_718] : memref<2x10000x128xf32, #tpu.memory_space<hbm>> -> memref<1x40x128xf32, #tpu.memory_space<hbm>>
      %dma_start3A_720 = tpu.memref_squeeze %dma_start3A_719 : memref<1x40x128xf32, #tpu.memory_space<hbm>> -> memref<40x128xf32, #tpu.memory_space<hbm>>
      tpu.enqueue_dma source(%arg19 : memref<40x128xf32, #tpu.memory_space<vmem>>) target(%dma_start3A_720 : memref<40x128xf32, #tpu.memory_space<hbm>>) target_semaphore(%arg26 : memref<!tpu.dma_semaphore, #tpu.memory_space<semaphore_mem>>)
    } else {
    }
    %add3A_602 = arith.constant 192 : i32
    %add3A_603 = arith.addi %arg1, %add3A_602 : i32
    %add3A_604 = arith.constant 160 : i32
    %add3A_605 = arith.addi %arg1, %add3A_604 : i32
    %lt3A_606 = arith.constant 250 : i32
    %lt3A_607 = arith.cmpi slt, %add3A_605, %lt3A_606 : i32
    %convert_element_type3A_608 = arith.extui %lt3A_607 : i1 to i32
    %cond3A_609 = arith.constant 0 : i32
    %cond3A_610 = arith.cmpi ne, %convert_element_type3A_608, %cond3A_609 : i32
    scf.if %cond3A_610 {
      %dma_wait3A_707 = arith.constant 0 : i32
      %dma_wait3A_708 = arith.constant 0 : i32
      %dma_wait3A_709 = tpu.memref_slice %arg6[%arg0, %dma_wait3A_707, %dma_wait3A_708] : memref<2x10000x128xf32, #tpu.memory_space<hbm>> -> memref<1x40x128xf32, #tpu.memory_space<hbm>>
      %dma_wait3A_710 = tpu.memref_squeeze %dma_wait3A_709 : memref<1x40x128xf32, #tpu.memory_space<hbm>> -> memref<40x128xf32, #tpu.memory_space<hbm>>
      %dma_wait3A_711 = arith.constant 0 : i32
      %dma_wait3A_712 = arith.constant 0 : i32
      %dma_wait3A_713 = tpu.memref_slice %arg6[%arg0, %dma_wait3A_711, %dma_wait3A_712] : memref<2x10000x128xf32, #tpu.memory_space<hbm>> -> memref<1x40x128xf32, #tpu.memory_space<hbm>>
      %dma_wait3A_714 = tpu.memref_squeeze %dma_wait3A_713 : memref<1x40x128xf32, #tpu.memory_space<hbm>> -> memref<40x128xf32, #tpu.memory_space<hbm>>
      tpu.wait_dma2 semaphore(%arg26 : memref<!tpu.dma_semaphore, #tpu.memory_space<semaphore_mem>>) src(%arg19 : memref<40x128xf32, #tpu.memory_space<vmem>>) dst(%dma_wait3A_714 : memref<40x128xf32, #tpu.memory_space<hbm>>)
    } else {
    }
    %lt3A_611 = arith.constant 250 : i32
    %lt3A_612 = arith.cmpi slt, %add3A_603, %lt3A_611 : i32
    %convert_element_type3A_613 = arith.extui %lt3A_612 : i1 to i32
    %cond3A_614 = arith.constant 0 : i32
    %cond3A_615 = arith.cmpi ne, %convert_element_type3A_613, %cond3A_614 : i32
    scf.if %cond3A_615 {
      %mul3A_707 = arith.constant 40 : i32
      %mul3A_708 = arith.muli %add3A_603, %mul3A_707 : i32
      %dma_start3A_709 = arith.constant 0 : i32
      %dma_start3A_710 = tpu.memref_slice %arg23[%mul3A_708, %dma_start3A_709] : memref<10000x128xf32, #tpu.memory_space<vmem_shared>> -> memref<40x128xf32, #tpu.memory_space<vmem_shared>>
      %dma_start3A_711 = arith.constant 0 : i32
      %dma_start3A_712 = tpu.memref_slice %arg23[%mul3A_708, %dma_start3A_711] : memref<10000x128xf32, #tpu.memory_space<vmem_shared>> -> memref<40x128xf32, #tpu.memory_space<vmem_shared>>
      tpu.enqueue_dma source(%dma_start3A_712 : memref<40x128xf32, #tpu.memory_space<vmem_shared>>) target(%arg19 : memref<40x128xf32, #tpu.memory_space<vmem>>) target_semaphore(%arg24 : memref<!tpu.dma_semaphore, #tpu.memory_space<semaphore_mem>>)
    } else {
    }
    %add3A_616 = arith.constant 176 : i32
    %add3A_617 = arith.addi %arg1, %add3A_616 : i32
    %lt3A_618 = arith.constant 250 : i32
    %lt3A_619 = arith.cmpi slt, %add3A_617, %lt3A_618 : i32
    %convert_element_type3A_620 = arith.extui %lt3A_619 : i1 to i32
    %cond3A_621 = arith.constant 0 : i32
    %cond3A_622 = arith.cmpi ne, %convert_element_type3A_620, %cond3A_621 : i32
    scf.if %cond3A_622 {
      %dma_wait3A_707 = arith.constant 0 : i32
      %dma_wait3A_708 = arith.constant 0 : i32
      %dma_wait3A_709 = tpu.memref_slice %arg23[%dma_wait3A_707, %dma_wait3A_708] : memref<10000x128xf32, #tpu.memory_space<vmem_shared>> -> memref<40x128xf32, #tpu.memory_space<vmem_shared>>
      %dma_wait3A_710 = arith.constant 0 : i32
      %dma_wait3A_711 = arith.constant 0 : i32
      %dma_wait3A_712 = tpu.memref_slice %arg23[%dma_wait3A_710, %dma_wait3A_711] : memref<10000x128xf32, #tpu.memory_space<vmem_shared>> -> memref<40x128xf32, #tpu.memory_space<vmem_shared>>
      tpu.wait_dma2 semaphore(%arg25 : memref<!tpu.dma_semaphore, #tpu.memory_space<semaphore_mem>>) src(%dma_wait3A_712 : memref<40x128xf32, #tpu.memory_space<vmem_shared>>) dst(%arg20 : memref<40x128xf32, #tpu.memory_space<vmem>>)
      %mul3A_713 = arith.constant 40 : i32
      %mul3A_714 = arith.muli %add3A_617, %mul3A_713 : i32
      %dma_start3A_715 = arith.constant 0 : i32
      %dma_start3A_716 = tpu.memref_slice %arg6[%arg0, %mul3A_714, %dma_start3A_715] : memref<2x10000x128xf32, #tpu.memory_space<hbm>> -> memref<1x40x128xf32, #tpu.memory_space<hbm>>
      %dma_start3A_717 = tpu.memref_squeeze %dma_start3A_716 : memref<1x40x128xf32, #tpu.memory_space<hbm>> -> memref<40x128xf32, #tpu.memory_space<hbm>>
      %dma_start3A_718 = arith.constant 0 : i32
      %dma_start3A_719 = tpu.memref_slice %arg6[%arg0, %mul3A_714, %dma_start3A_718] : memref<2x10000x128xf32, #tpu.memory_space<hbm>> -> memref<1x40x128xf32, #tpu.memory_space<hbm>>
      %dma_start3A_720 = tpu.memref_squeeze %dma_start3A_719 : memref<1x40x128xf32, #tpu.memory_space<hbm>> -> memref<40x128xf32, #tpu.memory_space<hbm>>
      tpu.enqueue_dma source(%arg20 : memref<40x128xf32, #tpu.memory_space<vmem>>) target(%dma_start3A_720 : memref<40x128xf32, #tpu.memory_space<hbm>>) target_semaphore(%arg27 : memref<!tpu.dma_semaphore, #tpu.memory_space<semaphore_mem>>)
    } else {
    }
    %add3A_623 = arith.constant 208 : i32
    %add3A_624 = arith.addi %arg1, %add3A_623 : i32
    %add3A_625 = arith.constant 176 : i32
    %add3A_626 = arith.addi %arg1, %add3A_625 : i32
    %lt3A_627 = arith.constant 250 : i32
    %lt3A_628 = arith.cmpi slt, %add3A_626, %lt3A_627 : i32
    %convert_element_type3A_629 = arith.extui %lt3A_628 : i1 to i32
    %cond3A_630 = arith.constant 0 : i32
    %cond3A_631 = arith.cmpi ne, %convert_element_type3A_629, %cond3A_630 : i32
    scf.if %cond3A_631 {
      %dma_wait3A_707 = arith.constant 0 : i32
      %dma_wait3A_708 = arith.constant 0 : i32
      %dma_wait3A_709 = tpu.memref_slice %arg6[%arg0, %dma_wait3A_707, %dma_wait3A_708] : memref<2x10000x128xf32, #tpu.memory_space<hbm>> -> memref<1x40x128xf32, #tpu.memory_space<hbm>>
      %dma_wait3A_710 = tpu.memref_squeeze %dma_wait3A_709 : memref<1x40x128xf32, #tpu.memory_space<hbm>> -> memref<40x128xf32, #tpu.memory_space<hbm>>
      %dma_wait3A_711 = arith.constant 0 : i32
      %dma_wait3A_712 = arith.constant 0 : i32
      %dma_wait3A_713 = tpu.memref_slice %arg6[%arg0, %dma_wait3A_711, %dma_wait3A_712] : memref<2x10000x128xf32, #tpu.memory_space<hbm>> -> memref<1x40x128xf32, #tpu.memory_space<hbm>>
      %dma_wait3A_714 = tpu.memref_squeeze %dma_wait3A_713 : memref<1x40x128xf32, #tpu.memory_space<hbm>> -> memref<40x128xf32, #tpu.memory_space<hbm>>
      tpu.wait_dma2 semaphore(%arg27 : memref<!tpu.dma_semaphore, #tpu.memory_space<semaphore_mem>>) src(%arg20 : memref<40x128xf32, #tpu.memory_space<vmem>>) dst(%dma_wait3A_714 : memref<40x128xf32, #tpu.memory_space<hbm>>)
    } else {
    }
    %lt3A_632 = arith.constant 250 : i32
    %lt3A_633 = arith.cmpi slt, %add3A_624, %lt3A_632 : i32
    %convert_element_type3A_634 = arith.extui %lt3A_633 : i1 to i32
    %cond3A_635 = arith.constant 0 : i32
    %cond3A_636 = arith.cmpi ne, %convert_element_type3A_634, %cond3A_635 : i32
    scf.if %cond3A_636 {
      %mul3A_707 = arith.constant 40 : i32
      %mul3A_708 = arith.muli %add3A_624, %mul3A_707 : i32
      %dma_start3A_709 = arith.constant 0 : i32
      %dma_start3A_710 = tpu.memref_slice %arg23[%mul3A_708, %dma_start3A_709] : memref<10000x128xf32, #tpu.memory_space<vmem_shared>> -> memref<40x128xf32, #tpu.memory_space<vmem_shared>>
      %dma_start3A_711 = arith.constant 0 : i32
      %dma_start3A_712 = tpu.memref_slice %arg23[%mul3A_708, %dma_start3A_711] : memref<10000x128xf32, #tpu.memory_space<vmem_shared>> -> memref<40x128xf32, #tpu.memory_space<vmem_shared>>
      tpu.enqueue_dma source(%dma_start3A_712 : memref<40x128xf32, #tpu.memory_space<vmem_shared>>) target(%arg20 : memref<40x128xf32, #tpu.memory_space<vmem>>) target_semaphore(%arg25 : memref<!tpu.dma_semaphore, #tpu.memory_space<semaphore_mem>>)
    } else {
    }
    %add3A_637 = arith.constant 192 : i32
    %add3A_638 = arith.addi %arg1, %add3A_637 : i32
    %lt3A_639 = arith.constant 250 : i32
    %lt3A_640 = arith.cmpi slt, %add3A_638, %lt3A_639 : i32
    %convert_element_type3A_641 = arith.extui %lt3A_640 : i1 to i32
    %cond3A_642 = arith.constant 0 : i32
    %cond3A_643 = arith.cmpi ne, %convert_element_type3A_641, %cond3A_642 : i32
    scf.if %cond3A_643 {
      %dma_wait3A_707 = arith.constant 0 : i32
      %dma_wait3A_708 = arith.constant 0 : i32
      %dma_wait3A_709 = tpu.memref_slice %arg23[%dma_wait3A_707, %dma_wait3A_708] : memref<10000x128xf32, #tpu.memory_space<vmem_shared>> -> memref<40x128xf32, #tpu.memory_space<vmem_shared>>
      %dma_wait3A_710 = arith.constant 0 : i32
      %dma_wait3A_711 = arith.constant 0 : i32
      %dma_wait3A_712 = tpu.memref_slice %arg23[%dma_wait3A_710, %dma_wait3A_711] : memref<10000x128xf32, #tpu.memory_space<vmem_shared>> -> memref<40x128xf32, #tpu.memory_space<vmem_shared>>
      tpu.wait_dma2 semaphore(%arg24 : memref<!tpu.dma_semaphore, #tpu.memory_space<semaphore_mem>>) src(%dma_wait3A_712 : memref<40x128xf32, #tpu.memory_space<vmem_shared>>) dst(%arg19 : memref<40x128xf32, #tpu.memory_space<vmem>>)
      %mul3A_713 = arith.constant 40 : i32
      %mul3A_714 = arith.muli %add3A_638, %mul3A_713 : i32
      %dma_start3A_715 = arith.constant 0 : i32
      %dma_start3A_716 = tpu.memref_slice %arg6[%arg0, %mul3A_714, %dma_start3A_715] : memref<2x10000x128xf32, #tpu.memory_space<hbm>> -> memref<1x40x128xf32, #tpu.memory_space<hbm>>
      %dma_start3A_717 = tpu.memref_squeeze %dma_start3A_716 : memref<1x40x128xf32, #tpu.memory_space<hbm>> -> memref<40x128xf32, #tpu.memory_space<hbm>>
      %dma_start3A_718 = arith.constant 0 : i32
      %dma_start3A_719 = tpu.memref_slice %arg6[%arg0, %mul3A_714, %dma_start3A_718] : memref<2x10000x128xf32, #tpu.memory_space<hbm>> -> memref<1x40x128xf32, #tpu.memory_space<hbm>>
      %dma_start3A_720 = tpu.memref_squeeze %dma_start3A_719 : memref<1x40x128xf32, #tpu.memory_space<hbm>> -> memref<40x128xf32, #tpu.memory_space<hbm>>
      tpu.enqueue_dma source(%arg19 : memref<40x128xf32, #tpu.memory_space<vmem>>) target(%dma_start3A_720 : memref<40x128xf32, #tpu.memory_space<hbm>>) target_semaphore(%arg26 : memref<!tpu.dma_semaphore, #tpu.memory_space<semaphore_mem>>)
    } else {
    }
    %add3A_644 = arith.constant 224 : i32
    %add3A_645 = arith.addi %arg1, %add3A_644 : i32
    %add3A_646 = arith.constant 192 : i32
    %add3A_647 = arith.addi %arg1, %add3A_646 : i32
    %lt3A_648 = arith.constant 250 : i32
    %lt3A_649 = arith.cmpi slt, %add3A_647, %lt3A_648 : i32
    %convert_element_type3A_650 = arith.extui %lt3A_649 : i1 to i32
    %cond3A_651 = arith.constant 0 : i32
    %cond3A_652 = arith.cmpi ne, %convert_element_type3A_650, %cond3A_651 : i32
    scf.if %cond3A_652 {
      %dma_wait3A_707 = arith.constant 0 : i32
      %dma_wait3A_708 = arith.constant 0 : i32
      %dma_wait3A_709 = tpu.memref_slice %arg6[%arg0, %dma_wait3A_707, %dma_wait3A_708] : memref<2x10000x128xf32, #tpu.memory_space<hbm>> -> memref<1x40x128xf32, #tpu.memory_space<hbm>>
      %dma_wait3A_710 = tpu.memref_squeeze %dma_wait3A_709 : memref<1x40x128xf32, #tpu.memory_space<hbm>> -> memref<40x128xf32, #tpu.memory_space<hbm>>
      %dma_wait3A_711 = arith.constant 0 : i32
      %dma_wait3A_712 = arith.constant 0 : i32
      %dma_wait3A_713 = tpu.memref_slice %arg6[%arg0, %dma_wait3A_711, %dma_wait3A_712] : memref<2x10000x128xf32, #tpu.memory_space<hbm>> -> memref<1x40x128xf32, #tpu.memory_space<hbm>>
      %dma_wait3A_714 = tpu.memref_squeeze %dma_wait3A_713 : memref<1x40x128xf32, #tpu.memory_space<hbm>> -> memref<40x128xf32, #tpu.memory_space<hbm>>
      tpu.wait_dma2 semaphore(%arg26 : memref<!tpu.dma_semaphore, #tpu.memory_space<semaphore_mem>>) src(%arg19 : memref<40x128xf32, #tpu.memory_space<vmem>>) dst(%dma_wait3A_714 : memref<40x128xf32, #tpu.memory_space<hbm>>)
    } else {
    }
    %lt3A_653 = arith.constant 250 : i32
    %lt3A_654 = arith.cmpi slt, %add3A_645, %lt3A_653 : i32
    %convert_element_type3A_655 = arith.extui %lt3A_654 : i1 to i32
    %cond3A_656 = arith.constant 0 : i32
    %cond3A_657 = arith.cmpi ne, %convert_element_type3A_655, %cond3A_656 : i32
    scf.if %cond3A_657 {
      %mul3A_707 = arith.constant 40 : i32
      %mul3A_708 = arith.muli %add3A_645, %mul3A_707 : i32
      %dma_start3A_709 = arith.constant 0 : i32
      %dma_start3A_710 = tpu.memref_slice %arg23[%mul3A_708, %dma_start3A_709] : memref<10000x128xf32, #tpu.memory_space<vmem_shared>> -> memref<40x128xf32, #tpu.memory_space<vmem_shared>>
      %dma_start3A_711 = arith.constant 0 : i32
      %dma_start3A_712 = tpu.memref_slice %arg23[%mul3A_708, %dma_start3A_711] : memref<10000x128xf32, #tpu.memory_space<vmem_shared>> -> memref<40x128xf32, #tpu.memory_space<vmem_shared>>
      tpu.enqueue_dma source(%dma_start3A_712 : memref<40x128xf32, #tpu.memory_space<vmem_shared>>) target(%arg19 : memref<40x128xf32, #tpu.memory_space<vmem>>) target_semaphore(%arg24 : memref<!tpu.dma_semaphore, #tpu.memory_space<semaphore_mem>>)
    } else {
    }
    %add3A_658 = arith.constant 208 : i32
    %add3A_659 = arith.addi %arg1, %add3A_658 : i32
    %lt3A_660 = arith.constant 250 : i32
    %lt3A_661 = arith.cmpi slt, %add3A_659, %lt3A_660 : i32
    %convert_element_type3A_662 = arith.extui %lt3A_661 : i1 to i32
    %cond3A_663 = arith.constant 0 : i32
    %cond3A_664 = arith.cmpi ne, %convert_element_type3A_662, %cond3A_663 : i32
    scf.if %cond3A_664 {
      %dma_wait3A_707 = arith.constant 0 : i32
      %dma_wait3A_708 = arith.constant 0 : i32
      %dma_wait3A_709 = tpu.memref_slice %arg23[%dma_wait3A_707, %dma_wait3A_708] : memref<10000x128xf32, #tpu.memory_space<vmem_shared>> -> memref<40x128xf32, #tpu.memory_space<vmem_shared>>
      %dma_wait3A_710 = arith.constant 0 : i32
      %dma_wait3A_711 = arith.constant 0 : i32
      %dma_wait3A_712 = tpu.memref_slice %arg23[%dma_wait3A_710, %dma_wait3A_711] : memref<10000x128xf32, #tpu.memory_space<vmem_shared>> -> memref<40x128xf32, #tpu.memory_space<vmem_shared>>
      tpu.wait_dma2 semaphore(%arg25 : memref<!tpu.dma_semaphore, #tpu.memory_space<semaphore_mem>>) src(%dma_wait3A_712 : memref<40x128xf32, #tpu.memory_space<vmem_shared>>) dst(%arg20 : memref<40x128xf32, #tpu.memory_space<vmem>>)
      %mul3A_713 = arith.constant 40 : i32
      %mul3A_714 = arith.muli %add3A_659, %mul3A_713 : i32
      %dma_start3A_715 = arith.constant 0 : i32
      %dma_start3A_716 = tpu.memref_slice %arg6[%arg0, %mul3A_714, %dma_start3A_715] : memref<2x10000x128xf32, #tpu.memory_space<hbm>> -> memref<1x40x128xf32, #tpu.memory_space<hbm>>
      %dma_start3A_717 = tpu.memref_squeeze %dma_start3A_716 : memref<1x40x128xf32, #tpu.memory_space<hbm>> -> memref<40x128xf32, #tpu.memory_space<hbm>>
      %dma_start3A_718 = arith.constant 0 : i32
      %dma_start3A_719 = tpu.memref_slice %arg6[%arg0, %mul3A_714, %dma_start3A_718] : memref<2x10000x128xf32, #tpu.memory_space<hbm>> -> memref<1x40x128xf32, #tpu.memory_space<hbm>>
      %dma_start3A_720 = tpu.memref_squeeze %dma_start3A_719 : memref<1x40x128xf32, #tpu.memory_space<hbm>> -> memref<40x128xf32, #tpu.memory_space<hbm>>
      tpu.enqueue_dma source(%arg20 : memref<40x128xf32, #tpu.memory_space<vmem>>) target(%dma_start3A_720 : memref<40x128xf32, #tpu.memory_space<hbm>>) target_semaphore(%arg27 : memref<!tpu.dma_semaphore, #tpu.memory_space<semaphore_mem>>)
    } else {
    }
    %add3A_665 = arith.constant 240 : i32
    %add3A_666 = arith.addi %arg1, %add3A_665 : i32
    %add3A_667 = arith.constant 208 : i32
    %add3A_668 = arith.addi %arg1, %add3A_667 : i32
    %lt3A_669 = arith.constant 250 : i32
    %lt3A_670 = arith.cmpi slt, %add3A_668, %lt3A_669 : i32
    %convert_element_type3A_671 = arith.extui %lt3A_670 : i1 to i32
    %cond3A_672 = arith.constant 0 : i32
    %cond3A_673 = arith.cmpi ne, %convert_element_type3A_671, %cond3A_672 : i32
    scf.if %cond3A_673 {
      %dma_wait3A_707 = arith.constant 0 : i32
      %dma_wait3A_708 = arith.constant 0 : i32
      %dma_wait3A_709 = tpu.memref_slice %arg6[%arg0, %dma_wait3A_707, %dma_wait3A_708] : memref<2x10000x128xf32, #tpu.memory_space<hbm>> -> memref<1x40x128xf32, #tpu.memory_space<hbm>>
      %dma_wait3A_710 = tpu.memref_squeeze %dma_wait3A_709 : memref<1x40x128xf32, #tpu.memory_space<hbm>> -> memref<40x128xf32, #tpu.memory_space<hbm>>
      %dma_wait3A_711 = arith.constant 0 : i32
      %dma_wait3A_712 = arith.constant 0 : i32
      %dma_wait3A_713 = tpu.memref_slice %arg6[%arg0, %dma_wait3A_711, %dma_wait3A_712] : memref<2x10000x128xf32, #tpu.memory_space<hbm>> -> memref<1x40x128xf32, #tpu.memory_space<hbm>>
      %dma_wait3A_714 = tpu.memref_squeeze %dma_wait3A_713 : memref<1x40x128xf32, #tpu.memory_space<hbm>> -> memref<40x128xf32, #tpu.memory_space<hbm>>
      tpu.wait_dma2 semaphore(%arg27 : memref<!tpu.dma_semaphore, #tpu.memory_space<semaphore_mem>>) src(%arg20 : memref<40x128xf32, #tpu.memory_space<vmem>>) dst(%dma_wait3A_714 : memref<40x128xf32, #tpu.memory_space<hbm>>)
    } else {
    }
    %lt3A_674 = arith.constant 250 : i32
    %lt3A_675 = arith.cmpi slt, %add3A_666, %lt3A_674 : i32
    %convert_element_type3A_676 = arith.extui %lt3A_675 : i1 to i32
    %cond3A_677 = arith.constant 0 : i32
    %cond3A_678 = arith.cmpi ne, %convert_element_type3A_676, %cond3A_677 : i32
    scf.if %cond3A_678 {
      %mul3A_707 = arith.constant 40 : i32
      %mul3A_708 = arith.muli %add3A_666, %mul3A_707 : i32
      %dma_start3A_709 = arith.constant 0 : i32
      %dma_start3A_710 = tpu.memref_slice %arg23[%mul3A_708, %dma_start3A_709] : memref<10000x128xf32, #tpu.memory_space<vmem_shared>> -> memref<40x128xf32, #tpu.memory_space<vmem_shared>>
      %dma_start3A_711 = arith.constant 0 : i32
      %dma_start3A_712 = tpu.memref_slice %arg23[%mul3A_708, %dma_start3A_711] : memref<10000x128xf32, #tpu.memory_space<vmem_shared>> -> memref<40x128xf32, #tpu.memory_space<vmem_shared>>
      tpu.enqueue_dma source(%dma_start3A_712 : memref<40x128xf32, #tpu.memory_space<vmem_shared>>) target(%arg20 : memref<40x128xf32, #tpu.memory_space<vmem>>) target_semaphore(%arg25 : memref<!tpu.dma_semaphore, #tpu.memory_space<semaphore_mem>>)
    } else {
    }
    %add3A_679 = arith.constant 224 : i32
    %add3A_680 = arith.addi %arg1, %add3A_679 : i32
    %lt3A_681 = arith.constant 250 : i32
    %lt3A_682 = arith.cmpi slt, %add3A_680, %lt3A_681 : i32
    %convert_element_type3A_683 = arith.extui %lt3A_682 : i1 to i32
    %cond3A_684 = arith.constant 0 : i32
    %cond3A_685 = arith.cmpi ne, %convert_element_type3A_683, %cond3A_684 : i32
    scf.if %cond3A_685 {
      %dma_wait3A_707 = arith.constant 0 : i32
      %dma_wait3A_708 = arith.constant 0 : i32
      %dma_wait3A_709 = tpu.memref_slice %arg23[%dma_wait3A_707, %dma_wait3A_708] : memref<10000x128xf32, #tpu.memory_space<vmem_shared>> -> memref<40x128xf32, #tpu.memory_space<vmem_shared>>
      %dma_wait3A_710 = arith.constant 0 : i32
      %dma_wait3A_711 = arith.constant 0 : i32
      %dma_wait3A_712 = tpu.memref_slice %arg23[%dma_wait3A_710, %dma_wait3A_711] : memref<10000x128xf32, #tpu.memory_space<vmem_shared>> -> memref<40x128xf32, #tpu.memory_space<vmem_shared>>
      tpu.wait_dma2 semaphore(%arg24 : memref<!tpu.dma_semaphore, #tpu.memory_space<semaphore_mem>>) src(%dma_wait3A_712 : memref<40x128xf32, #tpu.memory_space<vmem_shared>>) dst(%arg19 : memref<40x128xf32, #tpu.memory_space<vmem>>)
      %mul3A_713 = arith.constant 40 : i32
      %mul3A_714 = arith.muli %add3A_680, %mul3A_713 : i32
      %dma_start3A_715 = arith.constant 0 : i32
      %dma_start3A_716 = tpu.memref_slice %arg6[%arg0, %mul3A_714, %dma_start3A_715] : memref<2x10000x128xf32, #tpu.memory_space<hbm>> -> memref<1x40x128xf32, #tpu.memory_space<hbm>>
      %dma_start3A_717 = tpu.memref_squeeze %dma_start3A_716 : memref<1x40x128xf32, #tpu.memory_space<hbm>> -> memref<40x128xf32, #tpu.memory_space<hbm>>
      %dma_start3A_718 = arith.constant 0 : i32
      %dma_start3A_719 = tpu.memref_slice %arg6[%arg0, %mul3A_714, %dma_start3A_718] : memref<2x10000x128xf32, #tpu.memory_space<hbm>> -> memref<1x40x128xf32, #tpu.memory_space<hbm>>
      %dma_start3A_720 = tpu.memref_squeeze %dma_start3A_719 : memref<1x40x128xf32, #tpu.memory_space<hbm>> -> memref<40x128xf32, #tpu.memory_space<hbm>>
      tpu.enqueue_dma source(%arg19 : memref<40x128xf32, #tpu.memory_space<vmem>>) target(%dma_start3A_720 : memref<40x128xf32, #tpu.memory_space<hbm>>) target_semaphore(%arg26 : memref<!tpu.dma_semaphore, #tpu.memory_space<semaphore_mem>>)
    } else {
    }
    %add3A_686 = arith.constant 240 : i32
    %add3A_687 = arith.addi %arg1, %add3A_686 : i32
    %lt3A_688 = arith.constant 250 : i32
    %lt3A_689 = arith.cmpi slt, %add3A_687, %lt3A_688 : i32
    %convert_element_type3A_690 = arith.extui %lt3A_689 : i1 to i32
    %cond3A_691 = arith.constant 0 : i32
    %cond3A_692 = arith.cmpi ne, %convert_element_type3A_690, %cond3A_691 : i32
    scf.if %cond3A_692 {
      %dma_wait3A_707 = arith.constant 0 : i32
      %dma_wait3A_708 = arith.constant 0 : i32
      %dma_wait3A_709 = tpu.memref_slice %arg23[%dma_wait3A_707, %dma_wait3A_708] : memref<10000x128xf32, #tpu.memory_space<vmem_shared>> -> memref<40x128xf32, #tpu.memory_space<vmem_shared>>
      %dma_wait3A_710 = arith.constant 0 : i32
      %dma_wait3A_711 = arith.constant 0 : i32
      %dma_wait3A_712 = tpu.memref_slice %arg23[%dma_wait3A_710, %dma_wait3A_711] : memref<10000x128xf32, #tpu.memory_space<vmem_shared>> -> memref<40x128xf32, #tpu.memory_space<vmem_shared>>
      tpu.wait_dma2 semaphore(%arg25 : memref<!tpu.dma_semaphore, #tpu.memory_space<semaphore_mem>>) src(%dma_wait3A_712 : memref<40x128xf32, #tpu.memory_space<vmem_shared>>) dst(%arg20 : memref<40x128xf32, #tpu.memory_space<vmem>>)
      %mul3A_713 = arith.constant 40 : i32
      %mul3A_714 = arith.muli %add3A_687, %mul3A_713 : i32
      %dma_start3A_715 = arith.constant 0 : i32
      %dma_start3A_716 = tpu.memref_slice %arg6[%arg0, %mul3A_714, %dma_start3A_715] : memref<2x10000x128xf32, #tpu.memory_space<hbm>> -> memref<1x40x128xf32, #tpu.memory_space<hbm>>
      %dma_start3A_717 = tpu.memref_squeeze %dma_start3A_716 : memref<1x40x128xf32, #tpu.memory_space<hbm>> -> memref<40x128xf32, #tpu.memory_space<hbm>>
      %dma_start3A_718 = arith.constant 0 : i32
      %dma_start3A_719 = tpu.memref_slice %arg6[%arg0, %mul3A_714, %dma_start3A_718] : memref<2x10000x128xf32, #tpu.memory_space<hbm>> -> memref<1x40x128xf32, #tpu.memory_space<hbm>>
      %dma_start3A_720 = tpu.memref_squeeze %dma_start3A_719 : memref<1x40x128xf32, #tpu.memory_space<hbm>> -> memref<40x128xf32, #tpu.memory_space<hbm>>
      tpu.enqueue_dma source(%arg20 : memref<40x128xf32, #tpu.memory_space<vmem>>) target(%dma_start3A_720 : memref<40x128xf32, #tpu.memory_space<hbm>>) target_semaphore(%arg27 : memref<!tpu.dma_semaphore, #tpu.memory_space<semaphore_mem>>)
    } else {
    }
    %add3A_693 = arith.constant 224 : i32
    %add3A_694 = arith.addi %arg1, %add3A_693 : i32
    %lt3A_695 = arith.constant 250 : i32
    %lt3A_696 = arith.cmpi slt, %add3A_694, %lt3A_695 : i32
    %convert_element_type3A_697 = arith.extui %lt3A_696 : i1 to i32
    %cond3A_698 = arith.constant 0 : i32
    %cond3A_699 = arith.cmpi ne, %convert_element_type3A_697, %cond3A_698 : i32
    scf.if %cond3A_699 {
      %dma_wait3A_707 = arith.constant 0 : i32
      %dma_wait3A_708 = arith.constant 0 : i32
      %dma_wait3A_709 = tpu.memref_slice %arg6[%arg0, %dma_wait3A_707, %dma_wait3A_708] : memref<2x10000x128xf32, #tpu.memory_space<hbm>> -> memref<1x40x128xf32, #tpu.memory_space<hbm>>
      %dma_wait3A_710 = tpu.memref_squeeze %dma_wait3A_709 : memref<1x40x128xf32, #tpu.memory_space<hbm>> -> memref<40x128xf32, #tpu.memory_space<hbm>>
      %dma_wait3A_711 = arith.constant 0 : i32
      %dma_wait3A_712 = arith.constant 0 : i32
      %dma_wait3A_713 = tpu.memref_slice %arg6[%arg0, %dma_wait3A_711, %dma_wait3A_712] : memref<2x10000x128xf32, #tpu.memory_space<hbm>> -> memref<1x40x128xf32, #tpu.memory_space<hbm>>
      %dma_wait3A_714 = tpu.memref_squeeze %dma_wait3A_713 : memref<1x40x128xf32, #tpu.memory_space<hbm>> -> memref<40x128xf32, #tpu.memory_space<hbm>>
      tpu.wait_dma2 semaphore(%arg26 : memref<!tpu.dma_semaphore, #tpu.memory_space<semaphore_mem>>) src(%arg19 : memref<40x128xf32, #tpu.memory_space<vmem>>) dst(%dma_wait3A_714 : memref<40x128xf32, #tpu.memory_space<hbm>>)
    } else {
    }
    %add3A_700 = arith.constant 240 : i32
    %add3A_701 = arith.addi %arg1, %add3A_700 : i32
    %lt3A_702 = arith.constant 250 : i32
    %lt3A_703 = arith.cmpi slt, %add3A_701, %lt3A_702 : i32
    %convert_element_type3A_704 = arith.extui %lt3A_703 : i1 to i32
    %cond3A_705 = arith.constant 0 : i32
    %cond3A_706 = arith.cmpi ne, %convert_element_type3A_704, %cond3A_705 : i32
    scf.if %cond3A_706 {
      %dma_wait3A_707 = arith.constant 0 : i32
      %dma_wait3A_708 = arith.constant 0 : i32
      %dma_wait3A_709 = tpu.memref_slice %arg6[%arg0, %dma_wait3A_707, %dma_wait3A_708] : memref<2x10000x128xf32, #tpu.memory_space<hbm>> -> memref<1x40x128xf32, #tpu.memory_space<hbm>>
      %dma_wait3A_710 = tpu.memref_squeeze %dma_wait3A_709 : memref<1x40x128xf32, #tpu.memory_space<hbm>> -> memref<40x128xf32, #tpu.memory_space<hbm>>
      %dma_wait3A_711 = arith.constant 0 : i32
      %dma_wait3A_712 = arith.constant 0 : i32
      %dma_wait3A_713 = tpu.memref_slice %arg6[%arg0, %dma_wait3A_711, %dma_wait3A_712] : memref<2x10000x128xf32, #tpu.memory_space<hbm>> -> memref<1x40x128xf32, #tpu.memory_space<hbm>>
      %dma_wait3A_714 = tpu.memref_squeeze %dma_wait3A_713 : memref<1x40x128xf32, #tpu.memory_space<hbm>> -> memref<40x128xf32, #tpu.memory_space<hbm>>
      tpu.wait_dma2 semaphore(%arg27 : memref<!tpu.dma_semaphore, #tpu.memory_space<semaphore_mem>>) src(%arg20 : memref<40x128xf32, #tpu.memory_space<vmem>>) dst(%dma_wait3A_714 : memref<40x128xf32, #tpu.memory_space<hbm>>)
    } else {
    }
    return
  }
}

module attributes {stable_mosaic.version = 14 : i64} {
  func.func @_mm_bias_body(%arg0: memref<10000x128xf32, #tpu.memory_space<vmem>>, %arg1: memref<128x128xf32, #tpu.memory_space<vmem>>, %arg2: memref<1x128xf32, #tpu.memory_space<vmem>>, %arg3: memref<10000x128xf32, #tpu.memory_space<vmem>>) attributes {dimension_semantics = [], scalar_prefetch = 0 : i64, scratch_operands = 0 : i64, tpu.core_type = #tpu.core_type<tc>} {
    %get3A = arith.constant 0 : index
    %get3A_0 = arith.constant 0 : index
    %get3A_1 = vector.load %arg0[%get3A, %get3A_0] : memref<10000x128xf32, #tpu.memory_space<vmem>>, vector<10000x128xf32>
    %get3A_2 = arith.constant 0 : index
    %get3A_3 = arith.constant 0 : index
    %get3A_4 = vector.load %arg1[%get3A_2, %get3A_3] : memref<128x128xf32, #tpu.memory_space<vmem>>, vector<128x128xf32>
    %dot_general3A = arith.constant dense<0.000000e+00> : vector<10000x128xf32>
    %dot_general3A_5 = tpu.matmul %get3A_1, %get3A_4, %dot_general3A {dimension_numbers = #tpu.dot_dimension_numbers<[1], [1], [0], [0], [0, 0, 1, 0], [], []>, transpose_lhs_hint = false} : vector<10000x128xf32>, vector<128x128xf32>, vector<10000x128xf32> -> vector<10000x128xf32>
    %get3A_6 = arith.constant 0 : index
    %get3A_7 = arith.constant 0 : index
    %get3A_8 = vector.load %arg2[%get3A_6, %get3A_7] : memref<1x128xf32, #tpu.memory_space<vmem>>, vector<1x128xf32>
    %add3A = vector.broadcast %get3A_8 : vector<1x128xf32> to vector<10000x128xf32>
    %add3A_9 = arith.addf %dot_general3A_5, %add3A : vector<10000x128xf32>
    %swap3A = arith.constant 0 : index
    %swap3A_10 = arith.constant 0 : index
    %swap3A_11 = vector.load %arg3[%swap3A, %swap3A_10] : memref<10000x128xf32, #tpu.memory_space<vmem>>, vector<10000x128xf32>
    tpu.vector_store %arg3[%swap3A, %swap3A_10], %add3A_9 {strides = array<i32>} : memref<10000x128xf32, #tpu.memory_space<vmem>>, vector<10000x128xf32>,
    return
  }
}

module attributes {stable_mosaic.version = 14 : i64} {
  func.func @_mm_bias_body(%arg0: i32, %arg1: memref<4000x128xf32, #tpu.memory_space<vmem>>, %arg2: memref<128x128xf32, #tpu.memory_space<vmem>>, %arg3: memref<1x128xf32, #tpu.memory_space<vmem>>, %arg4: memref<4000x128xf32, #tpu.memory_space<vmem>>) attributes {dimension_semantics = [#tpu.dimension_semantics<arbitrary>], iteration_bounds = array<i64: 80>, scalar_prefetch = 0 : i64, scratch_operands = 0 : i64, tpu.core_type = #tpu.core_type<tc>, window_params = [{transform_indices = @transform_0, window_bounds = array<i64: 4000, 128>}, {pipeline_mode = #tpu.pipeline_mode<synchronous>, transform_indices = @transform_1, window_bounds = array<i64: 128, 128>}, {pipeline_mode = #tpu.pipeline_mode<synchronous>, transform_indices = @transform_2, window_bounds = array<i64: 1, 128>}, {transform_indices = @transform_3, window_bounds = array<i64: 4000, 128>}]} {
    %get3A = arith.constant 0 : index
    %get3A_0 = arith.constant 0 : index
    %get3A_1 = vector.load %arg1[%get3A, %get3A_0] : memref<4000x128xf32, #tpu.memory_space<vmem>>, vector<4000x128xf32>
    %get3A_2 = arith.constant 0 : index
    %get3A_3 = arith.constant 0 : index
    %get3A_4 = vector.load %arg2[%get3A_2, %get3A_3] : memref<128x128xf32, #tpu.memory_space<vmem>>, vector<128x128xf32>
    %dot_general3A = arith.constant dense<0.000000e+00> : vector<4000x128xf32>
    %dot_general3A_5 = tpu.matmul %get3A_1, %get3A_4, %dot_general3A {dimension_numbers = #tpu.dot_dimension_numbers<[1], [1], [0], [0], [0, 0, 1, 0], [], []>, transpose_lhs_hint = false} : vector<4000x128xf32>, vector<128x128xf32>, vector<4000x128xf32> -> vector<4000x128xf32>
    %get3A_6 = arith.constant 0 : index
    %get3A_7 = arith.constant 0 : index
    %get3A_8 = vector.load %arg3[%get3A_6, %get3A_7] : memref<1x128xf32, #tpu.memory_space<vmem>>, vector<1x128xf32>
    %add3A = vector.broadcast %get3A_8 : vector<1x128xf32> to vector<4000x128xf32>
    %add3A_9 = arith.addf %dot_general3A_5, %add3A : vector<4000x128xf32>
    %swap3A = arith.constant 0 : index
    %swap3A_10 = arith.constant 0 : index
    %swap3A_11 = vector.load %arg4[%swap3A, %swap3A_10] : memref<4000x128xf32, #tpu.memory_space<vmem>>, vector<4000x128xf32>
    tpu.vector_store %arg4[%swap3A, %swap3A_10], %add3A_9 {strides = array<i32>} : memref<4000x128xf32, #tpu.memory_space<vmem>>, vector<4000x128xf32>,
    return
  }
  func.func @transform_0(%arg0: i32) -> (i32, i32) {
    %c0_i32 = arith.constant 0 : i32
    %c0_i32_0 = arith.constant 0 : i32
    return %arg0, %c0_i32 : i32, i32
  }
  func.func @transform_1(%arg0: i32) -> (i32, i32) {
    %c0_i32 = arith.constant 0 : i32
    %c0_i32_0 = arith.constant 0 : i32
    %c0_i32_1 = arith.constant 0 : i32
    return %c0_i32, %c0_i32_0 : i32, i32
  }
  func.func @transform_2(%arg0: i32) -> (i32, i32) {
    %c0_i32 = arith.constant 0 : i32
    %c0_i32_0 = arith.constant 0 : i32
    %c0_i32_1 = arith.constant 0 : i32
    return %c0_i32, %c0_i32_0 : i32, i32
  }
  func.func @transform_3(%arg0: i32) -> (i32, i32) {
    %c0_i32 = arith.constant 0 : i32
    %c0_i32_0 = arith.constant 0 : i32
    return %arg0, %c0_i32 : i32, i32
  }
}

module attributes {stable_mosaic.version = 14 : i64} {
  func.func @_c1_body(%arg0: i32, %arg1: memref<2x2000x128xf32, #tpu.memory_space<vmem>>, %arg2: memref<2000x128xf32, #tpu.memory_space<vmem>>, %arg3: memref<2000x128xf32, #tpu.memory_space<vmem>>, %arg4: memref<1x1x2000xi32, #tpu.memory_space<vmem>>, %arg5: memref<1x1xf32, #tpu.memory_space<vmem>>, %arg6: memref<2000x128xf32, #tpu.memory_space<vmem>>, %arg7: memref<16x128xf32, #tpu.memory_space<vmem>>, %arg8: memref<16x128xf32, #tpu.memory_space<vmem>>, %arg9: memref<16x128xf32, #tpu.memory_space<vmem>>) attributes {dimension_semantics = [#tpu.dimension_semantics<arbitrary>], iteration_bounds = array<i64: 5>, scalar_prefetch = 0 : i64, scratch_operands = 0 : i64, tpu.core_type = #tpu.core_type<tc>, window_params = [{transform_indices = @transform_0, window_bounds = array<i64: 2, 2000, 128>}, {transform_indices = @transform_1, window_bounds = array<i64: 2000, 128>}, {transform_indices = @transform_2, window_bounds = array<i64: 2000, 128>}, {transform_indices = @transform_3, window_bounds = array<i64: 1, 1, 2000>}, {pipeline_mode = #tpu.pipeline_mode<synchronous>, transform_indices = @transform_4, window_bounds = array<i64: 1, 1>}, {transform_indices = @transform_5, window_bounds = array<i64: 2000, 128>}, {pipeline_mode = #tpu.pipeline_mode<synchronous>, transform_indices = @transform_6, window_bounds = array<i64: 16, 128>}, {pipeline_mode = #tpu.pipeline_mode<synchronous>, transform_indices = @transform_7, window_bounds = array<i64: 16, 128>}, {pipeline_mode = #tpu.pipeline_mode<synchronous>, transform_indices = @transform_8, window_bounds = array<i64: 16, 128>}]} {
    %get3A = arith.constant 0 : index
    %get3A_0 = arith.constant 0 : index
    %get3A_1 = arith.constant 0 : index
    %get3A_2 = vector.load %arg1[%get3A, %get3A_0, %get3A_1] : memref<2x2000x128xf32, #tpu.memory_space<vmem>>, vector<1x2000x128xf32>
    %get3A_3 = vector.shape_cast %get3A_2 : vector<1x2000x128xf32> to vector<2000x128xf32>
    %get3A_4 = arith.constant 1 : index
    %get3A_5 = arith.constant 0 : index
    %get3A_6 = arith.constant 0 : index
    %get3A_7 = vector.load %arg1[%get3A_4, %get3A_5, %get3A_6] : memref<2x2000x128xf32, #tpu.memory_space<vmem>>, vector<1x2000x128xf32>
    %get3A_8 = vector.shape_cast %get3A_7 : vector<1x2000x128xf32> to vector<2000x128xf32>
    %add3A = arith.addf %get3A_3, %get3A_8 : vector<2000x128xf32>
    %get3A_9 = arith.constant 0 : index
    %get3A_10 = arith.constant 0 : index
    %get3A_11 = vector.load %arg5[%get3A_9, %get3A_10] : memref<1x1xf32, #tpu.memory_space<vmem>>, vector<1x1xf32>
    %get3A_12 = vector.extract %get3A_11[0, 0] : f32 from vector<1x1xf32>
    %add3A_13 = arith.constant 1.000000e+00 : f32
    %add3A_14 = arith.addf %add3A_13, %get3A_12 : f32
    %get3A_15 = arith.constant 0 : index
    %get3A_16 = arith.constant 0 : index
    %get3A_17 = vector.load %arg2[%get3A_15, %get3A_16] : memref<2000x128xf32, #tpu.memory_space<vmem>>, vector<2000x128xf32>
    %mul3A = vector.broadcast %add3A_14 : f32 to vector<2000x128xf32>
    %mul3A_18 = arith.mulf %mul3A, %get3A_17 : vector<2000x128xf32>
    %add3A_19 = arith.addf %add3A, %mul3A_18 : vector<2000x128xf32>
    %neg3A = arith.constant 0.000000e+00 : f32
    %neg3A_20 = vector.broadcast %neg3A : f32 to vector<2000x128xf32>
    %neg3A_21 = arith.subf %neg3A_20, %add3A_19 : vector<2000x128xf32>
    %exp3A = math.exp %neg3A_21 : vector<2000x128xf32>
    %add3A_22 = arith.constant 1.000000e+00 : f32
    %add3A_23 = vector.broadcast %add3A_22 : f32 to vector<2000x128xf32>
    %add3A_24 = arith.addf %add3A_23, %exp3A : vector<2000x128xf32>
    %div3A = arith.constant 1.000000e+00 : f32
    %div3A_25 = vector.broadcast %div3A : f32 to vector<2000x128xf32>
    %div3A_26 = arith.divf %div3A_25, %add3A_24 : vector<2000x128xf32>
    %mul3A_27 = arith.mulf %add3A_19, %div3A_26 : vector<2000x128xf32>
    %get3A_28 = arith.constant 0 : index
    %get3A_29 = arith.constant 0 : index
    %get3A_30 = vector.load %arg3[%get3A_28, %get3A_29] : memref<2000x128xf32, #tpu.memory_space<vmem>>, vector<2000x128xf32>
    %add3A_31 = arith.addf %mul3A_27, %get3A_30 : vector<2000x128xf32>
    %swap3A = arith.constant 0 : index
    %swap3A_32 = arith.constant 0 : index
    %swap3A_33 = vector.load %arg6[%swap3A, %swap3A_32] : memref<2000x128xf32, #tpu.memory_space<vmem>>, vector<2000x128xf32>
    tpu.vector_store %arg6[%swap3A, %swap3A_32], %add3A_31 {strides = array<i32>} : memref<2000x128xf32, #tpu.memory_space<vmem>>, vector<2000x128xf32>,
    %get3A_34 = arith.constant 0 : index
    %get3A_35 = arith.constant 0 : index
    %get3A_36 = arith.constant 0 : index
    %get3A_37 = vector.load %arg4[%get3A_34, %get3A_35, %get3A_36] : memref<1x1x2000xi32, #tpu.memory_space<vmem>>, vector<1x1x2000xi32>
    %get3A_38 = vector.shape_cast %get3A_37 : vector<1x1x2000xi32> to vector<2000xi32>
    %broadcast_in_dim3A = vector.shape_cast %get3A_38 : vector<2000xi32> to vector<2000x1xi32>
    %iota3A = tpu.iota {dimensions = array<i32: 1>} : vector<1x16xi32>
    %eq3A = vector.broadcast %broadcast_in_dim3A : vector<2000x1xi32> to vector<2000x16xi32>
    %eq3A_39 = vector.broadcast %iota3A : vector<1x16xi32> to vector<2000x16xi32>
    %eq3A_40 = arith.cmpi eq, %eq3A, %eq3A_39 : vector<2000x16xi32>
    %convert_element_type3A = arith.extui %eq3A_40 : vector<2000x16xi1> to vector<2000x16xi32>
    %convert_element_type3A_41 = arith.sitofp %convert_element_type3A : vector<2000x16xi32> to vector<2000x16xf32>
    %dot_general3A = arith.constant dense<0.000000e+00> : vector<16x128xf32>
    %dot_general3A_42 = tpu.matmul %convert_element_type3A_41, %add3A_31, %dot_general3A {dimension_numbers = #tpu.dot_dimension_numbers<[0], [0], [1], [1], [0, 1, 1, 1], [], []>, transpose_lhs_hint = false} : vector<2000x16xf32>, vector<2000x128xf32>, vector<16x128xf32> -> vector<16x128xf32>
    %mul3A_43 = arith.mulf %add3A_31, %add3A_31 : vector<2000x128xf32>
    %dot_general3A_44 = arith.constant dense<0.000000e+00> : vector<16x128xf32>
    %dot_general3A_45 = tpu.matmul %convert_element_type3A_41, %mul3A_43, %dot_general3A_44 {dimension_numbers = #tpu.dot_dimension_numbers<[0], [0], [1], [1], [0, 1, 1, 1], [], []>, transpose_lhs_hint = false} : vector<2000x16xf32>, vector<2000x128xf32>, vector<16x128xf32> -> vector<16x128xf32>
    %broadcast_in_dim3A_46 = arith.constant 1.000000e+00 : f32
    %broadcast_in_dim3A_47 = vector.broadcast %broadcast_in_dim3A_46 : f32 to vector<2000x128xf32>
    %dot_general3A_48 = arith.constant dense<0.000000e+00> : vector<16x128xf32>
    %dot_general3A_49 = tpu.matmul %convert_element_type3A_41, %broadcast_in_dim3A_47, %dot_general3A_48 {dimension_numbers = #tpu.dot_dimension_numbers<[0], [0], [1], [1], [0, 1, 1, 1], [], []>, transpose_lhs_hint = false} : vector<2000x16xf32>, vector<2000x128xf32>, vector<16x128xf32> -> vector<16x128xf32>
    %eq3A_50 = arith.constant 0 : i32
    %eq3A_51 = arith.cmpi eq, %arg0, %eq3A_50 : i32
    %convert_element_type3A_52 = arith.extui %eq3A_51 : i1 to i32
    %cond3A = arith.constant 0 : i32
    %cond3A_53 = arith.cmpi ne, %convert_element_type3A_52, %cond3A : i32
    scf.if %cond3A_53 {
      %broadcast_in_dim3A_75 = arith.constant 0.000000e+00 : f32
      %broadcast_in_dim3A_76 = vector.broadcast %broadcast_in_dim3A_75 : f32 to vector<16x128xf32>
      %swap3A_77 = arith.constant 0 : index
      %swap3A_78 = arith.constant 0 : index
      %swap3A_79 = vector.load %arg7[%swap3A_77, %swap3A_78] : memref<16x128xf32, #tpu.memory_space<vmem>>, vector<16x128xf32>
      tpu.vector_store %arg7[%swap3A_77, %swap3A_78], %broadcast_in_dim3A_76 {strides = array<i32>} : memref<16x128xf32, #tpu.memory_space<vmem>>, vector<16x128xf32>,
      %broadcast_in_dim3A_80 = arith.constant 0.000000e+00 : f32
      %broadcast_in_dim3A_81 = vector.broadcast %broadcast_in_dim3A_80 : f32 to vector<16x128xf32>
      %swap3A_82 = arith.constant 0 : index
      %swap3A_83 = arith.constant 0 : index
      %swap3A_84 = vector.load %arg8[%swap3A_82, %swap3A_83] : memref<16x128xf32, #tpu.memory_space<vmem>>, vector<16x128xf32>
      tpu.vector_store %arg8[%swap3A_82, %swap3A_83], %broadcast_in_dim3A_81 {strides = array<i32>} : memref<16x128xf32, #tpu.memory_space<vmem>>, vector<16x128xf32>,
      %broadcast_in_dim3A_85 = arith.constant 0.000000e+00 : f32
      %broadcast_in_dim3A_86 = vector.broadcast %broadcast_in_dim3A_85 : f32 to vector<16x128xf32>
      %swap3A_87 = arith.constant 0 : index
      %swap3A_88 = arith.constant 0 : index
      %swap3A_89 = vector.load %arg9[%swap3A_87, %swap3A_88] : memref<16x128xf32, #tpu.memory_space<vmem>>, vector<16x128xf32>
      tpu.vector_store %arg9[%swap3A_87, %swap3A_88], %broadcast_in_dim3A_86 {strides = array<i32>} : memref<16x128xf32, #tpu.memory_space<vmem>>, vector<16x128xf32>,
    } else {
    }
    %get3A_54 = arith.constant 0 : index
    %get3A_55 = arith.constant 0 : index
    %get3A_56 = vector.load %arg7[%get3A_54, %get3A_55] : memref<16x128xf32, #tpu.memory_space<vmem>>, vector<16x128xf32>
    %add3A_57 = arith.addf %get3A_56, %dot_general3A_42 : vector<16x128xf32>
    %swap3A_58 = arith.constant 0 : index
    %swap3A_59 = arith.constant 0 : index
    %swap3A_60 = vector.load %arg7[%swap3A_58, %swap3A_59] : memref<16x128xf32, #tpu.memory_space<vmem>>, vector<16x128xf32>
    tpu.vector_store %arg7[%swap3A_58, %swap3A_59], %add3A_57 {strides = array<i32>} : memref<16x128xf32, #tpu.memory_space<vmem>>, vector<16x128xf32>,
    %get3A_61 = arith.constant 0 : index
    %get3A_62 = arith.constant 0 : index
    %get3A_63 = vector.load %arg8[%get3A_61, %get3A_62] : memref<16x128xf32, #tpu.memory_space<vmem>>, vector<16x128xf32>
    %add3A_64 = arith.addf %get3A_63, %dot_general3A_45 : vector<16x128xf32>
    %swap3A_65 = arith.constant 0 : index
    %swap3A_66 = arith.constant 0 : index
    %swap3A_67 = vector.load %arg8[%swap3A_65, %swap3A_66] : memref<16x128xf32, #tpu.memory_space<vmem>>, vector<16x128xf32>
    tpu.vector_store %arg8[%swap3A_65, %swap3A_66], %add3A_64 {strides = array<i32>} : memref<16x128xf32, #tpu.memory_space<vmem>>, vector<16x128xf32>,
    %get3A_68 = arith.constant 0 : index
    %get3A_69 = arith.constant 0 : index
    %get3A_70 = vector.load %arg9[%get3A_68, %get3A_69] : memref<16x128xf32, #tpu.memory_space<vmem>>, vector<16x128xf32>
    %add3A_71 = arith.addf %get3A_70, %dot_general3A_49 : vector<16x128xf32>
    %swap3A_72 = arith.constant 0 : index
    %swap3A_73 = arith.constant 0 : index
    %swap3A_74 = vector.load %arg9[%swap3A_72, %swap3A_73] : memref<16x128xf32, #tpu.memory_space<vmem>>, vector<16x128xf32>
    tpu.vector_store %arg9[%swap3A_72, %swap3A_73], %add3A_71 {strides = array<i32>} : memref<16x128xf32, #tpu.memory_space<vmem>>, vector<16x128xf32>,
    return
  }
  func.func @transform_0(%arg0: i32) -> (i32, i32, i32) {
    %c0_i32 = arith.constant 0 : i32
    %c0_i32_0 = arith.constant 0 : i32
    %c0_i32_1 = arith.constant 0 : i32
    return %c0_i32, %arg0, %c0_i32_0 : i32, i32, i32
  }
  func.func @transform_1(%arg0: i32) -> (i32, i32) {
    %c0_i32 = arith.constant 0 : i32
    %c0_i32_0 = arith.constant 0 : i32
    return %arg0, %c0_i32 : i32, i32
  }
  func.func @transform_2(%arg0: i32) -> (i32, i32) {
    %c0_i32 = arith.constant 0 : i32
    %c0_i32_0 = arith.constant 0 : i32
    return %arg0, %c0_i32 : i32, i32
  }
  func.func @transform_3(%arg0: i32) -> (i32, i32, i32) {
    %c0_i32 = arith.constant 0 : i32
    %c0_i32_0 = arith.constant 0 : i32
    %c0_i32_1 = arith.constant 0 : i32
    return %arg0, %c0_i32, %c0_i32_0 : i32, i32, i32
  }
  func.func @transform_4(%arg0: i32) -> (i32, i32) {
    %c0_i32 = arith.constant 0 : i32
    %c0_i32_0 = arith.constant 0 : i32
    %c0_i32_1 = arith.constant 0 : i32
    return %c0_i32, %c0_i32_0 : i32, i32
  }
  func.func @transform_5(%arg0: i32) -> (i32, i32) {
    %c0_i32 = arith.constant 0 : i32
    %c0_i32_0 = arith.constant 0 : i32
    return %arg0, %c0_i32 : i32, i32
  }
  func.func @transform_6(%arg0: i32) -> (i32, i32) {
    %c0_i32 = arith.constant 0 : i32
    %c0_i32_0 = arith.constant 0 : i32
    %c0_i32_1 = arith.constant 0 : i32
    return %c0_i32, %c0_i32_0 : i32, i32
  }
  func.func @transform_7(%arg0: i32) -> (i32, i32) {
    %c0_i32 = arith.constant 0 : i32
    %c0_i32_0 = arith.constant 0 : i32
    %c0_i32_1 = arith.constant 0 : i32
    return %c0_i32, %c0_i32_0 : i32, i32
  }
  func.func @transform_8(%arg0: i32) -> (i32, i32) {
    %c0_i32 = arith.constant 0 : i32
    %c0_i32_0 = arith.constant 0 : i32
    %c0_i32_1 = arith.constant 0 : i32
    return %c0_i32, %c0_i32_0 : i32, i32
  }
}

module attributes {stable_mosaic.version = 14 : i64} {
  func.func @_c2_body(%arg0: i32, %arg1: memref<2000x128xf32, #tpu.memory_space<vmem>>, %arg2: memref<1x1x2000xi32, #tpu.memory_space<vmem>>, %arg3: memref<16x128xf32, #tpu.memory_space<vmem>>, %arg4: memref<16x128xf32, #tpu.memory_space<vmem>>, %arg5: memref<16x128xf32, #tpu.memory_space<vmem>>, %arg6: memref<1x128xf32, #tpu.memory_space<vmem>>, %arg7: memref<1x128xf32, #tpu.memory_space<vmem>>, %arg8: memref<1x128xf32, #tpu.memory_space<vmem>>, %arg9: memref<2000x128xf32, #tpu.memory_space<vmem>>) attributes {dimension_semantics = [#tpu.dimension_semantics<arbitrary>], iteration_bounds = array<i64: 5>, scalar_prefetch = 0 : i64, scratch_operands = 0 : i64, tpu.core_type = #tpu.core_type<tc>, window_params = [{transform_indices = @transform_0, window_bounds = array<i64: 2000, 128>}, {transform_indices = @transform_1, window_bounds = array<i64: 1, 1, 2000>}, {pipeline_mode = #tpu.pipeline_mode<synchronous>, transform_indices = @transform_2, window_bounds = array<i64: 16, 128>}, {pipeline_mode = #tpu.pipeline_mode<synchronous>, transform_indices = @transform_3, window_bounds = array<i64: 16, 128>}, {pipeline_mode = #tpu.pipeline_mode<synchronous>, transform_indices = @transform_4, window_bounds = array<i64: 16, 128>}, {pipeline_mode = #tpu.pipeline_mode<synchronous>, transform_indices = @transform_5, window_bounds = array<i64: 1, 128>}, {pipeline_mode = #tpu.pipeline_mode<synchronous>, transform_indices = @transform_6, window_bounds = array<i64: 1, 128>}, {pipeline_mode = #tpu.pipeline_mode<synchronous>, transform_indices = @transform_7, window_bounds = array<i64: 1, 128>}, {transform_indices = @transform_8, window_bounds = array<i64: 2000, 128>}]} {
    %get3A = arith.constant 0 : index
    %get3A_0 = arith.constant 0 : index
    %get3A_1 = vector.load %arg5[%get3A, %get3A_0] : memref<16x128xf32, #tpu.memory_space<vmem>>, vector<16x128xf32>
    %max3A = arith.constant 1.000000e+00 : f32
    %max3A_2 = vector.broadcast %max3A : f32 to vector<16x128xf32>
    %max3A_3 = arith.maximumf %get3A_1, %max3A_2 : vector<16x128xf32>
    %get3A_4 = arith.constant 0 : index
    %get3A_5 = arith.constant 0 : index
    %get3A_6 = vector.load %arg3[%get3A_4, %get3A_5] : memref<16x128xf32, #tpu.memory_space<vmem>>, vector<16x128xf32>
    %div3A = arith.divf %get3A_6, %max3A_3 : vector<16x128xf32>
    %get3A_7 = arith.constant 0 : index
    %get3A_8 = arith.constant 0 : index
    %get3A_9 = vector.load %arg6[%get3A_7, %get3A_8] : memref<1x128xf32, #tpu.memory_space<vmem>>, vector<1x128xf32>
    %mul3A = vector.broadcast %get3A_9 : vector<1x128xf32> to vector<16x128xf32>
    %mul3A_10 = arith.mulf %div3A, %mul3A : vector<16x128xf32>
    %get3A_11 = arith.constant 0 : index
    %get3A_12 = arith.constant 0 : index
    %get3A_13 = vector.load %arg4[%get3A_11, %get3A_12] : memref<16x128xf32, #tpu.memory_space<vmem>>, vector<16x128xf32>
    %div3A_14 = arith.divf %get3A_13, %max3A_3 : vector<16x128xf32>
    %mul3A_15 = arith.constant 2.000000e+00 : f32
    %mul3A_16 = vector.broadcast %mul3A_15 : f32 to vector<16x128xf32>
    %mul3A_17 = arith.mulf %mul3A_16, %mul3A_10 : vector<16x128xf32>
    %mul3A_18 = arith.mulf %mul3A_17, %div3A : vector<16x128xf32>
    %sub3A = arith.subf %div3A_14, %mul3A_18 : vector<16x128xf32>
    %mul3A_19 = arith.mulf %mul3A_10, %mul3A_10 : vector<16x128xf32>
    %add3A = arith.addf %sub3A, %mul3A_19 : vector<16x128xf32>
    %get3A_20 = arith.constant 0 : index
    %get3A_21 = arith.constant 0 : index
    %get3A_22 = vector.load %arg7[%get3A_20, %get3A_21] : memref<1x128xf32, #tpu.memory_space<vmem>>, vector<1x128xf32>
    %add3A_23 = arith.constant 9.99999974E-6 : f32
    %add3A_24 = vector.broadcast %add3A_23 : f32 to vector<16x128xf32>
    %add3A_25 = arith.addf %add3A, %add3A_24 : vector<16x128xf32>
    %rsqrt3A = math.rsqrt %add3A_25 : vector<16x128xf32>
    %mul3A_26 = vector.broadcast %get3A_22 : vector<1x128xf32> to vector<16x128xf32>
    %mul3A_27 = arith.mulf %mul3A_26, %rsqrt3A : vector<16x128xf32>
    %get3A_28 = arith.constant 0 : index
    %get3A_29 = arith.constant 0 : index
    %get3A_30 = arith.constant 0 : index
    %get3A_31 = vector.load %arg2[%get3A_28, %get3A_29, %get3A_30] : memref<1x1x2000xi32, #tpu.memory_space<vmem>>, vector<1x1x2000xi32>
    %get3A_32 = vector.shape_cast %get3A_31 : vector<1x1x2000xi32> to vector<2000xi32>
    %broadcast_in_dim3A = vector.shape_cast %get3A_32 : vector<2000xi32> to vector<2000x1xi32>
    %iota3A = tpu.iota {dimensions = array<i32: 1>} : vector<1x16xi32>
    %eq3A = vector.broadcast %broadcast_in_dim3A : vector<2000x1xi32> to vector<2000x16xi32>
    %eq3A_33 = vector.broadcast %iota3A : vector<1x16xi32> to vector<2000x16xi32>
    %eq3A_34 = arith.cmpi eq, %eq3A, %eq3A_33 : vector<2000x16xi32>
    %convert_element_type3A = arith.extui %eq3A_34 : vector<2000x16xi1> to vector<2000x16xi32>
    %convert_element_type3A_35 = arith.sitofp %convert_element_type3A : vector<2000x16xi32> to vector<2000x16xf32>
    %dot_general3A = arith.constant dense<0.000000e+00> : vector<2000x128xf32>
    %dot_general3A_36 = tpu.matmul %convert_element_type3A_35, %mul3A_10, %dot_general3A {dimension_numbers = #tpu.dot_dimension_numbers<[1], [0], [0], [1], [0, 0, 1, 1], [], []>, transpose_lhs_hint = false} : vector<2000x16xf32>, vector<16x128xf32>, vector<2000x128xf32> -> vector<2000x128xf32>
    %dot_general3A_37 = arith.constant dense<0.000000e+00> : vector<2000x128xf32>
    %dot_general3A_38 = tpu.matmul %convert_element_type3A_35, %mul3A_27, %dot_general3A_37 {dimension_numbers = #tpu.dot_dimension_numbers<[1], [0], [0], [1], [0, 0, 1, 1], [], []>, transpose_lhs_hint = false} : vector<2000x16xf32>, vector<16x128xf32>, vector<2000x128xf32> -> vector<2000x128xf32>
    %get3A_39 = arith.constant 0 : index
    %get3A_40 = arith.constant 0 : index
    %get3A_41 = vector.load %arg1[%get3A_39, %get3A_40] : memref<2000x128xf32, #tpu.memory_space<vmem>>, vector<2000x128xf32>
    %sub3A_42 = arith.subf %get3A_41, %dot_general3A_36 : vector<2000x128xf32>
    %mul3A_43 = arith.mulf %sub3A_42, %dot_general3A_38 : vector<2000x128xf32>
    %get3A_44 = arith.constant 0 : index
    %get3A_45 = arith.constant 0 : index
    %get3A_46 = vector.load %arg8[%get3A_44, %get3A_45] : memref<1x128xf32, #tpu.memory_space<vmem>>, vector<1x128xf32>
    %add3A_47 = vector.broadcast %get3A_46 : vector<1x128xf32> to vector<2000x128xf32>
    %add3A_48 = arith.addf %mul3A_43, %add3A_47 : vector<2000x128xf32>
    %swap3A = arith.constant 0 : index
    %swap3A_49 = arith.constant 0 : index
    %swap3A_50 = vector.load %arg9[%swap3A, %swap3A_49] : memref<2000x128xf32, #tpu.memory_space<vmem>>, vector<2000x128xf32>
    tpu.vector_store %arg9[%swap3A, %swap3A_49], %add3A_48 {strides = array<i32>} : memref<2000x128xf32, #tpu.memory_space<vmem>>, vector<2000x128xf32>,
    return
  }
  func.func @transform_0(%arg0: i32) -> (i32, i32) {
    %c0_i32 = arith.constant 0 : i32
    %c0_i32_0 = arith.constant 0 : i32
    return %arg0, %c0_i32 : i32, i32
  }
  func.func @transform_1(%arg0: i32) -> (i32, i32, i32) {
    %c0_i32 = arith.constant 0 : i32
    %c0_i32_0 = arith.constant 0 : i32
    %c0_i32_1 = arith.constant 0 : i32
    return %arg0, %c0_i32, %c0_i32_0 : i32, i32, i32
  }
  func.func @transform_2(%arg0: i32) -> (i32, i32) {
    %c0_i32 = arith.constant 0 : i32
    %c0_i32_0 = arith.constant 0 : i32
    %c0_i32_1 = arith.constant 0 : i32
    return %c0_i32, %c0_i32_0 : i32, i32
  }
  func.func @transform_3(%arg0: i32) -> (i32, i32) {
    %c0_i32 = arith.constant 0 : i32
    %c0_i32_0 = arith.constant 0 : i32
    %c0_i32_1 = arith.constant 0 : i32
    return %c0_i32, %c0_i32_0 : i32, i32
  }
  func.func @transform_4(%arg0: i32) -> (i32, i32) {
    %c0_i32 = arith.constant 0 : i32
    %c0_i32_0 = arith.constant 0 : i32
    %c0_i32_1 = arith.constant 0 : i32
    return %c0_i32, %c0_i32_0 : i32, i32
  }
  func.func @transform_5(%arg0: i32) -> (i32, i32) {
    %c0_i32 = arith.constant 0 : i32
    %c0_i32_0 = arith.constant 0 : i32
    %c0_i32_1 = arith.constant 0 : i32
    return %c0_i32, %c0_i32_0 : i32, i32
  }
  func.func @transform_6(%arg0: i32) -> (i32, i32) {
    %c0_i32 = arith.constant 0 : i32
    %c0_i32_0 = arith.constant 0 : i32
    %c0_i32_1 = arith.constant 0 : i32
    return %c0_i32, %c0_i32_0 : i32, i32
  }
  func.func @transform_7(%arg0: i32) -> (i32, i32) {
    %c0_i32 = arith.constant 0 : i32
    %c0_i32_0 = arith.constant 0 : i32
    %c0_i32_1 = arith.constant 0 : i32
    return %c0_i32, %c0_i32_0 : i32, i32
  }
  func.func @transform_8(%arg0: i32) -> (i32, i32) {
    %c0_i32 = arith.constant 0 : i32
    %c0_i32_0 = arith.constant 0 : i32
    return %arg0, %c0_i32 : i32, i32
  }
}

</mosaic_0001>

<sc_bundles>
// kernel: kernel.7.cloned.1.call-start
scs
__scs_entry_jumppad:
0x0: {  	(pc) =	sbr.rel $0x88, $3  }
0x1: {  	(tag) =	ssettag $0x0;
	lr =	simm.s32 $0x1  }
0x2: {  	[smem:$0x3F95] =	sst lr;
	_ =	strace $0xD0000000  }
0x3: {  	_ = 	snop  }
0x4: {  	_ = 	snop  }
0x5: {  	_ = 	snop  }
0x6: {  	_ = 	snop  }
0x7: {  	_ = 	snop  }
__scs_overlays_trampoline_lowered:
0x8: {  	[smem:$0x3FA4] =	sst s0  }
0x9: {  	[smem:$0x3FA5] =	sst s1  }
0xa: {  	[smem:$0x3FA6] =	sst s2  }
0xb: {  	[smem:$0x3FA7] =	sst s3  }
0xc: {  	[smem:$0x3FA8] =	sst s4  }
0xd: {  	[smem:$0x3FA9] =	sst s5  }
0xe: {  	[smem:$0x3FAA] =	sst s6  }
0xf: {  	[smem:$0x3FAB] =	sst s7  }
0x10: {  	[smem:$0x3FAC] =	sst s8  }
0x11: {  	[smem:$0x3FAD] =	sst s9;
	s0 =	simm.s32 @!p0 $0x0  }
0x12: {  	s1 =	sld [smem:$0x3F93];
	s0 =	simm.s32 @p0 $0x1  }
0x13: {  	[smem:$0x3FAE] =	sst s0;
	s0 =	simm.s32 @!p1 $0x0  }
0x14: {  	s2 =	sld [smem:$0x3F92];
	s0 =	simm.s32 @p1 $0x1  }
0x15: {  	[smem:$0x3FAF] =	sst s0;
	s0 =	simm.s32 @!p2 $0x0  }
0x16: {  	s3 =	sld [smem:$0x3FDB];
	s0 =	simm.s32 @p2 $0x1  }
0x17: {  	s4 =	simm.s32 $0x1BF5;
	[smem:$0x3FB1] =	sst s0  }
0x18: {  	s0 =	sld [smem:$0x3F94];
	_ =	swait.ge [sflag:s4], $0x0  }
0x19: {  	s7 =	sld [smem:$0x3F95]  }
0x1a: {  	s8 =	sadd.s32 $0xFFFFE003, lr  }
0x1b: {  	s9 =	sadd.s32 $0xFFFFFEF7, lr;
	s5 =	simm.s32 $0xFFFFFFFF;
	p2 =	slt.u32 s8, $0xFFFFF086  }
0x1c: {  	p1 =	slt.u32 s9, $0xF7A;
	s5 =	simm.s32 @!p2 $0x0  }
0x1d: {  	s5 =	simm.s32 @p1 $0x1;
	p0 =	seq.s32 s7, s2  }
0x1e: {  	s7 =	smul.u32 @!p0 $0xF7A, s2;
	p2 =	seq.s32 @!p0 s5, $0x0  }
0x1f: {  	s9 =	smul.u32 $0xF7A, s1;
	s8 =	simm.s32 @!p0 $0x1BF5;
	p2 =	por !p2, p0  }
0x20: {  	[sflag:s8] =	ssyncset.s32 @!p0 $0xFFFFF086;
	s6 =	sadd.s32 @!p0 s3, s7;
	s7 =	simm.s32 @!p0 $0x108  }
0x21: {  	s3 =	sadd.s32 s3, s9;
	s6 =	sadd.s32 @!p0 $0x88, s6;
	s7 =	simm.s32 @p2 $0x1082  }
0x22: {  	[simem:s7], [sflag:s8] =	dma.local @!p0 [hbm:s6], $0xF7A  }
0x23: {  	s9 =	sor.u32 $0xD0000000, s2;
	s6 =	simm.s32 $0x108;
	_ =	swait.ge @!p0 [sflag:s8], $0x0  }
0x24: {  	s3 =	sadd.s32 $0x88, s3;
	s6 =	simm.s32 @!p1 $0x1082;
	[sflag:s4] =	ssyncset.s32 $0xFFFFF086  }
0x25: {  	[simem:s6], [sflag:s4] =	dma.local [hbm:s3], $0xF7A  }
0x26: {  	[smem:$0x3F95] =	sst s1;
	(tag) =	ssettag s2;
	_ =	strace s9  }
0x27: {  	s1 =	sld [smem:$0x3FA5]  }
0x28: {  	s2 =	sld [smem:$0x3FA6]  }
0x29: {  	s4 =	sld [smem:$0x3FA8]  }
0x2a: {  	p0 =	seq.s32 s5, $0x0;
	s5 =	sld [smem:$0x3FA9]  }
0x2b: {  	s6 =	sld [smem:$0x3FAA]  }
0x2c: {  	s7 =	sld [smem:$0x3FAB]  }
0x2d: {  	s3 =	simm.s32 $0x108;
	s8 =	sld [smem:$0x3FAC]  }
0x2e: {  	s3 =	simm.s32 @!p0 $0x1082;
	s9 =	sld [smem:$0x3FAD]  }
0x2f: {  	lr =	sadd.s32 s0, s3;
	s0 =	sld [smem:$0x3FA4]  }
0x30: {  	s3 =	sld [smem:$0x3FA7]  }
0x31: {  	[smem:$0x3FB0] =	sst s10  }
0x32: {  	s10 =	sld [smem:$0x3FAE];
	_ =	sdelay $0x3  }
0x33: {  	p0 =	seq.s32 s10, $0x1;
	s10 =	sld [smem:$0x3FB0];
	_ =	sdelay $0x3  }
0x34: {  	[smem:$0x3FB0] =	sst s10  }
0x35: {  	s10 =	sld [smem:$0x3FAF];
	_ =	sdelay $0x3  }
0x36: {  	p1 =	seq.s32 s10, $0x1;
	s10 =	sld [smem:$0x3FB0];
	_ =	sdelay $0x3  }
0x37: {  	[smem:$0x3FB0] =	sst s10  }
0x38: {  	s10 =	sld [smem:$0x3FB1]  }
0x39: {  	_ = 	snop;
	(pc) =	sbr.ind lr, $3  }
0x3a: {  	_ = 	snop  }
0x3b: {  	_ = 	snop  }
0x3c: {  	p2 =	seq.s32 s10, $0x1;
	s10 =	sld [smem:$0x3FB0]  }
0x3d: {  	_ =	shalt  }
0x3e: {  	_ =	shalt  }
0x3f: {  	_ =	shalt  }
0x40: {  	_ =	shalt  }
0x41: {  	_ =	shalt  }
0x42: {  	_ =	shalt  }
0x43: {  	_ =	shalt  }
0x44: {  	_ =	shalt  }
0x45: {  	_ =	shalt  }
0x46: {  	_ =	shalt  }
0x47: {  	_ =	shalt  }
0x48: {  	_ =	shalt  }
0x49: {  	_ =	shalt  }
0x4a: {  	_ =	shalt  }
0x4b: {  	_ =	shalt  }
0x4c: {  	_ =	shalt  }
0x4d: {  	_ =	shalt  }
0x4e: {  	_ =	shalt  }
0x4f: {  	_ =	shalt  }
0x50: {  	_ =	shalt  }
0x51: {  	_ =	shalt  }
0x52: {  	_ =	shalt  }
0x53: {  	_ =	shalt  }
0x54: {  	_ =	shalt  }
0x55: {  	_ =	shalt  }
0x56: {  	_ =	shalt  }
0x57: {  	_ =	shalt  }
0x58: {  	_ =	shalt  }
0x59: {  	_ =	shalt  }
0x5a: {  	_ =	shalt  }
0x5b: {  	_ =	shalt  }
0x5c: {  	_ =	shalt  }
0x5d: {  	_ =	shalt  }
0x5e: {  	_ =	shalt  }
0x5f: {  	_ =	shalt  }
0x60: {  	_ =	shalt  }
0x61: {  	_ =	shalt  }
0x62: {  	_ =	shalt  }
0x63: {  	_ =	shalt  }
0x64: {  	_ =	shalt  }
0x65: {  	_ =	shalt  }
0x66: {  	_ =	shalt  }
0x67: {  	_ =	shalt  }
0x68: {  	_ =	shalt  }
0x69: {  	_ =	shalt  }
0x6a: {  	_ =	shalt  }
0x6b: {  	_ =	shalt  }
0x6c: {  	_ =	shalt  }
0x6d: {  	_ =	shalt  }
0x6e: {  	_ =	shalt  }
0x6f: {  	_ =	shalt  }
0x70: {  	_ =	shalt  }
0x71: {  	_ =	shalt  }
0x72: {  	_ =	shalt  }
0x73: {  	_ =	shalt  }
0x74: {  	_ =	shalt  }
0x75: {  	_ =	shalt  }
0x76: {  	_ =	shalt  }
0x77: {  	_ =	shalt  }
0x78: {  	_ =	shalt  }
0x79: {  	_ =	shalt  }
0x7a: {  	_ =	shalt  }
0x7b: {  	_ =	shalt  }
0x7c: {  	_ =	shalt  }
0x7d: {  	_ =	shalt  }
0x7e: {  	_ =	shalt  }
0x7f: {  	_ =	shalt  }
0x80: {  	_ =	shalt  }
0x81: {  	_ =	shalt  }
0x82: {  	_ =	shalt  }
0x83: {  	_ =	shalt  }
0x84: {  	_ =	shalt  }
0x85: {  	_ =	shalt  }
0x86: {  	_ =	shalt  }
0x87: {  	_ =	shalt  }
.Lfunc_end0:
.L_simem_size_0:
called_computation_lowered:
.L_overlay_start_0:
0x88: {  	s2 =	sld [smem:$0x3FD9]  }
0x89: {  	s3 =	sld [smem:$0x3FFE];
	_ =	sdelay $0x1  }
0x8a: {  	s1 =	srdreg.scid  }
0x8b: {  	s0 =	sand.u32 $0x1, s1  }
0x8c: {  	s17 =	sshll.u32 s0, $0xA;
	s2 =	sadd.s32 s3, s2  }
0x8d: {  	s2 =	sadd.s32 s2, s17  }
0x8e: {  	[smem:$0x3FBC] =	sst s2  }
0x8f: {  	_ = 	snop  }
0x90: {  	s2 =	sld [smem:$0x3FD0];
	(tm) =	ssettm $0x1  }
0x91: {  	s18 =	sld [smem:$0x3FFB];
	_ =	sdelay $0x3  }
0x92: {  	_ =	strace s18  }
0x93: {  	s3 =	sld [smem:$0x3FFC];
	_ =	sdelay $0x3  }
0x94: {  	_ =	strace s3  }
0x95: {  	s3 =	sld [smem:$0x3FFD];
	_ =	sdelay $0x3  }
0x96: {  	_ =	strace s3  }
0x97: {  	_ =	strace $0x8FFFFFFF  }
0x98: {  	s19 =	sld [smem:$0x3FDB];
	_ =	sdelay $0x1  }
0x99: {  	s4 =	simm.s32 $_scs_section_size  }
0x9a: {  	s5 =	simm.s32 $_size__tile_overlayer_lowered;
	s6 =	simm.s32 $_tile_overlayer_lowered  }
0x9b: {  	s22 =	simm.s32 $0x1BFF;
	s21 =	sshll.u32 s6, $0x1;
	s3 =	sadd.s32 s4, s19  }
0x9c: {  	s7 =	simm.s32 $0x0;
	s20 =	sshll.u32 s5, $0x1;
	s5 =	sadd.s32 s21, s3  }
0x9d: {  	[timem:s7], [sflag:s22] =	dma.local [hbm:s5], s20  }
0x9e: {  	_ =	swait.ge [sflag:s22], s20  }
0x9f: {  	s4 =	ssub.s32 $0x0, s20;
	[sflag:s22] =	ssyncset.done $0x0  }
0xa0: {  	[sflag:s22] =	ssyncadd.s32 s4;
	_ =	sdelay $0x1  }
0xa1: {  	s23 =	simm.s32 $0x1B8B  }
0xa2: {  	_ =	swait.ge [sflag:s23], $0x1  }
0xa3: {  	[sflag:s23] =	ssyncset.done $0x0  }
0xa4: {  	s25 =	simm.s32 $0x1B8E;
	s24 =	sld [smem:$0x3FFE];
	[sflag:s23] =	ssyncadd.s32 $0xFFFFFFFF  }
0xa5: {  	s26 =	simm.s32 $execute0_lowered;
	[smem:$0x3FD2] =	sst s25  }
0xa6: {  	s5 =	sshll.u32 s26, $0x1;
	_ =	strace $0x80000046;
	[dreg:$0x1] =	wrdreg $0xFFFFFFFF  }
0xa7: {  	s28 =	simm.s32 $_size_execute0_lowered;
	s3 =	sadd.s32 s3, s5;
	[dreg:$0x0] =	wrdreg $0x0  }
0xa8: {  	s5 =	sshll.u32 s28, $0x1;
	[dreg:$0x2] =	wrdreg s3  }
0xa9: {  	[dreg:$0x3] =	wrdreg s5  }
0xaa: {  	[dreg:$0x4] =	wrdreg $0xC0  }
0xab: {  	_ =	task [dreg:s7], $0x5FFFF  }
0xac: {  	[dreg:$0x1] =	wrdreg $0xFFFFFFFF  }
0xad: {  	[dreg:$0x0] =	wrdreg $0x60  }
0xae: {  	[dreg:$0x2] =	wrdreg s2  }
0xaf: {  	[dreg:$0x3] =	wrdreg s24  }
0xb0: {  	[dreg:$0x4] =	wrdreg $0xA4000  }
0xb1: {  	[dreg:$0x5] =	wrdreg $0x9  }
0xb2: {  	_ =	task.clear_ibuf [dreg:s7], $0x6FFFF;
	_ =	strace $0x90000046  }
0xb3: {  	s29 =	simm.s32 $0x9;
	_ =	strace $0x80000048  }
0xb4: {  	_ =	swait.ge [sflag:s29], $0x1  }
0xb5: {  	[sflag:s29] =	ssyncadd.s32 $0xFFFFFFFF  }
0xb6: {  	_ =	strace $0x90000048  }
0xb7: {  	_ =	sfence  }
0xb8: {  	s30 =	sld [smem:$0x0];
	_ =	sdelay $0x2  }
0xb9: {  	s31 =	sshll.u32 s1, $0xD;
	s1 =	sshrl.u32 s1, $0x2  }
0xba: {  	s3 =	sand.u32 $0x4000, s31;
	s1 =	sadd.s32 s1, s30  }
0xbb: {  	s0 =	sor.u32 s3, s0;
	s1 =	sshll.u32 s1, $0x11  }
0xbc: {  	s0 =	sor.u32 s1, s0  }
0xbd: {  	s0 =	sadd.s32 $0x8F2B, s0  }
0xbe: {  	[sflag:s0] =	ssyncadd.remote.s32 $0x1  }
0xbf: {  	_ =	sfence.sel $0xFFFF  }
0xc0: {  	[dreg:$0x0] =	wrdreg $0xFFFFFFFF;
	(pc) =	sbr.abs _section_cstart, $3  }
0xc1: {  	[dreg:$0x1] =	wrdreg $0xFFFFFFFF  }
0xc2: {  	_ =	task.clear_ibuf [dreg:s7], $0x2FFFF;
	_ =	strace $0x9FFFFFFF  }
0xc3: {  	(tm) =	ssettm $0x7FFFFFFF  }
tec
execute0_lowered:
.L_overlay_start_1:
0x0: {  	(tag) =	ssettag $0x1  }
0x1: {  	s0 =	srdreg.scid;
	s6 =	stileid.u32  }
0x2: {  	s5 =	sand.u32 $0x1, s0;
	s13 =	smul.u32 $0x1400, s6  }
0x3: {  	s19 =	sor.u32 $0x10, s6;
	s1 =	smul.u32 $0x138800, s5  }
0x4: {  	s9 =	sor.u32 $0x20, s6;
	s14 =	smul.u32 $0x1400, s19  }
0x5: {  	s10 =	sor.u32 $0x30, s6;
	s15 =	smul.u32 $0x1400, s9  }
0x6: {  	s11 =	sor.u32 $0x40, s6;
	s16 =	smul.u32 $0x1400, s10  }
0x7: {  	s12 =	sor.u32 $0x50, s6;
	s17 =	smul.u32 $0x1400, s11  }
0x8: {  	s8 =	sor.u32 $0x60, s6;
	s18 =	smul.u32 $0x1400, s12  }
0x9: {  	s7 =	sor.u32 $0x70, s6;
	s4 =	sor.u32 $0x80, s6;
	s20 =	smul.u32 $0x1400, s8  }
0xa: {  	s3 =	sor.u32 $0x90, s6;
	p0 =	sgt.u32 s6, $0x9;
	s21 =	smul.u32 $0x1400, s7  }
0xb: {  	s0 =	ssub.s32 $0x2, s5;
	[smem:$0x7E8] =	sst s7;
	s24 =	smul.u32 $0x1400, s4  }
0xc: {  	[smem:$0x7E9] =	sst s4;
	s26 =	smul.u32 $0x1400, s3;
	s2 =	sshrl.u32 s0, $0x1  }
0xd: {  	[smem:$0x7EA] =	sst s3;
	s9 =	smul.u32 $0x5000, s9;
	s0 =	ssub.s32 s0, s2  }
0xe: {  	s2 =	sor.u32 $0xA0, s6;
	s22 =	sadd.s32 s13, s1;
	s23 =	sadd.s32 s1, s14  }
0xf: {  	s25 =	sadd.s32 s1, s15;
	s16 =	sadd.s32 s1, s16;
	s28 =	sadd.s32 s1, s17  }
0x10: {  	s18 =	sadd.s32 s1, s18;
	s20 =	sadd.s32 s1, s20;
	s13 =	sor.u32 $0xC0, s6  }
0x11: {  	s21 =	sadd.s32 s1, s21;
	s14 =	sor.u32 $0xD0, s6;
	s29 =	smul.u32 $0x1400, s2  }
0x12: {  	s24 =	sadd.s32 s1, s24;
	s15 =	sor.u32 $0xE0, s6;
	s31 =	smul.u32 $0x1400, s13  }
0x13: {  	s26 =	sadd.s32 s1, s26;
	[smem:$0x7EB] =	sst s2;
	s2 =	smul.u32 $0x1400, s14  }
0x14: {  	s17 =	sor.u32 $0xF0, s6;
	[smem:$0x7FB] =	sst s0;
	s4 =	smul.u32 $0x1400, s15  }
0x15: {  	s0 =	sor.u32 $0xB0, s6;
	s7 =	smul.u32 $0x1400, s17;
	s22 =	sshrl.u32 s22, $0x3  }
0x16: {  	s23 =	sshrl.u32 s23, $0x3;
	s25 =	sshrl.u32 s25, $0x3;
	s16 =	sshrl.u32 s16, $0x3  }
0x17: {  	s18 =	sshrl.u32 s18, $0x3;
	[smem:$0x7EC] =	sst s0;
	s30 =	smul.u32 $0x1400, s0  }
0x18: {  	s29 =	sadd.s32 s1, s29;
	s31 =	sadd.s32 s1, s31;
	s3 =	sadd.s32 s1, s2  }
0x19: {  	s4 =	sadd.s32 s1, s4;
	s7 =	sadd.s32 s1, s7;
	s2 =	rddreg [dreg:$0x1]  }
0x1a: {  	s30 =	sadd.s32 s1, s30;
	s1 =	simm.s32 $0x0;
	s0 =	sadd.s32 $0x4F7200, s2  }
0x1b: {  	s24 =	sshrl.u32 s24, $0x3;
	[smem:$0x7FF] =	sst s1;
	s22 =	sadd.s32 s0, s22  }
0x1c: {  	s3 =	sshrl.u32 s3, $0x3;
	s16 =	sadd.s32 s0, s16;
	[dreg:$0x4] =	wrdreg s22  }
0x1d: {  	s18 =	sadd.s32 s0, s18;
	s3 =	sadd.s32 s0, s3;
	[dreg:$0x7] =	wrdreg s16  }
0x1e: {  	s22 =	sadd.s32 s0, s23;
	s23 =	sadd.s32 s0, s25;
	[dreg:$0x9] =	wrdreg s18  }
0x1f: {  	s18 =	sshrl.u32 s26, $0x3;
	[dreg:$0x11] =	wrdreg s3;
	s26 =	smul.u32 $0x5000, s19  }
0x20: {  	s25 =	sshrl.u32 s28, $0x3;
	s19 =	smul.u32 $0x5000, s10;
	[dreg:$0x5] =	wrdreg s22  }
0x21: {  	s28 =	simm.s32 $0x7;
	[dreg:$0x6] =	wrdreg s23;
	s16 =	sadd.s32 s0, s25  }
0x22: {  	s22 =	sshrl.u32 s20, $0x3;
	s23 =	sshrl.u32 s21, $0x3;
	s25 =	sadd.s32 s0, s24  }
0x23: {  	s20 =	sshrl.u32 s29, $0x3;
	s21 =	sshrl.u32 s30, $0x3;
	[dreg:$0x8] =	wrdreg s16  }
0x24: {  	s24 =	sshrl.u32 s4, $0x3;
	s16 =	sadd.s32 s0, s22;
	[dreg:$0xc] =	wrdreg s25  }
0x25: {  	s4 =	smul.u32 $0x5000, s6;
	s22 =	sadd.s32 s0, s21;
	[dreg:$0xa] =	wrdreg s16  }
0x26: {  	s29 =	simm.s32 $0x9;
	s3 =	sadd.s32 s0, s24;
	[dreg:$0xf] =	wrdreg s22  }
0x27: {  	s30 =	simm.s32 $0x5;
	s16 =	sadd.s32 s0, s23;
	[dreg:$0x12] =	wrdreg s3  }
0x28: {  	s25 =	sshrl.u32 s7, $0x3;
	s21 =	sadd.s32 $0x15200, s2;
	[dreg:$0xb] =	wrdreg s16  }
0x29: {  	s7 =	sshll.u32 s5, $0x4;
	s16 =	sadd.s32 s0, s18;
	s18 =	rddreg [dreg:$0x2]  }
0x2a: {  	s23 =	sshrl.u32 s31, $0x3;
	[dreg:$0xd] =	wrdreg s16;
	s16 =	sadd.s32 s0, s20  }
0x2b: {  	s24 =	smul.u32 $0x5000, s11;
	[dreg:$0xe] =	wrdreg s16;
	s16 =	sadd.s32 s0, s23  }
0x2c: {  	s5 =	sshrl.u32 s19, $0x2;
	s22 =	sadd.s32 $0xB400, s2;
	[dreg:$0x10] =	wrdreg s16  }
0x2d: {  	s3 =	sshrl.u32 s4, $0x2;
	s0 =	sadd.s32 s0, s25;
	s16 =	rddreg [dreg:$0x0]  }
0x2e: {  	s20 =	sadd.s32 s3, s18;
	[dreg:$0x13] =	wrdreg s0;
	s0 =	sshrl.u32 s26, $0x2  }
0x2f: {  	_ =	strace $0x80000047;
	s0 =	sadd.s32 s0, s18;
	[dreg:$0x14] =	wrdreg s20  }
0x30: {  	s23 =	sadd.s32 $0x1600, s2;
	s2 =	sor.u32 s6, s7;
	[dreg:$0x15] =	wrdreg s0  }
0x31: {  	s25 =	sshrl.u32 s9, $0x2;
	s7 =	smul.u32 $0x5000, s8;
	s9 =	sld [smem:$0x7E8]  }
0x32: {  	s31 =	simm.s32 $0x2;
	s8 =	sshrl.u32 s24, $0x2;
	s11 =	sld [smem:$0x7E9]  }
0x33: {  	s26 =	smul.u32 $0x5000, s12;
	s12 =	sshrl.u32 s7, $0x2;
	s19 =	sld [smem:$0x7EA]  }
0x34: {  	s0 =	sadd.s32 s25, s18;
	s25 =	sld [smem:$0x7EB];
	s3 =	smul.u32 $0x5000, s9  }
0x35: {  	s10 =	sshrl.u32 s26, $0x2;
	s7 =	sld [smem:$0x7EC];
	s4 =	smul.u32 $0x5000, s11  }
0x36: {  	[dreg:$0x16] =	wrdreg s0;
	s0 =	sadd.s32 s5, s18;
	s5 =	smul.u32 $0x5000, s19  }
0x37: {  	[dreg:$0x17] =	wrdreg s0;
	s0 =	sadd.s32 s8, s18;
	s9 =	smul.u32 $0x5000, s13  }
0x38: {  	[dreg:$0x18] =	wrdreg s0;
	s0 =	sadd.s32 s10, s18;
	s11 =	smul.u32 $0x5000, s14  }
0x39: {  	s14 =	smul.u32 $0x5000, s15;
	[dreg:$0x19] =	wrdreg s0;
	s0 =	sadd.s32 s12, s18  }
0x3a: {  	s6 =	simm.s32 $0xB;
	s19 =	smul.u32 $0x5000, s17;
	[dreg:$0x1a] =	wrdreg s0  }
0x3b: {  	s24 =	sshrl.u32 s3, $0x2;
	s3 =	smul.u32 $0x5000, s25;
	s26 =	sshrl.u32 s4, $0x2  }
0x3c: {  	s4 =	smul.u32 $0x5000, s7;
	s8 =	sshrl.u32 s5, $0x2;
	s15 =	sshrl.u32 s9, $0x2  }
0x3d: {  	s25 =	sshrl.u32 s14, $0x2;
	s0 =	sadd.s32 s24, s18;
	s13 =	sadd.s32 s8, s18  }
0x3e: {  	s17 =	sadd.s32 s15, s18;
	s24 =	sshrl.u32 s11, $0x2;
	[dreg:$0x1b] =	wrdreg s0  }
0x3f: {  	s11 =	smul.u32 $0x138800, s2;
	s0 =	sadd.s32 s26, s18;
	[dreg:$0x1d] =	wrdreg s13  }
0x40: {  	s10 =	sshrl.u32 s3, $0x2;
	s12 =	sshrl.u32 s4, $0x2;
	[smem:$0x7FD] =	sst s17  }
0x41: {  	s3 =	smul.u32 $0x2710, s2;
	s26 =	sshrl.u32 s19, $0x2;
	[dreg:$0x1c] =	wrdreg s0  }
0x42: {  	s0 =	sadd.s32 s10, s18;
	s5 =	sadd.s32 s26, s18;
	s26 =	sld [smem:$0x7FB]  }
0x43: {  	s4 =	simm.s32 $0xA;
	s10 =	smul.u32 $0x27100, s2;
	[dreg:$0x1e] =	wrdreg s0  }
0x44: {  	s0 =	sadd.s32 s12, s18;
	[smem:$0x7EF] =	sst s5;
	s7 =	sshrl.u32 s3, $0x3  }
0x45: {  	s9 =	sadd.s32 $0x28, s3;
	s15 =	sadd.s32 $0x50, s3;
	[dreg:$0x1f] =	wrdreg s0  }
0x46: {  	s19 =	sadd.s32 $0x78, s3;
	s0 =	sadd.s32 s24, s18;
	[smem:$0x7F2] =	sst s9  }
0x47: {  	s8 =	sadd.s32 s22, s7;
	s12 =	sshrl.u32 s9, $0x3;
	[smem:$0x7F6] =	sst s15  }
0x48: {  	s14 =	sadd.s32 s21, s10;
	[smem:$0x7F7] =	sst s19;
	s24 =	sadd.s32 $0xA0, s3  }
0x49: {  	s19 =	simm.s32 $0x80;
	s15 =	simm.s32 $0x4;
	[smem:$0x7ED] =	sst s0  }
0x4a: {  	s10 =	simm.s32 $0xD;
	s9 =	simm.s32 $0x0;
	[smem:$0x7F0] =	sst s8  }
0x4b: {  	s0 =	sadd.s32 s25, s18;
	s5 =	sadd.s32 s22, s12;
	[smem:$0x7F5] =	sst s14  }
0x4c: {  	s2 =	sadd.s32 s23, s12;
	[smem:$0x7F8] =	sst s24;
	s25 =	sadd.s32 $0xC8, s3  }
0x4d: {  	s14 =	simm.s32 $0x5400;
	s12 =	simm.s32 $0x1;
	[smem:$0x7EE] =	sst s0  }
0x4e: {  	s24 =	simm.s32 $0x180;
	s0 =	sadd.s32 s23, s7;
	[smem:$0x7F3] =	sst s5  }
0x4f: {  	s3 =	simm.s32 $0xC;
	[smem:$0x7F1] =	sst s0;
	s0 =	sshrl.u32 s11, $0x3  }
0x50: {  	s8 =	simm.s32 $0x8;
	[smem:$0x7F4] =	sst s2;
	s0 =	sadd.s32 s21, s0  }
0x51: {  	[smem:$0x7F9] =	sst s25;
	s25 =	simm.s32 $0x3;
	s0 =	sadd.s32 $0x26E80, s0  }
0x52: {  	s2 =	simm.s32 $0x6800;
	[smem:$0x7FA] =	sst s0;
	s0 =	smax.u32 s26, $0x1  }
0x53: {  	v0 =	vimm.f32 $0.0e+00;
	s5 =	simm.s32 $0x6;
	s26 =	simm.s32 $0x28;
	[smem:$0x7FC] =	sst s0  }
.LBB2_1:
0x54: {  	[smem:$0x7E7] =	sst s9;
	s0 =	simm.s32 $0x0;
	s7 =	simm.s32 $0x200  }
.LBB2_2:
0x55: {  	p1 =	sne.s32 s7, $0x4E00;
	[tilespmem:s0+$0x5470] =	vst v0  }
0x56: {  	[tilespmem:s0+$0x5400] =	vst v0  }
0x57: {  	[tilespmem:s0+$0x5410] =	vst v0  }
.Ltmp0:
0x58: {  	[tilespmem:s0+$0x5420] =	vst v0;
	(pc) =	sbr.rel @p1 .LBB2_2-.Ltmp0, $4  }
0x59: {  	[tilespmem:s0+$0x5430] =	vst v0  }
0x5a: {  	[tilespmem:s0+$0x5440] =	vst v0  }
0x5b: {  	[tilespmem:s0+$0x5450] =	vst v0  }
0x5c: {  	[tilespmem:s0+$0x5460] =	vst v0;
	s0 =	sshra.s32 s7, $0x2;
	s7 =	sadd.s32 $0x200, s7  }
0x5d: {  	[tilespmem:s0+$0x5470] =	vst v0  }
0x5e: {  	[tilespmem:s0+$0x5400] =	vst v0  }
0x5f: {  	[tilespmem:s0+$0x5410] =	vst v0  }
0x60: {  	[tilespmem:s0+$0x5420] =	vst v0  }
0x61: {  	[tilespmem:s0+$0x5430] =	vst v0  }
0x62: {  	[tilespmem:s0+$0x5440] =	vst v0  }
0x63: {  	[tilespmem:s0+$0x5450] =	vst v0  }
0x64: {  	[tilespmem:s0+$0x5460] =	vst v0  }
0x65: {  	[spmem:s20] =	stream.linear.scatter [tilespmem:s14], [sflag:$0x1], $0x1400, $0x38;
	[tilespmem:$0x1DC80] =	vst v63  }
0x66: {  	s20 =	rddreg [dreg:$0x15]  }
0x67: {  	[spmem:s20] =	stream.linear.scatter [tilespmem:s14], [sflag:$0x1], $0x1400, $0x38;
	[tilespmem:$0x1DC80] =	vst v63  }
0x68: {  	s7 =	rddreg [dreg:$0x16]  }
0x69: {  	[spmem:s7] =	stream.linear.scatter [tilespmem:s14], [sflag:$0x1], $0x1400, $0x38;
	[tilespmem:$0x1DC80] =	vst v63  }
0x6a: {  	s9 =	rddreg [dreg:$0x17]  }
0x6b: {  	[spmem:s9] =	stream.linear.scatter [tilespmem:s14], [sflag:$0x1], $0x1400, $0x38;
	[tilespmem:$0x1DC80] =	vst v63  }
0x6c: {  	s11 =	rddreg [dreg:$0x18]  }
0x6d: {  	[spmem:s11] =	stream.linear.scatter [tilespmem:s14], [sflag:$0x1], $0x1400, $0x38;
	[tilespmem:$0x1DC80] =	vst v63  }
0x6e: {  	s20 =	rddreg [dreg:$0x19]  }
0x6f: {  	[spmem:s20] =	stream.linear.scatter [tilespmem:s14], [sflag:$0x1], $0x1400, $0x38;
	[tilespmem:$0x1DC80] =	vst v63  }
0x70: {  	s7 =	rddreg [dreg:$0x1a]  }
0x71: {  	[spmem:s7] =	stream.linear.scatter [tilespmem:s14], [sflag:$0x1], $0x1400, $0x38;
	[tilespmem:$0x1DC80] =	vst v63  }
0x72: {  	s9 =	rddreg [dreg:$0x1b]  }
0x73: {  	[spmem:s9] =	stream.linear.scatter [tilespmem:s14], [sflag:$0x1], $0x1400, $0x38;
	[tilespmem:$0x1DC80] =	vst v63  }
0x74: {  	s11 =	rddreg [dreg:$0x1c]  }
0x75: {  	[spmem:s11] =	stream.linear.scatter [tilespmem:s14], [sflag:$0x1], $0x1400, $0x38;
	[tilespmem:$0x1DC80] =	vst v63  }
0x76: {  	_ = 	snop  }
0x77: {  	[spmem:s13] =	stream.linear.scatter [tilespmem:s14], [sflag:$0x1], $0x1400, $0x38;
	[tilespmem:$0x1DC80] =	vst v63  }
0x78: {  	s13 =	rddreg [dreg:$0x1e]  }
0x79: {  	[spmem:s13] =	stream.linear.scatter [tilespmem:s14], [sflag:$0x1], $0x1400, $0x38;
	[tilespmem:$0x1DC80] =	vst v63  }
0x7a: {  	s20 =	rddreg [dreg:$0x1f]  }
0x7b: {  	[spmem:s20] =	stream.linear.scatter [tilespmem:s14], [sflag:$0x1], $0x1400, $0x38;
	[tilespmem:$0x1DC80] =	vst v63  }
0x7c: {  	s7 =	sld [smem:$0x7ED]  }
0x7d: {  	[spmem:s17] =	stream.linear.scatter [tilespmem:s14], [sflag:$0x1], $0x1400, $0x38;
	[tilespmem:$0x1DC80] =	vst v63  }
0x7e: {  	s9 =	sld [smem:$0x7EE]  }
0x7f: {  	[spmem:s7] =	stream.linear.scatter [tilespmem:s14], [sflag:$0x1], $0x1400, $0x38;
	[tilespmem:$0x1DC80] =	vst v63  }
0x80: {  	s7 =	sld [smem:$0x7EF]  }
0x81: {  	[spmem:s9] =	stream.linear.scatter [tilespmem:s14], [sflag:$0x1], $0x1400, $0x38;
	[tilespmem:$0x1DC80] =	vst v63  }
0x82: {  	s0 =	simm.s32 @!p0 $0x5400  }
0x83: {  	[spmem:s7] =	stream.linear.scatter @!p0 [tilespmem:s0], [sflag:$0x1], $0x1400, $0x38;
	[tilespmem:$0x1DC80] =	vst v63  }
0x84: {  	_ =	swait.ge [sflag:s12], $0x1400  }
0x85: {  	[sflag:s12] =	ssyncset.done $0x0  }
0x86: {  	[sflag:s12] =	ssyncadd.s32 $0xFFFFEC00  }
0x87: {  	_ =	swait.ge [sflag:s12], $0x1400  }
0x88: {  	[sflag:s12] =	ssyncset.done $0x0  }
0x89: {  	[sflag:s12] =	ssyncadd.s32 $0xFFFFEC00  }
0x8a: {  	_ =	swait.ge [sflag:s12], $0x1400  }
0x8b: {  	[sflag:s12] =	ssyncset.done $0x0  }
0x8c: {  	[sflag:s12] =	ssyncadd.s32 $0xFFFFEC00  }
0x8d: {  	_ =	swait.ge [sflag:s12], $0x1400  }
0x8e: {  	[sflag:s12] =	ssyncset.done $0x0  }
0x8f: {  	[sflag:s12] =	ssyncadd.s32 $0xFFFFEC00  }
0x90: {  	_ =	swait.ge [sflag:s12], $0x1400  }
0x91: {  	[sflag:s12] =	ssyncset.done $0x0  }
0x92: {  	[sflag:s12] =	ssyncadd.s32 $0xFFFFEC00  }
0x93: {  	_ =	swait.ge [sflag:s12], $0x1400  }
0x94: {  	[sflag:s12] =	ssyncset.done $0x0  }
0x95: {  	[sflag:s12] =	ssyncadd.s32 $0xFFFFEC00  }
0x96: {  	_ =	swait.ge [sflag:s12], $0x1400  }
0x97: {  	[sflag:s12] =	ssyncset.done $0x0  }
0x98: {  	[sflag:s12] =	ssyncadd.s32 $0xFFFFEC00  }
0x99: {  	_ =	swait.ge [sflag:s12], $0x1400  }
0x9a: {  	[sflag:s12] =	ssyncset.done $0x0  }
0x9b: {  	[sflag:s12] =	ssyncadd.s32 $0xFFFFEC00  }
0x9c: {  	_ =	swait.ge [sflag:s12], $0x1400  }
0x9d: {  	[sflag:s12] =	ssyncset.done $0x0  }
0x9e: {  	[sflag:s12] =	ssyncadd.s32 $0xFFFFEC00  }
0x9f: {  	_ =	swait.ge [sflag:s12], $0x1400  }
0xa0: {  	[sflag:s12] =	ssyncset.done $0x0  }
0xa1: {  	[sflag:s12] =	ssyncadd.s32 $0xFFFFEC00  }
0xa2: {  	_ =	swait.ge [sflag:s12], $0x1400  }
0xa3: {  	[sflag:s12] =	ssyncset.done $0x0  }
0xa4: {  	[sflag:s12] =	ssyncadd.s32 $0xFFFFEC00  }
0xa5: {  	_ =	swait.ge [sflag:s12], $0x1400  }
0xa6: {  	[sflag:s12] =	ssyncset.done $0x0  }
0xa7: {  	[sflag:s12] =	ssyncadd.s32 $0xFFFFEC00  }
0xa8: {  	_ =	swait.ge [sflag:s12], $0x1400  }
0xa9: {  	[sflag:s12] =	ssyncset.done $0x0  }
0xaa: {  	[sflag:s12] =	ssyncadd.s32 $0xFFFFEC00  }
0xab: {  	_ =	swait.ge [sflag:s12], $0x1400  }
0xac: {  	[sflag:s12] =	ssyncset.done $0x0  }
0xad: {  	[sflag:s12] =	ssyncadd.s32 $0xFFFFEC00  }
0xae: {  	_ =	swait.ge [sflag:s12], $0x1400  }
0xaf: {  	[sflag:s12] =	ssyncset.done $0x0  }
0xb0: {  	s0 =	simm.s32 @!p0 $0x1;
	[sflag:s12] =	ssyncadd.s32 $0xFFFFEC00  }
0xb1: {  	_ =	swait.ge @!p0 [sflag:s0], $0x1400  }
0xb2: {  	[sflag:s0] =	ssyncset.done @!p0 $0x0  }
0xb3: {  	[sflag:s0] =	ssyncadd.s32 @!p0 $0xFFFFEC00  }
0xb4: {  	[bflag:$0x0] =	sbarrier.arrive $0xFFFF  }
0xb5: {  	s11 =	sld [smem:$0x7F0];
	_ =	sdelay $0x1  }
0xb6: {  	s17 =	simm.s32 $0x0;
	s13 =	sld [smem:$0x7F1]  }
0xb7: {  	[tilespmem:s17], [sflag:$0x1] =	stream.linear.gather [hbm4b:s11+s17], $0x28, $0x38;
	[tilespmem:$0x1DC80] =	vst v63  }
0xb8: {  	s20 =	simm.s32 $0x100;
	s9 =	sld [smem:$0x7F3]  }
0xb9: {  	[tilespmem:s20], [sflag:$0x3] =	stream.linear.gather [hbm4b:s13+s17], $0x28, $0x38;
	[tilespmem:$0x1DC80] =	vst v63  }
0xba: {  	s11 =	sld [smem:$0x7F4]  }
0xbb: {  	[tilespmem:s19], [sflag:$0x2] =	stream.linear.gather [hbm4b:s9+s17], $0x28, $0x38;
	[tilespmem:$0x1DC80] =	vst v63  }
0xbc: {  	_ = 	snop  }
0xbd: {  	[tilespmem:s24], [sflag:$0x4] =	stream.linear.gather [hbm4b:s11+s17], $0x28, $0x38;
	[tilespmem:$0x1DC80] =	vst v63  }
0xbe: {  	_ =	swait.ge [sflag:s12], $0x28  }
0xbf: {  	[sflag:s12] =	ssyncset.done $0x0  }
0xc0: {  	[sflag:s12] =	ssyncadd.s32 $0xFFFFFFD8  }
0xc1: {  	_ =	swait.ge [sflag:s25], $0x28  }
0xc2: {  	[sflag:s25] =	ssyncset.done $0x0  }
0xc3: {  	s13 =	sld [smem:$0x7F5];
	[sflag:s25] =	ssyncadd.s32 $0xFFFFFFD8  }
0xc4: {  	[tilespmem:s14], [sflag:$0x9] =	stream.indirect.gather [hbm4b:s16+s26], $0x80, s17, s26, $0xb8;
	[tilespmem:$0x1DC80] =	vst v63  }
0xc5: {  	s20 =	simm.s32 $0x400  }
0xc6: {  	[tilespmem:s20], [sflag:$0x5] =	stream.linear.gather [hbm4b:s13+s17], $0x1400, $0x38;
	[tilespmem:$0x1DC80] =	vst v63  }
.LBB2_4:
0xc7: {  	_ =	swait.ge [sflag:s29], $0x1400  }
0xc8: {  	[sflag:s29] =	ssyncset.done $0x0  }
0xc9: {  	[sflag:s29] =	ssyncadd.s32 $0xFFFFEC00  }
0xca: {  	_ =	swait.ge [sflag:s30], $0x1400  }
0xcb: {  	[sflag:s30] =	ssyncset.done $0x0  }
0xcc: {  	[sflag:s30] =	ssyncadd.s32 $0xFFFFEC00  }
0xcd: {  	v1 =	vld [tilespmem:$0x100]  }
0xce: {  	v2 =	vld [tilespmem:$0x110]  }
0xcf: {  	s0 =	sld [smem:$0x7F6];
	v3 =	vld [tilespmem:$0x118]  }
0xd0: {  	s20 =	smul.u32 $0xA0, s17;
	_ =	sdelay $0x1  }
0xd1: {  	s9 =	sadd.s32 s20, s0;
	[tilespmem:$0x200] =	vst v1  }
0xd2: {  	s0 =	sshrl.u32 s9, $0x3;
	[tilespmem:$0x210] =	vst v2  }
0xd3: {  	s7 =	sadd.s32 s22, s0;
	[tilespmem:$0x218] =	vst v3  }
0xd4: {  	[tilespmem:s1], [sflag:$0x1] =	stream.linear.gather [hbm4b:s7+s1], $0x28, $0x38;
	[tilespmem:$0x1DC80] =	vst v63  }
0xd5: {  	s13 =	simm.s32 $0x100;
	s0 =	sadd.s32 s23, s0  }
0xd6: {  	[tilespmem:s13], [sflag:$0x3] =	stream.linear.gather [hbm4b:s0+s1], $0x28, $0x38;
	[tilespmem:$0x1DC80] =	vst v63  }
0xd7: {  	_ =	swait.ge [sflag:s31], $0x28  }
0xd8: {  	[sflag:s31] =	ssyncset.done $0x0  }
0xd9: {  	[sflag:s31] =	ssyncadd.s32 $0xFFFFFFD8  }
0xda: {  	_ =	swait.ge [sflag:s15], $0x28  }
0xdb: {  	s11 =	sld [smem:$0x7F2];
	_ =	sdelay $0x2  }
0xdc: {  	s0 =	sadd.s32 s20, s11  }
0xdd: {  	p1 =	seq.s32 s17, $0x0;
	[sflag:s15] =	ssyncset.done $0x0;
	s0 =	sshll.u32 s0, $0x4  }
0xde: {  	s13 =	simm.s32 $0x1800;
	[sflag:s15] =	ssyncadd.s32 $0xFFFFFFD8;
	s0 =	sadd.s32 s21, s0  }
0xdf: {  	[tilespmem:s13], [sflag:$0x6] =	stream.linear.gather [hbm4b:s0+s1], $0x1400, $0x38;
	[tilespmem:$0x1DC80] =	vst v63  }
0xe0: {  	s0 =	simm.s32 @!p1 $0xE  }
0xe1: {  	_ =	swait.ge @!p1 [sflag:s0], $0x1400  }
0xe2: {  	[sflag:s0] =	ssyncset.done @!p1 $0x0  }
0xe3: {  	s11 =	simm.s32 $0x0;
	[sflag:s0] =	ssyncadd.s32 @!p1 $0xFFFFEC00  }
0xe4: {  	[tilespmem:s2], [sflag:$0xA] =	stream.indirect.gather [hbm4b:s16+s26], $0x80, s19, s26, $0xb8;
	[tilespmem:$0x1DC80] =	vst v63  }
0xe5: {  	v1 =	vld [tilespmem:s11+$0x420]  }
0xe6: {  	v2 =	vld [tilespmem:s11+$0x440]  }
0xe7: {  	v5 =	vld [tilespmem:s11+$0x460]  }
0xe8: {  	v6 =	vld [tilespmem:s11+$0x470]  }
0xe9: {  	v3 =	vld [tilespmem:s11+$0x450]  }
0xea: {  	v4 =	vld [tilespmem:s11+$0x5450]  }
0xeb: {  	v7 =	vld [tilespmem:s11+$0x5440]  }
0xec: {  	v8 =	vld [tilespmem:s11+$0x5470]  }
0xed: {  	v9 =	vld [tilespmem:s11+$0x5460]  }
0xee: {  	v10 =	vld [tilespmem:s11+$0x5420]  }
0xef: {  	v3 =	vadd.f32 v3, v4  }
0xf0: {  	v4 =	vadd.f32 v2, v7  }
0xf1: {  	v7 =	vadd.f32 v6, v8;
	v8 =	vld [tilespmem:s11+$0x430];
	v2 =	vsub.f32 $0.0e+00, v3  }
0xf2: {  	v6 =	vadd.f32 v5, v9;
	v5 =	vld [tilespmem:s11+$0x5430];
	v13 =	vsub.f32 $0.0e+00, v4  }
0xf3: {  	v11 =	vld [tilespmem:s11+$0x410];
	v9 =	vmul.f32 $1.442695020e+00, v2;
	v2 =	vadd.f32 v1, v10;
	v1 =	vsub.f32 $0.0e+00, v7  }
0xf4: {  	v12 =	vld [tilespmem:s11+$0x400];
	v14 =	vsub.f32 $0.0e+00, v6;
	v13 =	vmul.f32 $1.442695020e+00, v13  }
0xf5: {  	v10 =	vld [tilespmem:s11+$0x5410];
	(erf) = vpow2.f32 v9;
	v9 =	vsub.f32 $0.0e+00, v2;
	v1 =	vmul.f32 $1.442695020e+00, v1  }
0xf6: {  	v15 =	vld [tilespmem:s11+$0x5400];
	v63 =	vmul.f32 $1.442695020e+00, v14;
	(erf) = vpow2.f32 v13  }
0xf7: {  	v8 =	vadd.f32 v8, v5;
	v9 =	vmul.f32 $1.442695020e+00, v9;
	(erf) = vpow2.f32 v1  }
0xf8: {  	(erf) = vpow2.f32 v63  }
0xf9: {  	(erf) = vpow2.f32 v9;
	v9 =	vsub.f32 $0.0e+00, v8  }
0xfa: {  	v5 =	vadd.f32 v11, v10  }
0xfb: {  	v1 =	vadd.f32 v12, v15;
	v9 =	vmul.f32 $1.442695020e+00, v9  }
0xfc: {  	v10 =	vsub.f32 $0.0e+00, v5  }
0xfd: {  	v11 =	vsub.f32 $0.0e+00, v1  }
0xfe: {  	v10 =	vmul.f32 $1.442695020e+00, v10  }
0xff: {  	v11 =	vmul.f32 $1.442695020e+00, v11;
	(erf) = vpow2.f32 v9;
	v9 =	vpop (erf)  }
0x100: {  	(erf) = vpow2.f32 v10;
	v9 =	vadd.f32 $1.000000000e+00, v9  }
0x101: {  	(erf) = vpow2.f32 v11  }
0x102: {  	v10 =	vpop (erf);
	(erf) = vrcp.f32 v9  }
0x103: {  	v10 =	vadd.f32 $1.000000000e+00, v10  }
0x104: {  	v11 =	vpop (erf)  }
0x105: {  	(erf) = vrcp.f32 v10;
	v9 =	vpop (erf)  }
0x106: {  	s7 =	simm.s32 $0x400;
	s0 =	simm.s32 $0x200;
	v10 =	vadd.f32 $1.000000000e+00, v11;
	v9 =	vadd.f32 $1.000000000e+00, v9;
	v11 =	vpop (erf)  }
.LBB2_5:
0x107: {  	p2 =	sne.s32 s7, $0x4E00  }
0x108: {  	s13 =	sshra.s32 s0, $0x2;
	v11 =	vadd.f32 $1.000000000e+00, v11;
	v12 =	vpop (erf);
	(erf) = vrcp.f32 v10;
	s0 =	smov.u32 s7;
	s7 =	sadd.s32 $0x200, s7  }
0x109: {  	v10 =	vld [tilespmem:s13+$0x420];
	v15 =	vadd.f32 $1.000000000e+00, v12;
	v13 =	vpop (erf);
	(erf) = vrcp.f32 v9  }
0x10a: {  	v9 =	vld [tilespmem:s13+$0x440];
	v13 =	vadd.f32 $1.000000000e+00, v13;
	v14 =	vpop (erf);
	(erf) = vrcp.f32 v11  }
0x10b: {  	v11 =	vld [tilespmem:s13+$0x460];
	v14 =	vadd.f32 $1.000000000e+00, v14;
	(erf) = vrcp.f32 v15;
	v12 =	vpop (erf)  }
0x10c: {  	v15 =	vld [tilespmem:s13+$0x470];
	v16 =	vmul.f32 v12, v3;
	(erf) = vrcp.f32 v13  }
0x10d: {  	v12 =	vld [tilespmem:s13+$0x450];
	(erf) = vrcp.f32 v14  }
0x10e: {  	v13 =	vld [tilespmem:s13+$0x410];
	[tilespmem:s11+$0x5450] =	vst v16;
	v3 =	vpop (erf)  }
0x10f: {  	v14 =	vld [tilespmem:s13+$0x5450];
	v4 =	vmul.f32 v3, v4;
	_ =	sdelay $0x1  }
0x110: {  	[tilespmem:s11+$0x5440] =	vst v4;
	v3 =	vpop (erf)  }
0x111: {  	v4 =	vld [tilespmem:s13+$0x5440];
	v19 =	vmul.f32 v3, v7;
	v3 =	vpop (erf)  }
0x112: {  	v16 =	vld [tilespmem:s13+$0x400];
	v20 =	vmul.f32 v3, v6;
	v17 =	vpop (erf)  }
0x113: {  	v18 =	vld [tilespmem:s13+$0x430];
	v3 =	vadd.f32 v12, v14;
	v17 =	vmul.f32 v17, v2;
	[tilespmem:s11+$0x5470] =	vst v19;
	v7 =	vpop (erf)  }
0x114: {  	v12 =	vld [tilespmem:s13+$0x5470];
	v7 =	vmul.f32 v7, v8;
	[tilespmem:s11+$0x5460] =	vst v20;
	v6 =	vpop (erf)  }
0x115: {  	v8 =	vsub.f32 $0.0e+00, v3;
	v14 =	vld [tilespmem:s13+$0x5460];
	v5 =	vmul.f32 v6, v5;
	[tilespmem:s11+$0x5420] =	vst v17;
	v2 =	vpop (erf)  }
0x116: {  	v17 =	vld [tilespmem:s13+$0x5420];
	v4 =	vadd.f32 v9, v4;
	v1 =	vmul.f32 v2, v1;
	[tilespmem:s11+$0x5430] =	vst v7  }
0x117: {  	v9 =	vld [tilespmem:s13+$0x5430];
	v2 =	vmul.f32 $1.442695020e+00, v8;
	[tilespmem:s11+$0x5410] =	vst v5  }
0x118: {  	v5 =	vld [tilespmem:s13+$0x5410];
	v6 =	vsub.f32 $0.0e+00, v4;
	[tilespmem:s11+$0x5400] =	vst v1;
	s11 =	smov.u32 s13  }
0x119: {  	v1 =	vld [tilespmem:s11+$0x5400];
	v7 =	vadd.f32 v15, v12;
	(erf) = vpow2.f32 v2  }
0x11a: {  	v12 =	vmul.f32 $1.442695020e+00, v6;
	v6 =	vadd.f32 v11, v14  }
0x11b: {  	v2 =	vadd.f32 v10, v17;
	v10 =	vsub.f32 $0.0e+00, v7  }
0x11c: {  	v8 =	vadd.f32 v18, v9;
	v9 =	vsub.f32 $0.0e+00, v6;
	(erf) = vpow2.f32 v12  }
0x11d: {  	v5 =	vadd.f32 v13, v5;
	v11 =	vsub.f32 $0.0e+00, v2;
	v10 =	vmul.f32 $1.442695020e+00, v10  }
0x11e: {  	v1 =	vadd.f32 v16, v1;
	v12 =	vsub.f32 $0.0e+00, v8;
	v9 =	vmul.f32 $1.442695020e+00, v9  }
0x11f: {  	v13 =	vsub.f32 $0.0e+00, v5;
	v14 =	vmul.f32 $1.442695020e+00, v11;
	(erf) = vpow2.f32 v10  }
0x120: {  	v10 =	vsub.f32 $0.0e+00, v1;
	v12 =	vmul.f32 $1.442695020e+00, v12;
	(erf) = vpow2.f32 v9  }
0x121: {  	v9 =	vmul.f32 $1.442695020e+00, v13;
	(erf) = vpow2.f32 v14  }
0x122: {  	v10 =	vmul.f32 $1.442695020e+00, v10;
	(erf) = vpow2.f32 v12;
	v11 =	vpop (erf)  }
0x123: {  	v11 =	vadd.f32 $1.000000000e+00, v11;
	(erf) = vpow2.f32 v9  }
0x124: {  	(erf) = vpow2.f32 v10  }
0x125: {  	v9 =	vpop (erf);
	(erf) = vrcp.f32 v11  }
.Ltmp1:
0x126: {  	v10 =	vadd.f32 $1.000000000e+00, v9;
	(pc) =	sbr.rel @p2 .LBB2_5-.Ltmp1, $4  }
0x127: {  	_ = 	snop  }
0x128: {  	(erf) = vrcp.f32 v10;
	v9 =	vpop (erf)  }
0x129: {  	v10 =	vadd.f32 $1.000000000e+00, v9;
	v9 =	vpop (erf)  }
0x12a: {  	v9 =	vadd.f32 $1.000000000e+00, v9;
	v11 =	vpop (erf)  }
0x12b: {  	_ = 	snop  }
0x12c: {  	s0 =	sshra.s32 s0, $0x2;
	v12 =	vpop (erf)  }
0x12d: {  	(erf) = vrcp.f32 v10;
	v10 =	vld [tilespmem:s0+$0x420];
	v13 =	vpop (erf)  }
0x12e: {  	v14 =	vld [tilespmem:s0+$0x440];
	(erf) = vrcp.f32 v9;
	v9 =	vpop (erf)  }
0x12f: {  	v15 =	vld [tilespmem:s0+$0x460];
	v16 =	vpop (erf)  }
0x130: {  	v11 =	vadd.f32 $1.000000000e+00, v11;
	v17 =	vld [tilespmem:s0+$0x470];
	v3 =	vmul.f32 v16, v3  }
0x131: {  	v50 =	vld [tilespmem:s0+$0x410];
	v18 =	vpop (erf)  }
0x132: {  	(erf) = vrcp.f32 v11;
	v11 =	vld [tilespmem:s0+$0x450];
	[tilespmem:s11+$0x5450] =	vst v3;
	v3 =	vmul.f32 v18, v4  }
0x133: {  	v12 =	vadd.f32 $1.000000000e+00, v12;
	_ =	sdelay $0x1  }
0x134: {  	v51 =	vadd.f32 $1.000000000e+00, v13;
	(erf) = vrcp.f32 v12  }
0x135: {  	v9 =	vadd.f32 $1.000000000e+00, v9;
	v4 =	vld [tilespmem:s0+$0x5450];
	[tilespmem:s11+$0x5440] =	vst v3;
	v3 =	vpop (erf)  }
0x136: {  	(erf) = vrcp.f32 v51;
	v3 =	vmul.f32 v3, v7  }
0x137: {  	(erf) = vrcp.f32 v9  }
0x138: {  	v52 =	vld [tilespmem:s0+$0x5440]  }
0x139: {  	v53 =	vld [tilespmem:s0+$0x430];
	v9 =	vpop (erf)  }
0x13a: {  	v7 =	vld [tilespmem:s0+$0x400];
	[tilespmem:s11+$0x5470] =	vst v3;
	v3 =	vpop (erf)  }
0x13b: {  	v2 =	vmul.f32 v3, v2  }
0x13c: {  	v6 =	vmul.f32 v9, v6  }
0x13d: {  	v3 =	vpop (erf)  }
0x13e: {  	v9 =	vld [tilespmem:s0+$0x5470];
	[tilespmem:s11+$0x5460] =	vst v6;
	v3 =	vmul.f32 v3, v8  }
0x13f: {  	v6 =	vld [tilespmem:s0+$0x5460];
	[tilespmem:s11+$0x5420] =	vst v2;
	v2 =	vpop (erf)  }
0x140: {  	v8 =	vld [tilespmem:s0+$0x5420];
	[tilespmem:s11+$0x5430] =	vst v3;
	v3 =	vadd.f32 v11, v4;
	v2 =	vmul.f32 v2, v5;
	v4 =	vpop (erf)  }
0x141: {  	v1 =	vmul.f32 v4, v1  }
0x142: {  	v11 =	vadd.f32 v14, v52;
	v5 =	vld [tilespmem:s0+$0x5430];
	[tilespmem:s11+$0x5410] =	vst v2;
	v2 =	vsub.f32 $0.0e+00, v3  }
0x143: {  	v4 =	vld [tilespmem:s0+$0x5410];
	[tilespmem:s11+$0x5400] =	vst v1  }
0x144: {  	v12 =	vsub.f32 $0.0e+00, v11;
	v1 =	vmul.f32 $1.442695020e+00, v2;
	v2 =	vld [tilespmem:s0+$0x5400]  }
0x145: {  	v9 =	vadd.f32 v17, v9  }
0x146: {  	v6 =	vadd.f32 v15, v6;
	v12 =	vmul.f32 $1.442695020e+00, v12  }
0x147: {  	(erf) = vpow2.f32 v1;
	v1 =	vadd.f32 v10, v8;
	v8 =	vsub.f32 $0.0e+00, v9  }
0x148: {  	v5 =	vadd.f32 v53, v5;
	v10 =	vsub.f32 $0.0e+00, v6;
	(erf) = vpow2.f32 v12  }
0x149: {  	v54 =	vsub.f32 $0.0e+00, v1;
	v8 =	vmul.f32 $1.442695020e+00, v8;
	v2 =	vadd.f32 v7, v2  }
0x14a: {  	v4 =	vadd.f32 v50, v4;
	v10 =	vmul.f32 $1.442695020e+00, v10;
	v7 =	vsub.f32 $0.0e+00, v5  }
0x14b: {  	v12 =	vmul.f32 $1.442695020e+00, v54;
	(erf) = vpow2.f32 v8;
	v8 =	vsub.f32 $0.0e+00, v2  }
0x14c: {  	v55 =	vsub.f32 $0.0e+00, v4;
	v7 =	vmul.f32 $1.442695020e+00, v7;
	(erf) = vpow2.f32 v10  }
0x14d: {  	(erf) = vpow2.f32 v12;
	v8 =	vmul.f32 $1.442695020e+00, v8  }
0x14e: {  	v10 =	vmul.f32 $1.442695020e+00, v55;
	(erf) = vpow2.f32 v7;
	_ =	sdelay $0x1  }
0x14f: {  	(erf) = vpow2.f32 v10;
	v7 =	vpop (erf)  }
0x150: {  	(erf) = vpow2.f32 v8;
	v7 =	vadd.f32 $1.000000000e+00, v7;
	v8 =	vpop (erf)  }
0x151: {  	v8 =	vadd.f32 $1.000000000e+00, v8  }
0x152: {  	(erf) = vrcp.f32 v7  }
0x153: {  	v10 =	vpop (erf);
	(erf) = vrcp.f32 v8  }
0x154: {  	v7 =	vadd.f32 $1.000000000e+00, v10;
	v10 =	vpop (erf)  }
0x155: {  	v8 =	vadd.f32 $1.000000000e+00, v10;
	v10 =	vpop (erf)  }
0x156: {  	v10 =	vadd.f32 $1.000000000e+00, v10;
	v56 =	vpop (erf);
	(erf) = vrcp.f32 v7  }
0x157: {  	v7 =	vadd.f32 $1.000000000e+00, v56;
	(erf) = vrcp.f32 v8  }
0x158: {  	(erf) = vrcp.f32 v10  }
0x159: {  	v57 =	vpop (erf)  }
0x15a: {  	v8 =	vadd.f32 $1.000000000e+00, v57;
	v58 =	vpop (erf)  }
0x15b: {  	v10 =	vadd.f32 $1.000000000e+00, v58;
	(erf) = vrcp.f32 v7;
	v7 =	vpop (erf)  }
0x15c: {  	(erf) = vrcp.f32 v8;
	v3 =	vmul.f32 v7, v3;
	v7 =	vpop (erf)  }
0x15d: {  	(erf) = vrcp.f32 v10;
	v7 =	vmul.f32 v7, v11;
	_ =	sdelay $0x1  }
0x15e: {  	v8 =	vpop (erf)  }
0x15f: {  	[tilespmem:s0+$0x5450] =	vst v3;
	v3 =	vmul.f32 v8, v9;
	v8 =	vpop (erf)  }
0x160: {  	[tilespmem:s0+$0x5440] =	vst v7;
	v7 =	vpop (erf)  }
0x161: {  	v1 =	vmul.f32 v7, v1  }
0x162: {  	v6 =	vmul.f32 v8, v6  }
0x163: {  	[tilespmem:s0+$0x5470] =	vst v3;
	v3 =	vpop (erf)  }
0x164: {  	[tilespmem:s0+$0x5460] =	vst v6;
	v3 =	vmul.f32 v3, v5;
	v5 =	vpop (erf)  }
0x165: {  	[tilespmem:s0+$0x5420] =	vst v1;
	v4 =	vmul.f32 v5, v4;
	v1 =	vpop (erf)  }
0x166: {  	[tilespmem:s0+$0x5430] =	vst v3;
	v1 =	vmul.f32 v1, v2  }
0x167: {  	[tilespmem:s0+$0x5410] =	vst v4  }
0x168: {  	s13 =	simm.s32 $0x200;
	[tilespmem:s0+$0x5400] =	vst v1  }
0x169: {  	[spmem:s18] =	stream.indirect.scatter.add.f32 [tilespmem:s14], [sflag:$0xD], $0x80, s13, s26, $0xb8;
	[tilespmem:$0x1DC80] =	vst v63  }
0x16a: {  	_ =	swait.ge [sflag:s4], $0x1400  }
0x16b: {  	[sflag:s4] =	ssyncset.done $0x0  }
0x16c: {  	[sflag:s4] =	ssyncadd.s32 $0xFFFFEC00  }
0x16d: {  	_ =	swait.ge [sflag:s5], $0x1400  }
0x16e: {  	[sflag:s5] =	ssyncset.done $0x0  }
0x16f: {  	[sflag:s5] =	ssyncadd.s32 $0xFFFFEC00  }
0x170: {  	v1 =	vld [tilespmem:$0x180]  }
0x171: {  	v2 =	vld [tilespmem:$0x190]  }
0x172: {  	s7 =	sld [smem:$0x7F7];
	v3 =	vld [tilespmem:$0x198];
	_ =	sdelay $0x2  }
0x173: {  	s11 =	sadd.s32 s20, s7;
	[tilespmem:$0x280] =	vst v1  }
0x174: {  	s0 =	sshrl.u32 s11, $0x3;
	[tilespmem:$0x290] =	vst v2  }
0x175: {  	s7 =	sadd.s32 s22, s0;
	[tilespmem:$0x298] =	vst v3  }
0x176: {  	[tilespmem:s19], [sflag:$0x2] =	stream.linear.gather [hbm4b:s7+s1], $0x28, $0x38;
	[tilespmem:$0x1DC80] =	vst v63  }
0x177: {  	s0 =	sadd.s32 s23, s0  }
0x178: {  	[tilespmem:s24], [sflag:$0x4] =	stream.linear.gather [hbm4b:s0+s1], $0x28, $0x38;
	[tilespmem:$0x1DC80] =	vst v63  }
0x179: {  	_ =	swait.ge [sflag:s12], $0x28  }
0x17a: {  	[sflag:s12] =	ssyncset.done $0x0  }
0x17b: {  	[sflag:s12] =	ssyncadd.s32 $0xFFFFFFD8  }
0x17c: {  	_ =	swait.ge [sflag:s25], $0x28  }
0x17d: {  	s9 =	sshll.u32 s9, $0x4;
	[sflag:s25] =	ssyncset.done $0x0  }
0x17e: {  	s13 =	simm.s32 $0x2C00;
	s0 =	sadd.s32 s21, s9;
	[sflag:s25] =	ssyncadd.s32 $0xFFFFFFD8  }
0x17f: {  	[tilespmem:s13], [sflag:$0x7] =	stream.linear.gather [hbm4b:s0+s1], $0x1400, $0x38;
	[tilespmem:$0x1DC80] =	vst v63  }
0x180: {  	s0 =	simm.s32 @!p1 $0xF  }
0x181: {  	_ =	swait.ge @!p1 [sflag:s0], $0x1400  }
0x182: {  	[sflag:s0] =	ssyncset.done @!p1 $0x0  }
0x183: {  	s9 =	simm.s32 $0x0;
	s13 =	simm.s32 $0x7C00;
	[sflag:s0] =	ssyncadd.s32 @!p1 $0xFFFFEC00  }
0x184: {  	[tilespmem:s13], [sflag:$0xB] =	stream.indirect.gather [hbm4b:s16+s26], $0x80, s9, s26, $0xb8;
	[tilespmem:$0x1DC80] =	vst v63  }
0x185: {  	s9 =	simm.s32 $0x0  }
0x186: {  	v1 =	vld [tilespmem:s9+$0x1820]  }
0x187: {  	v2 =	vld [tilespmem:s9+$0x1840]  }
0x188: {  	v5 =	vld [tilespmem:s9+$0x1860]  }
0x189: {  	v6 =	vld [tilespmem:s9+$0x1870]  }
0x18a: {  	v3 =	vld [tilespmem:s9+$0x1850]  }
0x18b: {  	v4 =	vld [tilespmem:s9+$0x6850]  }
0x18c: {  	v7 =	vld [tilespmem:s9+$0x6840]  }
0x18d: {  	v8 =	vld [tilespmem:s9+$0x6870]  }
0x18e: {  	v9 =	vld [tilespmem:s9+$0x6860]  }
0x18f: {  	v10 =	vld [tilespmem:s9+$0x6820]  }
0x190: {  	v3 =	vadd.f32 v3, v4  }
0x191: {  	v4 =	vadd.f32 v2, v7  }
0x192: {  	v7 =	vadd.f32 v6, v8;
	v8 =	vld [tilespmem:s9+$0x1830];
	v2 =	vsub.f32 $0.0e+00, v3  }
0x193: {  	v6 =	vadd.f32 v5, v9;
	v5 =	vld [tilespmem:s9+$0x6830];
	v60 =	vsub.f32 $0.0e+00, v4  }
0x194: {  	v11 =	vld [tilespmem:s9+$0x1810];
	v9 =	vmul.f32 $1.442695020e+00, v2;
	v2 =	vadd.f32 v1, v10;
	v1 =	vsub.f32 $0.0e+00, v7  }
0x195: {  	v61 =	vsub.f32 $0.0e+00, v6;
	v10 =	vld [tilespmem:s9+$0x6810];
	v13 =	vmul.f32 $1.442695020e+00, v60  }
0x196: {  	v59 =	vld [tilespmem:s9+$0x1800];
	(erf) = vpow2.f32 v9;
	v9 =	vsub.f32 $0.0e+00, v2;
	v1 =	vmul.f32 $1.442695020e+00, v1  }
0x197: {  	v62 =	vld [tilespmem:s9+$0x6800];
	v63 =	vmul.f32 $1.442695020e+00, v61;
	(erf) = vpow2.f32 v13  }
0x198: {  	v8 =	vadd.f32 v8, v5;
	v9 =	vmul.f32 $1.442695020e+00, v9;
	(erf) = vpow2.f32 v1  }
0x199: {  	(erf) = vpow2.f32 v63  }
0x19a: {  	v5 =	vadd.f32 v11, v10;
	(erf) = vpow2.f32 v9;
	v9 =	vsub.f32 $0.0e+00, v8;
	_ =	sdelay $0x1  }
0x19b: {  	v1 =	vadd.f32 v59, v62;
	v10 =	vsub.f32 $0.0e+00, v5;
	v9 =	vmul.f32 $1.442695020e+00, v9;
	_ =	sdelay $0x1  }
0x19c: {  	v11 =	vsub.f32 $0.0e+00, v1;
	v10 =	vmul.f32 $1.442695020e+00, v10;
	_ =	sdelay $0x1  }
0x19d: {  	v11 =	vmul.f32 $1.442695020e+00, v11;
	(erf) = vpow2.f32 v9;
	v9 =	vpop (erf)  }
0x19e: {  	(erf) = vpow2.f32 v10;
	v9 =	vadd.f32 $1.000000000e+00, v9  }
0x19f: {  	v10 =	vpop (erf);
	(erf) = vpow2.f32 v11  }
0x1a0: {  	(erf) = vrcp.f32 v9  }
0x1a1: {  	v10 =	vadd.f32 $1.000000000e+00, v10  }
0x1a2: {  	v11 =	vpop (erf)  }
0x1a3: {  	(erf) = vrcp.f32 v10;
	v9 =	vpop (erf)  }
0x1a4: {  	s7 =	simm.s32 $0x400;
	s0 =	simm.s32 $0x200;
	v10 =	vadd.f32 $1.000000000e+00, v11;
	v9 =	vadd.f32 $1.000000000e+00, v9;
	v11 =	vpop (erf)  }
.LBB2_7:
0x1a5: {  	p2 =	sne.s32 s7, $0x4E00  }
0x1a6: {  	s13 =	sshra.s32 s0, $0x2;
	v11 =	vadd.f32 $1.000000000e+00, v11;
	v12 =	vpop (erf);
	(erf) = vrcp.f32 v10;
	s0 =	smov.u32 s7;
	s7 =	sadd.s32 $0x200, s7  }
0x1a7: {  	v10 =	vld [tilespmem:s13+$0x1820];
	v15 =	vadd.f32 $1.000000000e+00, v12;
	v13 =	vpop (erf);
	(erf) = vrcp.f32 v9  }
0x1a8: {  	v9 =	vld [tilespmem:s13+$0x1840];
	v13 =	vadd.f32 $1.000000000e+00, v13;
	v14 =	vpop (erf);
	(erf) = vrcp.f32 v11  }
0x1a9: {  	v11 =	vld [tilespmem:s13+$0x1860];
	v14 =	vadd.f32 $1.000000000e+00, v14;
	(erf) = vrcp.f32 v15;
	v12 =	vpop (erf)  }
0x1aa: {  	v15 =	vld [tilespmem:s13+$0x1870];
	v16 =	vmul.f32 v12, v3;
	(erf) = vrcp.f32 v13  }
0x1ab: {  	v12 =	vld [tilespmem:s13+$0x1850];
	(erf) = vrcp.f32 v14  }
0x1ac: {  	v13 =	vld [tilespmem:s13+$0x1810];
	[tilespmem:s9+$0x6850] =	vst v16;
	v3 =	vpop (erf)  }
0x1ad: {  	v14 =	vld [tilespmem:s13+$0x6850];
	v4 =	vmul.f32 v3, v4;
	_ =	sdelay $0x1  }
0x1ae: {  	[tilespmem:s9+$0x6840] =	vst v4;
	v3 =	vpop (erf)  }
0x1af: {  	v4 =	vld [tilespmem:s13+$0x6840];
	v19 =	vmul.f32 v3, v7;
	v3 =	vpop (erf)  }
0x1b0: {  	v16 =	vld [tilespmem:s13+$0x1800];
	v20 =	vmul.f32 v3, v6;
	v17 =	vpop (erf)  }
0x1b1: {  	v18 =	vld [tilespmem:s13+$0x1830];
	v3 =	vadd.f32 v12, v14;
	v17 =	vmul.f32 v17, v2;
	[tilespmem:s9+$0x6870] =	vst v19;
	v7 =	vpop (erf)  }
0x1b2: {  	v12 =	vld [tilespmem:s13+$0x6870];
	v7 =	vmul.f32 v7, v8;
	[tilespmem:s9+$0x6860] =	vst v20;
	v6 =	vpop (erf)  }
0x1b3: {  	v8 =	vsub.f32 $0.0e+00, v3;
	v14 =	vld [tilespmem:s13+$0x6860];
	v5 =	vmul.f32 v6, v5;
	[tilespmem:s9+$0x6820] =	vst v17;
	v2 =	vpop (erf)  }
0x1b4: {  	v17 =	vld [tilespmem:s13+$0x6820];
	v4 =	vadd.f32 v9, v4;
	v1 =	vmul.f32 v2, v1;
	[tilespmem:s9+$0x6830] =	vst v7  }
0x1b5: {  	v9 =	vld [tilespmem:s13+$0x6830];
	v2 =	vmul.f32 $1.442695020e+00, v8;
	[tilespmem:s9+$0x6810] =	vst v5  }
0x1b6: {  	v5 =	vld [tilespmem:s13+$0x6810];
	v6 =	vsub.f32 $0.0e+00, v4;
	[tilespmem:s9+$0x6800] =	vst v1;
	s9 =	smov.u32 s13  }
0x1b7: {  	v1 =	vld [tilespmem:s9+$0x6800];
	v7 =	vadd.f32 v15, v12;
	(erf) = vpow2.f32 v2  }
0x1b8: {  	v12 =	vmul.f32 $1.442695020e+00, v6;
	v6 =	vadd.f32 v11, v14  }
0x1b9: {  	v2 =	vadd.f32 v10, v17;
	v10 =	vsub.f32 $0.0e+00, v7  }
0x1ba: {  	v8 =	vadd.f32 v18, v9;
	v9 =	vsub.f32 $0.0e+00, v6;
	(erf) = vpow2.f32 v12  }
0x1bb: {  	v5 =	vadd.f32 v13, v5;
	v11 =	vsub.f32 $0.0e+00, v2;
	v10 =	vmul.f32 $1.442695020e+00, v10  }
0x1bc: {  	v1 =	vadd.f32 v16, v1;
	v12 =	vsub.f32 $0.0e+00, v8;
	v9 =	vmul.f32 $1.442695020e+00, v9  }
0x1bd: {  	v13 =	vsub.f32 $0.0e+00, v5;
	v14 =	vmul.f32 $1.442695020e+00, v11;
	(erf) = vpow2.f32 v10  }
0x1be: {  	v10 =	vsub.f32 $0.0e+00, v1;
	v12 =	vmul.f32 $1.442695020e+00, v12;
	(erf) = vpow2.f32 v9  }
0x1bf: {  	v9 =	vmul.f32 $1.442695020e+00, v13;
	(erf) = vpow2.f32 v14  }
0x1c0: {  	v10 =	vmul.f32 $1.442695020e+00, v10;
	(erf) = vpow2.f32 v12;
	v11 =	vpop (erf)  }
0x1c1: {  	v11 =	vadd.f32 $1.000000000e+00, v11;
	(erf) = vpow2.f32 v9  }
0x1c2: {  	(erf) = vpow2.f32 v10  }
0x1c3: {  	v9 =	vpop (erf);
	(erf) = vrcp.f32 v11  }
.Ltmp2:
0x1c4: {  	v10 =	vadd.f32 $1.000000000e+00, v9;
	(pc) =	sbr.rel @p2 .LBB2_7-.Ltmp2, $4  }
0x1c5: {  	_ = 	snop  }
0x1c6: {  	(erf) = vrcp.f32 v10;
	v9 =	vpop (erf)  }
0x1c7: {  	v10 =	vadd.f32 $1.000000000e+00, v9;
	v9 =	vpop (erf)  }
0x1c8: {  	v9 =	vadd.f32 $1.000000000e+00, v9;
	v11 =	vpop (erf)  }
0x1c9: {  	_ = 	snop  }
0x1ca: {  	s0 =	sshra.s32 s0, $0x2;
	v12 =	vpop (erf)  }
0x1cb: {  	(erf) = vrcp.f32 v10;
	v10 =	vld [tilespmem:s0+$0x1820];
	v13 =	vpop (erf)  }
0x1cc: {  	v14 =	vld [tilespmem:s0+$0x1840];
	(erf) = vrcp.f32 v9;
	v9 =	vpop (erf)  }
0x1cd: {  	v15 =	vld [tilespmem:s0+$0x1860];
	v16 =	vpop (erf)  }
0x1ce: {  	v11 =	vadd.f32 $1.000000000e+00, v11;
	v17 =	vld [tilespmem:s0+$0x1870];
	v3 =	vmul.f32 v16, v3  }
0x1cf: {  	v50 =	vld [tilespmem:s0+$0x1810];
	v18 =	vpop (erf)  }
0x1d0: {  	(erf) = vrcp.f32 v11;
	v11 =	vld [tilespmem:s0+$0x1850];
	[tilespmem:s9+$0x6850] =	vst v3;
	v3 =	vmul.f32 v18, v4  }
0x1d1: {  	v12 =	vadd.f32 $1.000000000e+00, v12;
	_ =	sdelay $0x1  }
0x1d2: {  	v51 =	vadd.f32 $1.000000000e+00, v13;
	(erf) = vrcp.f32 v12  }
0x1d3: {  	v9 =	vadd.f32 $1.000000000e+00, v9;
	v4 =	vld [tilespmem:s0+$0x6850];
	[tilespmem:s9+$0x6840] =	vst v3;
	v3 =	vpop (erf)  }
0x1d4: {  	(erf) = vrcp.f32 v51;
	v3 =	vmul.f32 v3, v7  }
0x1d5: {  	(erf) = vrcp.f32 v9  }
0x1d6: {  	v52 =	vld [tilespmem:s0+$0x6840]  }
0x1d7: {  	v53 =	vld [tilespmem:s0+$0x1830];
	v9 =	vpop (erf)  }
0x1d8: {  	v7 =	vld [tilespmem:s0+$0x1800];
	[tilespmem:s9+$0x6870] =	vst v3;
	v3 =	vpop (erf)  }
0x1d9: {  	v2 =	vmul.f32 v3, v2  }
0x1da: {  	v6 =	vmul.f32 v9, v6  }
0x1db: {  	v3 =	vpop (erf)  }
0x1dc: {  	v9 =	vld [tilespmem:s0+$0x6870];
	[tilespmem:s9+$0x6860] =	vst v6;
	v3 =	vmul.f32 v3, v8  }
0x1dd: {  	v6 =	vld [tilespmem:s0+$0x6860];
	[tilespmem:s9+$0x6820] =	vst v2;
	v2 =	vpop (erf)  }
0x1de: {  	v8 =	vld [tilespmem:s0+$0x6820];
	[tilespmem:s9+$0x6830] =	vst v3;
	v3 =	vadd.f32 v11, v4;
	v2 =	vmul.f32 v2, v5;
	v4 =	vpop (erf)  }
0x1df: {  	v1 =	vmul.f32 v4, v1  }
0x1e0: {  	v11 =	vadd.f32 v14, v52;
	v5 =	vld [tilespmem:s0+$0x6830];
	[tilespmem:s9+$0x6810] =	vst v2;
	v2 =	vsub.f32 $0.0e+00, v3  }
0x1e1: {  	v4 =	vld [tilespmem:s0+$0x6810];
	[tilespmem:s9+$0x6800] =	vst v1  }
0x1e2: {  	v12 =	vsub.f32 $0.0e+00, v11;
	v1 =	vmul.f32 $1.442695020e+00, v2;
	v2 =	vld [tilespmem:s0+$0x6800]  }
0x1e3: {  	v9 =	vadd.f32 v17, v9  }
0x1e4: {  	v6 =	vadd.f32 v15, v6;
	v12 =	vmul.f32 $1.442695020e+00, v12  }
0x1e5: {  	(erf) = vpow2.f32 v1;
	v1 =	vadd.f32 v10, v8;
	v8 =	vsub.f32 $0.0e+00, v9  }
0x1e6: {  	v5 =	vadd.f32 v53, v5;
	v10 =	vsub.f32 $0.0e+00, v6;
	(erf) = vpow2.f32 v12  }
0x1e7: {  	v54 =	vsub.f32 $0.0e+00, v1;
	v8 =	vmul.f32 $1.442695020e+00, v8;
	v2 =	vadd.f32 v7, v2  }
0x1e8: {  	v4 =	vadd.f32 v50, v4;
	v10 =	vmul.f32 $1.442695020e+00, v10;
	v7 =	vsub.f32 $0.0e+00, v5  }
0x1e9: {  	v12 =	vmul.f32 $1.442695020e+00, v54;
	(erf) = vpow2.f32 v8;
	v8 =	vsub.f32 $0.0e+00, v2  }
0x1ea: {  	v55 =	vsub.f32 $0.0e+00, v4;
	v7 =	vmul.f32 $1.442695020e+00, v7;
	(erf) = vpow2.f32 v10  }
0x1eb: {  	(erf) = vpow2.f32 v12;
	v8 =	vmul.f32 $1.442695020e+00, v8  }
0x1ec: {  	v10 =	vmul.f32 $1.442695020e+00, v55;
	(erf) = vpow2.f32 v7;
	_ =	sdelay $0x1  }
0x1ed: {  	(erf) = vpow2.f32 v10;
	v7 =	vpop (erf)  }
0x1ee: {  	(erf) = vpow2.f32 v8;
	v7 =	vadd.f32 $1.000000000e+00, v7;
	v8 =	vpop (erf)  }
0x1ef: {  	v8 =	vadd.f32 $1.000000000e+00, v8  }
0x1f0: {  	(erf) = vrcp.f32 v7  }
0x1f1: {  	v10 =	vpop (erf);
	(erf) = vrcp.f32 v8  }
0x1f2: {  	v7 =	vadd.f32 $1.000000000e+00, v10;
	v10 =	vpop (erf)  }
0x1f3: {  	v8 =	vadd.f32 $1.000000000e+00, v10;
	v10 =	vpop (erf)  }
0x1f4: {  	v10 =	vadd.f32 $1.000000000e+00, v10;
	v56 =	vpop (erf);
	(erf) = vrcp.f32 v7  }
0x1f5: {  	v7 =	vadd.f32 $1.000000000e+00, v56;
	(erf) = vrcp.f32 v8  }
0x1f6: {  	(erf) = vrcp.f32 v10  }
0x1f7: {  	v57 =	vpop (erf)  }
0x1f8: {  	v8 =	vadd.f32 $1.000000000e+00, v57;
	v58 =	vpop (erf)  }
0x1f9: {  	v10 =	vadd.f32 $1.000000000e+00, v58;
	(erf) = vrcp.f32 v7;
	v7 =	vpop (erf)  }
0x1fa: {  	(erf) = vrcp.f32 v8;
	v3 =	vmul.f32 v7, v3;
	v7 =	vpop (erf)  }
0x1fb: {  	(erf) = vrcp.f32 v10;
	v7 =	vmul.f32 v7, v11;
	_ =	sdelay $0x1  }
0x1fc: {  	v8 =	vpop (erf)  }
0x1fd: {  	[tilespmem:s0+$0x6850] =	vst v3;
	v3 =	vmul.f32 v8, v9;
	v8 =	vpop (erf)  }
0x1fe: {  	[tilespmem:s0+$0x6840] =	vst v7;
	v7 =	vpop (erf)  }
0x1ff: {  	v1 =	vmul.f32 v7, v1  }
0x200: {  	v6 =	vmul.f32 v8, v6  }
0x201: {  	[tilespmem:s0+$0x6870] =	vst v3;
	v3 =	vpop (erf)  }
0x202: {  	[tilespmem:s0+$0x6860] =	vst v6;
	v3 =	vmul.f32 v3, v5;
	v5 =	vpop (erf)  }
0x203: {  	[tilespmem:s0+$0x6820] =	vst v1;
	v4 =	vmul.f32 v5, v4;
	v1 =	vpop (erf)  }
0x204: {  	[tilespmem:s0+$0x6830] =	vst v3;
	v1 =	vmul.f32 v1, v2  }
0x205: {  	[tilespmem:s0+$0x6810] =	vst v4  }
0x206: {  	s7 =	simm.s32 $0x280;
	[tilespmem:s0+$0x6800] =	vst v1  }
0x207: {  	[spmem:s18] =	stream.indirect.scatter.add.f32 [tilespmem:s2], [sflag:$0xE], $0x80, s7, s26, $0xb8;
	[tilespmem:$0x1DC80] =	vst v63  }
0x208: {  	_ =	swait.ge [sflag:s6], $0x1400  }
0x209: {  	[sflag:s6] =	ssyncset.done $0x0  }
0x20a: {  	[sflag:s6] =	ssyncadd.s32 $0xFFFFEC00  }
0x20b: {  	_ =	swait.ge [sflag:s28], $0x1400  }
0x20c: {  	[sflag:s28] =	ssyncset.done $0x0  }
0x20d: {  	[sflag:s28] =	ssyncadd.s32 $0xFFFFEC00  }
0x20e: {  	v1 =	vld [tilespmem:$0x100]  }
0x20f: {  	v2 =	vld [tilespmem:$0x110]  }
0x210: {  	s9 =	sld [smem:$0x7F8];
	v3 =	vld [tilespmem:$0x118];
	_ =	sdelay $0x2  }
0x211: {  	s9 =	sadd.s32 s20, s9;
	[tilespmem:$0x300] =	vst v1  }
0x212: {  	s0 =	sshrl.u32 s9, $0x3;
	[tilespmem:$0x310] =	vst v2  }
0x213: {  	s7 =	sadd.s32 s22, s0;
	[tilespmem:$0x318] =	vst v3  }
0x214: {  	[tilespmem:s1], [sflag:$0x1] =	stream.linear.gather [hbm4b:s7+s1], $0x28, $0x38;
	[tilespmem:$0x1DC80] =	vst v63  }
0x215: {  	s13 =	simm.s32 $0x100;
	s0 =	sadd.s32 s23, s0  }
0x216: {  	[tilespmem:s13], [sflag:$0x3] =	stream.linear.gather [hbm4b:s0+s1], $0x28, $0x38;
	[tilespmem:$0x1DC80] =	vst v63  }
0x217: {  	_ =	swait.ge [sflag:s31], $0x28  }
0x218: {  	[sflag:s31] =	ssyncset.done $0x0  }
0x219: {  	[sflag:s31] =	ssyncadd.s32 $0xFFFFFFD8  }
0x21a: {  	_ =	swait.ge [sflag:s15], $0x28  }
0x21b: {  	s7 =	sshll.u32 s11, $0x4;
	[sflag:s15] =	ssyncset.done $0x0  }
0x21c: {  	s11 =	simm.s32 $0x4000;
	s0 =	sadd.s32 s21, s7;
	[sflag:s15] =	ssyncadd.s32 $0xFFFFFFD8  }
0x21d: {  	[tilespmem:s11], [sflag:$0x8] =	stream.linear.gather [hbm4b:s0+s1], $0x1400, $0x38;
	[tilespmem:$0x1DC80] =	vst v63  }
0x21e: {  	s0 =	simm.s32 @!p1 $0x10  }
0x21f: {  	_ =	swait.ge @!p1 [sflag:s0], $0x1400  }
0x220: {  	[sflag:s0] =	ssyncset.done @!p1 $0x0  }
0x221: {  	s13 =	simm.s32 $0x9000;
	s11 =	simm.s32 $0x0;
	[sflag:s0] =	ssyncadd.s32 @!p1 $0xFFFFEC00  }
0x222: {  	[tilespmem:s13], [sflag:$0xC] =	stream.indirect.gather [hbm4b:s16+s26], $0x80, s19, s26, $0xb8;
	[tilespmem:$0x1DC80] =	vst v63  }
0x223: {  	v1 =	vld [tilespmem:s11+$0x2C20]  }
0x224: {  	v2 =	vld [tilespmem:s11+$0x2C40]  }
0x225: {  	v5 =	vld [tilespmem:s11+$0x2C60]  }
0x226: {  	v6 =	vld [tilespmem:s11+$0x2C70]  }
0x227: {  	v3 =	vld [tilespmem:s11+$0x2C50]  }
0x228: {  	v4 =	vld [tilespmem:s11+$0x7C50]  }
0x229: {  	v7 =	vld [tilespmem:s11+$0x7C40]  }
0x22a: {  	v8 =	vld [tilespmem:s11+$0x7C70]  }
0x22b: {  	v9 =	vld [tilespmem:s11+$0x7C60]  }
0x22c: {  	v10 =	vld [tilespmem:s11+$0x7C20]  }
0x22d: {  	v3 =	vadd.f32 v3, v4  }
0x22e: {  	v4 =	vadd.f32 v2, v7  }
0x22f: {  	v7 =	vadd.f32 v6, v8;
	v8 =	vld [tilespmem:s11+$0x2C30];
	v2 =	vsub.f32 $0.0e+00, v3  }
0x230: {  	v6 =	vadd.f32 v5, v9;
	v5 =	vld [tilespmem:s11+$0x7C30];
	v60 =	vsub.f32 $0.0e+00, v4  }
0x231: {  	v11 =	vld [tilespmem:s11+$0x2C10];
	v9 =	vmul.f32 $1.442695020e+00, v2;
	v2 =	vadd.f32 v1, v10;
	v1 =	vsub.f32 $0.0e+00, v7  }
0x232: {  	v61 =	vsub.f32 $0.0e+00, v6;
	v10 =	vld [tilespmem:s11+$0x7C10];
	v13 =	vmul.f32 $1.442695020e+00, v60  }
0x233: {  	v59 =	vld [tilespmem:s11+$0x2C00];
	(erf) = vpow2.f32 v9;
	v9 =	vsub.f32 $0.0e+00, v2;
	v1 =	vmul.f32 $1.442695020e+00, v1  }
0x234: {  	v62 =	vld [tilespmem:s11+$0x7C00];
	v63 =	vmul.f32 $1.442695020e+00, v61;
	(erf) = vpow2.f32 v13  }
0x235: {  	v8 =	vadd.f32 v8, v5;
	v9 =	vmul.f32 $1.442695020e+00, v9;
	(erf) = vpow2.f32 v1  }
0x236: {  	(erf) = vpow2.f32 v63  }
0x237: {  	v5 =	vadd.f32 v11, v10;
	(erf) = vpow2.f32 v9;
	v9 =	vsub.f32 $0.0e+00, v8;
	_ =	sdelay $0x1  }
0x238: {  	v1 =	vadd.f32 v59, v62;
	v10 =	vsub.f32 $0.0e+00, v5;
	v9 =	vmul.f32 $1.442695020e+00, v9;
	_ =	sdelay $0x1  }
0x239: {  	v11 =	vsub.f32 $0.0e+00, v1;
	v10 =	vmul.f32 $1.442695020e+00, v10;
	_ =	sdelay $0x1  }
0x23a: {  	v11 =	vmul.f32 $1.442695020e+00, v11;
	(erf) = vpow2.f32 v9;
	v9 =	vpop (erf)  }
0x23b: {  	(erf) = vpow2.f32 v10;
	v9 =	vadd.f32 $1.000000000e+00, v9  }
0x23c: {  	v10 =	vpop (erf);
	(erf) = vpow2.f32 v11  }
0x23d: {  	(erf) = vrcp.f32 v9  }
0x23e: {  	v10 =	vadd.f32 $1.000000000e+00, v10  }
0x23f: {  	v11 =	vpop (erf)  }
0x240: {  	(erf) = vrcp.f32 v10;
	v9 =	vpop (erf)  }
0x241: {  	s7 =	simm.s32 $0x400;
	s0 =	simm.s32 $0x200;
	v10 =	vadd.f32 $1.000000000e+00, v11;
	v9 =	vadd.f32 $1.000000000e+00, v9;
	v11 =	vpop (erf)  }
.LBB2_9:
0x242: {  	p1 =	sne.s32 s7, $0x4E00  }
0x243: {  	s13 =	sshra.s32 s0, $0x2;
	v11 =	vadd.f32 $1.000000000e+00, v11;
	v12 =	vpop (erf);
	(erf) = vrcp.f32 v10;
	s0 =	smov.u32 s7;
	s7 =	sadd.s32 $0x200, s7  }
0x244: {  	v10 =	vld [tilespmem:s13+$0x2C20];
	v15 =	vadd.f32 $1.000000000e+00, v12;
	v13 =	vpop (erf);
	(erf) = vrcp.f32 v9  }
0x245: {  	v9 =	vld [tilespmem:s13+$0x2C40];
	v13 =	vadd.f32 $1.000000000e+00, v13;
	v14 =	vpop (erf);
	(erf) = vrcp.f32 v11  }
0x246: {  	v11 =	vld [tilespmem:s13+$0x2C60];
	v14 =	vadd.f32 $1.000000000e+00, v14;
	(erf) = vrcp.f32 v15;
	v12 =	vpop (erf)  }
0x247: {  	v15 =	vld [tilespmem:s13+$0x2C70];
	v16 =	vmul.f32 v12, v3;
	(erf) = vrcp.f32 v13  }
0x248: {  	v12 =	vld [tilespmem:s13+$0x2C50];
	(erf) = vrcp.f32 v14  }
0x249: {  	v13 =	vld [tilespmem:s13+$0x2C10];
	[tilespmem:s11+$0x7C50] =	vst v16;
	v3 =	vpop (erf)  }
0x24a: {  	v14 =	vld [tilespmem:s13+$0x7C50];
	v4 =	vmul.f32 v3, v4;
	_ =	sdelay $0x1  }
0x24b: {  	[tilespmem:s11+$0x7C40] =	vst v4;
	v3 =	vpop (erf)  }
0x24c: {  	v4 =	vld [tilespmem:s13+$0x7C40];
	v19 =	vmul.f32 v3, v7;
	v3 =	vpop (erf)  }
0x24d: {  	v16 =	vld [tilespmem:s13+$0x2C00];
	v20 =	vmul.f32 v3, v6;
	v17 =	vpop (erf)  }
0x24e: {  	v18 =	vld [tilespmem:s13+$0x2C30];
	v3 =	vadd.f32 v12, v14;
	v17 =	vmul.f32 v17, v2;
	[tilespmem:s11+$0x7C70] =	vst v19;
	v7 =	vpop (erf)  }
0x24f: {  	v12 =	vld [tilespmem:s13+$0x7C70];
	v7 =	vmul.f32 v7, v8;
	[tilespmem:s11+$0x7C60] =	vst v20;
	v6 =	vpop (erf)  }
0x250: {  	v8 =	vsub.f32 $0.0e+00, v3;
	v14 =	vld [tilespmem:s13+$0x7C60];
	v5 =	vmul.f32 v6, v5;
	[tilespmem:s11+$0x7C20] =	vst v17;
	v2 =	vpop (erf)  }
0x251: {  	v17 =	vld [tilespmem:s13+$0x7C20];
	v4 =	vadd.f32 v9, v4;
	v1 =	vmul.f32 v2, v1;
	[tilespmem:s11+$0x7C30] =	vst v7  }
0x252: {  	v9 =	vld [tilespmem:s13+$0x7C30];
	v2 =	vmul.f32 $1.442695020e+00, v8;
	[tilespmem:s11+$0x7C10] =	vst v5  }
0x253: {  	v5 =	vld [tilespmem:s13+$0x7C10];
	v6 =	vsub.f32 $0.0e+00, v4;
	[tilespmem:s11+$0x7C00] =	vst v1;
	s11 =	smov.u32 s13  }
0x254: {  	v1 =	vld [tilespmem:s11+$0x7C00];
	v7 =	vadd.f32 v15, v12;
	(erf) = vpow2.f32 v2  }
0x255: {  	v12 =	vmul.f32 $1.442695020e+00, v6;
	v6 =	vadd.f32 v11, v14  }
0x256: {  	v2 =	vadd.f32 v10, v17;
	v10 =	vsub.f32 $0.0e+00, v7  }
0x257: {  	v8 =	vadd.f32 v18, v9;
	v9 =	vsub.f32 $0.0e+00, v6;
	(erf) = vpow2.f32 v12  }
0x258: {  	v5 =	vadd.f32 v13, v5;
	v11 =	vsub.f32 $0.0e+00, v2;
	v10 =	vmul.f32 $1.442695020e+00, v10  }
0x259: {  	v1 =	vadd.f32 v16, v1;
	v12 =	vsub.f32 $0.0e+00, v8;
	v9 =	vmul.f32 $1.442695020e+00, v9  }
0x25a: {  	v13 =	vsub.f32 $0.0e+00, v5;
	v14 =	vmul.f32 $1.442695020e+00, v11;
	(erf) = vpow2.f32 v10  }
0x25b: {  	v10 =	vsub.f32 $0.0e+00, v1;
	v12 =	vmul.f32 $1.442695020e+00, v12;
	(erf) = vpow2.f32 v9  }
0x25c: {  	v9 =	vmul.f32 $1.442695020e+00, v13;
	(erf) = vpow2.f32 v14  }
0x25d: {  	v10 =	vmul.f32 $1.442695020e+00, v10;
	(erf) = vpow2.f32 v12;
	v11 =	vpop (erf)  }
0x25e: {  	v11 =	vadd.f32 $1.000000000e+00, v11;
	(erf) = vpow2.f32 v9  }
0x25f: {  	(erf) = vpow2.f32 v10  }
0x260: {  	v9 =	vpop (erf);
	(erf) = vrcp.f32 v11  }
.Ltmp3:
0x261: {  	v10 =	vadd.f32 $1.000000000e+00, v9;
	(pc) =	sbr.rel @p1 .LBB2_9-.Ltmp3, $4  }
0x262: {  	_ = 	snop  }
0x263: {  	(erf) = vrcp.f32 v10;
	v9 =	vpop (erf)  }
0x264: {  	v10 =	vadd.f32 $1.000000000e+00, v9;
	v9 =	vpop (erf)  }
0x265: {  	v9 =	vadd.f32 $1.000000000e+00, v9;
	v11 =	vpop (erf)  }
0x266: {  	_ = 	snop  }
0x267: {  	s0 =	sshra.s32 s0, $0x2;
	v12 =	vpop (erf)  }
0x268: {  	(erf) = vrcp.f32 v10;
	v10 =	vld [tilespmem:s0+$0x2C20];
	v13 =	vpop (erf)  }
0x269: {  	v14 =	vld [tilespmem:s0+$0x2C40];
	(erf) = vrcp.f32 v9;
	v9 =	vpop (erf)  }
0x26a: {  	v15 =	vld [tilespmem:s0+$0x2C60];
	v16 =	vpop (erf)  }
0x26b: {  	v11 =	vadd.f32 $1.000000000e+00, v11;
	v17 =	vld [tilespmem:s0+$0x2C70];
	v3 =	vmul.f32 v16, v3  }
0x26c: {  	v50 =	vld [tilespmem:s0+$0x2C10];
	v18 =	vpop (erf)  }
0x26d: {  	(erf) = vrcp.f32 v11;
	v11 =	vld [tilespmem:s0+$0x2C50];
	[tilespmem:s11+$0x7C50] =	vst v3;
	v3 =	vmul.f32 v18, v4  }
0x26e: {  	v12 =	vadd.f32 $1.000000000e+00, v12;
	_ =	sdelay $0x1  }
0x26f: {  	v51 =	vadd.f32 $1.000000000e+00, v13;
	(erf) = vrcp.f32 v12  }
0x270: {  	v9 =	vadd.f32 $1.000000000e+00, v9;
	v4 =	vld [tilespmem:s0+$0x7C50];
	[tilespmem:s11+$0x7C40] =	vst v3;
	v3 =	vpop (erf)  }
0x271: {  	(erf) = vrcp.f32 v51;
	v3 =	vmul.f32 v3, v7  }
0x272: {  	(erf) = vrcp.f32 v9  }
0x273: {  	v52 =	vld [tilespmem:s0+$0x7C40]  }
0x274: {  	v53 =	vld [tilespmem:s0+$0x2C30];
	v9 =	vpop (erf)  }
0x275: {  	v7 =	vld [tilespmem:s0+$0x2C00];
	[tilespmem:s11+$0x7C70] =	vst v3;
	v3 =	vpop (erf)  }
0x276: {  	v2 =	vmul.f32 v3, v2  }
0x277: {  	v6 =	vmul.f32 v9, v6  }
0x278: {  	v3 =	vpop (erf)  }
0x279: {  	v9 =	vld [tilespmem:s0+$0x7C70];
	[tilespmem:s11+$0x7C60] =	vst v6;
	v3 =	vmul.f32 v3, v8  }
0x27a: {  	v6 =	vld [tilespmem:s0+$0x7C60];
	[tilespmem:s11+$0x7C20] =	vst v2;
	v2 =	vpop (erf)  }
0x27b: {  	v8 =	vld [tilespmem:s0+$0x7C20];
	[tilespmem:s11+$0x7C30] =	vst v3;
	v3 =	vadd.f32 v11, v4;
	v2 =	vmul.f32 v2, v5;
	v4 =	vpop (erf)  }
0x27c: {  	v1 =	vmul.f32 v4, v1  }
0x27d: {  	v11 =	vadd.f32 v14, v52;
	v5 =	vld [tilespmem:s0+$0x7C30];
	[tilespmem:s11+$0x7C10] =	vst v2;
	v2 =	vsub.f32 $0.0e+00, v3  }
0x27e: {  	v4 =	vld [tilespmem:s0+$0x7C10];
	[tilespmem:s11+$0x7C00] =	vst v1  }
0x27f: {  	v12 =	vsub.f32 $0.0e+00, v11;
	v1 =	vmul.f32 $1.442695020e+00, v2;
	v2 =	vld [tilespmem:s0+$0x7C00]  }
0x280: {  	v9 =	vadd.f32 v17, v9  }
0x281: {  	v6 =	vadd.f32 v15, v6;
	v12 =	vmul.f32 $1.442695020e+00, v12  }
0x282: {  	(erf) = vpow2.f32 v1;
	v1 =	vadd.f32 v10, v8;
	v8 =	vsub.f32 $0.0e+00, v9  }
0x283: {  	v5 =	vadd.f32 v53, v5;
	v10 =	vsub.f32 $0.0e+00, v6;
	(erf) = vpow2.f32 v12  }
0x284: {  	v54 =	vsub.f32 $0.0e+00, v1;
	v8 =	vmul.f32 $1.442695020e+00, v8;
	v2 =	vadd.f32 v7, v2  }
0x285: {  	v4 =	vadd.f32 v50, v4;
	v10 =	vmul.f32 $1.442695020e+00, v10;
	v7 =	vsub.f32 $0.0e+00, v5  }
0x286: {  	v12 =	vmul.f32 $1.442695020e+00, v54;
	(erf) = vpow2.f32 v8;
	v8 =	vsub.f32 $0.0e+00, v2  }
0x287: {  	v55 =	vsub.f32 $0.0e+00, v4;
	v7 =	vmul.f32 $1.442695020e+00, v7;
	(erf) = vpow2.f32 v10  }
0x288: {  	(erf) = vpow2.f32 v12;
	v8 =	vmul.f32 $1.442695020e+00, v8  }
0x289: {  	v10 =	vmul.f32 $1.442695020e+00, v55;
	(erf) = vpow2.f32 v7;
	_ =	sdelay $0x1  }
0x28a: {  	(erf) = vpow2.f32 v10;
	v7 =	vpop (erf)  }
0x28b: {  	(erf) = vpow2.f32 v8;
	v7 =	vadd.f32 $1.000000000e+00, v7;
	v8 =	vpop (erf)  }
0x28c: {  	v8 =	vadd.f32 $1.000000000e+00, v8  }
0x28d: {  	(erf) = vrcp.f32 v7  }
0x28e: {  	v10 =	vpop (erf);
	(erf) = vrcp.f32 v8  }
0x28f: {  	v7 =	vadd.f32 $1.000000000e+00, v10;
	v10 =	vpop (erf)  }
0x290: {  	v8 =	vadd.f32 $1.000000000e+00, v10;
	v10 =	vpop (erf)  }
0x291: {  	v10 =	vadd.f32 $1.000000000e+00, v10;
	v56 =	vpop (erf);
	(erf) = vrcp.f32 v7  }
0x292: {  	v7 =	vadd.f32 $1.000000000e+00, v56;
	(erf) = vrcp.f32 v8  }
0x293: {  	(erf) = vrcp.f32 v10  }
0x294: {  	v57 =	vpop (erf)  }
0x295: {  	v8 =	vadd.f32 $1.000000000e+00, v57;
	v58 =	vpop (erf)  }
0x296: {  	v10 =	vadd.f32 $1.000000000e+00, v58;
	(erf) = vrcp.f32 v7;
	v7 =	vpop (erf)  }
0x297: {  	(erf) = vrcp.f32 v8;
	v3 =	vmul.f32 v7, v3;
	v7 =	vpop (erf)  }
0x298: {  	(erf) = vrcp.f32 v10;
	v7 =	vmul.f32 v7, v11;
	_ =	sdelay $0x1  }
0x299: {  	v8 =	vpop (erf)  }
0x29a: {  	[tilespmem:s0+$0x7C50] =	vst v3;
	v3 =	vmul.f32 v8, v9;
	v8 =	vpop (erf)  }
0x29b: {  	[tilespmem:s0+$0x7C40] =	vst v7;
	v7 =	vpop (erf)  }
0x29c: {  	v1 =	vmul.f32 v7, v1  }
0x29d: {  	v6 =	vmul.f32 v8, v6  }
0x29e: {  	[tilespmem:s0+$0x7C70] =	vst v3;
	v3 =	vpop (erf)  }
0x29f: {  	[tilespmem:s0+$0x7C60] =	vst v6;
	v3 =	vmul.f32 v3, v5;
	v5 =	vpop (erf)  }
0x2a0: {  	[tilespmem:s0+$0x7C20] =	vst v1;
	v4 =	vmul.f32 v5, v4;
	v1 =	vpop (erf)  }
0x2a1: {  	[tilespmem:s0+$0x7C30] =	vst v3;
	v1 =	vmul.f32 v1, v2  }
0x2a2: {  	[tilespmem:s0+$0x7C10] =	vst v4  }
0x2a3: {  	s7 =	simm.s32 $0x300;
	s11 =	simm.s32 $0x7C00;
	[tilespmem:s0+$0x7C00] =	vst v1  }
0x2a4: {  	[spmem:s18] =	stream.indirect.scatter.add.f32 [tilespmem:s11], [sflag:$0xF], $0x80, s7, s26, $0xb8;
	[tilespmem:$0x1DC80] =	vst v63  }
0x2a5: {  	_ =	swait.ge [sflag:s3], $0x1400  }
0x2a6: {  	[sflag:s3] =	ssyncset.done $0x0  }
0x2a7: {  	[sflag:s3] =	ssyncadd.s32 $0xFFFFEC00  }
0x2a8: {  	_ =	swait.ge [sflag:s8], $0x1400  }
0x2a9: {  	[sflag:s8] =	ssyncset.done $0x0  }
0x2aa: {  	[sflag:s8] =	ssyncadd.s32 $0xFFFFEC00  }
0x2ab: {  	v1 =	vld [tilespmem:$0x180]  }
0x2ac: {  	v2 =	vld [tilespmem:$0x190]  }
0x2ad: {  	s13 =	sld [smem:$0x7F9];
	v3 =	vld [tilespmem:$0x198];
	_ =	sdelay $0x2  }
0x2ae: {  	s0 =	sadd.s32 s20, s13;
	[tilespmem:$0x380] =	vst v1  }
0x2af: {  	s0 =	sshrl.u32 s0, $0x3;
	[tilespmem:$0x390] =	vst v2  }
0x2b0: {  	s11 =	simm.s32 $0x0;
	s20 =	sadd.s32 s22, s0;
	[tilespmem:$0x398] =	vst v3  }
0x2b1: {  	[tilespmem:s19], [sflag:$0x2] =	stream.linear.gather [hbm4b:s20+s11], $0x28, $0x38;
	[tilespmem:$0x1DC80] =	vst v63  }
0x2b2: {  	s0 =	sadd.s32 s23, s0  }
0x2b3: {  	[tilespmem:s24], [sflag:$0x4] =	stream.linear.gather [hbm4b:s0+s11], $0x28, $0x38;
	[tilespmem:$0x1DC80] =	vst v63  }
0x2b4: {  	_ =	swait.ge [sflag:s12], $0x28  }
0x2b5: {  	[sflag:s12] =	ssyncset.done $0x0  }
0x2b6: {  	[sflag:s12] =	ssyncadd.s32 $0xFFFFFFD8  }
0x2b7: {  	_ =	swait.ge [sflag:s25], $0x28  }
0x2b8: {  	s13 =	sshll.u32 s9, $0x4;
	[sflag:s25] =	ssyncset.done $0x0  }
0x2b9: {  	s20 =	simm.s32 $0x400;
	s0 =	sadd.s32 s21, s13;
	[sflag:s25] =	ssyncadd.s32 $0xFFFFFFD8  }
0x2ba: {  	[tilespmem:s20], [sflag:$0x5] =	stream.linear.gather [hbm4b:s0+s11], $0x1400, $0x38;
	[tilespmem:$0x1DC80] =	vst v63  }
0x2bb: {  	_ =	swait.ge [sflag:s10], $0x1400  }
0x2bc: {  	[sflag:s10] =	ssyncset.done $0x0  }
0x2bd: {  	s9 =	simm.s32 $0x0;
	[sflag:s10] =	ssyncadd.s32 $0xFFFFEC00  }
0x2be: {  	[tilespmem:s14], [sflag:$0x9] =	stream.indirect.gather [hbm4b:s16+s26], $0x80, s11, s26, $0xb8;
	[tilespmem:$0x1DC80] =	vst v63  }
0x2bf: {  	v1 =	vld [tilespmem:s9+$0x4020]  }
0x2c0: {  	v2 =	vld [tilespmem:s9+$0x4040]  }
0x2c1: {  	v5 =	vld [tilespmem:s9+$0x4060]  }
0x2c2: {  	v6 =	vld [tilespmem:s9+$0x4070]  }
0x2c3: {  	v3 =	vld [tilespmem:s9+$0x4050]  }
0x2c4: {  	v4 =	vld [tilespmem:s9+$0x9050]  }
0x2c5: {  	v7 =	vld [tilespmem:s9+$0x9040]  }
0x2c6: {  	v8 =	vld [tilespmem:s9+$0x9070]  }
0x2c7: {  	v9 =	vld [tilespmem:s9+$0x9060]  }
0x2c8: {  	v10 =	vld [tilespmem:s9+$0x9020]  }
0x2c9: {  	v3 =	vadd.f32 v3, v4  }
0x2ca: {  	v4 =	vadd.f32 v2, v7  }
0x2cb: {  	v7 =	vadd.f32 v6, v8;
	v8 =	vld [tilespmem:s9+$0x4030];
	v2 =	vsub.f32 $0.0e+00, v3  }
0x2cc: {  	v6 =	vadd.f32 v5, v9;
	v5 =	vld [tilespmem:s9+$0x9030];
	v60 =	vsub.f32 $0.0e+00, v4  }
0x2cd: {  	v11 =	vld [tilespmem:s9+$0x4010];
	v9 =	vmul.f32 $1.442695020e+00, v2;
	v2 =	vadd.f32 v1, v10;
	v1 =	vsub.f32 $0.0e+00, v7  }
0x2ce: {  	v61 =	vsub.f32 $0.0e+00, v6;
	v10 =	vld [tilespmem:s9+$0x9010];
	v13 =	vmul.f32 $1.442695020e+00, v60  }
0x2cf: {  	v59 =	vld [tilespmem:s9+$0x4000];
	(erf) = vpow2.f32 v9;
	v9 =	vsub.f32 $0.0e+00, v2;
	v1 =	vmul.f32 $1.442695020e+00, v1  }
0x2d0: {  	v62 =	vld [tilespmem:s9+$0x9000];
	v63 =	vmul.f32 $1.442695020e+00, v61;
	(erf) = vpow2.f32 v13  }
0x2d1: {  	v8 =	vadd.f32 v8, v5;
	v9 =	vmul.f32 $1.442695020e+00, v9;
	(erf) = vpow2.f32 v1  }
0x2d2: {  	(erf) = vpow2.f32 v63  }
0x2d3: {  	v5 =	vadd.f32 v11, v10;
	(erf) = vpow2.f32 v9;
	v9 =	vsub.f32 $0.0e+00, v8;
	_ =	sdelay $0x1  }
0x2d4: {  	v1 =	vadd.f32 v59, v62;
	v10 =	vsub.f32 $0.0e+00, v5;
	v9 =	vmul.f32 $1.442695020e+00, v9;
	_ =	sdelay $0x1  }
0x2d5: {  	v11 =	vsub.f32 $0.0e+00, v1;
	v10 =	vmul.f32 $1.442695020e+00, v10;
	_ =	sdelay $0x1  }
0x2d6: {  	v11 =	vmul.f32 $1.442695020e+00, v11;
	(erf) = vpow2.f32 v9;
	v9 =	vpop (erf)  }
0x2d7: {  	(erf) = vpow2.f32 v10;
	v9 =	vadd.f32 $1.000000000e+00, v9  }
0x2d8: {  	v10 =	vpop (erf);
	(erf) = vpow2.f32 v11  }
0x2d9: {  	(erf) = vrcp.f32 v9  }
0x2da: {  	v10 =	vadd.f32 $1.000000000e+00, v10  }
0x2db: {  	v11 =	vpop (erf)  }
0x2dc: {  	(erf) = vrcp.f32 v10;
	v9 =	vpop (erf)  }
0x2dd: {  	s7 =	simm.s32 $0x400;
	s0 =	simm.s32 $0x200;
	v10 =	vadd.f32 $1.000000000e+00, v11;
	v9 =	vadd.f32 $1.000000000e+00, v9;
	v11 =	vpop (erf)  }
.LBB2_11:
0x2de: {  	p1 =	sne.s32 s7, $0x4E00  }
0x2df: {  	s11 =	sshra.s32 s0, $0x2;
	v11 =	vadd.f32 $1.000000000e+00, v11;
	v12 =	vpop (erf);
	(erf) = vrcp.f32 v10;
	s0 =	smov.u32 s7;
	s7 =	sadd.s32 $0x200, s7  }
0x2e0: {  	v10 =	vld [tilespmem:s11+$0x4020];
	v15 =	vadd.f32 $1.000000000e+00, v12;
	v13 =	vpop (erf);
	(erf) = vrcp.f32 v9  }
0x2e1: {  	v9 =	vld [tilespmem:s11+$0x4040];
	v13 =	vadd.f32 $1.000000000e+00, v13;
	v14 =	vpop (erf);
	(erf) = vrcp.f32 v11  }
0x2e2: {  	v11 =	vld [tilespmem:s11+$0x4060];
	v14 =	vadd.f32 $1.000000000e+00, v14;
	(erf) = vrcp.f32 v15;
	v12 =	vpop (erf)  }
0x2e3: {  	v15 =	vld [tilespmem:s11+$0x4070];
	v16 =	vmul.f32 v12, v3;
	(erf) = vrcp.f32 v13  }
0x2e4: {  	v12 =	vld [tilespmem:s11+$0x4050];
	(erf) = vrcp.f32 v14  }
0x2e5: {  	v13 =	vld [tilespmem:s11+$0x4010];
	[tilespmem:s9+$0x9050] =	vst v16;
	v3 =	vpop (erf)  }
0x2e6: {  	v14 =	vld [tilespmem:s11+$0x9050];
	v4 =	vmul.f32 v3, v4;
	_ =	sdelay $0x1  }
0x2e7: {  	[tilespmem:s9+$0x9040] =	vst v4;
	v3 =	vpop (erf)  }
0x2e8: {  	v4 =	vld [tilespmem:s11+$0x9040];
	v19 =	vmul.f32 v3, v7;
	v3 =	vpop (erf)  }
0x2e9: {  	v16 =	vld [tilespmem:s11+$0x4000];
	v20 =	vmul.f32 v3, v6;
	v17 =	vpop (erf)  }
0x2ea: {  	v18 =	vld [tilespmem:s11+$0x4030];
	v3 =	vadd.f32 v12, v14;
	v17 =	vmul.f32 v17, v2;
	[tilespmem:s9+$0x9070] =	vst v19;
	v7 =	vpop (erf)  }
0x2eb: {  	v12 =	vld [tilespmem:s11+$0x9070];
	v7 =	vmul.f32 v7, v8;
	[tilespmem:s9+$0x9060] =	vst v20;
	v6 =	vpop (erf)  }
0x2ec: {  	v8 =	vsub.f32 $0.0e+00, v3;
	v14 =	vld [tilespmem:s11+$0x9060];
	v5 =	vmul.f32 v6, v5;
	[tilespmem:s9+$0x9020] =	vst v17;
	v2 =	vpop (erf)  }
0x2ed: {  	v17 =	vld [tilespmem:s11+$0x9020];
	v4 =	vadd.f32 v9, v4;
	v1 =	vmul.f32 v2, v1;
	[tilespmem:s9+$0x9030] =	vst v7  }
0x2ee: {  	v9 =	vld [tilespmem:s11+$0x9030];
	v2 =	vmul.f32 $1.442695020e+00, v8;
	[tilespmem:s9+$0x9010] =	vst v5  }
0x2ef: {  	v5 =	vld [tilespmem:s11+$0x9010];
	v6 =	vsub.f32 $0.0e+00, v4;
	[tilespmem:s9+$0x9000] =	vst v1;
	s9 =	smov.u32 s11  }
0x2f0: {  	v1 =	vld [tilespmem:s9+$0x9000];
	v7 =	vadd.f32 v15, v12;
	(erf) = vpow2.f32 v2  }
0x2f1: {  	v12 =	vmul.f32 $1.442695020e+00, v6;
	v6 =	vadd.f32 v11, v14  }
0x2f2: {  	v2 =	vadd.f32 v10, v17;
	v10 =	vsub.f32 $0.0e+00, v7  }
0x2f3: {  	v8 =	vadd.f32 v18, v9;
	v9 =	vsub.f32 $0.0e+00, v6;
	(erf) = vpow2.f32 v12  }
0x2f4: {  	v5 =	vadd.f32 v13, v5;
	v11 =	vsub.f32 $0.0e+00, v2;
	v10 =	vmul.f32 $1.442695020e+00, v10  }
0x2f5: {  	v1 =	vadd.f32 v16, v1;
	v12 =	vsub.f32 $0.0e+00, v8;
	v9 =	vmul.f32 $1.442695020e+00, v9  }
0x2f6: {  	v13 =	vsub.f32 $0.0e+00, v5;
	v14 =	vmul.f32 $1.442695020e+00, v11;
	(erf) = vpow2.f32 v10  }
0x2f7: {  	v10 =	vsub.f32 $0.0e+00, v1;
	v12 =	vmul.f32 $1.442695020e+00, v12;
	(erf) = vpow2.f32 v9  }
0x2f8: {  	v9 =	vmul.f32 $1.442695020e+00, v13;
	(erf) = vpow2.f32 v14  }
0x2f9: {  	v10 =	vmul.f32 $1.442695020e+00, v10;
	(erf) = vpow2.f32 v12;
	v11 =	vpop (erf)  }
0x2fa: {  	v11 =	vadd.f32 $1.000000000e+00, v11;
	(erf) = vpow2.f32 v9  }
0x2fb: {  	(erf) = vpow2.f32 v10  }
0x2fc: {  	v9 =	vpop (erf);
	(erf) = vrcp.f32 v11  }
.Ltmp4:
0x2fd: {  	v10 =	vadd.f32 $1.000000000e+00, v9;
	(pc) =	sbr.rel @p1 .LBB2_11-.Ltmp4, $4  }
0x2fe: {  	_ = 	snop  }
0x2ff: {  	(erf) = vrcp.f32 v10;
	v9 =	vpop (erf)  }
0x300: {  	v10 =	vadd.f32 $1.000000000e+00, v9;
	v9 =	vpop (erf)  }
0x301: {  	v9 =	vadd.f32 $1.000000000e+00, v9;
	v11 =	vpop (erf)  }
0x302: {  	_ = 	snop  }
0x303: {  	s0 =	sshra.s32 s0, $0x2;
	v12 =	vpop (erf)  }
0x304: {  	(erf) = vrcp.f32 v10;
	v22 =	vld [tilespmem:s0+$0x4020];
	v13 =	vpop (erf)  }
0x305: {  	v14 =	vld [tilespmem:s0+$0x4040];
	v23 =	vpop (erf)  }
0x306: {  	v15 =	vld [tilespmem:s0+$0x4060];
	v16 =	vpop (erf)  }
0x307: {  	v11 =	vadd.f32 $1.000000000e+00, v11;
	v17 =	vld [tilespmem:s0+$0x4070];
	v3 =	vmul.f32 v16, v3  }
0x308: {  	(erf) = vrcp.f32 v9;
	v24 =	vld [tilespmem:s0+$0x4050];
	v18 =	vpop (erf)  }
0x309: {  	v25 =	vld [tilespmem:s0+$0x4010];
	(erf) = vrcp.f32 v11;
	[tilespmem:s9+$0x9050] =	vst v3;
	v3 =	vmul.f32 v18, v4  }
0x30a: {  	v12 =	vadd.f32 $1.000000000e+00, v12;
	_ =	sdelay $0x1  }
0x30b: {  	v26 =	vadd.f32 $1.000000000e+00, v13;
	(erf) = vrcp.f32 v12  }
0x30c: {  	v27 =	vld [tilespmem:s0+$0x9050];
	[tilespmem:s9+$0x9040] =	vst v3;
	v3 =	vpop (erf)  }
0x30d: {  	v9 =	vadd.f32 $1.000000000e+00, v23;
	(erf) = vrcp.f32 v26;
	v3 =	vmul.f32 v3, v7;
	_ =	sdelay $0x1  }
0x30e: {  	v28 =	vld [tilespmem:s0+$0x9040];
	(erf) = vrcp.f32 v9  }
0x30f: {  	v29 =	vld [tilespmem:s0+$0x4000];
	v30 =	vpop (erf)  }
0x310: {  	v31 =	vld [tilespmem:s0+$0x4030];
	[tilespmem:s9+$0x9070] =	vst v3;
	v3 =	vpop (erf)  }
0x311: {  	v2 =	vmul.f32 v3, v2  }
0x312: {  	v6 =	vmul.f32 v30, v6  }
0x313: {  	v3 =	vpop (erf)  }
0x314: {  	v32 =	vld [tilespmem:s0+$0x9070];
	[tilespmem:s9+$0x9060] =	vst v6;
	v3 =	vmul.f32 v3, v8  }
0x315: {  	v6 =	vld [tilespmem:s0+$0x9060];
	[tilespmem:s9+$0x9020] =	vst v2;
	v2 =	vpop (erf)  }
0x316: {  	v33 =	vld [tilespmem:s0+$0x9020];
	[tilespmem:s9+$0x9030] =	vst v3;
	v3 =	vadd.f32 v24, v27;
	v2 =	vmul.f32 v2, v5  }
0x317: {  	v34 =	vpop (erf)  }
0x318: {  	v35 =	vld [tilespmem:s0+$0x9030];
	v1 =	vmul.f32 v34, v1;
	[tilespmem:s9+$0x9010] =	vst v2;
	v2 =	vsub.f32 $0.0e+00, v3  }
0x319: {  	v36 =	vadd.f32 v14, v28  }
0x31a: {  	v9 =	vadd.f32 v17, v32;
	v37 =	vld [tilespmem:s0+$0x9010];
	[tilespmem:s9+$0x9000] =	vst v1;
	v1 =	vmul.f32 $1.442695020e+00, v2  }
0x31b: {  	v12 =	vsub.f32 $0.0e+00, v36;
	v6 =	vadd.f32 v15, v6  }
0x31c: {  	v38 =	vsub.f32 $0.0e+00, v9;
	v2 =	vld [tilespmem:s0+$0x9000];
	(erf) = vpow2.f32 v1;
	v1 =	vadd.f32 v22, v33  }
0x31d: {  	v12 =	vmul.f32 $1.442695020e+00, v12;
	v39 =	vsub.f32 $0.0e+00, v6  }
0x31e: {  	v8 =	vmul.f32 $1.442695020e+00, v38;
	v40 =	vsub.f32 $0.0e+00, v1  }
0x31f: {  	v10 =	vmul.f32 $1.442695020e+00, v39;
	v5 =	vadd.f32 v31, v35;
	(erf) = vpow2.f32 v12  }
0x320: {  	v4 =	vadd.f32 v25, v37;
	(erf) = vpow2.f32 v8;
	v12 =	vmul.f32 $1.442695020e+00, v40  }
0x321: {  	v41 =	vsub.f32 $0.0e+00, v5;
	v2 =	vadd.f32 v29, v2;
	(erf) = vpow2.f32 v10  }
0x322: {  	v42 =	vsub.f32 $0.0e+00, v4;
	(erf) = vpow2.f32 v12  }
0x323: {  	v7 =	vmul.f32 $1.442695020e+00, v41;
	v43 =	vsub.f32 $0.0e+00, v2  }
0x324: {  	v44 =	vmul.f32 $1.442695020e+00, v42  }
0x325: {  	v8 =	vmul.f32 $1.442695020e+00, v43;
	(erf) = vpow2.f32 v7  }
0x326: {  	(erf) = vpow2.f32 v44  }
0x327: {  	(erf) = vpow2.f32 v8;
	v45 =	vpop (erf)  }
0x328: {  	v7 =	vadd.f32 $1.000000000e+00, v45;
	v46 =	vpop (erf)  }
0x329: {  	v8 =	vadd.f32 $1.000000000e+00, v46;
	v47 =	vpop (erf)  }
0x32a: {  	(erf) = vrcp.f32 v7;
	v48 =	vadd.f32 $1.000000000e+00, v47;
	v49 =	vpop (erf)  }
0x32b: {  	(erf) = vrcp.f32 v8;
	v50 =	vadd.f32 $1.000000000e+00, v49;
	v51 =	vpop (erf)  }
0x32c: {  	(erf) = vrcp.f32 v48;
	v10 =	vadd.f32 $1.000000000e+00, v51  }
0x32d: {  	(erf) = vrcp.f32 v50  }
0x32e: {  	v52 =	vpop (erf);
	(erf) = vrcp.f32 v10  }
0x32f: {  	v53 =	vadd.f32 $1.000000000e+00, v52;
	v54 =	vpop (erf)  }
0x330: {  	v55 =	vadd.f32 $1.000000000e+00, v54;
	v56 =	vpop (erf)  }
0x331: {  	v57 =	vadd.f32 $1.000000000e+00, v56;
	(erf) = vrcp.f32 v53  }
0x332: {  	(erf) = vrcp.f32 v55  }
0x333: {  	(erf) = vrcp.f32 v57;
	v58 =	vpop (erf)  }
0x334: {  	v3 =	vmul.f32 v58, v3;
	v59 =	vpop (erf)  }
0x335: {  	v60 =	vpop (erf)  }
0x336: {  	[tilespmem:s0+$0x9050] =	vst v3;
	v3 =	vmul.f32 v60, v9;
	v61 =	vpop (erf)  }
0x337: {  	v7 =	vmul.f32 v59, v36;
	v62 =	vpop (erf)  }
0x338: {  	v1 =	vmul.f32 v62, v1  }
0x339: {  	[tilespmem:s0+$0x9040] =	vst v7;
	v6 =	vmul.f32 v61, v6  }
0x33a: {  	s17 =	sadd.s32 $0x1, s17;
	[tilespmem:s0+$0x9070] =	vst v3;
	v3 =	vpop (erf)  }
0x33b: {  	p1 =	sne.s32 s17, $0x3E;
	[tilespmem:s0+$0x9060] =	vst v6;
	v3 =	vmul.f32 v3, v5;
	v63 =	vpop (erf)  }
.Ltmp5:
0x33c: {  	v4 =	vmul.f32 v63, v4;
	[tilespmem:s0+$0x9020] =	vst v1;
	v1 =	vpop (erf);
	(pc) =	sbr.rel @p1 .LBB2_4-.Ltmp5, $4  }
0x33d: {  	[tilespmem:s0+$0x9030] =	vst v3;
	v1 =	vmul.f32 v1, v2  }
0x33e: {  	[tilespmem:s0+$0x9010] =	vst v4  }
0x33f: {  	s20 =	simm.s32 $0x9000;
	s7 =	simm.s32 $0x380;
	[tilespmem:s0+$0x9000] =	vst v1  }
0x340: {  	[spmem:s18] =	stream.indirect.scatter.add.f32 [tilespmem:s20], [sflag:$0x10], $0x80, s7, s26, $0xb8;
	[tilespmem:$0x1DC80] =	vst v63  }
0x341: {  	_ =	swait.ge [sflag:s29], $0x1400  }
0x342: {  	[sflag:s29] =	ssyncset.done $0x0  }
0x343: {  	[sflag:s29] =	ssyncadd.s32 $0xFFFFEC00  }
0x344: {  	_ =	swait.ge [sflag:s30], $0x1400  }
0x345: {  	[sflag:s30] =	ssyncset.done $0x0  }
0x346: {  	[sflag:s30] =	ssyncadd.s32 $0xFFFFEC00  }
0x347: {  	v1 =	vld [tilespmem:$0x100]  }
0x348: {  	v2 =	vld [tilespmem:$0x110]  }
0x349: {  	v3 =	vld [tilespmem:$0x118];
	_ =	sdelay $0x2  }
0x34a: {  	[tilespmem:$0x200] =	vst v1  }
0x34b: {  	[tilespmem:$0x210] =	vst v2  }
0x34c: {  	[tilespmem:$0x218] =	vst v3  }
0x34d: {  	_ =	swait.ge [sflag:s31], $0x28  }
0x34e: {  	[sflag:s31] =	ssyncset.done $0x0  }
0x34f: {  	[sflag:s31] =	ssyncadd.s32 $0xFFFFFFD8  }
0x350: {  	_ =	swait.ge [sflag:s15], $0x28  }
0x351: {  	s7 =	sld [smem:$0x7FA]  }
0x352: {  	s0 =	simm.s32 $0x0;
	[sflag:s15] =	ssyncset.done $0x0  }
0x353: {  	s9 =	simm.s32 $0x1800;
	s20 =	simm.s32 $0xE;
	[sflag:s15] =	ssyncadd.s32 $0xFFFFFFD8  }
0x354: {  	[tilespmem:s9], [sflag:$0x6] =	stream.linear.gather [hbm4b:s7+s0], $0x1400, $0x38;
	[tilespmem:$0x1DC80] =	vst v63  }
0x355: {  	_ =	swait.ge [sflag:s20], $0x1400  }
0x356: {  	[sflag:s20] =	ssyncset.done $0x0  }
0x357: {  	s9 =	simm.s32 $0x0;
	[sflag:s20] =	ssyncadd.s32 $0xFFFFEC00  }
0x358: {  	[tilespmem:s2], [sflag:$0xA] =	stream.indirect.gather [hbm4b:s16+s26], $0x80, s19, s26, $0xb8;
	[tilespmem:$0x1DC80] =	vst v63  }
0x359: {  	v1 =	vld [tilespmem:s9+$0x420]  }
0x35a: {  	v2 =	vld [tilespmem:s9+$0x440]  }
0x35b: {  	v5 =	vld [tilespmem:s9+$0x460]  }
0x35c: {  	v6 =	vld [tilespmem:s9+$0x470]  }
0x35d: {  	v3 =	vld [tilespmem:s9+$0x450]  }
0x35e: {  	v4 =	vld [tilespmem:s9+$0x5450]  }
0x35f: {  	v7 =	vld [tilespmem:s9+$0x5440]  }
0x360: {  	v8 =	vld [tilespmem:s9+$0x5470]  }
0x361: {  	v9 =	vld [tilespmem:s9+$0x5460]  }
0x362: {  	v10 =	vld [tilespmem:s9+$0x5420]  }
0x363: {  	v3 =	vadd.f32 v3, v4  }
0x364: {  	v4 =	vadd.f32 v2, v7  }
0x365: {  	v7 =	vadd.f32 v6, v8;
	v8 =	vld [tilespmem:s9+$0x430];
	v2 =	vsub.f32 $0.0e+00, v3  }
0x366: {  	v6 =	vadd.f32 v5, v9;
	v5 =	vld [tilespmem:s9+$0x5430];
	v13 =	vsub.f32 $0.0e+00, v4  }
0x367: {  	v11 =	vld [tilespmem:s9+$0x410];
	v9 =	vmul.f32 $1.442695020e+00, v2;
	v2 =	vadd.f32 v1, v10;
	v1 =	vsub.f32 $0.0e+00, v7  }
0x368: {  	v12 =	vld [tilespmem:s9+$0x400];
	v14 =	vsub.f32 $0.0e+00, v6;
	v13 =	vmul.f32 $1.442695020e+00, v13  }
0x369: {  	v10 =	vld [tilespmem:s9+$0x5410];
	(erf) = vpow2.f32 v9;
	v9 =	vsub.f32 $0.0e+00, v2;
	v1 =	vmul.f32 $1.442695020e+00, v1  }
0x36a: {  	v15 =	vld [tilespmem:s9+$0x5400];
	v63 =	vmul.f32 $1.442695020e+00, v14;
	(erf) = vpow2.f32 v13  }
0x36b: {  	v8 =	vadd.f32 v8, v5;
	v9 =	vmul.f32 $1.442695020e+00, v9;
	(erf) = vpow2.f32 v1  }
0x36c: {  	(erf) = vpow2.f32 v63  }
0x36d: {  	(erf) = vpow2.f32 v9;
	v9 =	vsub.f32 $0.0e+00, v8  }
0x36e: {  	v5 =	vadd.f32 v11, v10  }
0x36f: {  	v1 =	vadd.f32 v12, v15;
	v9 =	vmul.f32 $1.442695020e+00, v9  }
0x370: {  	v10 =	vsub.f32 $0.0e+00, v5  }
0x371: {  	v11 =	vsub.f32 $0.0e+00, v1  }
0x372: {  	v10 =	vmul.f32 $1.442695020e+00, v10  }
0x373: {  	v11 =	vmul.f32 $1.442695020e+00, v11;
	(erf) = vpow2.f32 v9;
	v9 =	vpop (erf)  }
0x374: {  	(erf) = vpow2.f32 v10;
	v9 =	vadd.f32 $1.000000000e+00, v9  }
0x375: {  	(erf) = vpow2.f32 v11  }
0x376: {  	v10 =	vpop (erf);
	(erf) = vrcp.f32 v9  }
0x377: {  	v10 =	vadd.f32 $1.000000000e+00, v10  }
0x378: {  	v11 =	vpop (erf)  }
0x379: {  	(erf) = vrcp.f32 v10;
	v9 =	vpop (erf)  }
0x37a: {  	s0 =	simm.s32 $0x200;
	s7 =	simm.s32 $0x400;
	v10 =	vadd.f32 $1.000000000e+00, v11;
	v9 =	vadd.f32 $1.000000000e+00, v9;
	v11 =	vpop (erf)  }
.LBB2_14:
0x37b: {  	p1 =	sne.s32 s7, $0x4E00  }
0x37c: {  	s11 =	sshra.s32 s0, $0x2;
	v11 =	vadd.f32 $1.000000000e+00, v11;
	v12 =	vpop (erf);
	(erf) = vrcp.f32 v10;
	s0 =	smov.u32 s7;
	s7 =	sadd.s32 $0x200, s7  }
0x37d: {  	v10 =	vld [tilespmem:s11+$0x420];
	v15 =	vadd.f32 $1.000000000e+00, v12;
	v13 =	vpop (erf);
	(erf) = vrcp.f32 v9  }
0x37e: {  	v9 =	vld [tilespmem:s11+$0x440];
	v13 =	vadd.f32 $1.000000000e+00, v13;
	v14 =	vpop (erf);
	(erf) = vrcp.f32 v11  }
0x37f: {  	v11 =	vld [tilespmem:s11+$0x460];
	v14 =	vadd.f32 $1.000000000e+00, v14;
	(erf) = vrcp.f32 v15;
	v12 =	vpop (erf)  }
0x380: {  	v15 =	vld [tilespmem:s11+$0x470];
	v16 =	vmul.f32 v12, v3;
	(erf) = vrcp.f32 v13  }
0x381: {  	v12 =	vld [tilespmem:s11+$0x450];
	(erf) = vrcp.f32 v14  }
0x382: {  	v13 =	vld [tilespmem:s11+$0x410];
	[tilespmem:s9+$0x5450] =	vst v16;
	v3 =	vpop (erf)  }
0x383: {  	v14 =	vld [tilespmem:s11+$0x5450];
	v4 =	vmul.f32 v3, v4;
	_ =	sdelay $0x1  }
0x384: {  	[tilespmem:s9+$0x5440] =	vst v4;
	v3 =	vpop (erf)  }
0x385: {  	v4 =	vld [tilespmem:s11+$0x5440];
	v19 =	vmul.f32 v3, v7;
	v3 =	vpop (erf)  }
0x386: {  	v16 =	vld [tilespmem:s11+$0x400];
	v20 =	vmul.f32 v3, v6;
	v17 =	vpop (erf)  }
0x387: {  	v18 =	vld [tilespmem:s11+$0x430];
	v3 =	vadd.f32 v12, v14;
	v17 =	vmul.f32 v17, v2;
	[tilespmem:s9+$0x5470] =	vst v19;
	v7 =	vpop (erf)  }
0x388: {  	v12 =	vld [tilespmem:s11+$0x5470];
	v7 =	vmul.f32 v7, v8;
	[tilespmem:s9+$0x5460] =	vst v20;
	v6 =	vpop (erf)  }
0x389: {  	v8 =	vsub.f32 $0.0e+00, v3;
	v14 =	vld [tilespmem:s11+$0x5460];
	v5 =	vmul.f32 v6, v5;
	[tilespmem:s9+$0x5420] =	vst v17;
	v2 =	vpop (erf)  }
0x38a: {  	v17 =	vld [tilespmem:s11+$0x5420];
	v4 =	vadd.f32 v9, v4;
	v1 =	vmul.f32 v2, v1;
	[tilespmem:s9+$0x5430] =	vst v7  }
0x38b: {  	v9 =	vld [tilespmem:s11+$0x5430];
	v2 =	vmul.f32 $1.442695020e+00, v8;
	[tilespmem:s9+$0x5410] =	vst v5  }
0x38c: {  	v5 =	vld [tilespmem:s11+$0x5410];
	v6 =	vsub.f32 $0.0e+00, v4;
	[tilespmem:s9+$0x5400] =	vst v1;
	s9 =	smov.u32 s11  }
0x38d: {  	v1 =	vld [tilespmem:s9+$0x5400];
	v7 =	vadd.f32 v15, v12;
	(erf) = vpow2.f32 v2  }
0x38e: {  	v12 =	vmul.f32 $1.442695020e+00, v6;
	v6 =	vadd.f32 v11, v14  }
0x38f: {  	v2 =	vadd.f32 v10, v17;
	v10 =	vsub.f32 $0.0e+00, v7  }
0x390: {  	v8 =	vadd.f32 v18, v9;
	v9 =	vsub.f32 $0.0e+00, v6;
	(erf) = vpow2.f32 v12  }
0x391: {  	v5 =	vadd.f32 v13, v5;
	v11 =	vsub.f32 $0.0e+00, v2;
	v10 =	vmul.f32 $1.442695020e+00, v10  }
0x392: {  	v1 =	vadd.f32 v16, v1;
	v12 =	vsub.f32 $0.0e+00, v8;
	v9 =	vmul.f32 $1.442695020e+00, v9  }
0x393: {  	v13 =	vsub.f32 $0.0e+00, v5;
	v14 =	vmul.f32 $1.442695020e+00, v11;
	(erf) = vpow2.f32 v10  }
0x394: {  	v10 =	vsub.f32 $0.0e+00, v1;
	v12 =	vmul.f32 $1.442695020e+00, v12;
	(erf) = vpow2.f32 v9  }
0x395: {  	v9 =	vmul.f32 $1.442695020e+00, v13;
	(erf) = vpow2.f32 v14  }
0x396: {  	v10 =	vmul.f32 $1.442695020e+00, v10;
	(erf) = vpow2.f32 v12;
	v11 =	vpop (erf)  }
0x397: {  	v11 =	vadd.f32 $1.000000000e+00, v11;
	(erf) = vpow2.f32 v9  }
0x398: {  	(erf) = vpow2.f32 v10  }
0x399: {  	v9 =	vpop (erf);
	(erf) = vrcp.f32 v11  }
.Ltmp6:
0x39a: {  	v10 =	vadd.f32 $1.000000000e+00, v9;
	(pc) =	sbr.rel @p1 .LBB2_14-.Ltmp6, $4  }
0x39b: {  	_ = 	snop  }
0x39c: {  	(erf) = vrcp.f32 v10;
	v9 =	vpop (erf)  }
0x39d: {  	v10 =	vadd.f32 $1.000000000e+00, v9;
	v9 =	vpop (erf)  }
0x39e: {  	v9 =	vadd.f32 $1.000000000e+00, v9;
	v11 =	vpop (erf)  }
0x39f: {  	_ = 	snop  }
0x3a0: {  	s0 =	sshra.s32 s0, $0x2;
	v12 =	vpop (erf)  }
0x3a1: {  	(erf) = vrcp.f32 v10;
	v10 =	vld [tilespmem:s0+$0x420];
	v13 =	vpop (erf)  }
0x3a2: {  	v14 =	vld [tilespmem:s0+$0x440];
	(erf) = vrcp.f32 v9;
	v9 =	vpop (erf)  }
0x3a3: {  	v15 =	vld [tilespmem:s0+$0x460];
	v16 =	vpop (erf)  }
0x3a4: {  	v11 =	vadd.f32 $1.000000000e+00, v11;
	v17 =	vld [tilespmem:s0+$0x470];
	v3 =	vmul.f32 v16, v3  }
0x3a5: {  	v50 =	vld [tilespmem:s0+$0x410];
	v18 =	vpop (erf)  }
0x3a6: {  	(erf) = vrcp.f32 v11;
	v11 =	vld [tilespmem:s0+$0x450];
	[tilespmem:s9+$0x5450] =	vst v3;
	v3 =	vmul.f32 v18, v4  }
0x3a7: {  	v12 =	vadd.f32 $1.000000000e+00, v12;
	_ =	sdelay $0x1  }
0x3a8: {  	v51 =	vadd.f32 $1.000000000e+00, v13;
	(erf) = vrcp.f32 v12  }
0x3a9: {  	v9 =	vadd.f32 $1.000000000e+00, v9;
	v4 =	vld [tilespmem:s0+$0x5450];
	[tilespmem:s9+$0x5440] =	vst v3;
	v3 =	vpop (erf)  }
0x3aa: {  	(erf) = vrcp.f32 v51;
	v3 =	vmul.f32 v3, v7  }
0x3ab: {  	(erf) = vrcp.f32 v9  }
0x3ac: {  	v52 =	vld [tilespmem:s0+$0x5440]  }
0x3ad: {  	v53 =	vld [tilespmem:s0+$0x430];
	v9 =	vpop (erf)  }
0x3ae: {  	v7 =	vld [tilespmem:s0+$0x400];
	[tilespmem:s9+$0x5470] =	vst v3;
	v3 =	vpop (erf)  }
0x3af: {  	v2 =	vmul.f32 v3, v2  }
0x3b0: {  	v6 =	vmul.f32 v9, v6  }
0x3b1: {  	v3 =	vpop (erf)  }
0x3b2: {  	v9 =	vld [tilespmem:s0+$0x5470];
	[tilespmem:s9+$0x5460] =	vst v6;
	v3 =	vmul.f32 v3, v8  }
0x3b3: {  	v6 =	vld [tilespmem:s0+$0x5460];
	[tilespmem:s9+$0x5420] =	vst v2;
	v2 =	vpop (erf)  }
0x3b4: {  	v8 =	vld [tilespmem:s0+$0x5420];
	[tilespmem:s9+$0x5430] =	vst v3;
	v3 =	vadd.f32 v11, v4;
	v2 =	vmul.f32 v2, v5;
	v4 =	vpop (erf)  }
0x3b5: {  	v1 =	vmul.f32 v4, v1  }
0x3b6: {  	v11 =	vadd.f32 v14, v52;
	v5 =	vld [tilespmem:s0+$0x5430];
	[tilespmem:s9+$0x5410] =	vst v2;
	v2 =	vsub.f32 $0.0e+00, v3  }
0x3b7: {  	v4 =	vld [tilespmem:s0+$0x5410];
	[tilespmem:s9+$0x5400] =	vst v1  }
0x3b8: {  	v12 =	vsub.f32 $0.0e+00, v11;
	v1 =	vmul.f32 $1.442695020e+00, v2;
	v2 =	vld [tilespmem:s0+$0x5400]  }
0x3b9: {  	v9 =	vadd.f32 v17, v9  }
0x3ba: {  	v6 =	vadd.f32 v15, v6;
	v12 =	vmul.f32 $1.442695020e+00, v12  }
0x3bb: {  	(erf) = vpow2.f32 v1;
	v1 =	vadd.f32 v10, v8;
	v8 =	vsub.f32 $0.0e+00, v9  }
0x3bc: {  	v5 =	vadd.f32 v53, v5;
	v10 =	vsub.f32 $0.0e+00, v6;
	(erf) = vpow2.f32 v12  }
0x3bd: {  	v54 =	vsub.f32 $0.0e+00, v1;
	v8 =	vmul.f32 $1.442695020e+00, v8;
	v2 =	vadd.f32 v7, v2  }
0x3be: {  	v4 =	vadd.f32 v50, v4;
	v10 =	vmul.f32 $1.442695020e+00, v10;
	v7 =	vsub.f32 $0.0e+00, v5  }
0x3bf: {  	v12 =	vmul.f32 $1.442695020e+00, v54;
	(erf) = vpow2.f32 v8;
	v8 =	vsub.f32 $0.0e+00, v2  }
0x3c0: {  	v55 =	vsub.f32 $0.0e+00, v4;
	v7 =	vmul.f32 $1.442695020e+00, v7;
	(erf) = vpow2.f32 v10  }
0x3c1: {  	(erf) = vpow2.f32 v12;
	v8 =	vmul.f32 $1.442695020e+00, v8  }
0x3c2: {  	v10 =	vmul.f32 $1.442695020e+00, v55;
	(erf) = vpow2.f32 v7;
	_ =	sdelay $0x1  }
0x3c3: {  	(erf) = vpow2.f32 v10;
	v7 =	vpop (erf)  }
0x3c4: {  	(erf) = vpow2.f32 v8;
	v7 =	vadd.f32 $1.000000000e+00, v7;
	v8 =	vpop (erf)  }
0x3c5: {  	v8 =	vadd.f32 $1.000000000e+00, v8  }
0x3c6: {  	(erf) = vrcp.f32 v7  }
0x3c7: {  	v10 =	vpop (erf);
	(erf) = vrcp.f32 v8  }
0x3c8: {  	v7 =	vadd.f32 $1.000000000e+00, v10;
	v10 =	vpop (erf)  }
0x3c9: {  	v8 =	vadd.f32 $1.000000000e+00, v10;
	v10 =	vpop (erf)  }
0x3ca: {  	v10 =	vadd.f32 $1.000000000e+00, v10;
	v56 =	vpop (erf);
	(erf) = vrcp.f32 v7  }
0x3cb: {  	v7 =	vadd.f32 $1.000000000e+00, v56;
	(erf) = vrcp.f32 v8  }
0x3cc: {  	(erf) = vrcp.f32 v10  }
0x3cd: {  	v57 =	vpop (erf)  }
0x3ce: {  	v8 =	vadd.f32 $1.000000000e+00, v57;
	v58 =	vpop (erf)  }
0x3cf: {  	v10 =	vadd.f32 $1.000000000e+00, v58;
	(erf) = vrcp.f32 v7;
	v7 =	vpop (erf)  }
0x3d0: {  	(erf) = vrcp.f32 v8;
	v3 =	vmul.f32 v7, v3;
	v7 =	vpop (erf)  }
0x3d1: {  	(erf) = vrcp.f32 v10;
	v7 =	vmul.f32 v7, v11;
	_ =	sdelay $0x1  }
0x3d2: {  	v8 =	vpop (erf)  }
0x3d3: {  	[tilespmem:s0+$0x5450] =	vst v3;
	v3 =	vmul.f32 v8, v9;
	v8 =	vpop (erf)  }
0x3d4: {  	[tilespmem:s0+$0x5440] =	vst v7;
	v7 =	vpop (erf)  }
0x3d5: {  	v1 =	vmul.f32 v7, v1  }
0x3d6: {  	v6 =	vmul.f32 v8, v6  }
0x3d7: {  	[tilespmem:s0+$0x5470] =	vst v3;
	v3 =	vpop (erf)  }
0x3d8: {  	[tilespmem:s0+$0x5460] =	vst v6;
	v3 =	vmul.f32 v3, v5;
	v5 =	vpop (erf)  }
0x3d9: {  	[tilespmem:s0+$0x5420] =	vst v1;
	v4 =	vmul.f32 v5, v4;
	v1 =	vpop (erf)  }
0x3da: {  	[tilespmem:s0+$0x5430] =	vst v3;
	v1 =	vmul.f32 v1, v2  }
0x3db: {  	[tilespmem:s0+$0x5410] =	vst v4  }
0x3dc: {  	s20 =	simm.s32 $0x200;
	[tilespmem:s0+$0x5400] =	vst v1  }
0x3dd: {  	[spmem:s18] =	stream.indirect.scatter.add.f32 [tilespmem:s14], [sflag:$0xD], $0x80, s20, s26, $0xb8;
	[tilespmem:$0x1DC80] =	vst v63  }
0x3de: {  	_ =	swait.ge [sflag:s4], $0x1400  }
0x3df: {  	[sflag:s4] =	ssyncset.done $0x0  }
0x3e0: {  	[sflag:s4] =	ssyncadd.s32 $0xFFFFEC00  }
0x3e1: {  	_ =	swait.ge [sflag:s5], $0x1400  }
0x3e2: {  	[sflag:s5] =	ssyncset.done $0x0  }
0x3e3: {  	[sflag:s5] =	ssyncadd.s32 $0xFFFFEC00  }
0x3e4: {  	v1 =	vld [tilespmem:$0x180]  }
0x3e5: {  	v2 =	vld [tilespmem:$0x190]  }
0x3e6: {  	v3 =	vld [tilespmem:$0x198];
	_ =	sdelay $0x2  }
0x3e7: {  	[tilespmem:$0x280] =	vst v1  }
0x3e8: {  	[tilespmem:$0x290] =	vst v2  }
0x3e9: {  	s9 =	simm.s32 $0x0;
	[tilespmem:$0x298] =	vst v3  }
0x3ea: {  	v1 =	vld [tilespmem:s9+$0x1820]  }
0x3eb: {  	v2 =	vld [tilespmem:s9+$0x1840]  }
0x3ec: {  	v5 =	vld [tilespmem:s9+$0x1860]  }
0x3ed: {  	v6 =	vld [tilespmem:s9+$0x1870]  }
0x3ee: {  	v3 =	vld [tilespmem:s9+$0x1850]  }
0x3ef: {  	v4 =	vld [tilespmem:s9+$0x6850]  }
0x3f0: {  	v7 =	vld [tilespmem:s9+$0x6840]  }
0x3f1: {  	v8 =	vld [tilespmem:s9+$0x6870]  }
0x3f2: {  	v9 =	vld [tilespmem:s9+$0x6860]  }
0x3f3: {  	v10 =	vld [tilespmem:s9+$0x6820]  }
0x3f4: {  	v3 =	vadd.f32 v3, v4  }
0x3f5: {  	v4 =	vadd.f32 v2, v7  }
0x3f6: {  	v7 =	vadd.f32 v6, v8;
	v8 =	vld [tilespmem:s9+$0x1830];
	v2 =	vsub.f32 $0.0e+00, v3  }
0x3f7: {  	v6 =	vadd.f32 v5, v9;
	v5 =	vld [tilespmem:s9+$0x6830];
	v60 =	vsub.f32 $0.0e+00, v4  }
0x3f8: {  	v11 =	vld [tilespmem:s9+$0x1810];
	v9 =	vmul.f32 $1.442695020e+00, v2;
	v2 =	vadd.f32 v1, v10;
	v1 =	vsub.f32 $0.0e+00, v7  }
0x3f9: {  	v61 =	vsub.f32 $0.0e+00, v6;
	v10 =	vld [tilespmem:s9+$0x6810];
	v13 =	vmul.f32 $1.442695020e+00, v60  }
0x3fa: {  	v59 =	vld [tilespmem:s9+$0x1800];
	(erf) = vpow2.f32 v9;
	v9 =	vsub.f32 $0.0e+00, v2;
	v1 =	vmul.f32 $1.442695020e+00, v1  }
0x3fb: {  	v62 =	vld [tilespmem:s9+$0x6800];
	v63 =	vmul.f32 $1.442695020e+00, v61;
	(erf) = vpow2.f32 v13  }
0x3fc: {  	v8 =	vadd.f32 v8, v5;
	v9 =	vmul.f32 $1.442695020e+00, v9;
	(erf) = vpow2.f32 v1  }
0x3fd: {  	(erf) = vpow2.f32 v63  }
0x3fe: {  	v5 =	vadd.f32 v11, v10;
	(erf) = vpow2.f32 v9;
	v9 =	vsub.f32 $0.0e+00, v8;
	_ =	sdelay $0x1  }
0x3ff: {  	v1 =	vadd.f32 v59, v62;
	v10 =	vsub.f32 $0.0e+00, v5;
	v9 =	vmul.f32 $1.442695020e+00, v9;
	_ =	sdelay $0x1  }
0x400: {  	v11 =	vsub.f32 $0.0e+00, v1;
	v10 =	vmul.f32 $1.442695020e+00, v10;
	_ =	sdelay $0x1  }
0x401: {  	v11 =	vmul.f32 $1.442695020e+00, v11;
	(erf) = vpow2.f32 v9;
	v9 =	vpop (erf)  }
0x402: {  	(erf) = vpow2.f32 v10;
	v9 =	vadd.f32 $1.000000000e+00, v9  }
0x403: {  	v10 =	vpop (erf);
	(erf) = vpow2.f32 v11  }
0x404: {  	(erf) = vrcp.f32 v9  }
0x405: {  	v10 =	vadd.f32 $1.000000000e+00, v10  }
0x406: {  	s20 =	rddreg [dreg:$0x14];
	v11 =	vpop (erf)  }
0x407: {  	s13 =	rddreg [dreg:$0x1d];
	(erf) = vrcp.f32 v10;
	v9 =	vpop (erf)  }
0x408: {  	s7 =	simm.s32 $0x400;
	s0 =	simm.s32 $0x200;
	s17 =	sld [smem:$0x7FD];
	v10 =	vadd.f32 $1.000000000e+00, v11;
	v9 =	vadd.f32 $1.000000000e+00, v9;
	v11 =	vpop (erf)  }
.LBB2_16:
0x409: {  	p1 =	sne.s32 s7, $0x4E00  }
0x40a: {  	s11 =	sshra.s32 s0, $0x2;
	v11 =	vadd.f32 $1.000000000e+00, v11;
	v12 =	vpop (erf);
	(erf) = vrcp.f32 v10;
	s0 =	smov.u32 s7;
	s7 =	sadd.s32 $0x200, s7  }
0x40b: {  	v10 =	vld [tilespmem:s11+$0x1820];
	v15 =	vadd.f32 $1.000000000e+00, v12;
	v13 =	vpop (erf);
	(erf) = vrcp.f32 v9  }
0x40c: {  	v9 =	vld [tilespmem:s11+$0x1840];
	v13 =	vadd.f32 $1.000000000e+00, v13;
	v14 =	vpop (erf);
	(erf) = vrcp.f32 v11  }
0x40d: {  	v11 =	vld [tilespmem:s11+$0x1860];
	v14 =	vadd.f32 $1.000000000e+00, v14;
	(erf) = vrcp.f32 v15;
	v12 =	vpop (erf)  }
0x40e: {  	v15 =	vld [tilespmem:s11+$0x1870];
	v16 =	vmul.f32 v12, v3;
	(erf) = vrcp.f32 v13  }
0x40f: {  	v12 =	vld [tilespmem:s11+$0x1850];
	(erf) = vrcp.f32 v14  }
0x410: {  	v13 =	vld [tilespmem:s11+$0x1810];
	[tilespmem:s9+$0x6850] =	vst v16;
	v3 =	vpop (erf)  }
0x411: {  	v14 =	vld [tilespmem:s11+$0x6850];
	v4 =	vmul.f32 v3, v4;
	_ =	sdelay $0x1  }
0x412: {  	[tilespmem:s9+$0x6840] =	vst v4;
	v3 =	vpop (erf)  }
0x413: {  	v4 =	vld [tilespmem:s11+$0x6840];
	v19 =	vmul.f32 v3, v7;
	v3 =	vpop (erf)  }
0x414: {  	v16 =	vld [tilespmem:s11+$0x1800];
	v20 =	vmul.f32 v3, v6;
	v17 =	vpop (erf)  }
0x415: {  	v18 =	vld [tilespmem:s11+$0x1830];
	v3 =	vadd.f32 v12, v14;
	v17 =	vmul.f32 v17, v2;
	[tilespmem:s9+$0x6870] =	vst v19;
	v7 =	vpop (erf)  }
0x416: {  	v12 =	vld [tilespmem:s11+$0x6870];
	v7 =	vmul.f32 v7, v8;
	[tilespmem:s9+$0x6860] =	vst v20;
	v6 =	vpop (erf)  }
0x417: {  	v8 =	vsub.f32 $0.0e+00, v3;
	v14 =	vld [tilespmem:s11+$0x6860];
	v5 =	vmul.f32 v6, v5;
	[tilespmem:s9+$0x6820] =	vst v17;
	v2 =	vpop (erf)  }
0x418: {  	v17 =	vld [tilespmem:s11+$0x6820];
	v4 =	vadd.f32 v9, v4;
	v1 =	vmul.f32 v2, v1;
	[tilespmem:s9+$0x6830] =	vst v7  }
0x419: {  	v9 =	vld [tilespmem:s11+$0x6830];
	v2 =	vmul.f32 $1.442695020e+00, v8;
	[tilespmem:s9+$0x6810] =	vst v5  }
0x41a: {  	v5 =	vld [tilespmem:s11+$0x6810];
	v6 =	vsub.f32 $0.0e+00, v4;
	[tilespmem:s9+$0x6800] =	vst v1;
	s9 =	smov.u32 s11  }
0x41b: {  	v1 =	vld [tilespmem:s9+$0x6800];
	v7 =	vadd.f32 v15, v12;
	(erf) = vpow2.f32 v2  }
0x41c: {  	v12 =	vmul.f32 $1.442695020e+00, v6;
	v6 =	vadd.f32 v11, v14  }
0x41d: {  	v2 =	vadd.f32 v10, v17;
	v10 =	vsub.f32 $0.0e+00, v7  }
0x41e: {  	v8 =	vadd.f32 v18, v9;
	v9 =	vsub.f32 $0.0e+00, v6;
	(erf) = vpow2.f32 v12  }
0x41f: {  	v5 =	vadd.f32 v13, v5;
	v11 =	vsub.f32 $0.0e+00, v2;
	v10 =	vmul.f32 $1.442695020e+00, v10  }
0x420: {  	v1 =	vadd.f32 v16, v1;
	v12 =	vsub.f32 $0.0e+00, v8;
	v9 =	vmul.f32 $1.442695020e+00, v9  }
0x421: {  	v13 =	vsub.f32 $0.0e+00, v5;
	v14 =	vmul.f32 $1.442695020e+00, v11;
	(erf) = vpow2.f32 v10  }
0x422: {  	v10 =	vsub.f32 $0.0e+00, v1;
	v12 =	vmul.f32 $1.442695020e+00, v12;
	(erf) = vpow2.f32 v9  }
0x423: {  	v9 =	vmul.f32 $1.442695020e+00, v13;
	(erf) = vpow2.f32 v14  }
0x424: {  	v10 =	vmul.f32 $1.442695020e+00, v10;
	(erf) = vpow2.f32 v12;
	v11 =	vpop (erf)  }
0x425: {  	v11 =	vadd.f32 $1.000000000e+00, v11;
	(erf) = vpow2.f32 v9  }
0x426: {  	(erf) = vpow2.f32 v10  }
0x427: {  	v9 =	vpop (erf);
	(erf) = vrcp.f32 v11  }
.Ltmp7:
0x428: {  	v10 =	vadd.f32 $1.000000000e+00, v9;
	(pc) =	sbr.rel @p1 .LBB2_16-.Ltmp7, $4  }
0x429: {  	_ = 	snop  }
0x42a: {  	(erf) = vrcp.f32 v10;
	v9 =	vpop (erf)  }
0x42b: {  	v10 =	vadd.f32 $1.000000000e+00, v9;
	v9 =	vpop (erf)  }
0x42c: {  	v9 =	vadd.f32 $1.000000000e+00, v9;
	v11 =	vpop (erf)  }
0x42d: {  	_ = 	snop  }
0x42e: {  	s0 =	sshra.s32 s0, $0x2;
	v12 =	vpop (erf)  }
0x42f: {  	(erf) = vrcp.f32 v10;
	v22 =	vld [tilespmem:s0+$0x1820];
	v13 =	vpop (erf)  }
0x430: {  	v14 =	vld [tilespmem:s0+$0x1840];
	v23 =	vpop (erf)  }
0x431: {  	v15 =	vld [tilespmem:s0+$0x1860];
	v16 =	vpop (erf)  }
0x432: {  	v11 =	vadd.f32 $1.000000000e+00, v11;
	v17 =	vld [tilespmem:s0+$0x1870];
	v3 =	vmul.f32 v16, v3  }
0x433: {  	(erf) = vrcp.f32 v9;
	v24 =	vld [tilespmem:s0+$0x1850];
	v18 =	vpop (erf)  }
0x434: {  	v25 =	vld [tilespmem:s0+$0x1810];
	(erf) = vrcp.f32 v11;
	[tilespmem:s9+$0x6850] =	vst v3;
	v3 =	vmul.f32 v18, v4  }
0x435: {  	v12 =	vadd.f32 $1.000000000e+00, v12;
	_ =	sdelay $0x1  }
0x436: {  	v26 =	vadd.f32 $1.000000000e+00, v13;
	(erf) = vrcp.f32 v12  }
0x437: {  	v27 =	vld [tilespmem:s0+$0x6850];
	[tilespmem:s9+$0x6840] =	vst v3;
	v3 =	vpop (erf)  }
0x438: {  	v9 =	vadd.f32 $1.000000000e+00, v23;
	(erf) = vrcp.f32 v26;
	v3 =	vmul.f32 v3, v7;
	_ =	sdelay $0x1  }
0x439: {  	v28 =	vld [tilespmem:s0+$0x6840];
	(erf) = vrcp.f32 v9  }
0x43a: {  	v29 =	vld [tilespmem:s0+$0x1800];
	v30 =	vpop (erf)  }
0x43b: {  	v31 =	vld [tilespmem:s0+$0x1830];
	[tilespmem:s9+$0x6870] =	vst v3;
	v3 =	vpop (erf)  }
0x43c: {  	v2 =	vmul.f32 v3, v2  }
0x43d: {  	v6 =	vmul.f32 v30, v6  }
0x43e: {  	v3 =	vpop (erf)  }
0x43f: {  	v32 =	vld [tilespmem:s0+$0x6870];
	[tilespmem:s9+$0x6860] =	vst v6;
	v3 =	vmul.f32 v3, v8  }
0x440: {  	v6 =	vld [tilespmem:s0+$0x6860];
	[tilespmem:s9+$0x6820] =	vst v2;
	v2 =	vpop (erf)  }
0x441: {  	v33 =	vld [tilespmem:s0+$0x6820];
	[tilespmem:s9+$0x6830] =	vst v3;
	v3 =	vadd.f32 v24, v27;
	v2 =	vmul.f32 v2, v5  }
0x442: {  	v34 =	vpop (erf)  }
0x443: {  	v35 =	vld [tilespmem:s0+$0x6830];
	v1 =	vmul.f32 v34, v1;
	[tilespmem:s9+$0x6810] =	vst v2;
	v2 =	vsub.f32 $0.0e+00, v3  }
0x444: {  	v36 =	vadd.f32 v14, v28  }
0x445: {  	v9 =	vadd.f32 v17, v32;
	v37 =	vld [tilespmem:s0+$0x6810];
	[tilespmem:s9+$0x6800] =	vst v1;
	v1 =	vmul.f32 $1.442695020e+00, v2  }
0x446: {  	v12 =	vsub.f32 $0.0e+00, v36;
	v6 =	vadd.f32 v15, v6  }
0x447: {  	v38 =	vsub.f32 $0.0e+00, v9;
	v2 =	vld [tilespmem:s0+$0x6800];
	(erf) = vpow2.f32 v1;
	v1 =	vadd.f32 v22, v33  }
0x448: {  	v12 =	vmul.f32 $1.442695020e+00, v12;
	v39 =	vsub.f32 $0.0e+00, v6  }
0x449: {  	v8 =	vmul.f32 $1.442695020e+00, v38;
	v40 =	vsub.f32 $0.0e+00, v1  }
0x44a: {  	v10 =	vmul.f32 $1.442695020e+00, v39;
	v5 =	vadd.f32 v31, v35;
	(erf) = vpow2.f32 v12  }
0x44b: {  	v4 =	vadd.f32 v25, v37;
	(erf) = vpow2.f32 v8;
	v12 =	vmul.f32 $1.442695020e+00, v40  }
0x44c: {  	v41 =	vsub.f32 $0.0e+00, v5;
	v2 =	vadd.f32 v29, v2;
	(erf) = vpow2.f32 v10  }
0x44d: {  	v42 =	vsub.f32 $0.0e+00, v4;
	(erf) = vpow2.f32 v12  }
0x44e: {  	v7 =	vmul.f32 $1.442695020e+00, v41;
	v43 =	vsub.f32 $0.0e+00, v2  }
0x44f: {  	v44 =	vmul.f32 $1.442695020e+00, v42  }
0x450: {  	v8 =	vmul.f32 $1.442695020e+00, v43;
	(erf) = vpow2.f32 v7  }
0x451: {  	(erf) = vpow2.f32 v44  }
0x452: {  	(erf) = vpow2.f32 v8;
	v45 =	vpop (erf)  }
0x453: {  	v7 =	vadd.f32 $1.000000000e+00, v45;
	v46 =	vpop (erf)  }
0x454: {  	v8 =	vadd.f32 $1.000000000e+00, v46;
	v47 =	vpop (erf)  }
0x455: {  	(erf) = vrcp.f32 v7;
	v48 =	vadd.f32 $1.000000000e+00, v47;
	v49 =	vpop (erf)  }
0x456: {  	(erf) = vrcp.f32 v8;
	v50 =	vadd.f32 $1.000000000e+00, v49;
	v51 =	vpop (erf)  }
0x457: {  	(erf) = vrcp.f32 v48;
	v10 =	vadd.f32 $1.000000000e+00, v51  }
0x458: {  	(erf) = vrcp.f32 v50  }
0x459: {  	v52 =	vpop (erf);
	(erf) = vrcp.f32 v10  }
0x45a: {  	v53 =	vadd.f32 $1.000000000e+00, v52;
	v54 =	vpop (erf)  }
0x45b: {  	v55 =	vadd.f32 $1.000000000e+00, v54;
	v56 =	vpop (erf)  }
0x45c: {  	v57 =	vadd.f32 $1.000000000e+00, v56;
	(erf) = vrcp.f32 v53  }
0x45d: {  	(erf) = vrcp.f32 v55  }
0x45e: {  	(erf) = vrcp.f32 v57;
	v58 =	vpop (erf)  }
0x45f: {  	v3 =	vmul.f32 v58, v3;
	v59 =	vpop (erf)  }
0x460: {  	v60 =	vpop (erf)  }
0x461: {  	[tilespmem:s0+$0x6850] =	vst v3;
	v3 =	vmul.f32 v60, v9;
	v61 =	vpop (erf)  }
0x462: {  	v7 =	vmul.f32 v59, v36;
	v62 =	vpop (erf)  }
0x463: {  	v1 =	vmul.f32 v62, v1  }
0x464: {  	[tilespmem:s0+$0x6840] =	vst v7;
	v6 =	vmul.f32 v61, v6  }
0x465: {  	[tilespmem:s0+$0x6870] =	vst v3;
	v3 =	vpop (erf)  }
0x466: {  	[tilespmem:s0+$0x6860] =	vst v6;
	v3 =	vmul.f32 v3, v5;
	v63 =	vpop (erf)  }
0x467: {  	v4 =	vmul.f32 v63, v4;
	[tilespmem:s0+$0x6820] =	vst v1;
	v1 =	vpop (erf)  }
0x468: {  	[tilespmem:s0+$0x6830] =	vst v3;
	v1 =	vmul.f32 v1, v2  }
0x469: {  	[tilespmem:s0+$0x6810] =	vst v4  }
0x46a: {  	s7 =	simm.s32 $0x280;
	s9 =	simm.s32 $0xF;
	[tilespmem:s0+$0x6800] =	vst v1  }
0x46b: {  	[spmem:s18] =	stream.indirect.scatter.add.f32 [tilespmem:s2], [sflag:$0xE], $0x80, s7, s26, $0xb8;
	[tilespmem:$0x1DC80] =	vst v63  }
0x46c: {  	_ =	swait.ge [sflag:s9], $0x1400  }
0x46d: {  	[sflag:s9] =	ssyncset.done $0x0  }
0x46e: {  	s11 =	simm.s32 $0x10;
	[sflag:s9] =	ssyncadd.s32 $0xFFFFEC00  }
0x46f: {  	_ =	swait.ge [sflag:s11], $0x1400  }
0x470: {  	[sflag:s11] =	ssyncset.done $0x0  }
0x471: {  	[sflag:s11] =	ssyncadd.s32 $0xFFFFEC00  }
0x472: {  	_ =	swait.ge [sflag:s10], $0x1400  }
0x473: {  	[sflag:s10] =	ssyncset.done $0x0  }
0x474: {  	s7 =	simm.s32 $0xE;
	[sflag:s10] =	ssyncadd.s32 $0xFFFFEC00  }
0x475: {  	_ =	swait.ge [sflag:s7], $0x1400  }
0x476: {  	[sflag:s7] =	ssyncset.done $0x0  }
0x477: {  	[sflag:s7] =	ssyncadd.s32 $0xFFFFEC00  }
0x478: {  	[bflag:$0x0] =	sbarrier.arrive $0xFFFF  }
0x479: {  	[tilespmem:s14], [sflag:$0x1] =	stream.linear.gather [spmem:s20], $0x1400, $0x38;
	[tilespmem:$0x1DC80] =	vst v63  }
0x47a: {  	s9 =	rddreg [dreg:$0x15]  }
0x47b: {  	[tilespmem:s2], [sflag:$0x2] =	stream.linear.gather [spmem:s9], $0x1400, $0x38;
	[tilespmem:$0x1DC80] =	vst v63  }
0x47c: {  	_ =	swait.ge [sflag:s12], $0x1400  }
0x47d: {  	[sflag:s12] =	ssyncset.done $0x0  }
0x47e: {  	s11 =	rddreg [dreg:$0x4];
	[sflag:s12] =	ssyncadd.s32 $0xFFFFEC00  }
0x47f: {  	[hbm4b:s11+s1] =	stream.linear.scatter [tilespmem:s14], [sflag:$0x3], $0x1400, $0x38;
	[tilespmem:$0x1DC80] =	vst v63  }
0x480: {  	_ =	swait.ge [sflag:s25], $0x1400  }
0x481: {  	[sflag:s25] =	ssyncset.done $0x0  }
0x482: {  	s7 =	rddreg [dreg:$0x16];
	[sflag:s25] =	ssyncadd.s32 $0xFFFFEC00  }
0x483: {  	[tilespmem:s14], [sflag:$0x1] =	stream.linear.gather [spmem:s7], $0x1400, $0x38;
	[tilespmem:$0x1DC80] =	vst v63  }
0x484: {  	_ =	swait.ge [sflag:s31], $0x1400  }
0x485: {  	[sflag:s31] =	ssyncset.done $0x0  }
0x486: {  	s9 =	rddreg [dreg:$0x5];
	[sflag:s31] =	ssyncadd.s32 $0xFFFFEC00  }
0x487: {  	[hbm4b:s9+s1] =	stream.linear.scatter [tilespmem:s2], [sflag:$0x4], $0x1400, $0x38;
	[tilespmem:$0x1DC80] =	vst v63  }
0x488: {  	_ =	swait.ge [sflag:s15], $0x1400  }
0x489: {  	[sflag:s15] =	ssyncset.done $0x0  }
0x48a: {  	s11 =	rddreg [dreg:$0x17];
	[sflag:s15] =	ssyncadd.s32 $0xFFFFEC00  }
0x48b: {  	[tilespmem:s2], [sflag:$0x2] =	stream.linear.gather [spmem:s11], $0x1400, $0x38;
	[tilespmem:$0x1DC80] =	vst v63  }
0x48c: {  	_ =	swait.ge [sflag:s12], $0x1400  }
0x48d: {  	[sflag:s12] =	ssyncset.done $0x0  }
0x48e: {  	s7 =	rddreg [dreg:$0x6];
	[sflag:s12] =	ssyncadd.s32 $0xFFFFEC00  }
0x48f: {  	[hbm4b:s7+s1] =	stream.linear.scatter [tilespmem:s14], [sflag:$0x3], $0x1400, $0x38;
	[tilespmem:$0x1DC80] =	vst v63  }
0x490: {  	_ =	swait.ge [sflag:s25], $0x1400  }
0x491: {  	[sflag:s25] =	ssyncset.done $0x0  }
0x492: {  	s9 =	rddreg [dreg:$0x18];
	[sflag:s25] =	ssyncadd.s32 $0xFFFFEC00  }
0x493: {  	[tilespmem:s14], [sflag:$0x1] =	stream.linear.gather [spmem:s9], $0x1400, $0x38;
	[tilespmem:$0x1DC80] =	vst v63  }
0x494: {  	_ =	swait.ge [sflag:s31], $0x1400  }
0x495: {  	[sflag:s31] =	ssyncset.done $0x0  }
0x496: {  	s11 =	rddreg [dreg:$0x7];
	[sflag:s31] =	ssyncadd.s32 $0xFFFFEC00  }
0x497: {  	[hbm4b:s11+s1] =	stream.linear.scatter [tilespmem:s2], [sflag:$0x4], $0x1400, $0x38;
	[tilespmem:$0x1DC80] =	vst v63  }
0x498: {  	_ =	swait.ge [sflag:s15], $0x1400  }
0x499: {  	[sflag:s15] =	ssyncset.done $0x0  }
0x49a: {  	s7 =	rddreg [dreg:$0x19];
	[sflag:s15] =	ssyncadd.s32 $0xFFFFEC00  }
0x49b: {  	[tilespmem:s2], [sflag:$0x2] =	stream.linear.gather [spmem:s7], $0x1400, $0x38;
	[tilespmem:$0x1DC80] =	vst v63  }
0x49c: {  	_ =	swait.ge [sflag:s12], $0x1400  }
0x49d: {  	[sflag:s12] =	ssyncset.done $0x0  }
0x49e: {  	s9 =	rddreg [dreg:$0x8];
	[sflag:s12] =	ssyncadd.s32 $0xFFFFEC00  }
0x49f: {  	[hbm4b:s9+s1] =	stream.linear.scatter [tilespmem:s14], [sflag:$0x3], $0x1400, $0x38;
	[tilespmem:$0x1DC80] =	vst v63  }
0x4a0: {  	_ =	swait.ge [sflag:s25], $0x1400  }
0x4a1: {  	[sflag:s25] =	ssyncset.done $0x0  }
0x4a2: {  	s11 =	rddreg [dreg:$0x1a];
	[sflag:s25] =	ssyncadd.s32 $0xFFFFEC00  }
0x4a3: {  	[tilespmem:s14], [sflag:$0x1] =	stream.linear.gather [spmem:s11], $0x1400, $0x38;
	[tilespmem:$0x1DC80] =	vst v63  }
0x4a4: {  	_ =	swait.ge [sflag:s31], $0x1400  }
0x4a5: {  	[sflag:s31] =	ssyncset.done $0x0  }
0x4a6: {  	s7 =	rddreg [dreg:$0x9];
	[sflag:s31] =	ssyncadd.s32 $0xFFFFEC00  }
0x4a7: {  	[hbm4b:s7+s1] =	stream.linear.scatter [tilespmem:s2], [sflag:$0x4], $0x1400, $0x38;
	[tilespmem:$0x1DC80] =	vst v63  }
0x4a8: {  	_ =	swait.ge [sflag:s15], $0x1400  }
0x4a9: {  	[sflag:s15] =	ssyncset.done $0x0  }
0x4aa: {  	s9 =	rddreg [dreg:$0x1b];
	[sflag:s15] =	ssyncadd.s32 $0xFFFFEC00  }
0x4ab: {  	[tilespmem:s2], [sflag:$0x2] =	stream.linear.gather [spmem:s9], $0x1400, $0x38;
	[tilespmem:$0x1DC80] =	vst v63  }
0x4ac: {  	_ =	swait.ge [sflag:s12], $0x1400  }
0x4ad: {  	[sflag:s12] =	ssyncset.done $0x0  }
0x4ae: {  	s11 =	rddreg [dreg:$0xa];
	[sflag:s12] =	ssyncadd.s32 $0xFFFFEC00  }
0x4af: {  	[hbm4b:s11+s1] =	stream.linear.scatter [tilespmem:s14], [sflag:$0x3], $0x1400, $0x38;
	[tilespmem:$0x1DC80] =	vst v63  }
0x4b0: {  	_ =	swait.ge [sflag:s25], $0x1400  }
0x4b1: {  	[sflag:s25] =	ssyncset.done $0x0  }
0x4b2: {  	s7 =	rddreg [dreg:$0x1c];
	[sflag:s25] =	ssyncadd.s32 $0xFFFFEC00  }
0x4b3: {  	[tilespmem:s14], [sflag:$0x1] =	stream.linear.gather [spmem:s7], $0x1400, $0x38;
	[tilespmem:$0x1DC80] =	vst v63  }
0x4b4: {  	_ =	swait.ge [sflag:s31], $0x1400  }
0x4b5: {  	[sflag:s31] =	ssyncset.done $0x0  }
0x4b6: {  	s9 =	rddreg [dreg:$0xb];
	[sflag:s31] =	ssyncadd.s32 $0xFFFFEC00  }
0x4b7: {  	[hbm4b:s9+s1] =	stream.linear.scatter [tilespmem:s2], [sflag:$0x4], $0x1400, $0x38;
	[tilespmem:$0x1DC80] =	vst v63  }
0x4b8: {  	_ =	swait.ge [sflag:s15], $0x1400  }
0x4b9: {  	[sflag:s15] =	ssyncset.done $0x0  }
0x4ba: {  	[sflag:s15] =	ssyncadd.s32 $0xFFFFEC00  }
0x4bb: {  	[tilespmem:s2], [sflag:$0x2] =	stream.linear.gather [spmem:s13], $0x1400, $0x38;
	[tilespmem:$0x1DC80] =	vst v63  }
0x4bc: {  	_ =	swait.ge [sflag:s12], $0x1400  }
0x4bd: {  	[sflag:s12] =	ssyncset.done $0x0  }
0x4be: {  	s11 =	rddreg [dreg:$0xc];
	[sflag:s12] =	ssyncadd.s32 $0xFFFFEC00  }
0x4bf: {  	[hbm4b:s11+s1] =	stream.linear.scatter [tilespmem:s14], [sflag:$0x3], $0x1400, $0x38;
	[tilespmem:$0x1DC80] =	vst v63  }
0x4c0: {  	_ =	swait.ge [sflag:s25], $0x1400  }
0x4c1: {  	[sflag:s25] =	ssyncset.done $0x0  }
0x4c2: {  	s7 =	rddreg [dreg:$0x1e];
	[sflag:s25] =	ssyncadd.s32 $0xFFFFEC00  }
0x4c3: {  	[tilespmem:s14], [sflag:$0x1] =	stream.linear.gather [spmem:s7], $0x1400, $0x38;
	[tilespmem:$0x1DC80] =	vst v63  }
0x4c4: {  	_ =	swait.ge [sflag:s31], $0x1400  }
0x4c5: {  	[sflag:s31] =	ssyncset.done $0x0  }
0x4c6: {  	s9 =	rddreg [dreg:$0xd];
	[sflag:s31] =	ssyncadd.s32 $0xFFFFEC00  }
0x4c7: {  	[hbm4b:s9+s1] =	stream.linear.scatter [tilespmem:s2], [sflag:$0x4], $0x1400, $0x38;
	[tilespmem:$0x1DC80] =	vst v63  }
0x4c8: {  	_ =	swait.ge [sflag:s15], $0x1400  }
0x4c9: {  	[sflag:s15] =	ssyncset.done $0x0  }
0x4ca: {  	s11 =	rddreg [dreg:$0x1f];
	[sflag:s15] =	ssyncadd.s32 $0xFFFFEC00  }
0x4cb: {  	[tilespmem:s2], [sflag:$0x2] =	stream.linear.gather [spmem:s11], $0x1400, $0x38;
	[tilespmem:$0x1DC80] =	vst v63  }
0x4cc: {  	_ =	swait.ge [sflag:s12], $0x1400  }
0x4cd: {  	[sflag:s12] =	ssyncset.done $0x0  }
0x4ce: {  	s7 =	rddreg [dreg:$0xe];
	[sflag:s12] =	ssyncadd.s32 $0xFFFFEC00  }
0x4cf: {  	[hbm4b:s7+s1] =	stream.linear.scatter [tilespmem:s14], [sflag:$0x3], $0x1400, $0x38;
	[tilespmem:$0x1DC80] =	vst v63  }
0x4d0: {  	_ =	swait.ge [sflag:s25], $0x1400  }
0x4d1: {  	[sflag:s25] =	ssyncset.done $0x0  }
0x4d2: {  	[sflag:s25] =	ssyncadd.s32 $0xFFFFEC00  }
0x4d3: {  	[tilespmem:s14], [sflag:$0x1] =	stream.linear.gather [spmem:s17], $0x1400, $0x38;
	[tilespmem:$0x1DC80] =	vst v63  }
0x4d4: {  	_ =	swait.ge [sflag:s31], $0x1400  }
0x4d5: {  	[sflag:s31] =	ssyncset.done $0x0  }
0x4d6: {  	s9 =	rddreg [dreg:$0xf];
	[sflag:s31] =	ssyncadd.s32 $0xFFFFEC00  }
0x4d7: {  	[hbm4b:s9+s1] =	stream.linear.scatter [tilespmem:s2], [sflag:$0x4], $0x1400, $0x38;
	[tilespmem:$0x1DC80] =	vst v63  }
0x4d8: {  	_ =	swait.ge [sflag:s15], $0x1400  }
0x4d9: {  	s11 =	sld [smem:$0x7ED]  }
0x4da: {  	[sflag:s15] =	ssyncset.done $0x0  }
0x4db: {  	[sflag:s15] =	ssyncadd.s32 $0xFFFFEC00  }
0x4dc: {  	[tilespmem:s2], [sflag:$0x2] =	stream.linear.gather [spmem:s11], $0x1400, $0x38;
	[tilespmem:$0x1DC80] =	vst v63  }
0x4dd: {  	_ =	swait.ge [sflag:s12], $0x1400  }
0x4de: {  	[sflag:s12] =	ssyncset.done $0x0  }
0x4df: {  	s7 =	rddreg [dreg:$0x10];
	[sflag:s12] =	ssyncadd.s32 $0xFFFFEC00  }
0x4e0: {  	[hbm4b:s7+s1] =	stream.linear.scatter [tilespmem:s14], [sflag:$0x3], $0x1400, $0x38;
	[tilespmem:$0x1DC80] =	vst v63  }
0x4e1: {  	_ =	swait.ge [sflag:s25], $0x1400  }
0x4e2: {  	s9 =	sld [smem:$0x7EE]  }
0x4e3: {  	[sflag:s25] =	ssyncset.done $0x0  }
0x4e4: {  	[sflag:s25] =	ssyncadd.s32 $0xFFFFEC00  }
0x4e5: {  	[tilespmem:s14], [sflag:$0x1] =	stream.linear.gather [spmem:s9], $0x1400, $0x38;
	[tilespmem:$0x1DC80] =	vst v63  }
0x4e6: {  	_ =	swait.ge [sflag:s31], $0x1400  }
0x4e7: {  	[sflag:s31] =	ssyncset.done $0x0  }
0x4e8: {  	s11 =	rddreg [dreg:$0x11];
	[sflag:s31] =	ssyncadd.s32 $0xFFFFEC00  }
0x4e9: {  	[hbm4b:s11+s1] =	stream.linear.scatter [tilespmem:s2], [sflag:$0x4], $0x1400, $0x38;
	[tilespmem:$0x1DC80] =	vst v63  }
0x4ea: {  	_ =	swait.ge [sflag:s15], $0x1400  }
0x4eb: {  	[sflag:s15] =	ssyncset.done $0x0  }
0x4ec: {  	s0 =	simm.s32 @p0 $0x1;
	[sflag:s15] =	ssyncadd.s32 $0xFFFFEC00  }
0x4ed: {  	_ =	swait.ge @p0 [sflag:s0], $0x1400  }
0x4ee: {  	s7 =	simm.s32 @p0 $0x5400;
	[sflag:s0] =	ssyncset.done @p0 $0x0  }
0x4ef: {  	s11 =	rddreg [dreg:$0x12];
	[sflag:s0] =	ssyncadd.s32 @p0 $0xFFFFEC00;
	s0 =	simm.s32 @p0 $0x0  }
0x4f0: {  	[hbm4b:s11+s0] =	stream.linear.scatter @p0 [tilespmem:s7], [sflag:$0x3], $0x1400, $0x38;
	[tilespmem:$0x1DC80] =	vst v63  }
0x4f1: {  	s7 =	sld [smem:$0x7EF];
	_ =	sdelay $0x1  }
0x4f2: {  	s0 =	simm.s32 @!p0 $0x6800  }
0x4f3: {  	[tilespmem:s0], [sflag:$0x2] =	stream.linear.gather @!p0 [spmem:s7], $0x1400, $0x38;
	[tilespmem:$0x1DC80] =	vst v63  }
0x4f4: {  	s7 =	simm.s32 @!p0 $0x1  }
0x4f5: {  	_ =	swait.ge @!p0 [sflag:s7], $0x1400  }
0x4f6: {  	[sflag:s7] =	ssyncset.done @!p0 $0x0  }
0x4f7: {  	s9 =	simm.s32 @!p0 $0x5400;
	[sflag:s7] =	ssyncadd.s32 @!p0 $0xFFFFEC00;
	s7 =	simm.s32 @!p0 $0x0  }
0x4f8: {  	[hbm4b:s11+s7] =	stream.linear.scatter @!p0 [tilespmem:s9], [sflag:$0x3], $0x1400, $0x38;
	[tilespmem:$0x1DC80] =	vst v63  }
0x4f9: {  	s9 =	simm.s32 @!p0 $0x2  }
0x4fa: {  	_ =	swait.ge @!p0 [sflag:s9], $0x1400  }
0x4fb: {  	[sflag:s9] =	ssyncset.done @!p0 $0x0  }
0x4fc: {  	[sflag:s9] =	ssyncadd.s32 @!p0 $0xFFFFEC00;
	s9 =	rddreg [dreg:$0x13]  }
0x4fd: {  	[hbm4b:s9+s7] =	stream.linear.scatter @!p0 [tilespmem:s0], [sflag:$0x4], $0x1400, $0x38;
	[tilespmem:$0x1DC80] =	vst v63  }
0x4fe: {  	s0 =	simm.s32 @!p0 $0x3  }
0x4ff: {  	_ =	swait.ge @!p0 [sflag:s0], $0x1400  }
0x500: {  	s7 =	simm.s32 @!p0 $0x4;
	[sflag:s0] =	ssyncset.done @!p0 $0x0  }
0x501: {  	s7 =	simm.s32 @p0 $0x3;
	[sflag:s0] =	ssyncadd.s32 @!p0 $0xFFFFEC00  }
0x502: {  	_ =	swait.ge [sflag:s7], $0x1400  }
0x503: {  	s0 =	sld [smem:$0x7E7]  }
0x504: {  	s11 =	sld [smem:$0x7FC];
	_ =	sdelay $0x1  }
0x505: {  	s9 =	sadd.s32 $0x1, s0  }
0x506: {  	p1 =	sne.s32 s9, s11  }
.Ltmp8:
0x507: {  	_ = 	snop;
	(pc) =	sbr.rel @p1 .LBB2_1-.Ltmp8, $3  }
0x508: {  	_ =	sdelay $0x1  }
0x509: {  	[sflag:s7] =	ssyncset.done $0x0  }
0x50a: {  	[sflag:s7] =	ssyncadd.s32 $0xFFFFEC00  }
0x50b: {  	_ =	sfence.sel $0x180000  }
0x50c: {  	[bflag:$0x0] =	sbarrier.arrive $0xFFFF  }
0x50d: {  	_ =	strace $0x90000047  }
0x50e: {  	s0 =	stileid.u32;
	[bflag:$0x2] =	sbarrier.arrive $0xFFFF  }
0x50f: {  	p0 =	sne.s32 s0, $0x0;
	s0 =	rddreg [dreg:$0x3]  }
0x510: {  	s0 =	sadd.s32 @!p0 $0x100000, s0  }
0x511: {  	[sflag:s0] =	ssyncadd.tile.s32 @!p0 $0x1;
	_ =	shalt  }
.Lfunc_end2:
_tile_overlayer_lowered:
.L_overlay_start_2:
0x512: {  	(tag) =	ssettag $0x2  }
0x513: {  	s0 =	rddreg [dreg:$0x0];
	s2 =	stileid.u32  }
0x514: {  	s1 =	rddreg [dreg:$0x1];
	p0 =	sne.s32 s2, $0x0  }
0x515: {  	s3 =	rddreg [dreg:$0x2];
	[bflag:$0x3] =	sbarrier.arrive $0xFFFF;
	s2 =	simm.s32 @!p0 $0x1C11  }
0x516: {  	[timem:s3], [sflag:s2] =	dma.local @!p0 [hbm:s0], s1  }
0x517: {  	s0 =	simm.s32 @!p0 $0x11  }
0x518: {  	_ =	swait.ge @!p0 [sflag:s0], s1  }
0x519: {  	s1 =	ssub.s32 @!p0 $0x0, s1;
	[sflag:s0] =	ssyncset.done @!p0 $0x0  }
0x51a: {  	[sflag:s0] =	ssyncadd.s32 @!p0 s1  }
0x51b: {  	[bflag:$0x3] =	sbarrier.arrive $0xFFFF  }
0x51c: {  	_ =	shalt  }

</sc_bundles>
